<compile_context>
chip_gen: v7x
topology: tpu7x:2x2x1
jax: 0.10.2.dev20260603
libtpu: 0.0.44.dev20260713+nightly
codegen_flags: <defaults>
</compile_context>

<pallas_src>
import functools

import jax
import jax.numpy as jnp
from jax import lax
from jax.experimental import pallas as pl
from jax.experimental.pallas import tpu as pltpu
from jax.experimental.pallas import tpu_sc as plsc

_D = 256
_SEG_PAD = 8
_POS_PAD = 32


def _fused_kernel(emb_ref, seg_ref, pos_ref, st_ref, pt_ref, g_ref, b_ref,
                  out_ref):
    emb = emb_ref[...]
    seg = seg_ref[0]
    pos = pos_ref[0]

    r = emb.shape[0]
    oh_s = (seg == lax.broadcasted_iota(jnp.int32, (r, _SEG_PAD), 1))
    oh_p = (pos == lax.broadcasted_iota(jnp.int32, (r, _POS_PAD), 1))
    oh_s = oh_s.astype(jnp.bfloat16)
    oh_p = oh_p.astype(jnp.bfloat16)

    st = st_ref[...]
    pt = pt_ref[...]
    st_hi = st.astype(jnp.bfloat16)
    st_lo = (st - st_hi.astype(jnp.float32)).astype(jnp.bfloat16)
    pt_hi = pt.astype(jnp.bfloat16)
    pt_lo = (pt - pt_hi.astype(jnp.float32)).astype(jnp.bfloat16)

    x = emb
    x = x + jnp.dot(oh_s, st_hi, preferred_element_type=jnp.float32)
    x = x + jnp.dot(oh_s, st_lo, preferred_element_type=jnp.float32)
    x = x + jnp.dot(oh_p, pt_hi, preferred_element_type=jnp.float32)
    x = x + jnp.dot(oh_p, pt_lo, preferred_element_type=jnp.float32)

    mean = jnp.sum(x, axis=1, keepdims=True) * (1.0 / _D)
    meansq = jnp.sum(x * x, axis=1, keepdims=True) * (1.0 / _D)
    var = meansq - mean * mean
    inv = lax.rsqrt(var + 1e-5)
    gamma = g_ref[...]
    beta = b_ref[...]
    scale = inv * gamma
    shift = beta - (mean * inv) * gamma
    out_ref[...] = x * scale + shift


@functools.partial(jax.jit, static_argnames=("block_rows",))
def _run(emb2d, seg3d, pos3d, st_pad, pt_pad, gamma2d, beta2d,
         block_rows=512):
    n = emb2d.shape[0]
    nb = n // block_rows
    grid = (nb,)
    out = pl.pallas_call(
        _fused_kernel,
        grid=grid,
        in_specs=[
            pl.BlockSpec((block_rows, _D), lambda i: (i, 0)),
            pl.BlockSpec((1, block_rows, 1), lambda i: (i, 0, 0)),
            pl.BlockSpec((1, block_rows, 1), lambda i: (i, 0, 0)),
            pl.BlockSpec((_SEG_PAD, _D), lambda i: (0, 0)),
            pl.BlockSpec((_POS_PAD, _D), lambda i: (0, 0)),
            pl.BlockSpec((1, _D), lambda i: (0, 0)),
            pl.BlockSpec((1, _D), lambda i: (0, 0)),
        ],
        out_specs=pl.BlockSpec((block_rows, _D), lambda i: (i, 0)),
        out_shape=jax.ShapeDtypeStruct((n, _D), jnp.float32),
        compiler_params=pltpu.CompilerParams(
            dimension_semantics=("arbitrary",),
        ),
    )(emb2d, seg3d, pos3d, st_pad, pt_pad, gamma2d, beta2d)
    return out



_NC = 2
_NS = 16
_NW = _NC * _NS
_L = 16


_ROW_UNROLL = 4


def _sc_rows_ln(seg_v, pos_v, st_v, pt_v, g_v, b_v, emb_v, out_v, xrow_v, rg):
    col0 = lax.broadcasted_iota(jnp.int32, (_L,), 0)
    rows = []
    for u in range(_ROW_UNROLL):
        r = rg * _ROW_UNROLL + u
        ridx = jnp.full((_L,), r, jnp.int32)
        sv = plsc.load_gather(seg_v, [ridx])
        pv = plsc.load_gather(pos_v, [ridx])
        rows.append((r, sv, pv))
    stats = []
    for u, (r, sv, pv) in enumerate(rows):
        acc = None
        accq = None
        for j in range(_D // _L):
            ds = pl.ds(j * _L, _L)
            cols = col0 + (j * _L)
            x = (emb_v[r, ds] + plsc.load_gather(st_v, [sv, cols])
                 + plsc.load_gather(pt_v, [pv, cols]))
            xrow_v[u, ds] = x
            acc = x if acc is None else acc + x
            accq = x * x if accq is None else accq + x * x
        stats.append((jnp.sum(acc), jnp.sum(accq)))
    invs = []
    for u, (ssum, qsum) in enumerate(stats):
        mean = jnp.broadcast_to(ssum, (_L,)) * (1.0 / _D)
        var = (jnp.broadcast_to(qsum, (_L,)) * (1.0 / _D)
               - mean * mean + 1e-5)
        i = plsc.bitcast(var, jnp.int32)
        y = plsc.bitcast(
            jnp.full((_L,), 0x5F3759DF, jnp.int32)
            - lax.shift_right_logical(i, 1), jnp.float32)
        for _ in range(3):
            y = y * (1.5 - 0.5 * var * y * y)
        invs.append((mean, y))
    for u, ((r, _, _), (mean, y)) in enumerate(zip(rows, invs)):
        for j in range(_D // _L):
            ds = pl.ds(j * _L, _L)
            x = xrow_v[u, ds]
            out_v[r, ds] = (x - mean) * y * g_v[ds] + b_v[ds]


def _make_sc_kernel(row0, n_rows, chunk_rows):
    rows_per_w = n_rows // _NW
    n_chunks = rows_per_w // chunk_rows
    mesh = plsc.VectorSubcoreMesh(core_axis_name="c", subcore_axis_name="s")

    @functools.partial(
        pl.kernel,
        out_type=jax.ShapeDtypeStruct((n_rows, _D), jnp.float32),
        mesh=mesh,
        compiler_params=pltpu.CompilerParams(needs_layout_passes=False),
        scratch_types=[
            pltpu.VMEM((6, _D), jnp.float32),
            pltpu.VMEM((20, _D), jnp.float32),
            pltpu.VMEM((_D,), jnp.float32),
            pltpu.VMEM((_D,), jnp.float32),
            pltpu.VMEM((chunk_rows, _D), jnp.float32),
            pltpu.VMEM((chunk_rows,), jnp.int32),
            pltpu.VMEM((chunk_rows,), jnp.int32),
            pltpu.VMEM((chunk_rows, _D), jnp.float32),
            pltpu.VMEM((_ROW_UNROLL, _D), jnp.float32),
        ],
    )
    def sc_kern(emb_hbm, seg_hbm, pos_hbm, st_hbm, pt_hbm, g_hbm, b_hbm,
                out_hbm, st_v, pt_v, g_v, b_v, emb_v, seg_v, pos_v, out_v,
                xrow_v):
        wid = lax.axis_index("s") * _NC + lax.axis_index("c")
        base = wid * rows_per_w
        pltpu.sync_copy(st_hbm, st_v)
        pltpu.sync_copy(pt_hbm, pt_v)
        pltpu.sync_copy(g_hbm, g_v)
        pltpu.sync_copy(b_hbm, b_v)

        def chunk_body(ci, carry):
            r0 = base + ci * chunk_rows
            pltpu.sync_copy(emb_hbm.at[pl.ds(row0 + r0, chunk_rows)], emb_v)
            pltpu.sync_copy(seg_hbm.at[pl.ds(row0 + r0, chunk_rows)], seg_v)
            pltpu.sync_copy(pos_hbm.at[pl.ds(row0 + r0, chunk_rows)], pos_v)

            def row_body(rg, inner):
                _sc_rows_ln(seg_v, pos_v, st_v, pt_v, g_v, b_v, emb_v, out_v,
                            xrow_v, rg)
                return inner

            lax.fori_loop(0, chunk_rows // _ROW_UNROLL, row_body, 0)
            pltpu.sync_copy(out_v, out_hbm.at[pl.ds(r0, chunk_rows)])
            return carry

        lax.fori_loop(0, n_chunks, chunk_body, 0)

    return sc_kern


_SC_ROWS = 57344
_SC_CHUNK = 128


@jax.jit
def _run_hybrid(emb2d, seg1d, pos1d, st_pad, pt_pad, seg_table, pos_table,
                gamma1d, beta1d):
    n = emb2d.shape[0]
    nt = n - _SC_ROWS
    block_rows = 2048
    nb = nt // block_rows

    seg3d = seg1d[:nt].reshape(nb, block_rows, 1)
    pos3d = pos1d[:nt].reshape(nb, block_rows, 1)
    gamma2d = gamma1d.reshape(1, _D)
    beta2d = beta1d.reshape(1, _D)

    tc_out = pl.pallas_call(
        _fused_kernel,
        grid=(nb,),
        in_specs=[
            pl.BlockSpec((block_rows, _D), lambda i: (i, 0)),
            pl.BlockSpec((1, block_rows, 1), lambda i: (i, 0, 0)),
            pl.BlockSpec((1, block_rows, 1), lambda i: (i, 0, 0)),
            pl.BlockSpec((_SEG_PAD, _D), lambda i: (0, 0)),
            pl.BlockSpec((_POS_PAD, _D), lambda i: (0, 0)),
            pl.BlockSpec((1, _D), lambda i: (0, 0)),
            pl.BlockSpec((1, _D), lambda i: (0, 0)),
        ],
        out_specs=pl.BlockSpec((block_rows, _D), lambda i: (i, 0)),
        out_shape=jax.ShapeDtypeStruct((nt, _D), jnp.float32),
        compiler_params=pltpu.CompilerParams(
            dimension_semantics=("arbitrary",),
        ),
    )(emb2d, seg3d, pos3d, st_pad, pt_pad, gamma2d, beta2d)

    sc_kern = _make_sc_kernel(nt, _SC_ROWS, _SC_CHUNK)
    sc_out = sc_kern(emb2d, seg1d, pos1d, seg_table, pos_table,
                     gamma1d, beta1d)
    return jnp.concatenate([tc_out, sc_out], axis=0)


def kernel(embeddings, segment_types, positions, seg_table, pos_table,
           ln_gamma, ln_beta):
    b, t, d = embeddings.shape
    n = b * t
    emb2d = embeddings.reshape(n, d)
    seg1d = segment_types.astype(jnp.int32).reshape(n)
    pos1d = positions.astype(jnp.int32).reshape(n)
    st_pad = jnp.concatenate(
        [seg_table, jnp.zeros((_SEG_PAD - seg_table.shape[0], d), jnp.float32)])
    pt_pad = jnp.concatenate(
        [pos_table, jnp.zeros((_POS_PAD - pos_table.shape[0], d), jnp.float32)])
    out = _run_hybrid(emb2d, seg1d, pos1d, st_pad, pt_pad, seg_table,
                      pos_table, ln_gamma, ln_beta)
    return out.reshape(b, t, d)


def _kernel_tc(embeddings, segment_types, positions, seg_table, pos_table,
               ln_gamma, ln_beta):
    b, t, d = embeddings.shape
    n = b * t
    block_rows = 4096
    nb = n // block_rows

    emb2d = embeddings.reshape(n, d)
    seg3d = segment_types.astype(jnp.int32).reshape(nb, block_rows, 1)
    pos3d = positions.astype(jnp.int32).reshape(nb, block_rows, 1)
    st_pad = jnp.concatenate(
        [seg_table, jnp.zeros((_SEG_PAD - seg_table.shape[0], d), jnp.float32)])
    pt_pad = jnp.concatenate(
        [pos_table, jnp.zeros((_POS_PAD - pos_table.shape[0], d), jnp.float32)])
    gamma2d = ln_gamma.reshape(1, d)
    beta2d = ln_beta.reshape(1, d)

    out = _run(emb2d, seg3d, pos3d, st_pad, pt_pad, gamma2d, beta2d,
               block_rows=block_rows)
    return out.reshape(b, t, d)

# --- scband reference (transcript-rebuilt; emitter-appended) ---
"""Pipeline reference for scband-audio-tokenizer-66185446031628 (READ-ONLY COPY).

The authoritative reference and input builder live on the scoring server;
editing this copy changes nothing except your own understanding.
"""

import jax, jax.numpy as jnp
import numpy as np

B, T, D = 4096, 50, 256
NUM_SEG, MAX_POS = 6, 20

def setup_inputs(seed: int = 0) -> dict:
    key = jax.random.key(seed)
    k1, k2, k3, k4, k5, k6, k7 = jax.random.split(key, 7)
    embeddings = jax.random.normal(k1, (B, T, D), dtype=jnp.float32)
    segment_types = jax.random.randint(k2, (B, T), 0, NUM_SEG, dtype=jnp.int64)
    positions = jax.random.randint(k3, (B, T), 0, MAX_POS, dtype=jnp.int64)
    seg_table = jax.random.normal(k4, (NUM_SEG, D), dtype=jnp.float32)
    pos_table = jax.random.normal(k5, (MAX_POS, D), dtype=jnp.float32)
    ln_gamma = jnp.ones((D,), dtype=jnp.float32)
    ln_beta = jnp.zeros((D,), dtype=jnp.float32)
    return {"embeddings": embeddings, "segment_types": segment_types, "positions": positions, "seg_table": seg_table, "pos_table": pos_table, "ln_gamma": ln_gamma, "ln_beta": ln_beta}

def reference(embeddings, segment_types, positions, seg_table, pos_table, ln_gamma, ln_beta):
    seg_emb = jnp.take(seg_table, segment_types, axis=0)
    pos_emb = jnp.take(pos_table, positions, axis=0)
    out = embeddings + seg_emb + pos_emb
    mean = jnp.mean(out, axis=-1, keepdims=True)
    var = jnp.mean(jnp.square(out - mean), axis=-1, keepdims=True)
    out = (out - mean) / jnp.sqrt(var + 1e-5)
    out = out * ln_gamma + ln_beta
    return out

if __name__ == "__main__":
    import jax
    _d = setup_inputs()
    print(jax.jit(kernel)(*tuple(_d.values())))

</pallas_src>

<mosaic_0001>
#map = affine_map<(d0, d1) -> (0, 0)>
#map1 = affine_map<(d0, d1) -> (0)>
module attributes {stable_mosaic.version = 14 : i64} {
  func.func @sc_kern(%arg0: i32, %arg1: i32, %arg2: memref<204800x256xf32, #tpu.memory_space<hbm>>, %arg3: memref<204800xi32, #tpu.memory_space<hbm>>, %arg4: memref<204800xi32, #tpu.memory_space<hbm>>, %arg5: memref<6x256xf32, #tpu.memory_space<hbm>>, %arg6: memref<20x256xf32, #tpu.memory_space<hbm>>, %arg7: memref<256xf32, #tpu.memory_space<hbm>>, %arg8: memref<256xf32, #tpu.memory_space<hbm>>, %arg9: memref<57344x256xf32, #tpu.memory_space<hbm>>, %arg10: memref<6x256xf32, #tpu.memory_space<vmem>>, %arg11: memref<20x256xf32, #tpu.memory_space<vmem>>, %arg12: memref<256xf32, #tpu.memory_space<vmem>>, %arg13: memref<256xf32, #tpu.memory_space<vmem>>, %arg14: memref<128x256xf32, #tpu.memory_space<vmem>>, %arg15: memref<128xi32, #tpu.memory_space<vmem>>, %arg16: memref<128xi32, #tpu.memory_space<vmem>>, %arg17: memref<128x256xf32, #tpu.memory_space<vmem>>, %arg18: memref<4x256xf32, #tpu.memory_space<vmem>>) attributes {dimension_semantics = [#tpu.dimension_semantics<core_parallel>, #tpu.dimension_semantics<subcore_parallel>], iteration_bounds = array<i64: 2, 16>, scalar_prefetch = 0 : i64, scratch_operands = 9 : i64, tpu.core_type = #tpu.core_type<sc_vector_subcore>, window_params = [{transform_indices = #map}, {transform_indices = #map1}, {transform_indices = #map1}, {transform_indices = #map}, {transform_indices = #map}, {transform_indices = #map1}, {transform_indices = #map1}, {transform_indices = #map}]} {
    %mul3A = arith.constant 2 : i32
    %mul3A_0 = arith.muli %arg1, %mul3A : i32
    %add3A = arith.addi %mul3A_0, %arg0 : i32
    %mul3A_1 = arith.constant 1792 : i32
    %mul3A_2 = arith.muli %add3A, %mul3A_1 : i32
    "tpu.region"() ({
      %run_scoped3A = tpu.sem_alloc : memref<!tpu.dma_semaphore, #tpu.memory_space<semaphore_mem>>
      tpu.enqueue_dma source(%arg5 : memref<6x256xf32, #tpu.memory_space<hbm>>) target(%arg10 : memref<6x256xf32, #tpu.memory_space<vmem>>) target_semaphore(%run_scoped3A : memref<!tpu.dma_semaphore, #tpu.memory_space<semaphore_mem>>)
      tpu.wait_dma2 semaphore(%run_scoped3A : memref<!tpu.dma_semaphore, #tpu.memory_space<semaphore_mem>>) src(%arg5 : memref<6x256xf32, #tpu.memory_space<hbm>>) dst(%arg10 : memref<6x256xf32, #tpu.memory_space<vmem>>)
      tpu.yield
    }) : () -> ()
    "tpu.region"() ({
      %run_scoped3A = tpu.sem_alloc : memref<!tpu.dma_semaphore, #tpu.memory_space<semaphore_mem>>
      tpu.enqueue_dma source(%arg6 : memref<20x256xf32, #tpu.memory_space<hbm>>) target(%arg11 : memref<20x256xf32, #tpu.memory_space<vmem>>) target_semaphore(%run_scoped3A : memref<!tpu.dma_semaphore, #tpu.memory_space<semaphore_mem>>)
      tpu.wait_dma2 semaphore(%run_scoped3A : memref<!tpu.dma_semaphore, #tpu.memory_space<semaphore_mem>>) src(%arg6 : memref<20x256xf32, #tpu.memory_space<hbm>>) dst(%arg11 : memref<20x256xf32, #tpu.memory_space<vmem>>)
      tpu.yield
    }) : () -> ()
    "tpu.region"() ({
      %run_scoped3A = tpu.sem_alloc : memref<!tpu.dma_semaphore, #tpu.memory_space<semaphore_mem>>
      tpu.enqueue_dma source(%arg7 : memref<256xf32, #tpu.memory_space<hbm>>) target(%arg12 : memref<256xf32, #tpu.memory_space<vmem>>) target_semaphore(%run_scoped3A : memref<!tpu.dma_semaphore, #tpu.memory_space<semaphore_mem>>)
      tpu.wait_dma2 semaphore(%run_scoped3A : memref<!tpu.dma_semaphore, #tpu.memory_space<semaphore_mem>>) src(%arg7 : memref<256xf32, #tpu.memory_space<hbm>>) dst(%arg12 : memref<256xf32, #tpu.memory_space<vmem>>)
      tpu.yield
    }) : () -> ()
    "tpu.region"() ({
      %run_scoped3A = tpu.sem_alloc : memref<!tpu.dma_semaphore, #tpu.memory_space<semaphore_mem>>
      tpu.enqueue_dma source(%arg8 : memref<256xf32, #tpu.memory_space<hbm>>) target(%arg13 : memref<256xf32, #tpu.memory_space<vmem>>) target_semaphore(%run_scoped3A : memref<!tpu.dma_semaphore, #tpu.memory_space<semaphore_mem>>)
      tpu.wait_dma2 semaphore(%run_scoped3A : memref<!tpu.dma_semaphore, #tpu.memory_space<semaphore_mem>>) src(%arg8 : memref<256xf32, #tpu.memory_space<hbm>>) dst(%arg13 : memref<256xf32, #tpu.memory_space<vmem>>)
      tpu.yield
    }) : () -> ()
    %scan3A = arith.constant 0 : i32
    %scan3A_3 = arith.constant 0 : i32
    %scan3A_4 = arith.constant 14 : i32
    %scan3A_5 = arith.addi %scan3A_3, %scan3A_4 : i32
    %scan3A_6 = arith.constant 1 : i32
    scf.for %scan3A_8 = %scan3A_3 to %scan3A_5 step %scan3A_6  : i32 {
      %mul3A_9 = arith.constant 128 : i32
      %mul3A_10 = arith.muli %scan3A_8, %mul3A_9 : i32
      %add3A_11 = arith.addi %mul3A_2, %mul3A_10 : i32
      %add3A_12 = arith.constant 147456 : i32
      %add3A_13 = arith.addi %add3A_12, %add3A_11 : i32
      "tpu.region"() ({
        %run_scoped3A = tpu.sem_alloc : memref<!tpu.dma_semaphore, #tpu.memory_space<semaphore_mem>>
        %dma_start3A = arith.constant 0 : i32
        %dma_start3A_24 = tpu.memref_slice %arg2[%add3A_13, %dma_start3A] : memref<204800x256xf32, #tpu.memory_space<hbm>> -> memref<128x256xf32, #tpu.memory_space<hbm>>
        %dma_start3A_25 = arith.constant 0 : i32
        %dma_start3A_26 = tpu.memref_slice %arg2[%add3A_13, %dma_start3A_25] : memref<204800x256xf32, #tpu.memory_space<hbm>> -> memref<128x256xf32, #tpu.memory_space<hbm>>
        tpu.enqueue_dma source(%dma_start3A_26 : memref<128x256xf32, #tpu.memory_space<hbm>>) target(%arg14 : memref<128x256xf32, #tpu.memory_space<vmem>>) target_semaphore(%run_scoped3A : memref<!tpu.dma_semaphore, #tpu.memory_space<semaphore_mem>>)
        %dma_wait3A = arith.constant 0 : i32
        %dma_wait3A_27 = tpu.memref_slice %arg2[%add3A_13, %dma_wait3A] : memref<204800x256xf32, #tpu.memory_space<hbm>> -> memref<128x256xf32, #tpu.memory_space<hbm>>
        %dma_wait3A_28 = arith.constant 0 : i32
        %dma_wait3A_29 = tpu.memref_slice %arg2[%add3A_13, %dma_wait3A_28] : memref<204800x256xf32, #tpu.memory_space<hbm>> -> memref<128x256xf32, #tpu.memory_space<hbm>>
        tpu.wait_dma2 semaphore(%run_scoped3A : memref<!tpu.dma_semaphore, #tpu.memory_space<semaphore_mem>>) src(%dma_wait3A_29 : memref<128x256xf32, #tpu.memory_space<hbm>>) dst(%arg14 : memref<128x256xf32, #tpu.memory_space<vmem>>)
        tpu.yield
      }) : () -> ()
      %add3A_14 = arith.constant 147456 : i32
      %add3A_15 = arith.addi %add3A_14, %add3A_11 : i32
      "tpu.region"() ({
        %run_scoped3A = tpu.sem_alloc : memref<!tpu.dma_semaphore, #tpu.memory_space<semaphore_mem>>
        %dma_start3A = tpu.memref_slice %arg3[%add3A_15] : memref<204800xi32, #tpu.memory_space<hbm>> -> memref<128xi32, #tpu.memory_space<hbm>>
        %dma_start3A_24 = tpu.memref_slice %arg3[%add3A_15] : memref<204800xi32, #tpu.memory_space<hbm>> -> memref<128xi32, #tpu.memory_space<hbm>>
        tpu.enqueue_dma source(%dma_start3A_24 : memref<128xi32, #tpu.memory_space<hbm>>) target(%arg15 : memref<128xi32, #tpu.memory_space<vmem>>) target_semaphore(%run_scoped3A : memref<!tpu.dma_semaphore, #tpu.memory_space<semaphore_mem>>)
        %dma_wait3A = tpu.memref_slice %arg3[%add3A_15] : memref<204800xi32, #tpu.memory_space<hbm>> -> memref<128xi32, #tpu.memory_space<hbm>>
        %dma_wait3A_25 = tpu.memref_slice %arg3[%add3A_15] : memref<204800xi32, #tpu.memory_space<hbm>> -> memref<128xi32, #tpu.memory_space<hbm>>
        tpu.wait_dma2 semaphore(%run_scoped3A : memref<!tpu.dma_semaphore, #tpu.memory_space<semaphore_mem>>) src(%dma_wait3A_25 : memref<128xi32, #tpu.memory_space<hbm>>) dst(%arg15 : memref<128xi32, #tpu.memory_space<vmem>>)
        tpu.yield
      }) : () -> ()
      %add3A_16 = arith.constant 147456 : i32
      %add3A_17 = arith.addi %add3A_16, %add3A_11 : i32
      "tpu.region"() ({
        %run_scoped3A = tpu.sem_alloc : memref<!tpu.dma_semaphore, #tpu.memory_space<semaphore_mem>>
        %dma_start3A = tpu.memref_slice %arg4[%add3A_17] : memref<204800xi32, #tpu.memory_space<hbm>> -> memref<128xi32, #tpu.memory_space<hbm>>
        %dma_start3A_24 = tpu.memref_slice %arg4[%add3A_17] : memref<204800xi32, #tpu.memory_space<hbm>> -> memref<128xi32, #tpu.memory_space<hbm>>
        tpu.enqueue_dma source(%dma_start3A_24 : memref<128xi32, #tpu.memory_space<hbm>>) target(%arg16 : memref<128xi32, #tpu.memory_space<vmem>>) target_semaphore(%run_scoped3A : memref<!tpu.dma_semaphore, #tpu.memory_space<semaphore_mem>>)
        %dma_wait3A = tpu.memref_slice %arg4[%add3A_17] : memref<204800xi32, #tpu.memory_space<hbm>> -> memref<128xi32, #tpu.memory_space<hbm>>
        %dma_wait3A_25 = tpu.memref_slice %arg4[%add3A_17] : memref<204800xi32, #tpu.memory_space<hbm>> -> memref<128xi32, #tpu.memory_space<hbm>>
        tpu.wait_dma2 semaphore(%run_scoped3A : memref<!tpu.dma_semaphore, #tpu.memory_space<semaphore_mem>>) src(%dma_wait3A_25 : memref<128xi32, #tpu.memory_space<hbm>>) dst(%arg16 : memref<128xi32, #tpu.memory_space<vmem>>)
        tpu.yield
      }) : () -> ()
      %scan3A_18 = arith.constant 0 : i32
      %scan3A_19 = arith.constant 0 : i32
      %scan3A_20 = arith.constant 32 : i32
      %scan3A_21 = arith.addi %scan3A_19, %scan3A_20 : i32
      %scan3A_22 = arith.constant 1 : i32
      scf.for %scan3A_24 = %scan3A_19 to %scan3A_21 step %scan3A_22  : i32 {
        %iota3A = tpu.iota {dimensions = array<i32: 0>} : vector<16xi32>
        %mul3A_25 = arith.constant 4 : i32
        %mul3A_26 = arith.muli %scan3A_24, %mul3A_25 : i32
        %add3A_27 = arith.constant 0 : i32
        %add3A_28 = arith.addi %mul3A_26, %add3A_27 : i32
        %broadcast_in_dim3A = vector.broadcast %add3A_28 : i32 to vector<16xi32>
        %gather3A = tpu.vector_load_idx %arg15[%broadcast_in_dim3A] : memref<128xi32, #tpu.memory_space<vmem>>[vector<16xi32>], vector<16xi32>,
        %gather3A_29 = tpu.vector_load_idx %arg16[%broadcast_in_dim3A] : memref<128xi32, #tpu.memory_space<vmem>>[vector<16xi32>], vector<16xi32>,
        %mul3A_30 = arith.constant 4 : i32
        %mul3A_31 = arith.muli %scan3A_24, %mul3A_30 : i32
        %add3A_32 = arith.constant 1 : i32
        %add3A_33 = arith.addi %mul3A_31, %add3A_32 : i32
        %broadcast_in_dim3A_34 = vector.broadcast %add3A_33 : i32 to vector<16xi32>
        %gather3A_35 = tpu.vector_load_idx %arg15[%broadcast_in_dim3A_34] : memref<128xi32, #tpu.memory_space<vmem>>[vector<16xi32>], vector<16xi32>,
        %gather3A_36 = tpu.vector_load_idx %arg16[%broadcast_in_dim3A_34] : memref<128xi32, #tpu.memory_space<vmem>>[vector<16xi32>], vector<16xi32>,
        %mul3A_37 = arith.constant 4 : i32
        %mul3A_38 = arith.muli %scan3A_24, %mul3A_37 : i32
        %add3A_39 = arith.constant 2 : i32
        %add3A_40 = arith.addi %mul3A_38, %add3A_39 : i32
        %broadcast_in_dim3A_41 = vector.broadcast %add3A_40 : i32 to vector<16xi32>
        %gather3A_42 = tpu.vector_load_idx %arg15[%broadcast_in_dim3A_41] : memref<128xi32, #tpu.memory_space<vmem>>[vector<16xi32>], vector<16xi32>,
        %gather3A_43 = tpu.vector_load_idx %arg16[%broadcast_in_dim3A_41] : memref<128xi32, #tpu.memory_space<vmem>>[vector<16xi32>], vector<16xi32>,
        %mul3A_44 = arith.constant 4 : i32
        %mul3A_45 = arith.muli %scan3A_24, %mul3A_44 : i32
        %add3A_46 = arith.constant 3 : i32
        %add3A_47 = arith.addi %mul3A_45, %add3A_46 : i32
        %broadcast_in_dim3A_48 = vector.broadcast %add3A_47 : i32 to vector<16xi32>
        %gather3A_49 = tpu.vector_load_idx %arg15[%broadcast_in_dim3A_48] : memref<128xi32, #tpu.memory_space<vmem>>[vector<16xi32>], vector<16xi32>,
        %gather3A_50 = tpu.vector_load_idx %arg16[%broadcast_in_dim3A_48] : memref<128xi32, #tpu.memory_space<vmem>>[vector<16xi32>], vector<16xi32>,
        %add3A_51 = arith.constant 0 : i32
        %add3A_52 = vector.broadcast %add3A_51 : i32 to vector<16xi32>
        %add3A_53 = arith.addi %iota3A, %add3A_52 : vector<16xi32>
        %get3A = arith.index_cast %add3A_28 : i32 to index
        %get3A_54 = arith.constant 0 : index
        %get3A_55 = tpu.vector_load %arg14[%get3A, %get3A_54] {strides = array<i32>} : memref<128x256xf32, #tpu.memory_space<vmem>>, vector<16xf32>,
        %gather3A_56 = tpu.vector_load_idx %arg10[%gather3A, %add3A_53] : memref<6x256xf32, #tpu.memory_space<vmem>>[vector<16xi32>, vector<16xi32>], vector<16xf32>,
        %add3A_57 = arith.addf %get3A_55, %gather3A_56 : vector<16xf32>
        %gather3A_58 = tpu.vector_load_idx %arg11[%gather3A_29, %add3A_53] : memref<20x256xf32, #tpu.memory_space<vmem>>[vector<16xi32>, vector<16xi32>], vector<16xf32>,
        %add3A_59 = arith.addf %add3A_57, %gather3A_58 : vector<16xf32>
        %swap3A = arith.constant 0 : i32
        %swap3A_60 = arith.index_cast %swap3A : i32 to index
        %swap3A_61 = arith.constant 0 : index
        %swap3A_62 = tpu.vector_load %arg18[%swap3A_60, %swap3A_61] {strides = array<i32>} : memref<4x256xf32, #tpu.memory_space<vmem>>, vector<16xf32>,
        tpu.vector_store %arg18[%swap3A_60, %swap3A_61], %add3A_59 {strides = array<i32>} : memref<4x256xf32, #tpu.memory_space<vmem>>, vector<16xf32>,
        %mul3A_63 = arith.mulf %add3A_59, %add3A_59 : vector<16xf32>
        %add3A_64 = arith.constant 16 : i32
        %add3A_65 = vector.broadcast %add3A_64 : i32 to vector<16xi32>
        %add3A_66 = arith.addi %iota3A, %add3A_65 : vector<16xi32>
        %get3A_67 = arith.index_cast %add3A_28 : i32 to index
        %get3A_68 = arith.constant 16 : index
        %get3A_69 = tpu.vector_load %arg14[%get3A_67, %get3A_68] {strides = array<i32>} : memref<128x256xf32, #tpu.memory_space<vmem>>, vector<16xf32>,
        %gather3A_70 = tpu.vector_load_idx %arg10[%gather3A, %add3A_66] : memref<6x256xf32, #tpu.memory_space<vmem>>[vector<16xi32>, vector<16xi32>], vector<16xf32>,
        %add3A_71 = arith.addf %get3A_69, %gather3A_70 : vector<16xf32>
        %gather3A_72 = tpu.vector_load_idx %arg11[%gather3A_29, %add3A_66] : memref<20x256xf32, #tpu.memory_space<vmem>>[vector<16xi32>, vector<16xi32>], vector<16xf32>,
        %add3A_73 = arith.addf %add3A_71, %gather3A_72 : vector<16xf32>
        %swap3A_74 = arith.constant 0 : i32
        %swap3A_75 = arith.index_cast %swap3A_74 : i32 to index
        %swap3A_76 = arith.constant 16 : index
        %swap3A_77 = tpu.vector_load %arg18[%swap3A_75, %swap3A_76] {strides = array<i32>} : memref<4x256xf32, #tpu.memory_space<vmem>>, vector<16xf32>,
        tpu.vector_store %arg18[%swap3A_75, %swap3A_76], %add3A_73 {strides = array<i32>} : memref<4x256xf32, #tpu.memory_space<vmem>>, vector<16xf32>,
        %add3A_78 = arith.addf %add3A_59, %add3A_73 : vector<16xf32>
        %mul3A_79 = arith.mulf %add3A_73, %add3A_73 : vector<16xf32>
        %add3A_80 = arith.addf %mul3A_63, %mul3A_79 : vector<16xf32>
        %add3A_81 = arith.constant 32 : i32
        %add3A_82 = vector.broadcast %add3A_81 : i32 to vector<16xi32>
        %add3A_83 = arith.addi %iota3A, %add3A_82 : vector<16xi32>
        %get3A_84 = arith.index_cast %add3A_28 : i32 to index
        %get3A_85 = arith.constant 32 : index
        %get3A_86 = tpu.vector_load %arg14[%get3A_84, %get3A_85] {strides = array<i32>} : memref<128x256xf32, #tpu.memory_space<vmem>>, vector<16xf32>,
        %gather3A_87 = tpu.vector_load_idx %arg10[%gather3A, %add3A_83] : memref<6x256xf32, #tpu.memory_space<vmem>>[vector<16xi32>, vector<16xi32>], vector<16xf32>,
        %add3A_88 = arith.addf %get3A_86, %gather3A_87 : vector<16xf32>
        %gather3A_89 = tpu.vector_load_idx %arg11[%gather3A_29, %add3A_83] : memref<20x256xf32, #tpu.memory_space<vmem>>[vector<16xi32>, vector<16xi32>], vector<16xf32>,
        %add3A_90 = arith.addf %add3A_88, %gather3A_89 : vector<16xf32>
        %swap3A_91 = arith.constant 0 : i32
        %swap3A_92 = arith.index_cast %swap3A_91 : i32 to index
        %swap3A_93 = arith.constant 32 : index
        %swap3A_94 = tpu.vector_load %arg18[%swap3A_92, %swap3A_93] {strides = array<i32>} : memref<4x256xf32, #tpu.memory_space<vmem>>, vector<16xf32>,
        tpu.vector_store %arg18[%swap3A_92, %swap3A_93], %add3A_90 {strides = array<i32>} : memref<4x256xf32, #tpu.memory_space<vmem>>, vector<16xf32>,
        %add3A_95 = arith.addf %add3A_78, %add3A_90 : vector<16xf32>
        %mul3A_96 = arith.mulf %add3A_90, %add3A_90 : vector<16xf32>
        %add3A_97 = arith.addf %add3A_80, %mul3A_96 : vector<16xf32>
        %add3A_98 = arith.constant 48 : i32
        %add3A_99 = vector.broadcast %add3A_98 : i32 to vector<16xi32>
        %add3A_100 = arith.addi %iota3A, %add3A_99 : vector<16xi32>
        %get3A_101 = arith.index_cast %add3A_28 : i32 to index
        %get3A_102 = arith.constant 48 : index
        %get3A_103 = tpu.vector_load %arg14[%get3A_101, %get3A_102] {strides = array<i32>} : memref<128x256xf32, #tpu.memory_space<vmem>>, vector<16xf32>,
        %gather3A_104 = tpu.vector_load_idx %arg10[%gather3A, %add3A_100] : memref<6x256xf32, #tpu.memory_space<vmem>>[vector<16xi32>, vector<16xi32>], vector<16xf32>,
        %add3A_105 = arith.addf %get3A_103, %gather3A_104 : vector<16xf32>
        %gather3A_106 = tpu.vector_load_idx %arg11[%gather3A_29, %add3A_100] : memref<20x256xf32, #tpu.memory_space<vmem>>[vector<16xi32>, vector<16xi32>], vector<16xf32>,
        %add3A_107 = arith.addf %add3A_105, %gather3A_106 : vector<16xf32>
        %swap3A_108 = arith.constant 0 : i32
        %swap3A_109 = arith.index_cast %swap3A_108 : i32 to index
        %swap3A_110 = arith.constant 48 : index
        %swap3A_111 = tpu.vector_load %arg18[%swap3A_109, %swap3A_110] {strides = array<i32>} : memref<4x256xf32, #tpu.memory_space<vmem>>, vector<16xf32>,
        tpu.vector_store %arg18[%swap3A_109, %swap3A_110], %add3A_107 {strides = array<i32>} : memref<4x256xf32, #tpu.memory_space<vmem>>, vector<16xf32>,
        %add3A_112 = arith.addf %add3A_95, %add3A_107 : vector<16xf32>
        %mul3A_113 = arith.mulf %add3A_107, %add3A_107 : vector<16xf32>
        %add3A_114 = arith.addf %add3A_97, %mul3A_113 : vector<16xf32>
        %add3A_115 = arith.constant 64 : i32
        %add3A_116 = vector.broadcast %add3A_115 : i32 to vector<16xi32>
        %add3A_117 = arith.addi %iota3A, %add3A_116 : vector<16xi32>
        %get3A_118 = arith.index_cast %add3A_28 : i32 to index
        %get3A_119 = arith.constant 64 : index
        %get3A_120 = tpu.vector_load %arg14[%get3A_118, %get3A_119] {strides = array<i32>} : memref<128x256xf32, #tpu.memory_space<vmem>>, vector<16xf32>,
        %gather3A_121 = tpu.vector_load_idx %arg10[%gather3A, %add3A_117] : memref<6x256xf32, #tpu.memory_space<vmem>>[vector<16xi32>, vector<16xi32>], vector<16xf32>,
        %add3A_122 = arith.addf %get3A_120, %gather3A_121 : vector<16xf32>
        %gather3A_123 = tpu.vector_load_idx %arg11[%gather3A_29, %add3A_117] : memref<20x256xf32, #tpu.memory_space<vmem>>[vector<16xi32>, vector<16xi32>], vector<16xf32>,
        %add3A_124 = arith.addf %add3A_122, %gather3A_123 : vector<16xf32>
        %swap3A_125 = arith.constant 0 : i32
        %swap3A_126 = arith.index_cast %swap3A_125 : i32 to index
        %swap3A_127 = arith.constant 64 : index
        %swap3A_128 = tpu.vector_load %arg18[%swap3A_126, %swap3A_127] {strides = array<i32>} : memref<4x256xf32, #tpu.memory_space<vmem>>, vector<16xf32>,
        tpu.vector_store %arg18[%swap3A_126, %swap3A_127], %add3A_124 {strides = array<i32>} : memref<4x256xf32, #tpu.memory_space<vmem>>, vector<16xf32>,
        %add3A_129 = arith.addf %add3A_112, %add3A_124 : vector<16xf32>
        %mul3A_130 = arith.mulf %add3A_124, %add3A_124 : vector<16xf32>
        %add3A_131 = arith.addf %add3A_114, %mul3A_130 : vector<16xf32>
        %add3A_132 = arith.constant 80 : i32
        %add3A_133 = vector.broadcast %add3A_132 : i32 to vector<16xi32>
        %add3A_134 = arith.addi %iota3A, %add3A_133 : vector<16xi32>
        %get3A_135 = arith.index_cast %add3A_28 : i32 to index
        %get3A_136 = arith.constant 80 : index
        %get3A_137 = tpu.vector_load %arg14[%get3A_135, %get3A_136] {strides = array<i32>} : memref<128x256xf32, #tpu.memory_space<vmem>>, vector<16xf32>,
        %gather3A_138 = tpu.vector_load_idx %arg10[%gather3A, %add3A_134] : memref<6x256xf32, #tpu.memory_space<vmem>>[vector<16xi32>, vector<16xi32>], vector<16xf32>,
        %add3A_139 = arith.addf %get3A_137, %gather3A_138 : vector<16xf32>
        %gather3A_140 = tpu.vector_load_idx %arg11[%gather3A_29, %add3A_134] : memref<20x256xf32, #tpu.memory_space<vmem>>[vector<16xi32>, vector<16xi32>], vector<16xf32>,
        %add3A_141 = arith.addf %add3A_139, %gather3A_140 : vector<16xf32>
        %swap3A_142 = arith.constant 0 : i32
        %swap3A_143 = arith.index_cast %swap3A_142 : i32 to index
        %swap3A_144 = arith.constant 80 : index
        %swap3A_145 = tpu.vector_load %arg18[%swap3A_143, %swap3A_144] {strides = array<i32>} : memref<4x256xf32, #tpu.memory_space<vmem>>, vector<16xf32>,
        tpu.vector_store %arg18[%swap3A_143, %swap3A_144], %add3A_141 {strides = array<i32>} : memref<4x256xf32, #tpu.memory_space<vmem>>, vector<16xf32>,
        %add3A_146 = arith.addf %add3A_129, %add3A_141 : vector<16xf32>
        %mul3A_147 = arith.mulf %add3A_141, %add3A_141 : vector<16xf32>
        %add3A_148 = arith.addf %add3A_131, %mul3A_147 : vector<16xf32>
        %add3A_149 = arith.constant 96 : i32
        %add3A_150 = vector.broadcast %add3A_149 : i32 to vector<16xi32>
        %add3A_151 = arith.addi %iota3A, %add3A_150 : vector<16xi32>
        %get3A_152 = arith.index_cast %add3A_28 : i32 to index
        %get3A_153 = arith.constant 96 : index
        %get3A_154 = tpu.vector_load %arg14[%get3A_152, %get3A_153] {strides = array<i32>} : memref<128x256xf32, #tpu.memory_space<vmem>>, vector<16xf32>,
        %gather3A_155 = tpu.vector_load_idx %arg10[%gather3A, %add3A_151] : memref<6x256xf32, #tpu.memory_space<vmem>>[vector<16xi32>, vector<16xi32>], vector<16xf32>,
        %add3A_156 = arith.addf %get3A_154, %gather3A_155 : vector<16xf32>
        %gather3A_157 = tpu.vector_load_idx %arg11[%gather3A_29, %add3A_151] : memref<20x256xf32, #tpu.memory_space<vmem>>[vector<16xi32>, vector<16xi32>], vector<16xf32>,
        %add3A_158 = arith.addf %add3A_156, %gather3A_157 : vector<16xf32>
        %swap3A_159 = arith.constant 0 : i32
        %swap3A_160 = arith.index_cast %swap3A_159 : i32 to index
        %swap3A_161 = arith.constant 96 : index
        %swap3A_162 = tpu.vector_load %arg18[%swap3A_160, %swap3A_161] {strides = array<i32>} : memref<4x256xf32, #tpu.memory_space<vmem>>, vector<16xf32>,
        tpu.vector_store %arg18[%swap3A_160, %swap3A_161], %add3A_158 {strides = array<i32>} : memref<4x256xf32, #tpu.memory_space<vmem>>, vector<16xf32>,
        %add3A_163 = arith.addf %add3A_146, %add3A_158 : vector<16xf32>
        %mul3A_164 = arith.mulf %add3A_158, %add3A_158 : vector<16xf32>
        %add3A_165 = arith.addf %add3A_148, %mul3A_164 : vector<16xf32>
        %add3A_166 = arith.constant 112 : i32
        %add3A_167 = vector.broadcast %add3A_166 : i32 to vector<16xi32>
        %add3A_168 = arith.addi %iota3A, %add3A_167 : vector<16xi32>
        %get3A_169 = arith.index_cast %add3A_28 : i32 to index
        %get3A_170 = arith.constant 112 : index
        %get3A_171 = tpu.vector_load %arg14[%get3A_169, %get3A_170] {strides = array<i32>} : memref<128x256xf32, #tpu.memory_space<vmem>>, vector<16xf32>,
        %gather3A_172 = tpu.vector_load_idx %arg10[%gather3A, %add3A_168] : memref<6x256xf32, #tpu.memory_space<vmem>>[vector<16xi32>, vector<16xi32>], vector<16xf32>,
        %add3A_173 = arith.addf %get3A_171, %gather3A_172 : vector<16xf32>
        %gather3A_174 = tpu.vector_load_idx %arg11[%gather3A_29, %add3A_168] : memref<20x256xf32, #tpu.memory_space<vmem>>[vector<16xi32>, vector<16xi32>], vector<16xf32>,
        %add3A_175 = arith.addf %add3A_173, %gather3A_174 : vector<16xf32>
        %swap3A_176 = arith.constant 0 : i32
        %swap3A_177 = arith.index_cast %swap3A_176 : i32 to index
        %swap3A_178 = arith.constant 112 : index
        %swap3A_179 = tpu.vector_load %arg18[%swap3A_177, %swap3A_178] {strides = array<i32>} : memref<4x256xf32, #tpu.memory_space<vmem>>, vector<16xf32>,
        tpu.vector_store %arg18[%swap3A_177, %swap3A_178], %add3A_175 {strides = array<i32>} : memref<4x256xf32, #tpu.memory_space<vmem>>, vector<16xf32>,
        %add3A_180 = arith.addf %add3A_163, %add3A_175 : vector<16xf32>
        %mul3A_181 = arith.mulf %add3A_175, %add3A_175 : vector<16xf32>
        %add3A_182 = arith.addf %add3A_165, %mul3A_181 : vector<16xf32>
        %add3A_183 = arith.constant 128 : i32
        %add3A_184 = vector.broadcast %add3A_183 : i32 to vector<16xi32>
        %add3A_185 = arith.addi %iota3A, %add3A_184 : vector<16xi32>
        %get3A_186 = arith.index_cast %add3A_28 : i32 to index
        %get3A_187 = arith.constant 128 : index
        %get3A_188 = tpu.vector_load %arg14[%get3A_186, %get3A_187] {strides = array<i32>} : memref<128x256xf32, #tpu.memory_space<vmem>>, vector<16xf32>,
        %gather3A_189 = tpu.vector_load_idx %arg10[%gather3A, %add3A_185] : memref<6x256xf32, #tpu.memory_space<vmem>>[vector<16xi32>, vector<16xi32>], vector<16xf32>,
        %add3A_190 = arith.addf %get3A_188, %gather3A_189 : vector<16xf32>
        %gather3A_191 = tpu.vector_load_idx %arg11[%gather3A_29, %add3A_185] : memref<20x256xf32, #tpu.memory_space<vmem>>[vector<16xi32>, vector<16xi32>], vector<16xf32>,
        %add3A_192 = arith.addf %add3A_190, %gather3A_191 : vector<16xf32>
        %swap3A_193 = arith.constant 0 : i32
        %swap3A_194 = arith.index_cast %swap3A_193 : i32 to index
        %swap3A_195 = arith.constant 128 : index
        %swap3A_196 = tpu.vector_load %arg18[%swap3A_194, %swap3A_195] {strides = array<i32>} : memref<4x256xf32, #tpu.memory_space<vmem>>, vector<16xf32>,
        tpu.vector_store %arg18[%swap3A_194, %swap3A_195], %add3A_192 {strides = array<i32>} : memref<4x256xf32, #tpu.memory_space<vmem>>, vector<16xf32>,
        %add3A_197 = arith.addf %add3A_180, %add3A_192 : vector<16xf32>
        %mul3A_198 = arith.mulf %add3A_192, %add3A_192 : vector<16xf32>
        %add3A_199 = arith.addf %add3A_182, %mul3A_198 : vector<16xf32>
        %add3A_200 = arith.constant 144 : i32
        %add3A_201 = vector.broadcast %add3A_200 : i32 to vector<16xi32>
        %add3A_202 = arith.addi %iota3A, %add3A_201 : vector<16xi32>
        %get3A_203 = arith.index_cast %add3A_28 : i32 to index
        %get3A_204 = arith.constant 144 : index
        %get3A_205 = tpu.vector_load %arg14[%get3A_203, %get3A_204] {strides = array<i32>} : memref<128x256xf32, #tpu.memory_space<vmem>>, vector<16xf32>,
        %gather3A_206 = tpu.vector_load_idx %arg10[%gather3A, %add3A_202] : memref<6x256xf32, #tpu.memory_space<vmem>>[vector<16xi32>, vector<16xi32>], vector<16xf32>,
        %add3A_207 = arith.addf %get3A_205, %gather3A_206 : vector<16xf32>
        %gather3A_208 = tpu.vector_load_idx %arg11[%gather3A_29, %add3A_202] : memref<20x256xf32, #tpu.memory_space<vmem>>[vector<16xi32>, vector<16xi32>], vector<16xf32>,
        %add3A_209 = arith.addf %add3A_207, %gather3A_208 : vector<16xf32>
        %swap3A_210 = arith.constant 0 : i32
        %swap3A_211 = arith.index_cast %swap3A_210 : i32 to index
        %swap3A_212 = arith.constant 144 : index
        %swap3A_213 = tpu.vector_load %arg18[%swap3A_211, %swap3A_212] {strides = array<i32>} : memref<4x256xf32, #tpu.memory_space<vmem>>, vector<16xf32>,
        tpu.vector_store %arg18[%swap3A_211, %swap3A_212], %add3A_209 {strides = array<i32>} : memref<4x256xf32, #tpu.memory_space<vmem>>, vector<16xf32>,
        %add3A_214 = arith.addf %add3A_197, %add3A_209 : vector<16xf32>
        %mul3A_215 = arith.mulf %add3A_209, %add3A_209 : vector<16xf32>
        %add3A_216 = arith.addf %add3A_199, %mul3A_215 : vector<16xf32>
        %add3A_217 = arith.constant 160 : i32
        %add3A_218 = vector.broadcast %add3A_217 : i32 to vector<16xi32>
        %add3A_219 = arith.addi %iota3A, %add3A_218 : vector<16xi32>
        %get3A_220 = arith.index_cast %add3A_28 : i32 to index
        %get3A_221 = arith.constant 160 : index
        %get3A_222 = tpu.vector_load %arg14[%get3A_220, %get3A_221] {strides = array<i32>} : memref<128x256xf32, #tpu.memory_space<vmem>>, vector<16xf32>,
        %gather3A_223 = tpu.vector_load_idx %arg10[%gather3A, %add3A_219] : memref<6x256xf32, #tpu.memory_space<vmem>>[vector<16xi32>, vector<16xi32>], vector<16xf32>,
        %add3A_224 = arith.addf %get3A_222, %gather3A_223 : vector<16xf32>
        %gather3A_225 = tpu.vector_load_idx %arg11[%gather3A_29, %add3A_219] : memref<20x256xf32, #tpu.memory_space<vmem>>[vector<16xi32>, vector<16xi32>], vector<16xf32>,
        %add3A_226 = arith.addf %add3A_224, %gather3A_225 : vector<16xf32>
        %swap3A_227 = arith.constant 0 : i32
        %swap3A_228 = arith.index_cast %swap3A_227 : i32 to index
        %swap3A_229 = arith.constant 160 : index
        %swap3A_230 = tpu.vector_load %arg18[%swap3A_228, %swap3A_229] {strides = array<i32>} : memref<4x256xf32, #tpu.memory_space<vmem>>, vector<16xf32>,
        tpu.vector_store %arg18[%swap3A_228, %swap3A_229], %add3A_226 {strides = array<i32>} : memref<4x256xf32, #tpu.memory_space<vmem>>, vector<16xf32>,
        %add3A_231 = arith.addf %add3A_214, %add3A_226 : vector<16xf32>
        %mul3A_232 = arith.mulf %add3A_226, %add3A_226 : vector<16xf32>
        %add3A_233 = arith.addf %add3A_216, %mul3A_232 : vector<16xf32>
        %add3A_234 = arith.constant 176 : i32
        %add3A_235 = vector.broadcast %add3A_234 : i32 to vector<16xi32>
        %add3A_236 = arith.addi %iota3A, %add3A_235 : vector<16xi32>
        %get3A_237 = arith.index_cast %add3A_28 : i32 to index
        %get3A_238 = arith.constant 176 : index
        %get3A_239 = tpu.vector_load %arg14[%get3A_237, %get3A_238] {strides = array<i32>} : memref<128x256xf32, #tpu.memory_space<vmem>>, vector<16xf32>,
        %gather3A_240 = tpu.vector_load_idx %arg10[%gather3A, %add3A_236] : memref<6x256xf32, #tpu.memory_space<vmem>>[vector<16xi32>, vector<16xi32>], vector<16xf32>,
        %add3A_241 = arith.addf %get3A_239, %gather3A_240 : vector<16xf32>
        %gather3A_242 = tpu.vector_load_idx %arg11[%gather3A_29, %add3A_236] : memref<20x256xf32, #tpu.memory_space<vmem>>[vector<16xi32>, vector<16xi32>], vector<16xf32>,
        %add3A_243 = arith.addf %add3A_241, %gather3A_242 : vector<16xf32>
        %swap3A_244 = arith.constant 0 : i32
        %swap3A_245 = arith.index_cast %swap3A_244 : i32 to index
        %swap3A_246 = arith.constant 176 : index
        %swap3A_247 = tpu.vector_load %arg18[%swap3A_245, %swap3A_246] {strides = array<i32>} : memref<4x256xf32, #tpu.memory_space<vmem>>, vector<16xf32>,
        tpu.vector_store %arg18[%swap3A_245, %swap3A_246], %add3A_243 {strides = array<i32>} : memref<4x256xf32, #tpu.memory_space<vmem>>, vector<16xf32>,
        %add3A_248 = arith.addf %add3A_231, %add3A_243 : vector<16xf32>
        %mul3A_249 = arith.mulf %add3A_243, %add3A_243 : vector<16xf32>
        %add3A_250 = arith.addf %add3A_233, %mul3A_249 : vector<16xf32>
        %add3A_251 = arith.constant 192 : i32
        %add3A_252 = vector.broadcast %add3A_251 : i32 to vector<16xi32>
        %add3A_253 = arith.addi %iota3A, %add3A_252 : vector<16xi32>
        %get3A_254 = arith.index_cast %add3A_28 : i32 to index
        %get3A_255 = arith.constant 192 : index
        %get3A_256 = tpu.vector_load %arg14[%get3A_254, %get3A_255] {strides = array<i32>} : memref<128x256xf32, #tpu.memory_space<vmem>>, vector<16xf32>,
        %gather3A_257 = tpu.vector_load_idx %arg10[%gather3A, %add3A_253] : memref<6x256xf32, #tpu.memory_space<vmem>>[vector<16xi32>, vector<16xi32>], vector<16xf32>,
        %add3A_258 = arith.addf %get3A_256, %gather3A_257 : vector<16xf32>
        %gather3A_259 = tpu.vector_load_idx %arg11[%gather3A_29, %add3A_253] : memref<20x256xf32, #tpu.memory_space<vmem>>[vector<16xi32>, vector<16xi32>], vector<16xf32>,
        %add3A_260 = arith.addf %add3A_258, %gather3A_259 : vector<16xf32>
        %swap3A_261 = arith.constant 0 : i32
        %swap3A_262 = arith.index_cast %swap3A_261 : i32 to index
        %swap3A_263 = arith.constant 192 : index
        %swap3A_264 = tpu.vector_load %arg18[%swap3A_262, %swap3A_263] {strides = array<i32>} : memref<4x256xf32, #tpu.memory_space<vmem>>, vector<16xf32>,
        tpu.vector_store %arg18[%swap3A_262, %swap3A_263], %add3A_260 {strides = array<i32>} : memref<4x256xf32, #tpu.memory_space<vmem>>, vector<16xf32>,
        %add3A_265 = arith.addf %add3A_248, %add3A_260 : vector<16xf32>
        %mul3A_266 = arith.mulf %add3A_260, %add3A_260 : vector<16xf32>
        %add3A_267 = arith.addf %add3A_250, %mul3A_266 : vector<16xf32>
        %add3A_268 = arith.constant 208 : i32
        %add3A_269 = vector.broadcast %add3A_268 : i32 to vector<16xi32>
        %add3A_270 = arith.addi %iota3A, %add3A_269 : vector<16xi32>
        %get3A_271 = arith.index_cast %add3A_28 : i32 to index
        %get3A_272 = arith.constant 208 : index
        %get3A_273 = tpu.vector_load %arg14[%get3A_271, %get3A_272] {strides = array<i32>} : memref<128x256xf32, #tpu.memory_space<vmem>>, vector<16xf32>,
        %gather3A_274 = tpu.vector_load_idx %arg10[%gather3A, %add3A_270] : memref<6x256xf32, #tpu.memory_space<vmem>>[vector<16xi32>, vector<16xi32>], vector<16xf32>,
        %add3A_275 = arith.addf %get3A_273, %gather3A_274 : vector<16xf32>
        %gather3A_276 = tpu.vector_load_idx %arg11[%gather3A_29, %add3A_270] : memref<20x256xf32, #tpu.memory_space<vmem>>[vector<16xi32>, vector<16xi32>], vector<16xf32>,
        %add3A_277 = arith.addf %add3A_275, %gather3A_276 : vector<16xf32>
        %swap3A_278 = arith.constant 0 : i32
        %swap3A_279 = arith.index_cast %swap3A_278 : i32 to index
        %swap3A_280 = arith.constant 208 : index
        %swap3A_281 = tpu.vector_load %arg18[%swap3A_279, %swap3A_280] {strides = array<i32>} : memref<4x256xf32, #tpu.memory_space<vmem>>, vector<16xf32>,
        tpu.vector_store %arg18[%swap3A_279, %swap3A_280], %add3A_277 {strides = array<i32>} : memref<4x256xf32, #tpu.memory_space<vmem>>, vector<16xf32>,
        %add3A_282 = arith.addf %add3A_265, %add3A_277 : vector<16xf32>
        %mul3A_283 = arith.mulf %add3A_277, %add3A_277 : vector<16xf32>
        %add3A_284 = arith.addf %add3A_267, %mul3A_283 : vector<16xf32>
        %add3A_285 = arith.constant 224 : i32
        %add3A_286 = vector.broadcast %add3A_285 : i32 to vector<16xi32>
        %add3A_287 = arith.addi %iota3A, %add3A_286 : vector<16xi32>
        %get3A_288 = arith.index_cast %add3A_28 : i32 to index
        %get3A_289 = arith.constant 224 : index
        %get3A_290 = tpu.vector_load %arg14[%get3A_288, %get3A_289] {strides = array<i32>} : memref<128x256xf32, #tpu.memory_space<vmem>>, vector<16xf32>,
        %gather3A_291 = tpu.vector_load_idx %arg10[%gather3A, %add3A_287] : memref<6x256xf32, #tpu.memory_space<vmem>>[vector<16xi32>, vector<16xi32>], vector<16xf32>,
        %add3A_292 = arith.addf %get3A_290, %gather3A_291 : vector<16xf32>
        %gather3A_293 = tpu.vector_load_idx %arg11[%gather3A_29, %add3A_287] : memref<20x256xf32, #tpu.memory_space<vmem>>[vector<16xi32>, vector<16xi32>], vector<16xf32>,
        %add3A_294 = arith.addf %add3A_292, %gather3A_293 : vector<16xf32>
        %swap3A_295 = arith.constant 0 : i32
        %swap3A_296 = arith.index_cast %swap3A_295 : i32 to index
        %swap3A_297 = arith.constant 224 : index
        %swap3A_298 = tpu.vector_load %arg18[%swap3A_296, %swap3A_297] {strides = array<i32>} : memref<4x256xf32, #tpu.memory_space<vmem>>, vector<16xf32>,
        tpu.vector_store %arg18[%swap3A_296, %swap3A_297], %add3A_294 {strides = array<i32>} : memref<4x256xf32, #tpu.memory_space<vmem>>, vector<16xf32>,
        %add3A_299 = arith.addf %add3A_282, %add3A_294 : vector<16xf32>
        %mul3A_300 = arith.mulf %add3A_294, %add3A_294 : vector<16xf32>
        %add3A_301 = arith.addf %add3A_284, %mul3A_300 : vector<16xf32>
        %add3A_302 = arith.constant 240 : i32
        %add3A_303 = vector.broadcast %add3A_302 : i32 to vector<16xi32>
        %add3A_304 = arith.addi %iota3A, %add3A_303 : vector<16xi32>
        %get3A_305 = arith.index_cast %add3A_28 : i32 to index
        %get3A_306 = arith.constant 240 : index
        %get3A_307 = tpu.vector_load %arg14[%get3A_305, %get3A_306] {strides = array<i32>} : memref<128x256xf32, #tpu.memory_space<vmem>>, vector<16xf32>,
        %gather3A_308 = tpu.vector_load_idx %arg10[%gather3A, %add3A_304] : memref<6x256xf32, #tpu.memory_space<vmem>>[vector<16xi32>, vector<16xi32>], vector<16xf32>,
        %add3A_309 = arith.addf %get3A_307, %gather3A_308 : vector<16xf32>
        %gather3A_310 = tpu.vector_load_idx %arg11[%gather3A_29, %add3A_304] : memref<20x256xf32, #tpu.memory_space<vmem>>[vector<16xi32>, vector<16xi32>], vector<16xf32>,
        %add3A_311 = arith.addf %add3A_309, %gather3A_310 : vector<16xf32>
        %swap3A_312 = arith.constant 0 : i32
        %swap3A_313 = arith.index_cast %swap3A_312 : i32 to index
        %swap3A_314 = arith.constant 240 : index
        %swap3A_315 = tpu.vector_load %arg18[%swap3A_313, %swap3A_314] {strides = array<i32>} : memref<4x256xf32, #tpu.memory_space<vmem>>, vector<16xf32>,
        tpu.vector_store %arg18[%swap3A_313, %swap3A_314], %add3A_311 {strides = array<i32>} : memref<4x256xf32, #tpu.memory_space<vmem>>, vector<16xf32>,
        %add3A_316 = arith.addf %add3A_299, %add3A_311 : vector<16xf32>
        %mul3A_317 = arith.mulf %add3A_311, %add3A_311 : vector<16xf32>
        %add3A_318 = arith.addf %add3A_301, %mul3A_317 : vector<16xf32>
        %reduce_sum3A = arith.constant true
        %reduce_sum3A_319 = vector.broadcast %reduce_sum3A : i1 to vector<16xi1>
        %reduce_sum3A_320 = tpu.scan <sum>, %add3A_316 masked %reduce_sum3A_319 : vector<16xf32>, vector<16xi1> -> vector<16xf32>
        %reduce_sum3A_321 = vector.extract %reduce_sum3A_320[15] : f32 from vector<16xf32>
        %reduce_sum3A_322 = arith.constant true
        %reduce_sum3A_323 = vector.broadcast %reduce_sum3A_322 : i1 to vector<16xi1>
        %reduce_sum3A_324 = tpu.scan <sum>, %add3A_318 masked %reduce_sum3A_323 : vector<16xf32>, vector<16xi1> -> vector<16xf32>
        %reduce_sum3A_325 = vector.extract %reduce_sum3A_324[15] : f32 from vector<16xf32>
        %add3A_326 = arith.constant 0 : i32
        %add3A_327 = vector.broadcast %add3A_326 : i32 to vector<16xi32>
        %add3A_328 = arith.addi %iota3A, %add3A_327 : vector<16xi32>
        %get3A_329 = arith.index_cast %add3A_33 : i32 to index
        %get3A_330 = arith.constant 0 : index
        %get3A_331 = tpu.vector_load %arg14[%get3A_329, %get3A_330] {strides = array<i32>} : memref<128x256xf32, #tpu.memory_space<vmem>>, vector<16xf32>,
        %gather3A_332 = tpu.vector_load_idx %arg10[%gather3A_35, %add3A_328] : memref<6x256xf32, #tpu.memory_space<vmem>>[vector<16xi32>, vector<16xi32>], vector<16xf32>,
        %add3A_333 = arith.addf %get3A_331, %gather3A_332 : vector<16xf32>
        %gather3A_334 = tpu.vector_load_idx %arg11[%gather3A_36, %add3A_328] : memref<20x256xf32, #tpu.memory_space<vmem>>[vector<16xi32>, vector<16xi32>], vector<16xf32>,
        %add3A_335 = arith.addf %add3A_333, %gather3A_334 : vector<16xf32>
        %swap3A_336 = arith.constant 1 : i32
        %swap3A_337 = arith.index_cast %swap3A_336 : i32 to index
        %swap3A_338 = arith.constant 0 : index
        %swap3A_339 = tpu.vector_load %arg18[%swap3A_337, %swap3A_338] {strides = array<i32>} : memref<4x256xf32, #tpu.memory_space<vmem>>, vector<16xf32>,
        tpu.vector_store %arg18[%swap3A_337, %swap3A_338], %add3A_335 {strides = array<i32>} : memref<4x256xf32, #tpu.memory_space<vmem>>, vector<16xf32>,
        %mul3A_340 = arith.mulf %add3A_335, %add3A_335 : vector<16xf32>
        %add3A_341 = arith.constant 16 : i32
        %add3A_342 = vector.broadcast %add3A_341 : i32 to vector<16xi32>
        %add3A_343 = arith.addi %iota3A, %add3A_342 : vector<16xi32>
        %get3A_344 = arith.index_cast %add3A_33 : i32 to index
        %get3A_345 = arith.constant 16 : index
        %get3A_346 = tpu.vector_load %arg14[%get3A_344, %get3A_345] {strides = array<i32>} : memref<128x256xf32, #tpu.memory_space<vmem>>, vector<16xf32>,
        %gather3A_347 = tpu.vector_load_idx %arg10[%gather3A_35, %add3A_343] : memref<6x256xf32, #tpu.memory_space<vmem>>[vector<16xi32>, vector<16xi32>], vector<16xf32>,
        %add3A_348 = arith.addf %get3A_346, %gather3A_347 : vector<16xf32>
        %gather3A_349 = tpu.vector_load_idx %arg11[%gather3A_36, %add3A_343] : memref<20x256xf32, #tpu.memory_space<vmem>>[vector<16xi32>, vector<16xi32>], vector<16xf32>,
        %add3A_350 = arith.addf %add3A_348, %gather3A_349 : vector<16xf32>
        %swap3A_351 = arith.constant 1 : i32
        %swap3A_352 = arith.index_cast %swap3A_351 : i32 to index
        %swap3A_353 = arith.constant 16 : index
        %swap3A_354 = tpu.vector_load %arg18[%swap3A_352, %swap3A_353] {strides = array<i32>} : memref<4x256xf32, #tpu.memory_space<vmem>>, vector<16xf32>,
        tpu.vector_store %arg18[%swap3A_352, %swap3A_353], %add3A_350 {strides = array<i32>} : memref<4x256xf32, #tpu.memory_space<vmem>>, vector<16xf32>,
        %add3A_355 = arith.addf %add3A_335, %add3A_350 : vector<16xf32>
        %mul3A_356 = arith.mulf %add3A_350, %add3A_350 : vector<16xf32>
        %add3A_357 = arith.addf %mul3A_340, %mul3A_356 : vector<16xf32>
        %add3A_358 = arith.constant 32 : i32
        %add3A_359 = vector.broadcast %add3A_358 : i32 to vector<16xi32>
        %add3A_360 = arith.addi %iota3A, %add3A_359 : vector<16xi32>
        %get3A_361 = arith.index_cast %add3A_33 : i32 to index
        %get3A_362 = arith.constant 32 : index
        %get3A_363 = tpu.vector_load %arg14[%get3A_361, %get3A_362] {strides = array<i32>} : memref<128x256xf32, #tpu.memory_space<vmem>>, vector<16xf32>,
        %gather3A_364 = tpu.vector_load_idx %arg10[%gather3A_35, %add3A_360] : memref<6x256xf32, #tpu.memory_space<vmem>>[vector<16xi32>, vector<16xi32>], vector<16xf32>,
        %add3A_365 = arith.addf %get3A_363, %gather3A_364 : vector<16xf32>
        %gather3A_366 = tpu.vector_load_idx %arg11[%gather3A_36, %add3A_360] : memref<20x256xf32, #tpu.memory_space<vmem>>[vector<16xi32>, vector<16xi32>], vector<16xf32>,
        %add3A_367 = arith.addf %add3A_365, %gather3A_366 : vector<16xf32>
        %swap3A_368 = arith.constant 1 : i32
        %swap3A_369 = arith.index_cast %swap3A_368 : i32 to index
        %swap3A_370 = arith.constant 32 : index
        %swap3A_371 = tpu.vector_load %arg18[%swap3A_369, %swap3A_370] {strides = array<i32>} : memref<4x256xf32, #tpu.memory_space<vmem>>, vector<16xf32>,
        tpu.vector_store %arg18[%swap3A_369, %swap3A_370], %add3A_367 {strides = array<i32>} : memref<4x256xf32, #tpu.memory_space<vmem>>, vector<16xf32>,
        %add3A_372 = arith.addf %add3A_355, %add3A_367 : vector<16xf32>
        %mul3A_373 = arith.mulf %add3A_367, %add3A_367 : vector<16xf32>
        %add3A_374 = arith.addf %add3A_357, %mul3A_373 : vector<16xf32>
        %add3A_375 = arith.constant 48 : i32
        %add3A_376 = vector.broadcast %add3A_375 : i32 to vector<16xi32>
        %add3A_377 = arith.addi %iota3A, %add3A_376 : vector<16xi32>
        %get3A_378 = arith.index_cast %add3A_33 : i32 to index
        %get3A_379 = arith.constant 48 : index
        %get3A_380 = tpu.vector_load %arg14[%get3A_378, %get3A_379] {strides = array<i32>} : memref<128x256xf32, #tpu.memory_space<vmem>>, vector<16xf32>,
        %gather3A_381 = tpu.vector_load_idx %arg10[%gather3A_35, %add3A_377] : memref<6x256xf32, #tpu.memory_space<vmem>>[vector<16xi32>, vector<16xi32>], vector<16xf32>,
        %add3A_382 = arith.addf %get3A_380, %gather3A_381 : vector<16xf32>
        %gather3A_383 = tpu.vector_load_idx %arg11[%gather3A_36, %add3A_377] : memref<20x256xf32, #tpu.memory_space<vmem>>[vector<16xi32>, vector<16xi32>], vector<16xf32>,
        %add3A_384 = arith.addf %add3A_382, %gather3A_383 : vector<16xf32>
        %swap3A_385 = arith.constant 1 : i32
        %swap3A_386 = arith.index_cast %swap3A_385 : i32 to index
        %swap3A_387 = arith.constant 48 : index
        %swap3A_388 = tpu.vector_load %arg18[%swap3A_386, %swap3A_387] {strides = array<i32>} : memref<4x256xf32, #tpu.memory_space<vmem>>, vector<16xf32>,
        tpu.vector_store %arg18[%swap3A_386, %swap3A_387], %add3A_384 {strides = array<i32>} : memref<4x256xf32, #tpu.memory_space<vmem>>, vector<16xf32>,
        %add3A_389 = arith.addf %add3A_372, %add3A_384 : vector<16xf32>
        %mul3A_390 = arith.mulf %add3A_384, %add3A_384 : vector<16xf32>
        %add3A_391 = arith.addf %add3A_374, %mul3A_390 : vector<16xf32>
        %add3A_392 = arith.constant 64 : i32
        %add3A_393 = vector.broadcast %add3A_392 : i32 to vector<16xi32>
        %add3A_394 = arith.addi %iota3A, %add3A_393 : vector<16xi32>
        %get3A_395 = arith.index_cast %add3A_33 : i32 to index
        %get3A_396 = arith.constant 64 : index
        %get3A_397 = tpu.vector_load %arg14[%get3A_395, %get3A_396] {strides = array<i32>} : memref<128x256xf32, #tpu.memory_space<vmem>>, vector<16xf32>,
        %gather3A_398 = tpu.vector_load_idx %arg10[%gather3A_35, %add3A_394] : memref<6x256xf32, #tpu.memory_space<vmem>>[vector<16xi32>, vector<16xi32>], vector<16xf32>,
        %add3A_399 = arith.addf %get3A_397, %gather3A_398 : vector<16xf32>
        %gather3A_400 = tpu.vector_load_idx %arg11[%gather3A_36, %add3A_394] : memref<20x256xf32, #tpu.memory_space<vmem>>[vector<16xi32>, vector<16xi32>], vector<16xf32>,
        %add3A_401 = arith.addf %add3A_399, %gather3A_400 : vector<16xf32>
        %swap3A_402 = arith.constant 1 : i32
        %swap3A_403 = arith.index_cast %swap3A_402 : i32 to index
        %swap3A_404 = arith.constant 64 : index
        %swap3A_405 = tpu.vector_load %arg18[%swap3A_403, %swap3A_404] {strides = array<i32>} : memref<4x256xf32, #tpu.memory_space<vmem>>, vector<16xf32>,
        tpu.vector_store %arg18[%swap3A_403, %swap3A_404], %add3A_401 {strides = array<i32>} : memref<4x256xf32, #tpu.memory_space<vmem>>, vector<16xf32>,
        %add3A_406 = arith.addf %add3A_389, %add3A_401 : vector<16xf32>
        %mul3A_407 = arith.mulf %add3A_401, %add3A_401 : vector<16xf32>
        %add3A_408 = arith.addf %add3A_391, %mul3A_407 : vector<16xf32>
        %add3A_409 = arith.constant 80 : i32
        %add3A_410 = vector.broadcast %add3A_409 : i32 to vector<16xi32>
        %add3A_411 = arith.addi %iota3A, %add3A_410 : vector<16xi32>
        %get3A_412 = arith.index_cast %add3A_33 : i32 to index
        %get3A_413 = arith.constant 80 : index
        %get3A_414 = tpu.vector_load %arg14[%get3A_412, %get3A_413] {strides = array<i32>} : memref<128x256xf32, #tpu.memory_space<vmem>>, vector<16xf32>,
        %gather3A_415 = tpu.vector_load_idx %arg10[%gather3A_35, %add3A_411] : memref<6x256xf32, #tpu.memory_space<vmem>>[vector<16xi32>, vector<16xi32>], vector<16xf32>,
        %add3A_416 = arith.addf %get3A_414, %gather3A_415 : vector<16xf32>
        %gather3A_417 = tpu.vector_load_idx %arg11[%gather3A_36, %add3A_411] : memref<20x256xf32, #tpu.memory_space<vmem>>[vector<16xi32>, vector<16xi32>], vector<16xf32>,
        %add3A_418 = arith.addf %add3A_416, %gather3A_417 : vector<16xf32>
        %swap3A_419 = arith.constant 1 : i32
        %swap3A_420 = arith.index_cast %swap3A_419 : i32 to index
        %swap3A_421 = arith.constant 80 : index
        %swap3A_422 = tpu.vector_load %arg18[%swap3A_420, %swap3A_421] {strides = array<i32>} : memref<4x256xf32, #tpu.memory_space<vmem>>, vector<16xf32>,
        tpu.vector_store %arg18[%swap3A_420, %swap3A_421], %add3A_418 {strides = array<i32>} : memref<4x256xf32, #tpu.memory_space<vmem>>, vector<16xf32>,
        %add3A_423 = arith.addf %add3A_406, %add3A_418 : vector<16xf32>
        %mul3A_424 = arith.mulf %add3A_418, %add3A_418 : vector<16xf32>
        %add3A_425 = arith.addf %add3A_408, %mul3A_424 : vector<16xf32>
        %add3A_426 = arith.constant 96 : i32
        %add3A_427 = vector.broadcast %add3A_426 : i32 to vector<16xi32>
        %add3A_428 = arith.addi %iota3A, %add3A_427 : vector<16xi32>
        %get3A_429 = arith.index_cast %add3A_33 : i32 to index
        %get3A_430 = arith.constant 96 : index
        %get3A_431 = tpu.vector_load %arg14[%get3A_429, %get3A_430] {strides = array<i32>} : memref<128x256xf32, #tpu.memory_space<vmem>>, vector<16xf32>,
        %gather3A_432 = tpu.vector_load_idx %arg10[%gather3A_35, %add3A_428] : memref<6x256xf32, #tpu.memory_space<vmem>>[vector<16xi32>, vector<16xi32>], vector<16xf32>,
        %add3A_433 = arith.addf %get3A_431, %gather3A_432 : vector<16xf32>
        %gather3A_434 = tpu.vector_load_idx %arg11[%gather3A_36, %add3A_428] : memref<20x256xf32, #tpu.memory_space<vmem>>[vector<16xi32>, vector<16xi32>], vector<16xf32>,
        %add3A_435 = arith.addf %add3A_433, %gather3A_434 : vector<16xf32>
        %swap3A_436 = arith.constant 1 : i32
        %swap3A_437 = arith.index_cast %swap3A_436 : i32 to index
        %swap3A_438 = arith.constant 96 : index
        %swap3A_439 = tpu.vector_load %arg18[%swap3A_437, %swap3A_438] {strides = array<i32>} : memref<4x256xf32, #tpu.memory_space<vmem>>, vector<16xf32>,
        tpu.vector_store %arg18[%swap3A_437, %swap3A_438], %add3A_435 {strides = array<i32>} : memref<4x256xf32, #tpu.memory_space<vmem>>, vector<16xf32>,
        %add3A_440 = arith.addf %add3A_423, %add3A_435 : vector<16xf32>
        %mul3A_441 = arith.mulf %add3A_435, %add3A_435 : vector<16xf32>
        %add3A_442 = arith.addf %add3A_425, %mul3A_441 : vector<16xf32>
        %add3A_443 = arith.constant 112 : i32
        %add3A_444 = vector.broadcast %add3A_443 : i32 to vector<16xi32>
        %add3A_445 = arith.addi %iota3A, %add3A_444 : vector<16xi32>
        %get3A_446 = arith.index_cast %add3A_33 : i32 to index
        %get3A_447 = arith.constant 112 : index
        %get3A_448 = tpu.vector_load %arg14[%get3A_446, %get3A_447] {strides = array<i32>} : memref<128x256xf32, #tpu.memory_space<vmem>>, vector<16xf32>,
        %gather3A_449 = tpu.vector_load_idx %arg10[%gather3A_35, %add3A_445] : memref<6x256xf32, #tpu.memory_space<vmem>>[vector<16xi32>, vector<16xi32>], vector<16xf32>,
        %add3A_450 = arith.addf %get3A_448, %gather3A_449 : vector<16xf32>
        %gather3A_451 = tpu.vector_load_idx %arg11[%gather3A_36, %add3A_445] : memref<20x256xf32, #tpu.memory_space<vmem>>[vector<16xi32>, vector<16xi32>], vector<16xf32>,
        %add3A_452 = arith.addf %add3A_450, %gather3A_451 : vector<16xf32>
        %swap3A_453 = arith.constant 1 : i32
        %swap3A_454 = arith.index_cast %swap3A_453 : i32 to index
        %swap3A_455 = arith.constant 112 : index
        %swap3A_456 = tpu.vector_load %arg18[%swap3A_454, %swap3A_455] {strides = array<i32>} : memref<4x256xf32, #tpu.memory_space<vmem>>, vector<16xf32>,
        tpu.vector_store %arg18[%swap3A_454, %swap3A_455], %add3A_452 {strides = array<i32>} : memref<4x256xf32, #tpu.memory_space<vmem>>, vector<16xf32>,
        %add3A_457 = arith.addf %add3A_440, %add3A_452 : vector<16xf32>
        %mul3A_458 = arith.mulf %add3A_452, %add3A_452 : vector<16xf32>
        %add3A_459 = arith.addf %add3A_442, %mul3A_458 : vector<16xf32>
        %add3A_460 = arith.constant 128 : i32
        %add3A_461 = vector.broadcast %add3A_460 : i32 to vector<16xi32>
        %add3A_462 = arith.addi %iota3A, %add3A_461 : vector<16xi32>
        %get3A_463 = arith.index_cast %add3A_33 : i32 to index
        %get3A_464 = arith.constant 128 : index
        %get3A_465 = tpu.vector_load %arg14[%get3A_463, %get3A_464] {strides = array<i32>} : memref<128x256xf32, #tpu.memory_space<vmem>>, vector<16xf32>,
        %gather3A_466 = tpu.vector_load_idx %arg10[%gather3A_35, %add3A_462] : memref<6x256xf32, #tpu.memory_space<vmem>>[vector<16xi32>, vector<16xi32>], vector<16xf32>,
        %add3A_467 = arith.addf %get3A_465, %gather3A_466 : vector<16xf32>
        %gather3A_468 = tpu.vector_load_idx %arg11[%gather3A_36, %add3A_462] : memref<20x256xf32, #tpu.memory_space<vmem>>[vector<16xi32>, vector<16xi32>], vector<16xf32>,
        %add3A_469 = arith.addf %add3A_467, %gather3A_468 : vector<16xf32>
        %swap3A_470 = arith.constant 1 : i32
        %swap3A_471 = arith.index_cast %swap3A_470 : i32 to index
        %swap3A_472 = arith.constant 128 : index
        %swap3A_473 = tpu.vector_load %arg18[%swap3A_471, %swap3A_472] {strides = array<i32>} : memref<4x256xf32, #tpu.memory_space<vmem>>, vector<16xf32>,
        tpu.vector_store %arg18[%swap3A_471, %swap3A_472], %add3A_469 {strides = array<i32>} : memref<4x256xf32, #tpu.memory_space<vmem>>, vector<16xf32>,
        %add3A_474 = arith.addf %add3A_457, %add3A_469 : vector<16xf32>
        %mul3A_475 = arith.mulf %add3A_469, %add3A_469 : vector<16xf32>
        %add3A_476 = arith.addf %add3A_459, %mul3A_475 : vector<16xf32>
        %add3A_477 = arith.constant 144 : i32
        %add3A_478 = vector.broadcast %add3A_477 : i32 to vector<16xi32>
        %add3A_479 = arith.addi %iota3A, %add3A_478 : vector<16xi32>
        %get3A_480 = arith.index_cast %add3A_33 : i32 to index
        %get3A_481 = arith.constant 144 : index
        %get3A_482 = tpu.vector_load %arg14[%get3A_480, %get3A_481] {strides = array<i32>} : memref<128x256xf32, #tpu.memory_space<vmem>>, vector<16xf32>,
        %gather3A_483 = tpu.vector_load_idx %arg10[%gather3A_35, %add3A_479] : memref<6x256xf32, #tpu.memory_space<vmem>>[vector<16xi32>, vector<16xi32>], vector<16xf32>,
        %add3A_484 = arith.addf %get3A_482, %gather3A_483 : vector<16xf32>
        %gather3A_485 = tpu.vector_load_idx %arg11[%gather3A_36, %add3A_479] : memref<20x256xf32, #tpu.memory_space<vmem>>[vector<16xi32>, vector<16xi32>], vector<16xf32>,
        %add3A_486 = arith.addf %add3A_484, %gather3A_485 : vector<16xf32>
        %swap3A_487 = arith.constant 1 : i32
        %swap3A_488 = arith.index_cast %swap3A_487 : i32 to index
        %swap3A_489 = arith.constant 144 : index
        %swap3A_490 = tpu.vector_load %arg18[%swap3A_488, %swap3A_489] {strides = array<i32>} : memref<4x256xf32, #tpu.memory_space<vmem>>, vector<16xf32>,
        tpu.vector_store %arg18[%swap3A_488, %swap3A_489], %add3A_486 {strides = array<i32>} : memref<4x256xf32, #tpu.memory_space<vmem>>, vector<16xf32>,
        %add3A_491 = arith.addf %add3A_474, %add3A_486 : vector<16xf32>
        %mul3A_492 = arith.mulf %add3A_486, %add3A_486 : vector<16xf32>
        %add3A_493 = arith.addf %add3A_476, %mul3A_492 : vector<16xf32>
        %add3A_494 = arith.constant 160 : i32
        %add3A_495 = vector.broadcast %add3A_494 : i32 to vector<16xi32>
        %add3A_496 = arith.addi %iota3A, %add3A_495 : vector<16xi32>
        %get3A_497 = arith.index_cast %add3A_33 : i32 to index
        %get3A_498 = arith.constant 160 : index
        %get3A_499 = tpu.vector_load %arg14[%get3A_497, %get3A_498] {strides = array<i32>} : memref<128x256xf32, #tpu.memory_space<vmem>>, vector<16xf32>,
        %gather3A_500 = tpu.vector_load_idx %arg10[%gather3A_35, %add3A_496] : memref<6x256xf32, #tpu.memory_space<vmem>>[vector<16xi32>, vector<16xi32>], vector<16xf32>,
        %add3A_501 = arith.addf %get3A_499, %gather3A_500 : vector<16xf32>
        %gather3A_502 = tpu.vector_load_idx %arg11[%gather3A_36, %add3A_496] : memref<20x256xf32, #tpu.memory_space<vmem>>[vector<16xi32>, vector<16xi32>], vector<16xf32>,
        %add3A_503 = arith.addf %add3A_501, %gather3A_502 : vector<16xf32>
        %swap3A_504 = arith.constant 1 : i32
        %swap3A_505 = arith.index_cast %swap3A_504 : i32 to index
        %swap3A_506 = arith.constant 160 : index
        %swap3A_507 = tpu.vector_load %arg18[%swap3A_505, %swap3A_506] {strides = array<i32>} : memref<4x256xf32, #tpu.memory_space<vmem>>, vector<16xf32>,
        tpu.vector_store %arg18[%swap3A_505, %swap3A_506], %add3A_503 {strides = array<i32>} : memref<4x256xf32, #tpu.memory_space<vmem>>, vector<16xf32>,
        %add3A_508 = arith.addf %add3A_491, %add3A_503 : vector<16xf32>
        %mul3A_509 = arith.mulf %add3A_503, %add3A_503 : vector<16xf32>
        %add3A_510 = arith.addf %add3A_493, %mul3A_509 : vector<16xf32>
        %add3A_511 = arith.constant 176 : i32
        %add3A_512 = vector.broadcast %add3A_511 : i32 to vector<16xi32>
        %add3A_513 = arith.addi %iota3A, %add3A_512 : vector<16xi32>
        %get3A_514 = arith.index_cast %add3A_33 : i32 to index
        %get3A_515 = arith.constant 176 : index
        %get3A_516 = tpu.vector_load %arg14[%get3A_514, %get3A_515] {strides = array<i32>} : memref<128x256xf32, #tpu.memory_space<vmem>>, vector<16xf32>,
        %gather3A_517 = tpu.vector_load_idx %arg10[%gather3A_35, %add3A_513] : memref<6x256xf32, #tpu.memory_space<vmem>>[vector<16xi32>, vector<16xi32>], vector<16xf32>,
        %add3A_518 = arith.addf %get3A_516, %gather3A_517 : vector<16xf32>
        %gather3A_519 = tpu.vector_load_idx %arg11[%gather3A_36, %add3A_513] : memref<20x256xf32, #tpu.memory_space<vmem>>[vector<16xi32>, vector<16xi32>], vector<16xf32>,
        %add3A_520 = arith.addf %add3A_518, %gather3A_519 : vector<16xf32>
        %swap3A_521 = arith.constant 1 : i32
        %swap3A_522 = arith.index_cast %swap3A_521 : i32 to index
        %swap3A_523 = arith.constant 176 : index
        %swap3A_524 = tpu.vector_load %arg18[%swap3A_522, %swap3A_523] {strides = array<i32>} : memref<4x256xf32, #tpu.memory_space<vmem>>, vector<16xf32>,
        tpu.vector_store %arg18[%swap3A_522, %swap3A_523], %add3A_520 {strides = array<i32>} : memref<4x256xf32, #tpu.memory_space<vmem>>, vector<16xf32>,
        %add3A_525 = arith.addf %add3A_508, %add3A_520 : vector<16xf32>
        %mul3A_526 = arith.mulf %add3A_520, %add3A_520 : vector<16xf32>
        %add3A_527 = arith.addf %add3A_510, %mul3A_526 : vector<16xf32>
        %add3A_528 = arith.constant 192 : i32
        %add3A_529 = vector.broadcast %add3A_528 : i32 to vector<16xi32>
        %add3A_530 = arith.addi %iota3A, %add3A_529 : vector<16xi32>
        %get3A_531 = arith.index_cast %add3A_33 : i32 to index
        %get3A_532 = arith.constant 192 : index
        %get3A_533 = tpu.vector_load %arg14[%get3A_531, %get3A_532] {strides = array<i32>} : memref<128x256xf32, #tpu.memory_space<vmem>>, vector<16xf32>,
        %gather3A_534 = tpu.vector_load_idx %arg10[%gather3A_35, %add3A_530] : memref<6x256xf32, #tpu.memory_space<vmem>>[vector<16xi32>, vector<16xi32>], vector<16xf32>,
        %add3A_535 = arith.addf %get3A_533, %gather3A_534 : vector<16xf32>
        %gather3A_536 = tpu.vector_load_idx %arg11[%gather3A_36, %add3A_530] : memref<20x256xf32, #tpu.memory_space<vmem>>[vector<16xi32>, vector<16xi32>], vector<16xf32>,
        %add3A_537 = arith.addf %add3A_535, %gather3A_536 : vector<16xf32>
        %swap3A_538 = arith.constant 1 : i32
        %swap3A_539 = arith.index_cast %swap3A_538 : i32 to index
        %swap3A_540 = arith.constant 192 : index
        %swap3A_541 = tpu.vector_load %arg18[%swap3A_539, %swap3A_540] {strides = array<i32>} : memref<4x256xf32, #tpu.memory_space<vmem>>, vector<16xf32>,
        tpu.vector_store %arg18[%swap3A_539, %swap3A_540], %add3A_537 {strides = array<i32>} : memref<4x256xf32, #tpu.memory_space<vmem>>, vector<16xf32>,
        %add3A_542 = arith.addf %add3A_525, %add3A_537 : vector<16xf32>
        %mul3A_543 = arith.mulf %add3A_537, %add3A_537 : vector<16xf32>
        %add3A_544 = arith.addf %add3A_527, %mul3A_543 : vector<16xf32>
        %add3A_545 = arith.constant 208 : i32
        %add3A_546 = vector.broadcast %add3A_545 : i32 to vector<16xi32>
        %add3A_547 = arith.addi %iota3A, %add3A_546 : vector<16xi32>
        %get3A_548 = arith.index_cast %add3A_33 : i32 to index
        %get3A_549 = arith.constant 208 : index
        %get3A_550 = tpu.vector_load %arg14[%get3A_548, %get3A_549] {strides = array<i32>} : memref<128x256xf32, #tpu.memory_space<vmem>>, vector<16xf32>,
        %gather3A_551 = tpu.vector_load_idx %arg10[%gather3A_35, %add3A_547] : memref<6x256xf32, #tpu.memory_space<vmem>>[vector<16xi32>, vector<16xi32>], vector<16xf32>,
        %add3A_552 = arith.addf %get3A_550, %gather3A_551 : vector<16xf32>
        %gather3A_553 = tpu.vector_load_idx %arg11[%gather3A_36, %add3A_547] : memref<20x256xf32, #tpu.memory_space<vmem>>[vector<16xi32>, vector<16xi32>], vector<16xf32>,
        %add3A_554 = arith.addf %add3A_552, %gather3A_553 : vector<16xf32>
        %swap3A_555 = arith.constant 1 : i32
        %swap3A_556 = arith.index_cast %swap3A_555 : i32 to index
        %swap3A_557 = arith.constant 208 : index
        %swap3A_558 = tpu.vector_load %arg18[%swap3A_556, %swap3A_557] {strides = array<i32>} : memref<4x256xf32, #tpu.memory_space<vmem>>, vector<16xf32>,
        tpu.vector_store %arg18[%swap3A_556, %swap3A_557], %add3A_554 {strides = array<i32>} : memref<4x256xf32, #tpu.memory_space<vmem>>, vector<16xf32>,
        %add3A_559 = arith.addf %add3A_542, %add3A_554 : vector<16xf32>
        %mul3A_560 = arith.mulf %add3A_554, %add3A_554 : vector<16xf32>
        %add3A_561 = arith.addf %add3A_544, %mul3A_560 : vector<16xf32>
        %add3A_562 = arith.constant 224 : i32
        %add3A_563 = vector.broadcast %add3A_562 : i32 to vector<16xi32>
        %add3A_564 = arith.addi %iota3A, %add3A_563 : vector<16xi32>
        %get3A_565 = arith.index_cast %add3A_33 : i32 to index
        %get3A_566 = arith.constant 224 : index
        %get3A_567 = tpu.vector_load %arg14[%get3A_565, %get3A_566] {strides = array<i32>} : memref<128x256xf32, #tpu.memory_space<vmem>>, vector<16xf32>,
        %gather3A_568 = tpu.vector_load_idx %arg10[%gather3A_35, %add3A_564] : memref<6x256xf32, #tpu.memory_space<vmem>>[vector<16xi32>, vector<16xi32>], vector<16xf32>,
        %add3A_569 = arith.addf %get3A_567, %gather3A_568 : vector<16xf32>
        %gather3A_570 = tpu.vector_load_idx %arg11[%gather3A_36, %add3A_564] : memref<20x256xf32, #tpu.memory_space<vmem>>[vector<16xi32>, vector<16xi32>], vector<16xf32>,
        %add3A_571 = arith.addf %add3A_569, %gather3A_570 : vector<16xf32>
        %swap3A_572 = arith.constant 1 : i32
        %swap3A_573 = arith.index_cast %swap3A_572 : i32 to index
        %swap3A_574 = arith.constant 224 : index
        %swap3A_575 = tpu.vector_load %arg18[%swap3A_573, %swap3A_574] {strides = array<i32>} : memref<4x256xf32, #tpu.memory_space<vmem>>, vector<16xf32>,
        tpu.vector_store %arg18[%swap3A_573, %swap3A_574], %add3A_571 {strides = array<i32>} : memref<4x256xf32, #tpu.memory_space<vmem>>, vector<16xf32>,
        %add3A_576 = arith.addf %add3A_559, %add3A_571 : vector<16xf32>
        %mul3A_577 = arith.mulf %add3A_571, %add3A_571 : vector<16xf32>
        %add3A_578 = arith.addf %add3A_561, %mul3A_577 : vector<16xf32>
        %add3A_579 = arith.constant 240 : i32
        %add3A_580 = vector.broadcast %add3A_579 : i32 to vector<16xi32>
        %add3A_581 = arith.addi %iota3A, %add3A_580 : vector<16xi32>
        %get3A_582 = arith.index_cast %add3A_33 : i32 to index
        %get3A_583 = arith.constant 240 : index
        %get3A_584 = tpu.vector_load %arg14[%get3A_582, %get3A_583] {strides = array<i32>} : memref<128x256xf32, #tpu.memory_space<vmem>>, vector<16xf32>,
        %gather3A_585 = tpu.vector_load_idx %arg10[%gather3A_35, %add3A_581] : memref<6x256xf32, #tpu.memory_space<vmem>>[vector<16xi32>, vector<16xi32>], vector<16xf32>,
        %add3A_586 = arith.addf %get3A_584, %gather3A_585 : vector<16xf32>
        %gather3A_587 = tpu.vector_load_idx %arg11[%gather3A_36, %add3A_581] : memref<20x256xf32, #tpu.memory_space<vmem>>[vector<16xi32>, vector<16xi32>], vector<16xf32>,
        %add3A_588 = arith.addf %add3A_586, %gather3A_587 : vector<16xf32>
        %swap3A_589 = arith.constant 1 : i32
        %swap3A_590 = arith.index_cast %swap3A_589 : i32 to index
        %swap3A_591 = arith.constant 240 : index
        %swap3A_592 = tpu.vector_load %arg18[%swap3A_590, %swap3A_591] {strides = array<i32>} : memref<4x256xf32, #tpu.memory_space<vmem>>, vector<16xf32>,
        tpu.vector_store %arg18[%swap3A_590, %swap3A_591], %add3A_588 {strides = array<i32>} : memref<4x256xf32, #tpu.memory_space<vmem>>, vector<16xf32>,
        %add3A_593 = arith.addf %add3A_576, %add3A_588 : vector<16xf32>
        %mul3A_594 = arith.mulf %add3A_588, %add3A_588 : vector<16xf32>
        %add3A_595 = arith.addf %add3A_578, %mul3A_594 : vector<16xf32>
        %reduce_sum3A_596 = arith.constant true
        %reduce_sum3A_597 = vector.broadcast %reduce_sum3A_596 : i1 to vector<16xi1>
        %reduce_sum3A_598 = tpu.scan <sum>, %add3A_593 masked %reduce_sum3A_597 : vector<16xf32>, vector<16xi1> -> vector<16xf32>
        %reduce_sum3A_599 = vector.extract %reduce_sum3A_598[15] : f32 from vector<16xf32>
        %reduce_sum3A_600 = arith.constant true
        %reduce_sum3A_601 = vector.broadcast %reduce_sum3A_600 : i1 to vector<16xi1>
        %reduce_sum3A_602 = tpu.scan <sum>, %add3A_595 masked %reduce_sum3A_601 : vector<16xf32>, vector<16xi1> -> vector<16xf32>
        %reduce_sum3A_603 = vector.extract %reduce_sum3A_602[15] : f32 from vector<16xf32>
        %add3A_604 = arith.constant 0 : i32
        %add3A_605 = vector.broadcast %add3A_604 : i32 to vector<16xi32>
        %add3A_606 = arith.addi %iota3A, %add3A_605 : vector<16xi32>
        %get3A_607 = arith.index_cast %add3A_40 : i32 to index
        %get3A_608 = arith.constant 0 : index
        %get3A_609 = tpu.vector_load %arg14[%get3A_607, %get3A_608] {strides = array<i32>} : memref<128x256xf32, #tpu.memory_space<vmem>>, vector<16xf32>,
        %gather3A_610 = tpu.vector_load_idx %arg10[%gather3A_42, %add3A_606] : memref<6x256xf32, #tpu.memory_space<vmem>>[vector<16xi32>, vector<16xi32>], vector<16xf32>,
        %add3A_611 = arith.addf %get3A_609, %gather3A_610 : vector<16xf32>
        %gather3A_612 = tpu.vector_load_idx %arg11[%gather3A_43, %add3A_606] : memref<20x256xf32, #tpu.memory_space<vmem>>[vector<16xi32>, vector<16xi32>], vector<16xf32>,
        %add3A_613 = arith.addf %add3A_611, %gather3A_612 : vector<16xf32>
        %swap3A_614 = arith.constant 2 : i32
        %swap3A_615 = arith.index_cast %swap3A_614 : i32 to index
        %swap3A_616 = arith.constant 0 : index
        %swap3A_617 = tpu.vector_load %arg18[%swap3A_615, %swap3A_616] {strides = array<i32>} : memref<4x256xf32, #tpu.memory_space<vmem>>, vector<16xf32>,
        tpu.vector_store %arg18[%swap3A_615, %swap3A_616], %add3A_613 {strides = array<i32>} : memref<4x256xf32, #tpu.memory_space<vmem>>, vector<16xf32>,
        %mul3A_618 = arith.mulf %add3A_613, %add3A_613 : vector<16xf32>
        %add3A_619 = arith.constant 16 : i32
        %add3A_620 = vector.broadcast %add3A_619 : i32 to vector<16xi32>
        %add3A_621 = arith.addi %iota3A, %add3A_620 : vector<16xi32>
        %get3A_622 = arith.index_cast %add3A_40 : i32 to index
        %get3A_623 = arith.constant 16 : index
        %get3A_624 = tpu.vector_load %arg14[%get3A_622, %get3A_623] {strides = array<i32>} : memref<128x256xf32, #tpu.memory_space<vmem>>, vector<16xf32>,
        %gather3A_625 = tpu.vector_load_idx %arg10[%gather3A_42, %add3A_621] : memref<6x256xf32, #tpu.memory_space<vmem>>[vector<16xi32>, vector<16xi32>], vector<16xf32>,
        %add3A_626 = arith.addf %get3A_624, %gather3A_625 : vector<16xf32>
        %gather3A_627 = tpu.vector_load_idx %arg11[%gather3A_43, %add3A_621] : memref<20x256xf32, #tpu.memory_space<vmem>>[vector<16xi32>, vector<16xi32>], vector<16xf32>,
        %add3A_628 = arith.addf %add3A_626, %gather3A_627 : vector<16xf32>
        %swap3A_629 = arith.constant 2 : i32
        %swap3A_630 = arith.index_cast %swap3A_629 : i32 to index
        %swap3A_631 = arith.constant 16 : index
        %swap3A_632 = tpu.vector_load %arg18[%swap3A_630, %swap3A_631] {strides = array<i32>} : memref<4x256xf32, #tpu.memory_space<vmem>>, vector<16xf32>,
        tpu.vector_store %arg18[%swap3A_630, %swap3A_631], %add3A_628 {strides = array<i32>} : memref<4x256xf32, #tpu.memory_space<vmem>>, vector<16xf32>,
        %add3A_633 = arith.addf %add3A_613, %add3A_628 : vector<16xf32>
        %mul3A_634 = arith.mulf %add3A_628, %add3A_628 : vector<16xf32>
        %add3A_635 = arith.addf %mul3A_618, %mul3A_634 : vector<16xf32>
        %add3A_636 = arith.constant 32 : i32
        %add3A_637 = vector.broadcast %add3A_636 : i32 to vector<16xi32>
        %add3A_638 = arith.addi %iota3A, %add3A_637 : vector<16xi32>
        %get3A_639 = arith.index_cast %add3A_40 : i32 to index
        %get3A_640 = arith.constant 32 : index
        %get3A_641 = tpu.vector_load %arg14[%get3A_639, %get3A_640] {strides = array<i32>} : memref<128x256xf32, #tpu.memory_space<vmem>>, vector<16xf32>,
        %gather3A_642 = tpu.vector_load_idx %arg10[%gather3A_42, %add3A_638] : memref<6x256xf32, #tpu.memory_space<vmem>>[vector<16xi32>, vector<16xi32>], vector<16xf32>,
        %add3A_643 = arith.addf %get3A_641, %gather3A_642 : vector<16xf32>
        %gather3A_644 = tpu.vector_load_idx %arg11[%gather3A_43, %add3A_638] : memref<20x256xf32, #tpu.memory_space<vmem>>[vector<16xi32>, vector<16xi32>], vector<16xf32>,
        %add3A_645 = arith.addf %add3A_643, %gather3A_644 : vector<16xf32>
        %swap3A_646 = arith.constant 2 : i32
        %swap3A_647 = arith.index_cast %swap3A_646 : i32 to index
        %swap3A_648 = arith.constant 32 : index
        %swap3A_649 = tpu.vector_load %arg18[%swap3A_647, %swap3A_648] {strides = array<i32>} : memref<4x256xf32, #tpu.memory_space<vmem>>, vector<16xf32>,
        tpu.vector_store %arg18[%swap3A_647, %swap3A_648], %add3A_645 {strides = array<i32>} : memref<4x256xf32, #tpu.memory_space<vmem>>, vector<16xf32>,
        %add3A_650 = arith.addf %add3A_633, %add3A_645 : vector<16xf32>
        %mul3A_651 = arith.mulf %add3A_645, %add3A_645 : vector<16xf32>
        %add3A_652 = arith.addf %add3A_635, %mul3A_651 : vector<16xf32>
        %add3A_653 = arith.constant 48 : i32
        %add3A_654 = vector.broadcast %add3A_653 : i32 to vector<16xi32>
        %add3A_655 = arith.addi %iota3A, %add3A_654 : vector<16xi32>
        %get3A_656 = arith.index_cast %add3A_40 : i32 to index
        %get3A_657 = arith.constant 48 : index
        %get3A_658 = tpu.vector_load %arg14[%get3A_656, %get3A_657] {strides = array<i32>} : memref<128x256xf32, #tpu.memory_space<vmem>>, vector<16xf32>,
        %gather3A_659 = tpu.vector_load_idx %arg10[%gather3A_42, %add3A_655] : memref<6x256xf32, #tpu.memory_space<vmem>>[vector<16xi32>, vector<16xi32>], vector<16xf32>,
        %add3A_660 = arith.addf %get3A_658, %gather3A_659 : vector<16xf32>
        %gather3A_661 = tpu.vector_load_idx %arg11[%gather3A_43, %add3A_655] : memref<20x256xf32, #tpu.memory_space<vmem>>[vector<16xi32>, vector<16xi32>], vector<16xf32>,
        %add3A_662 = arith.addf %add3A_660, %gather3A_661 : vector<16xf32>
        %swap3A_663 = arith.constant 2 : i32
        %swap3A_664 = arith.index_cast %swap3A_663 : i32 to index
        %swap3A_665 = arith.constant 48 : index
        %swap3A_666 = tpu.vector_load %arg18[%swap3A_664, %swap3A_665] {strides = array<i32>} : memref<4x256xf32, #tpu.memory_space<vmem>>, vector<16xf32>,
        tpu.vector_store %arg18[%swap3A_664, %swap3A_665], %add3A_662 {strides = array<i32>} : memref<4x256xf32, #tpu.memory_space<vmem>>, vector<16xf32>,
        %add3A_667 = arith.addf %add3A_650, %add3A_662 : vector<16xf32>
        %mul3A_668 = arith.mulf %add3A_662, %add3A_662 : vector<16xf32>
        %add3A_669 = arith.addf %add3A_652, %mul3A_668 : vector<16xf32>
        %add3A_670 = arith.constant 64 : i32
        %add3A_671 = vector.broadcast %add3A_670 : i32 to vector<16xi32>
        %add3A_672 = arith.addi %iota3A, %add3A_671 : vector<16xi32>
        %get3A_673 = arith.index_cast %add3A_40 : i32 to index
        %get3A_674 = arith.constant 64 : index
        %get3A_675 = tpu.vector_load %arg14[%get3A_673, %get3A_674] {strides = array<i32>} : memref<128x256xf32, #tpu.memory_space<vmem>>, vector<16xf32>,
        %gather3A_676 = tpu.vector_load_idx %arg10[%gather3A_42, %add3A_672] : memref<6x256xf32, #tpu.memory_space<vmem>>[vector<16xi32>, vector<16xi32>], vector<16xf32>,
        %add3A_677 = arith.addf %get3A_675, %gather3A_676 : vector<16xf32>
        %gather3A_678 = tpu.vector_load_idx %arg11[%gather3A_43, %add3A_672] : memref<20x256xf32, #tpu.memory_space<vmem>>[vector<16xi32>, vector<16xi32>], vector<16xf32>,
        %add3A_679 = arith.addf %add3A_677, %gather3A_678 : vector<16xf32>
        %swap3A_680 = arith.constant 2 : i32
        %swap3A_681 = arith.index_cast %swap3A_680 : i32 to index
        %swap3A_682 = arith.constant 64 : index
        %swap3A_683 = tpu.vector_load %arg18[%swap3A_681, %swap3A_682] {strides = array<i32>} : memref<4x256xf32, #tpu.memory_space<vmem>>, vector<16xf32>,
        tpu.vector_store %arg18[%swap3A_681, %swap3A_682], %add3A_679 {strides = array<i32>} : memref<4x256xf32, #tpu.memory_space<vmem>>, vector<16xf32>,
        %add3A_684 = arith.addf %add3A_667, %add3A_679 : vector<16xf32>
        %mul3A_685 = arith.mulf %add3A_679, %add3A_679 : vector<16xf32>
        %add3A_686 = arith.addf %add3A_669, %mul3A_685 : vector<16xf32>
        %add3A_687 = arith.constant 80 : i32
        %add3A_688 = vector.broadcast %add3A_687 : i32 to vector<16xi32>
        %add3A_689 = arith.addi %iota3A, %add3A_688 : vector<16xi32>
        %get3A_690 = arith.index_cast %add3A_40 : i32 to index
        %get3A_691 = arith.constant 80 : index
        %get3A_692 = tpu.vector_load %arg14[%get3A_690, %get3A_691] {strides = array<i32>} : memref<128x256xf32, #tpu.memory_space<vmem>>, vector<16xf32>,
        %gather3A_693 = tpu.vector_load_idx %arg10[%gather3A_42, %add3A_689] : memref<6x256xf32, #tpu.memory_space<vmem>>[vector<16xi32>, vector<16xi32>], vector<16xf32>,
        %add3A_694 = arith.addf %get3A_692, %gather3A_693 : vector<16xf32>
        %gather3A_695 = tpu.vector_load_idx %arg11[%gather3A_43, %add3A_689] : memref<20x256xf32, #tpu.memory_space<vmem>>[vector<16xi32>, vector<16xi32>], vector<16xf32>,
        %add3A_696 = arith.addf %add3A_694, %gather3A_695 : vector<16xf32>
        %swap3A_697 = arith.constant 2 : i32
        %swap3A_698 = arith.index_cast %swap3A_697 : i32 to index
        %swap3A_699 = arith.constant 80 : index
        %swap3A_700 = tpu.vector_load %arg18[%swap3A_698, %swap3A_699] {strides = array<i32>} : memref<4x256xf32, #tpu.memory_space<vmem>>, vector<16xf32>,
        tpu.vector_store %arg18[%swap3A_698, %swap3A_699], %add3A_696 {strides = array<i32>} : memref<4x256xf32, #tpu.memory_space<vmem>>, vector<16xf32>,
        %add3A_701 = arith.addf %add3A_684, %add3A_696 : vector<16xf32>
        %mul3A_702 = arith.mulf %add3A_696, %add3A_696 : vector<16xf32>
        %add3A_703 = arith.addf %add3A_686, %mul3A_702 : vector<16xf32>
        %add3A_704 = arith.constant 96 : i32
        %add3A_705 = vector.broadcast %add3A_704 : i32 to vector<16xi32>
        %add3A_706 = arith.addi %iota3A, %add3A_705 : vector<16xi32>
        %get3A_707 = arith.index_cast %add3A_40 : i32 to index
        %get3A_708 = arith.constant 96 : index
        %get3A_709 = tpu.vector_load %arg14[%get3A_707, %get3A_708] {strides = array<i32>} : memref<128x256xf32, #tpu.memory_space<vmem>>, vector<16xf32>,
        %gather3A_710 = tpu.vector_load_idx %arg10[%gather3A_42, %add3A_706] : memref<6x256xf32, #tpu.memory_space<vmem>>[vector<16xi32>, vector<16xi32>], vector<16xf32>,
        %add3A_711 = arith.addf %get3A_709, %gather3A_710 : vector<16xf32>
        %gather3A_712 = tpu.vector_load_idx %arg11[%gather3A_43, %add3A_706] : memref<20x256xf32, #tpu.memory_space<vmem>>[vector<16xi32>, vector<16xi32>], vector<16xf32>,
        %add3A_713 = arith.addf %add3A_711, %gather3A_712 : vector<16xf32>
        %swap3A_714 = arith.constant 2 : i32
        %swap3A_715 = arith.index_cast %swap3A_714 : i32 to index
        %swap3A_716 = arith.constant 96 : index
        %swap3A_717 = tpu.vector_load %arg18[%swap3A_715, %swap3A_716] {strides = array<i32>} : memref<4x256xf32, #tpu.memory_space<vmem>>, vector<16xf32>,
        tpu.vector_store %arg18[%swap3A_715, %swap3A_716], %add3A_713 {strides = array<i32>} : memref<4x256xf32, #tpu.memory_space<vmem>>, vector<16xf32>,
        %add3A_718 = arith.addf %add3A_701, %add3A_713 : vector<16xf32>
        %mul3A_719 = arith.mulf %add3A_713, %add3A_713 : vector<16xf32>
        %add3A_720 = arith.addf %add3A_703, %mul3A_719 : vector<16xf32>
        %add3A_721 = arith.constant 112 : i32
        %add3A_722 = vector.broadcast %add3A_721 : i32 to vector<16xi32>
        %add3A_723 = arith.addi %iota3A, %add3A_722 : vector<16xi32>
        %get3A_724 = arith.index_cast %add3A_40 : i32 to index
        %get3A_725 = arith.constant 112 : index
        %get3A_726 = tpu.vector_load %arg14[%get3A_724, %get3A_725] {strides = array<i32>} : memref<128x256xf32, #tpu.memory_space<vmem>>, vector<16xf32>,
        %gather3A_727 = tpu.vector_load_idx %arg10[%gather3A_42, %add3A_723] : memref<6x256xf32, #tpu.memory_space<vmem>>[vector<16xi32>, vector<16xi32>], vector<16xf32>,
        %add3A_728 = arith.addf %get3A_726, %gather3A_727 : vector<16xf32>
        %gather3A_729 = tpu.vector_load_idx %arg11[%gather3A_43, %add3A_723] : memref<20x256xf32, #tpu.memory_space<vmem>>[vector<16xi32>, vector<16xi32>], vector<16xf32>,
        %add3A_730 = arith.addf %add3A_728, %gather3A_729 : vector<16xf32>
        %swap3A_731 = arith.constant 2 : i32
        %swap3A_732 = arith.index_cast %swap3A_731 : i32 to index
        %swap3A_733 = arith.constant 112 : index
        %swap3A_734 = tpu.vector_load %arg18[%swap3A_732, %swap3A_733] {strides = array<i32>} : memref<4x256xf32, #tpu.memory_space<vmem>>, vector<16xf32>,
        tpu.vector_store %arg18[%swap3A_732, %swap3A_733], %add3A_730 {strides = array<i32>} : memref<4x256xf32, #tpu.memory_space<vmem>>, vector<16xf32>,
        %add3A_735 = arith.addf %add3A_718, %add3A_730 : vector<16xf32>
        %mul3A_736 = arith.mulf %add3A_730, %add3A_730 : vector<16xf32>
        %add3A_737 = arith.addf %add3A_720, %mul3A_736 : vector<16xf32>
        %add3A_738 = arith.constant 128 : i32
        %add3A_739 = vector.broadcast %add3A_738 : i32 to vector<16xi32>
        %add3A_740 = arith.addi %iota3A, %add3A_739 : vector<16xi32>
        %get3A_741 = arith.index_cast %add3A_40 : i32 to index
        %get3A_742 = arith.constant 128 : index
        %get3A_743 = tpu.vector_load %arg14[%get3A_741, %get3A_742] {strides = array<i32>} : memref<128x256xf32, #tpu.memory_space<vmem>>, vector<16xf32>,
        %gather3A_744 = tpu.vector_load_idx %arg10[%gather3A_42, %add3A_740] : memref<6x256xf32, #tpu.memory_space<vmem>>[vector<16xi32>, vector<16xi32>], vector<16xf32>,
        %add3A_745 = arith.addf %get3A_743, %gather3A_744 : vector<16xf32>
        %gather3A_746 = tpu.vector_load_idx %arg11[%gather3A_43, %add3A_740] : memref<20x256xf32, #tpu.memory_space<vmem>>[vector<16xi32>, vector<16xi32>], vector<16xf32>,
        %add3A_747 = arith.addf %add3A_745, %gather3A_746 : vector<16xf32>
        %swap3A_748 = arith.constant 2 : i32
        %swap3A_749 = arith.index_cast %swap3A_748 : i32 to index
        %swap3A_750 = arith.constant 128 : index
        %swap3A_751 = tpu.vector_load %arg18[%swap3A_749, %swap3A_750] {strides = array<i32>} : memref<4x256xf32, #tpu.memory_space<vmem>>, vector<16xf32>,
        tpu.vector_store %arg18[%swap3A_749, %swap3A_750], %add3A_747 {strides = array<i32>} : memref<4x256xf32, #tpu.memory_space<vmem>>, vector<16xf32>,
        %add3A_752 = arith.addf %add3A_735, %add3A_747 : vector<16xf32>
        %mul3A_753 = arith.mulf %add3A_747, %add3A_747 : vector<16xf32>
        %add3A_754 = arith.addf %add3A_737, %mul3A_753 : vector<16xf32>
        %add3A_755 = arith.constant 144 : i32
        %add3A_756 = vector.broadcast %add3A_755 : i32 to vector<16xi32>
        %add3A_757 = arith.addi %iota3A, %add3A_756 : vector<16xi32>
        %get3A_758 = arith.index_cast %add3A_40 : i32 to index
        %get3A_759 = arith.constant 144 : index
        %get3A_760 = tpu.vector_load %arg14[%get3A_758, %get3A_759] {strides = array<i32>} : memref<128x256xf32, #tpu.memory_space<vmem>>, vector<16xf32>,
        %gather3A_761 = tpu.vector_load_idx %arg10[%gather3A_42, %add3A_757] : memref<6x256xf32, #tpu.memory_space<vmem>>[vector<16xi32>, vector<16xi32>], vector<16xf32>,
        %add3A_762 = arith.addf %get3A_760, %gather3A_761 : vector<16xf32>
        %gather3A_763 = tpu.vector_load_idx %arg11[%gather3A_43, %add3A_757] : memref<20x256xf32, #tpu.memory_space<vmem>>[vector<16xi32>, vector<16xi32>], vector<16xf32>,
        %add3A_764 = arith.addf %add3A_762, %gather3A_763 : vector<16xf32>
        %swap3A_765 = arith.constant 2 : i32
        %swap3A_766 = arith.index_cast %swap3A_765 : i32 to index
        %swap3A_767 = arith.constant 144 : index
        %swap3A_768 = tpu.vector_load %arg18[%swap3A_766, %swap3A_767] {strides = array<i32>} : memref<4x256xf32, #tpu.memory_space<vmem>>, vector<16xf32>,
        tpu.vector_store %arg18[%swap3A_766, %swap3A_767], %add3A_764 {strides = array<i32>} : memref<4x256xf32, #tpu.memory_space<vmem>>, vector<16xf32>,
        %add3A_769 = arith.addf %add3A_752, %add3A_764 : vector<16xf32>
        %mul3A_770 = arith.mulf %add3A_764, %add3A_764 : vector<16xf32>
        %add3A_771 = arith.addf %add3A_754, %mul3A_770 : vector<16xf32>
        %add3A_772 = arith.constant 160 : i32
        %add3A_773 = vector.broadcast %add3A_772 : i32 to vector<16xi32>
        %add3A_774 = arith.addi %iota3A, %add3A_773 : vector<16xi32>
        %get3A_775 = arith.index_cast %add3A_40 : i32 to index
        %get3A_776 = arith.constant 160 : index
        %get3A_777 = tpu.vector_load %arg14[%get3A_775, %get3A_776] {strides = array<i32>} : memref<128x256xf32, #tpu.memory_space<vmem>>, vector<16xf32>,
        %gather3A_778 = tpu.vector_load_idx %arg10[%gather3A_42, %add3A_774] : memref<6x256xf32, #tpu.memory_space<vmem>>[vector<16xi32>, vector<16xi32>], vector<16xf32>,
        %add3A_779 = arith.addf %get3A_777, %gather3A_778 : vector<16xf32>
        %gather3A_780 = tpu.vector_load_idx %arg11[%gather3A_43, %add3A_774] : memref<20x256xf32, #tpu.memory_space<vmem>>[vector<16xi32>, vector<16xi32>], vector<16xf32>,
        %add3A_781 = arith.addf %add3A_779, %gather3A_780 : vector<16xf32>
        %swap3A_782 = arith.constant 2 : i32
        %swap3A_783 = arith.index_cast %swap3A_782 : i32 to index
        %swap3A_784 = arith.constant 160 : index
        %swap3A_785 = tpu.vector_load %arg18[%swap3A_783, %swap3A_784] {strides = array<i32>} : memref<4x256xf32, #tpu.memory_space<vmem>>, vector<16xf32>,
        tpu.vector_store %arg18[%swap3A_783, %swap3A_784], %add3A_781 {strides = array<i32>} : memref<4x256xf32, #tpu.memory_space<vmem>>, vector<16xf32>,
        %add3A_786 = arith.addf %add3A_769, %add3A_781 : vector<16xf32>
        %mul3A_787 = arith.mulf %add3A_781, %add3A_781 : vector<16xf32>
        %add3A_788 = arith.addf %add3A_771, %mul3A_787 : vector<16xf32>
        %add3A_789 = arith.constant 176 : i32
        %add3A_790 = vector.broadcast %add3A_789 : i32 to vector<16xi32>
        %add3A_791 = arith.addi %iota3A, %add3A_790 : vector<16xi32>
        %get3A_792 = arith.index_cast %add3A_40 : i32 to index
        %get3A_793 = arith.constant 176 : index
        %get3A_794 = tpu.vector_load %arg14[%get3A_792, %get3A_793] {strides = array<i32>} : memref<128x256xf32, #tpu.memory_space<vmem>>, vector<16xf32>,
        %gather3A_795 = tpu.vector_load_idx %arg10[%gather3A_42, %add3A_791] : memref<6x256xf32, #tpu.memory_space<vmem>>[vector<16xi32>, vector<16xi32>], vector<16xf32>,
        %add3A_796 = arith.addf %get3A_794, %gather3A_795 : vector<16xf32>
        %gather3A_797 = tpu.vector_load_idx %arg11[%gather3A_43, %add3A_791] : memref<20x256xf32, #tpu.memory_space<vmem>>[vector<16xi32>, vector<16xi32>], vector<16xf32>,
        %add3A_798 = arith.addf %add3A_796, %gather3A_797 : vector<16xf32>
        %swap3A_799 = arith.constant 2 : i32
        %swap3A_800 = arith.index_cast %swap3A_799 : i32 to index
        %swap3A_801 = arith.constant 176 : index
        %swap3A_802 = tpu.vector_load %arg18[%swap3A_800, %swap3A_801] {strides = array<i32>} : memref<4x256xf32, #tpu.memory_space<vmem>>, vector<16xf32>,
        tpu.vector_store %arg18[%swap3A_800, %swap3A_801], %add3A_798 {strides = array<i32>} : memref<4x256xf32, #tpu.memory_space<vmem>>, vector<16xf32>,
        %add3A_803 = arith.addf %add3A_786, %add3A_798 : vector<16xf32>
        %mul3A_804 = arith.mulf %add3A_798, %add3A_798 : vector<16xf32>
        %add3A_805 = arith.addf %add3A_788, %mul3A_804 : vector<16xf32>
        %add3A_806 = arith.constant 192 : i32
        %add3A_807 = vector.broadcast %add3A_806 : i32 to vector<16xi32>
        %add3A_808 = arith.addi %iota3A, %add3A_807 : vector<16xi32>
        %get3A_809 = arith.index_cast %add3A_40 : i32 to index
        %get3A_810 = arith.constant 192 : index
        %get3A_811 = tpu.vector_load %arg14[%get3A_809, %get3A_810] {strides = array<i32>} : memref<128x256xf32, #tpu.memory_space<vmem>>, vector<16xf32>,
        %gather3A_812 = tpu.vector_load_idx %arg10[%gather3A_42, %add3A_808] : memref<6x256xf32, #tpu.memory_space<vmem>>[vector<16xi32>, vector<16xi32>], vector<16xf32>,
        %add3A_813 = arith.addf %get3A_811, %gather3A_812 : vector<16xf32>
        %gather3A_814 = tpu.vector_load_idx %arg11[%gather3A_43, %add3A_808] : memref<20x256xf32, #tpu.memory_space<vmem>>[vector<16xi32>, vector<16xi32>], vector<16xf32>,
        %add3A_815 = arith.addf %add3A_813, %gather3A_814 : vector<16xf32>
        %swap3A_816 = arith.constant 2 : i32
        %swap3A_817 = arith.index_cast %swap3A_816 : i32 to index
        %swap3A_818 = arith.constant 192 : index
        %swap3A_819 = tpu.vector_load %arg18[%swap3A_817, %swap3A_818] {strides = array<i32>} : memref<4x256xf32, #tpu.memory_space<vmem>>, vector<16xf32>,
        tpu.vector_store %arg18[%swap3A_817, %swap3A_818], %add3A_815 {strides = array<i32>} : memref<4x256xf32, #tpu.memory_space<vmem>>, vector<16xf32>,
        %add3A_820 = arith.addf %add3A_803, %add3A_815 : vector<16xf32>
        %mul3A_821 = arith.mulf %add3A_815, %add3A_815 : vector<16xf32>
        %add3A_822 = arith.addf %add3A_805, %mul3A_821 : vector<16xf32>
        %add3A_823 = arith.constant 208 : i32
        %add3A_824 = vector.broadcast %add3A_823 : i32 to vector<16xi32>
        %add3A_825 = arith.addi %iota3A, %add3A_824 : vector<16xi32>
        %get3A_826 = arith.index_cast %add3A_40 : i32 to index
        %get3A_827 = arith.constant 208 : index
        %get3A_828 = tpu.vector_load %arg14[%get3A_826, %get3A_827] {strides = array<i32>} : memref<128x256xf32, #tpu.memory_space<vmem>>, vector<16xf32>,
        %gather3A_829 = tpu.vector_load_idx %arg10[%gather3A_42, %add3A_825] : memref<6x256xf32, #tpu.memory_space<vmem>>[vector<16xi32>, vector<16xi32>], vector<16xf32>,
        %add3A_830 = arith.addf %get3A_828, %gather3A_829 : vector<16xf32>
        %gather3A_831 = tpu.vector_load_idx %arg11[%gather3A_43, %add3A_825] : memref<20x256xf32, #tpu.memory_space<vmem>>[vector<16xi32>, vector<16xi32>], vector<16xf32>,
        %add3A_832 = arith.addf %add3A_830, %gather3A_831 : vector<16xf32>
        %swap3A_833 = arith.constant 2 : i32
        %swap3A_834 = arith.index_cast %swap3A_833 : i32 to index
        %swap3A_835 = arith.constant 208 : index
        %swap3A_836 = tpu.vector_load %arg18[%swap3A_834, %swap3A_835] {strides = array<i32>} : memref<4x256xf32, #tpu.memory_space<vmem>>, vector<16xf32>,
        tpu.vector_store %arg18[%swap3A_834, %swap3A_835], %add3A_832 {strides = array<i32>} : memref<4x256xf32, #tpu.memory_space<vmem>>, vector<16xf32>,
        %add3A_837 = arith.addf %add3A_820, %add3A_832 : vector<16xf32>
        %mul3A_838 = arith.mulf %add3A_832, %add3A_832 : vector<16xf32>
        %add3A_839 = arith.addf %add3A_822, %mul3A_838 : vector<16xf32>
        %add3A_840 = arith.constant 224 : i32
        %add3A_841 = vector.broadcast %add3A_840 : i32 to vector<16xi32>
        %add3A_842 = arith.addi %iota3A, %add3A_841 : vector<16xi32>
        %get3A_843 = arith.index_cast %add3A_40 : i32 to index
        %get3A_844 = arith.constant 224 : index
        %get3A_845 = tpu.vector_load %arg14[%get3A_843, %get3A_844] {strides = array<i32>} : memref<128x256xf32, #tpu.memory_space<vmem>>, vector<16xf32>,
        %gather3A_846 = tpu.vector_load_idx %arg10[%gather3A_42, %add3A_842] : memref<6x256xf32, #tpu.memory_space<vmem>>[vector<16xi32>, vector<16xi32>], vector<16xf32>,
        %add3A_847 = arith.addf %get3A_845, %gather3A_846 : vector<16xf32>
        %gather3A_848 = tpu.vector_load_idx %arg11[%gather3A_43, %add3A_842] : memref<20x256xf32, #tpu.memory_space<vmem>>[vector<16xi32>, vector<16xi32>], vector<16xf32>,
        %add3A_849 = arith.addf %add3A_847, %gather3A_848 : vector<16xf32>
        %swap3A_850 = arith.constant 2 : i32
        %swap3A_851 = arith.index_cast %swap3A_850 : i32 to index
        %swap3A_852 = arith.constant 224 : index
        %swap3A_853 = tpu.vector_load %arg18[%swap3A_851, %swap3A_852] {strides = array<i32>} : memref<4x256xf32, #tpu.memory_space<vmem>>, vector<16xf32>,
        tpu.vector_store %arg18[%swap3A_851, %swap3A_852], %add3A_849 {strides = array<i32>} : memref<4x256xf32, #tpu.memory_space<vmem>>, vector<16xf32>,
        %add3A_854 = arith.addf %add3A_837, %add3A_849 : vector<16xf32>
        %mul3A_855 = arith.mulf %add3A_849, %add3A_849 : vector<16xf32>
        %add3A_856 = arith.addf %add3A_839, %mul3A_855 : vector<16xf32>
        %add3A_857 = arith.constant 240 : i32
        %add3A_858 = vector.broadcast %add3A_857 : i32 to vector<16xi32>
        %add3A_859 = arith.addi %iota3A, %add3A_858 : vector<16xi32>
        %get3A_860 = arith.index_cast %add3A_40 : i32 to index
        %get3A_861 = arith.constant 240 : index
        %get3A_862 = tpu.vector_load %arg14[%get3A_860, %get3A_861] {strides = array<i32>} : memref<128x256xf32, #tpu.memory_space<vmem>>, vector<16xf32>,
        %gather3A_863 = tpu.vector_load_idx %arg10[%gather3A_42, %add3A_859] : memref<6x256xf32, #tpu.memory_space<vmem>>[vector<16xi32>, vector<16xi32>], vector<16xf32>,
        %add3A_864 = arith.addf %get3A_862, %gather3A_863 : vector<16xf32>
        %gather3A_865 = tpu.vector_load_idx %arg11[%gather3A_43, %add3A_859] : memref<20x256xf32, #tpu.memory_space<vmem>>[vector<16xi32>, vector<16xi32>], vector<16xf32>,
        %add3A_866 = arith.addf %add3A_864, %gather3A_865 : vector<16xf32>
        %swap3A_867 = arith.constant 2 : i32
        %swap3A_868 = arith.index_cast %swap3A_867 : i32 to index
        %swap3A_869 = arith.constant 240 : index
        %swap3A_870 = tpu.vector_load %arg18[%swap3A_868, %swap3A_869] {strides = array<i32>} : memref<4x256xf32, #tpu.memory_space<vmem>>, vector<16xf32>,
        tpu.vector_store %arg18[%swap3A_868, %swap3A_869], %add3A_866 {strides = array<i32>} : memref<4x256xf32, #tpu.memory_space<vmem>>, vector<16xf32>,
        %add3A_871 = arith.addf %add3A_854, %add3A_866 : vector<16xf32>
        %mul3A_872 = arith.mulf %add3A_866, %add3A_866 : vector<16xf32>
        %add3A_873 = arith.addf %add3A_856, %mul3A_872 : vector<16xf32>
        %reduce_sum3A_874 = arith.constant true
        %reduce_sum3A_875 = vector.broadcast %reduce_sum3A_874 : i1 to vector<16xi1>
        %reduce_sum3A_876 = tpu.scan <sum>, %add3A_871 masked %reduce_sum3A_875 : vector<16xf32>, vector<16xi1> -> vector<16xf32>
        %reduce_sum3A_877 = vector.extract %reduce_sum3A_876[15] : f32 from vector<16xf32>
        %reduce_sum3A_878 = arith.constant true
        %reduce_sum3A_879 = vector.broadcast %reduce_sum3A_878 : i1 to vector<16xi1>
        %reduce_sum3A_880 = tpu.scan <sum>, %add3A_873 masked %reduce_sum3A_879 : vector<16xf32>, vector<16xi1> -> vector<16xf32>
        %reduce_sum3A_881 = vector.extract %reduce_sum3A_880[15] : f32 from vector<16xf32>
        %add3A_882 = arith.constant 0 : i32
        %add3A_883 = vector.broadcast %add3A_882 : i32 to vector<16xi32>
        %add3A_884 = arith.addi %iota3A, %add3A_883 : vector<16xi32>
        %get3A_885 = arith.index_cast %add3A_47 : i32 to index
        %get3A_886 = arith.constant 0 : index
        %get3A_887 = tpu.vector_load %arg14[%get3A_885, %get3A_886] {strides = array<i32>} : memref<128x256xf32, #tpu.memory_space<vmem>>, vector<16xf32>,
        %gather3A_888 = tpu.vector_load_idx %arg10[%gather3A_49, %add3A_884] : memref<6x256xf32, #tpu.memory_space<vmem>>[vector<16xi32>, vector<16xi32>], vector<16xf32>,
        %add3A_889 = arith.addf %get3A_887, %gather3A_888 : vector<16xf32>
        %gather3A_890 = tpu.vector_load_idx %arg11[%gather3A_50, %add3A_884] : memref<20x256xf32, #tpu.memory_space<vmem>>[vector<16xi32>, vector<16xi32>], vector<16xf32>,
        %add3A_891 = arith.addf %add3A_889, %gather3A_890 : vector<16xf32>
        %swap3A_892 = arith.constant 3 : i32
        %swap3A_893 = arith.index_cast %swap3A_892 : i32 to index
        %swap3A_894 = arith.constant 0 : index
        %swap3A_895 = tpu.vector_load %arg18[%swap3A_893, %swap3A_894] {strides = array<i32>} : memref<4x256xf32, #tpu.memory_space<vmem>>, vector<16xf32>,
        tpu.vector_store %arg18[%swap3A_893, %swap3A_894], %add3A_891 {strides = array<i32>} : memref<4x256xf32, #tpu.memory_space<vmem>>, vector<16xf32>,
        %mul3A_896 = arith.mulf %add3A_891, %add3A_891 : vector<16xf32>
        %add3A_897 = arith.constant 16 : i32
        %add3A_898 = vector.broadcast %add3A_897 : i32 to vector<16xi32>
        %add3A_899 = arith.addi %iota3A, %add3A_898 : vector<16xi32>
        %get3A_900 = arith.index_cast %add3A_47 : i32 to index
        %get3A_901 = arith.constant 16 : index
        %get3A_902 = tpu.vector_load %arg14[%get3A_900, %get3A_901] {strides = array<i32>} : memref<128x256xf32, #tpu.memory_space<vmem>>, vector<16xf32>,
        %gather3A_903 = tpu.vector_load_idx %arg10[%gather3A_49, %add3A_899] : memref<6x256xf32, #tpu.memory_space<vmem>>[vector<16xi32>, vector<16xi32>], vector<16xf32>,
        %add3A_904 = arith.addf %get3A_902, %gather3A_903 : vector<16xf32>
        %gather3A_905 = tpu.vector_load_idx %arg11[%gather3A_50, %add3A_899] : memref<20x256xf32, #tpu.memory_space<vmem>>[vector<16xi32>, vector<16xi32>], vector<16xf32>,
        %add3A_906 = arith.addf %add3A_904, %gather3A_905 : vector<16xf32>
        %swap3A_907 = arith.constant 3 : i32
        %swap3A_908 = arith.index_cast %swap3A_907 : i32 to index
        %swap3A_909 = arith.constant 16 : index
        %swap3A_910 = tpu.vector_load %arg18[%swap3A_908, %swap3A_909] {strides = array<i32>} : memref<4x256xf32, #tpu.memory_space<vmem>>, vector<16xf32>,
        tpu.vector_store %arg18[%swap3A_908, %swap3A_909], %add3A_906 {strides = array<i32>} : memref<4x256xf32, #tpu.memory_space<vmem>>, vector<16xf32>,
        %add3A_911 = arith.addf %add3A_891, %add3A_906 : vector<16xf32>
        %mul3A_912 = arith.mulf %add3A_906, %add3A_906 : vector<16xf32>
        %add3A_913 = arith.addf %mul3A_896, %mul3A_912 : vector<16xf32>
        %add3A_914 = arith.constant 32 : i32
        %add3A_915 = vector.broadcast %add3A_914 : i32 to vector<16xi32>
        %add3A_916 = arith.addi %iota3A, %add3A_915 : vector<16xi32>
        %get3A_917 = arith.index_cast %add3A_47 : i32 to index
        %get3A_918 = arith.constant 32 : index
        %get3A_919 = tpu.vector_load %arg14[%get3A_917, %get3A_918] {strides = array<i32>} : memref<128x256xf32, #tpu.memory_space<vmem>>, vector<16xf32>,
        %gather3A_920 = tpu.vector_load_idx %arg10[%gather3A_49, %add3A_916] : memref<6x256xf32, #tpu.memory_space<vmem>>[vector<16xi32>, vector<16xi32>], vector<16xf32>,
        %add3A_921 = arith.addf %get3A_919, %gather3A_920 : vector<16xf32>
        %gather3A_922 = tpu.vector_load_idx %arg11[%gather3A_50, %add3A_916] : memref<20x256xf32, #tpu.memory_space<vmem>>[vector<16xi32>, vector<16xi32>], vector<16xf32>,
        %add3A_923 = arith.addf %add3A_921, %gather3A_922 : vector<16xf32>
        %swap3A_924 = arith.constant 3 : i32
        %swap3A_925 = arith.index_cast %swap3A_924 : i32 to index
        %swap3A_926 = arith.constant 32 : index
        %swap3A_927 = tpu.vector_load %arg18[%swap3A_925, %swap3A_926] {strides = array<i32>} : memref<4x256xf32, #tpu.memory_space<vmem>>, vector<16xf32>,
        tpu.vector_store %arg18[%swap3A_925, %swap3A_926], %add3A_923 {strides = array<i32>} : memref<4x256xf32, #tpu.memory_space<vmem>>, vector<16xf32>,
        %add3A_928 = arith.addf %add3A_911, %add3A_923 : vector<16xf32>
        %mul3A_929 = arith.mulf %add3A_923, %add3A_923 : vector<16xf32>
        %add3A_930 = arith.addf %add3A_913, %mul3A_929 : vector<16xf32>
        %add3A_931 = arith.constant 48 : i32
        %add3A_932 = vector.broadcast %add3A_931 : i32 to vector<16xi32>
        %add3A_933 = arith.addi %iota3A, %add3A_932 : vector<16xi32>
        %get3A_934 = arith.index_cast %add3A_47 : i32 to index
        %get3A_935 = arith.constant 48 : index
        %get3A_936 = tpu.vector_load %arg14[%get3A_934, %get3A_935] {strides = array<i32>} : memref<128x256xf32, #tpu.memory_space<vmem>>, vector<16xf32>,
        %gather3A_937 = tpu.vector_load_idx %arg10[%gather3A_49, %add3A_933] : memref<6x256xf32, #tpu.memory_space<vmem>>[vector<16xi32>, vector<16xi32>], vector<16xf32>,
        %add3A_938 = arith.addf %get3A_936, %gather3A_937 : vector<16xf32>
        %gather3A_939 = tpu.vector_load_idx %arg11[%gather3A_50, %add3A_933] : memref<20x256xf32, #tpu.memory_space<vmem>>[vector<16xi32>, vector<16xi32>], vector<16xf32>,
        %add3A_940 = arith.addf %add3A_938, %gather3A_939 : vector<16xf32>
        %swap3A_941 = arith.constant 3 : i32
        %swap3A_942 = arith.index_cast %swap3A_941 : i32 to index
        %swap3A_943 = arith.constant 48 : index
        %swap3A_944 = tpu.vector_load %arg18[%swap3A_942, %swap3A_943] {strides = array<i32>} : memref<4x256xf32, #tpu.memory_space<vmem>>, vector<16xf32>,
        tpu.vector_store %arg18[%swap3A_942, %swap3A_943], %add3A_940 {strides = array<i32>} : memref<4x256xf32, #tpu.memory_space<vmem>>, vector<16xf32>,
        %add3A_945 = arith.addf %add3A_928, %add3A_940 : vector<16xf32>
        %mul3A_946 = arith.mulf %add3A_940, %add3A_940 : vector<16xf32>
        %add3A_947 = arith.addf %add3A_930, %mul3A_946 : vector<16xf32>
        %add3A_948 = arith.constant 64 : i32
        %add3A_949 = vector.broadcast %add3A_948 : i32 to vector<16xi32>
        %add3A_950 = arith.addi %iota3A, %add3A_949 : vector<16xi32>
        %get3A_951 = arith.index_cast %add3A_47 : i32 to index
        %get3A_952 = arith.constant 64 : index
        %get3A_953 = tpu.vector_load %arg14[%get3A_951, %get3A_952] {strides = array<i32>} : memref<128x256xf32, #tpu.memory_space<vmem>>, vector<16xf32>,
        %gather3A_954 = tpu.vector_load_idx %arg10[%gather3A_49, %add3A_950] : memref<6x256xf32, #tpu.memory_space<vmem>>[vector<16xi32>, vector<16xi32>], vector<16xf32>,
        %add3A_955 = arith.addf %get3A_953, %gather3A_954 : vector<16xf32>
        %gather3A_956 = tpu.vector_load_idx %arg11[%gather3A_50, %add3A_950] : memref<20x256xf32, #tpu.memory_space<vmem>>[vector<16xi32>, vector<16xi32>], vector<16xf32>,
        %add3A_957 = arith.addf %add3A_955, %gather3A_956 : vector<16xf32>
        %swap3A_958 = arith.constant 3 : i32
        %swap3A_959 = arith.index_cast %swap3A_958 : i32 to index
        %swap3A_960 = arith.constant 64 : index
        %swap3A_961 = tpu.vector_load %arg18[%swap3A_959, %swap3A_960] {strides = array<i32>} : memref<4x256xf32, #tpu.memory_space<vmem>>, vector<16xf32>,
        tpu.vector_store %arg18[%swap3A_959, %swap3A_960], %add3A_957 {strides = array<i32>} : memref<4x256xf32, #tpu.memory_space<vmem>>, vector<16xf32>,
        %add3A_962 = arith.addf %add3A_945, %add3A_957 : vector<16xf32>
        %mul3A_963 = arith.mulf %add3A_957, %add3A_957 : vector<16xf32>
        %add3A_964 = arith.addf %add3A_947, %mul3A_963 : vector<16xf32>
        %add3A_965 = arith.constant 80 : i32
        %add3A_966 = vector.broadcast %add3A_965 : i32 to vector<16xi32>
        %add3A_967 = arith.addi %iota3A, %add3A_966 : vector<16xi32>
        %get3A_968 = arith.index_cast %add3A_47 : i32 to index
        %get3A_969 = arith.constant 80 : index
        %get3A_970 = tpu.vector_load %arg14[%get3A_968, %get3A_969] {strides = array<i32>} : memref<128x256xf32, #tpu.memory_space<vmem>>, vector<16xf32>,
        %gather3A_971 = tpu.vector_load_idx %arg10[%gather3A_49, %add3A_967] : memref<6x256xf32, #tpu.memory_space<vmem>>[vector<16xi32>, vector<16xi32>], vector<16xf32>,
        %add3A_972 = arith.addf %get3A_970, %gather3A_971 : vector<16xf32>
        %gather3A_973 = tpu.vector_load_idx %arg11[%gather3A_50, %add3A_967] : memref<20x256xf32, #tpu.memory_space<vmem>>[vector<16xi32>, vector<16xi32>], vector<16xf32>,
        %add3A_974 = arith.addf %add3A_972, %gather3A_973 : vector<16xf32>
        %swap3A_975 = arith.constant 3 : i32
        %swap3A_976 = arith.index_cast %swap3A_975 : i32 to index
        %swap3A_977 = arith.constant 80 : index
        %swap3A_978 = tpu.vector_load %arg18[%swap3A_976, %swap3A_977] {strides = array<i32>} : memref<4x256xf32, #tpu.memory_space<vmem>>, vector<16xf32>,
        tpu.vector_store %arg18[%swap3A_976, %swap3A_977], %add3A_974 {strides = array<i32>} : memref<4x256xf32, #tpu.memory_space<vmem>>, vector<16xf32>,
        %add3A_979 = arith.addf %add3A_962, %add3A_974 : vector<16xf32>
        %mul3A_980 = arith.mulf %add3A_974, %add3A_974 : vector<16xf32>
        %add3A_981 = arith.addf %add3A_964, %mul3A_980 : vector<16xf32>
        %add3A_982 = arith.constant 96 : i32
        %add3A_983 = vector.broadcast %add3A_982 : i32 to vector<16xi32>
        %add3A_984 = arith.addi %iota3A, %add3A_983 : vector<16xi32>
        %get3A_985 = arith.index_cast %add3A_47 : i32 to index
        %get3A_986 = arith.constant 96 : index
        %get3A_987 = tpu.vector_load %arg14[%get3A_985, %get3A_986] {strides = array<i32>} : memref<128x256xf32, #tpu.memory_space<vmem>>, vector<16xf32>,
        %gather3A_988 = tpu.vector_load_idx %arg10[%gather3A_49, %add3A_984] : memref<6x256xf32, #tpu.memory_space<vmem>>[vector<16xi32>, vector<16xi32>], vector<16xf32>,
        %add3A_989 = arith.addf %get3A_987, %gather3A_988 : vector<16xf32>
        %gather3A_990 = tpu.vector_load_idx %arg11[%gather3A_50, %add3A_984] : memref<20x256xf32, #tpu.memory_space<vmem>>[vector<16xi32>, vector<16xi32>], vector<16xf32>,
        %add3A_991 = arith.addf %add3A_989, %gather3A_990 : vector<16xf32>
        %swap3A_992 = arith.constant 3 : i32
        %swap3A_993 = arith.index_cast %swap3A_992 : i32 to index
        %swap3A_994 = arith.constant 96 : index
        %swap3A_995 = tpu.vector_load %arg18[%swap3A_993, %swap3A_994] {strides = array<i32>} : memref<4x256xf32, #tpu.memory_space<vmem>>, vector<16xf32>,
        tpu.vector_store %arg18[%swap3A_993, %swap3A_994], %add3A_991 {strides = array<i32>} : memref<4x256xf32, #tpu.memory_space<vmem>>, vector<16xf32>,
        %add3A_996 = arith.addf %add3A_979, %add3A_991 : vector<16xf32>
        %mul3A_997 = arith.mulf %add3A_991, %add3A_991 : vector<16xf32>
        %add3A_998 = arith.addf %add3A_981, %mul3A_997 : vector<16xf32>
        %add3A_999 = arith.constant 112 : i32
        %add3A_1000 = vector.broadcast %add3A_999 : i32 to vector<16xi32>
        %add3A_1001 = arith.addi %iota3A, %add3A_1000 : vector<16xi32>
        %get3A_1002 = arith.index_cast %add3A_47 : i32 to index
        %get3A_1003 = arith.constant 112 : index
        %get3A_1004 = tpu.vector_load %arg14[%get3A_1002, %get3A_1003] {strides = array<i32>} : memref<128x256xf32, #tpu.memory_space<vmem>>, vector<16xf32>,
        %gather3A_1005 = tpu.vector_load_idx %arg10[%gather3A_49, %add3A_1001] : memref<6x256xf32, #tpu.memory_space<vmem>>[vector<16xi32>, vector<16xi32>], vector<16xf32>,
        %add3A_1006 = arith.addf %get3A_1004, %gather3A_1005 : vector<16xf32>
        %gather3A_1007 = tpu.vector_load_idx %arg11[%gather3A_50, %add3A_1001] : memref<20x256xf32, #tpu.memory_space<vmem>>[vector<16xi32>, vector<16xi32>], vector<16xf32>,
        %add3A_1008 = arith.addf %add3A_1006, %gather3A_1007 : vector<16xf32>
        %swap3A_1009 = arith.constant 3 : i32
        %swap3A_1010 = arith.index_cast %swap3A_1009 : i32 to index
        %swap3A_1011 = arith.constant 112 : index
        %swap3A_1012 = tpu.vector_load %arg18[%swap3A_1010, %swap3A_1011] {strides = array<i32>} : memref<4x256xf32, #tpu.memory_space<vmem>>, vector<16xf32>,
        tpu.vector_store %arg18[%swap3A_1010, %swap3A_1011], %add3A_1008 {strides = array<i32>} : memref<4x256xf32, #tpu.memory_space<vmem>>, vector<16xf32>,
        %add3A_1013 = arith.addf %add3A_996, %add3A_1008 : vector<16xf32>
        %mul3A_1014 = arith.mulf %add3A_1008, %add3A_1008 : vector<16xf32>
        %add3A_1015 = arith.addf %add3A_998, %mul3A_1014 : vector<16xf32>
        %add3A_1016 = arith.constant 128 : i32
        %add3A_1017 = vector.broadcast %add3A_1016 : i32 to vector<16xi32>
        %add3A_1018 = arith.addi %iota3A, %add3A_1017 : vector<16xi32>
        %get3A_1019 = arith.index_cast %add3A_47 : i32 to index
        %get3A_1020 = arith.constant 128 : index
        %get3A_1021 = tpu.vector_load %arg14[%get3A_1019, %get3A_1020] {strides = array<i32>} : memref<128x256xf32, #tpu.memory_space<vmem>>, vector<16xf32>,
        %gather3A_1022 = tpu.vector_load_idx %arg10[%gather3A_49, %add3A_1018] : memref<6x256xf32, #tpu.memory_space<vmem>>[vector<16xi32>, vector<16xi32>], vector<16xf32>,
        %add3A_1023 = arith.addf %get3A_1021, %gather3A_1022 : vector<16xf32>
        %gather3A_1024 = tpu.vector_load_idx %arg11[%gather3A_50, %add3A_1018] : memref<20x256xf32, #tpu.memory_space<vmem>>[vector<16xi32>, vector<16xi32>], vector<16xf32>,
        %add3A_1025 = arith.addf %add3A_1023, %gather3A_1024 : vector<16xf32>
        %swap3A_1026 = arith.constant 3 : i32
        %swap3A_1027 = arith.index_cast %swap3A_1026 : i32 to index
        %swap3A_1028 = arith.constant 128 : index
        %swap3A_1029 = tpu.vector_load %arg18[%swap3A_1027, %swap3A_1028] {strides = array<i32>} : memref<4x256xf32, #tpu.memory_space<vmem>>, vector<16xf32>,
        tpu.vector_store %arg18[%swap3A_1027, %swap3A_1028], %add3A_1025 {strides = array<i32>} : memref<4x256xf32, #tpu.memory_space<vmem>>, vector<16xf32>,
        %add3A_1030 = arith.addf %add3A_1013, %add3A_1025 : vector<16xf32>
        %mul3A_1031 = arith.mulf %add3A_1025, %add3A_1025 : vector<16xf32>
        %add3A_1032 = arith.addf %add3A_1015, %mul3A_1031 : vector<16xf32>
        %add3A_1033 = arith.constant 144 : i32
        %add3A_1034 = vector.broadcast %add3A_1033 : i32 to vector<16xi32>
        %add3A_1035 = arith.addi %iota3A, %add3A_1034 : vector<16xi32>
        %get3A_1036 = arith.index_cast %add3A_47 : i32 to index
        %get3A_1037 = arith.constant 144 : index
        %get3A_1038 = tpu.vector_load %arg14[%get3A_1036, %get3A_1037] {strides = array<i32>} : memref<128x256xf32, #tpu.memory_space<vmem>>, vector<16xf32>,
        %gather3A_1039 = tpu.vector_load_idx %arg10[%gather3A_49, %add3A_1035] : memref<6x256xf32, #tpu.memory_space<vmem>>[vector<16xi32>, vector<16xi32>], vector<16xf32>,
        %add3A_1040 = arith.addf %get3A_1038, %gather3A_1039 : vector<16xf32>
        %gather3A_1041 = tpu.vector_load_idx %arg11[%gather3A_50, %add3A_1035] : memref<20x256xf32, #tpu.memory_space<vmem>>[vector<16xi32>, vector<16xi32>], vector<16xf32>,
        %add3A_1042 = arith.addf %add3A_1040, %gather3A_1041 : vector<16xf32>
        %swap3A_1043 = arith.constant 3 : i32
        %swap3A_1044 = arith.index_cast %swap3A_1043 : i32 to index
        %swap3A_1045 = arith.constant 144 : index
        %swap3A_1046 = tpu.vector_load %arg18[%swap3A_1044, %swap3A_1045] {strides = array<i32>} : memref<4x256xf32, #tpu.memory_space<vmem>>, vector<16xf32>,
        tpu.vector_store %arg18[%swap3A_1044, %swap3A_1045], %add3A_1042 {strides = array<i32>} : memref<4x256xf32, #tpu.memory_space<vmem>>, vector<16xf32>,
        %add3A_1047 = arith.addf %add3A_1030, %add3A_1042 : vector<16xf32>
        %mul3A_1048 = arith.mulf %add3A_1042, %add3A_1042 : vector<16xf32>
        %add3A_1049 = arith.addf %add3A_1032, %mul3A_1048 : vector<16xf32>
        %add3A_1050 = arith.constant 160 : i32
        %add3A_1051 = vector.broadcast %add3A_1050 : i32 to vector<16xi32>
        %add3A_1052 = arith.addi %iota3A, %add3A_1051 : vector<16xi32>
        %get3A_1053 = arith.index_cast %add3A_47 : i32 to index
        %get3A_1054 = arith.constant 160 : index
        %get3A_1055 = tpu.vector_load %arg14[%get3A_1053, %get3A_1054] {strides = array<i32>} : memref<128x256xf32, #tpu.memory_space<vmem>>, vector<16xf32>,
        %gather3A_1056 = tpu.vector_load_idx %arg10[%gather3A_49, %add3A_1052] : memref<6x256xf32, #tpu.memory_space<vmem>>[vector<16xi32>, vector<16xi32>], vector<16xf32>,
        %add3A_1057 = arith.addf %get3A_1055, %gather3A_1056 : vector<16xf32>
        %gather3A_1058 = tpu.vector_load_idx %arg11[%gather3A_50, %add3A_1052] : memref<20x256xf32, #tpu.memory_space<vmem>>[vector<16xi32>, vector<16xi32>], vector<16xf32>,
        %add3A_1059 = arith.addf %add3A_1057, %gather3A_1058 : vector<16xf32>
        %swap3A_1060 = arith.constant 3 : i32
        %swap3A_1061 = arith.index_cast %swap3A_1060 : i32 to index
        %swap3A_1062 = arith.constant 160 : index
        %swap3A_1063 = tpu.vector_load %arg18[%swap3A_1061, %swap3A_1062] {strides = array<i32>} : memref<4x256xf32, #tpu.memory_space<vmem>>, vector<16xf32>,
        tpu.vector_store %arg18[%swap3A_1061, %swap3A_1062], %add3A_1059 {strides = array<i32>} : memref<4x256xf32, #tpu.memory_space<vmem>>, vector<16xf32>,
        %add3A_1064 = arith.addf %add3A_1047, %add3A_1059 : vector<16xf32>
        %mul3A_1065 = arith.mulf %add3A_1059, %add3A_1059 : vector<16xf32>
        %add3A_1066 = arith.addf %add3A_1049, %mul3A_1065 : vector<16xf32>
        %add3A_1067 = arith.constant 176 : i32
        %add3A_1068 = vector.broadcast %add3A_1067 : i32 to vector<16xi32>
        %add3A_1069 = arith.addi %iota3A, %add3A_1068 : vector<16xi32>
        %get3A_1070 = arith.index_cast %add3A_47 : i32 to index
        %get3A_1071 = arith.constant 176 : index
        %get3A_1072 = tpu.vector_load %arg14[%get3A_1070, %get3A_1071] {strides = array<i32>} : memref<128x256xf32, #tpu.memory_space<vmem>>, vector<16xf32>,
        %gather3A_1073 = tpu.vector_load_idx %arg10[%gather3A_49, %add3A_1069] : memref<6x256xf32, #tpu.memory_space<vmem>>[vector<16xi32>, vector<16xi32>], vector<16xf32>,
        %add3A_1074 = arith.addf %get3A_1072, %gather3A_1073 : vector<16xf32>
        %gather3A_1075 = tpu.vector_load_idx %arg11[%gather3A_50, %add3A_1069] : memref<20x256xf32, #tpu.memory_space<vmem>>[vector<16xi32>, vector<16xi32>], vector<16xf32>,
        %add3A_1076 = arith.addf %add3A_1074, %gather3A_1075 : vector<16xf32>
        %swap3A_1077 = arith.constant 3 : i32
        %swap3A_1078 = arith.index_cast %swap3A_1077 : i32 to index
        %swap3A_1079 = arith.constant 176 : index
        %swap3A_1080 = tpu.vector_load %arg18[%swap3A_1078, %swap3A_1079] {strides = array<i32>} : memref<4x256xf32, #tpu.memory_space<vmem>>, vector<16xf32>,
        tpu.vector_store %arg18[%swap3A_1078, %swap3A_1079], %add3A_1076 {strides = array<i32>} : memref<4x256xf32, #tpu.memory_space<vmem>>, vector<16xf32>,
        %add3A_1081 = arith.addf %add3A_1064, %add3A_1076 : vector<16xf32>
        %mul3A_1082 = arith.mulf %add3A_1076, %add3A_1076 : vector<16xf32>
        %add3A_1083 = arith.addf %add3A_1066, %mul3A_1082 : vector<16xf32>
        %add3A_1084 = arith.constant 192 : i32
        %add3A_1085 = vector.broadcast %add3A_1084 : i32 to vector<16xi32>
        %add3A_1086 = arith.addi %iota3A, %add3A_1085 : vector<16xi32>
        %get3A_1087 = arith.index_cast %add3A_47 : i32 to index
        %get3A_1088 = arith.constant 192 : index
        %get3A_1089 = tpu.vector_load %arg14[%get3A_1087, %get3A_1088] {strides = array<i32>} : memref<128x256xf32, #tpu.memory_space<vmem>>, vector<16xf32>,
        %gather3A_1090 = tpu.vector_load_idx %arg10[%gather3A_49, %add3A_1086] : memref<6x256xf32, #tpu.memory_space<vmem>>[vector<16xi32>, vector<16xi32>], vector<16xf32>,
        %add3A_1091 = arith.addf %get3A_1089, %gather3A_1090 : vector<16xf32>
        %gather3A_1092 = tpu.vector_load_idx %arg11[%gather3A_50, %add3A_1086] : memref<20x256xf32, #tpu.memory_space<vmem>>[vector<16xi32>, vector<16xi32>], vector<16xf32>,
        %add3A_1093 = arith.addf %add3A_1091, %gather3A_1092 : vector<16xf32>
        %swap3A_1094 = arith.constant 3 : i32
        %swap3A_1095 = arith.index_cast %swap3A_1094 : i32 to index
        %swap3A_1096 = arith.constant 192 : index
        %swap3A_1097 = tpu.vector_load %arg18[%swap3A_1095, %swap3A_1096] {strides = array<i32>} : memref<4x256xf32, #tpu.memory_space<vmem>>, vector<16xf32>,
        tpu.vector_store %arg18[%swap3A_1095, %swap3A_1096], %add3A_1093 {strides = array<i32>} : memref<4x256xf32, #tpu.memory_space<vmem>>, vector<16xf32>,
        %add3A_1098 = arith.addf %add3A_1081, %add3A_1093 : vector<16xf32>
        %mul3A_1099 = arith.mulf %add3A_1093, %add3A_1093 : vector<16xf32>
        %add3A_1100 = arith.addf %add3A_1083, %mul3A_1099 : vector<16xf32>
        %add3A_1101 = arith.constant 208 : i32
        %add3A_1102 = vector.broadcast %add3A_1101 : i32 to vector<16xi32>
        %add3A_1103 = arith.addi %iota3A, %add3A_1102 : vector<16xi32>
        %get3A_1104 = arith.index_cast %add3A_47 : i32 to index
        %get3A_1105 = arith.constant 208 : index
        %get3A_1106 = tpu.vector_load %arg14[%get3A_1104, %get3A_1105] {strides = array<i32>} : memref<128x256xf32, #tpu.memory_space<vmem>>, vector<16xf32>,
        %gather3A_1107 = tpu.vector_load_idx %arg10[%gather3A_49, %add3A_1103] : memref<6x256xf32, #tpu.memory_space<vmem>>[vector<16xi32>, vector<16xi32>], vector<16xf32>,
        %add3A_1108 = arith.addf %get3A_1106, %gather3A_1107 : vector<16xf32>
        %gather3A_1109 = tpu.vector_load_idx %arg11[%gather3A_50, %add3A_1103] : memref<20x256xf32, #tpu.memory_space<vmem>>[vector<16xi32>, vector<16xi32>], vector<16xf32>,
        %add3A_1110 = arith.addf %add3A_1108, %gather3A_1109 : vector<16xf32>
        %swap3A_1111 = arith.constant 3 : i32
        %swap3A_1112 = arith.index_cast %swap3A_1111 : i32 to index
        %swap3A_1113 = arith.constant 208 : index
        %swap3A_1114 = tpu.vector_load %arg18[%swap3A_1112, %swap3A_1113] {strides = array<i32>} : memref<4x256xf32, #tpu.memory_space<vmem>>, vector<16xf32>,
        tpu.vector_store %arg18[%swap3A_1112, %swap3A_1113], %add3A_1110 {strides = array<i32>} : memref<4x256xf32, #tpu.memory_space<vmem>>, vector<16xf32>,
        %add3A_1115 = arith.addf %add3A_1098, %add3A_1110 : vector<16xf32>
        %mul3A_1116 = arith.mulf %add3A_1110, %add3A_1110 : vector<16xf32>
        %add3A_1117 = arith.addf %add3A_1100, %mul3A_1116 : vector<16xf32>
        %add3A_1118 = arith.constant 224 : i32
        %add3A_1119 = vector.broadcast %add3A_1118 : i32 to vector<16xi32>
        %add3A_1120 = arith.addi %iota3A, %add3A_1119 : vector<16xi32>
        %get3A_1121 = arith.index_cast %add3A_47 : i32 to index
        %get3A_1122 = arith.constant 224 : index
        %get3A_1123 = tpu.vector_load %arg14[%get3A_1121, %get3A_1122] {strides = array<i32>} : memref<128x256xf32, #tpu.memory_space<vmem>>, vector<16xf32>,
        %gather3A_1124 = tpu.vector_load_idx %arg10[%gather3A_49, %add3A_1120] : memref<6x256xf32, #tpu.memory_space<vmem>>[vector<16xi32>, vector<16xi32>], vector<16xf32>,
        %add3A_1125 = arith.addf %get3A_1123, %gather3A_1124 : vector<16xf32>
        %gather3A_1126 = tpu.vector_load_idx %arg11[%gather3A_50, %add3A_1120] : memref<20x256xf32, #tpu.memory_space<vmem>>[vector<16xi32>, vector<16xi32>], vector<16xf32>,
        %add3A_1127 = arith.addf %add3A_1125, %gather3A_1126 : vector<16xf32>
        %swap3A_1128 = arith.constant 3 : i32
        %swap3A_1129 = arith.index_cast %swap3A_1128 : i32 to index
        %swap3A_1130 = arith.constant 224 : index
        %swap3A_1131 = tpu.vector_load %arg18[%swap3A_1129, %swap3A_1130] {strides = array<i32>} : memref<4x256xf32, #tpu.memory_space<vmem>>, vector<16xf32>,
        tpu.vector_store %arg18[%swap3A_1129, %swap3A_1130], %add3A_1127 {strides = array<i32>} : memref<4x256xf32, #tpu.memory_space<vmem>>, vector<16xf32>,
        %add3A_1132 = arith.addf %add3A_1115, %add3A_1127 : vector<16xf32>
        %mul3A_1133 = arith.mulf %add3A_1127, %add3A_1127 : vector<16xf32>
        %add3A_1134 = arith.addf %add3A_1117, %mul3A_1133 : vector<16xf32>
        %add3A_1135 = arith.constant 240 : i32
        %add3A_1136 = vector.broadcast %add3A_1135 : i32 to vector<16xi32>
        %add3A_1137 = arith.addi %iota3A, %add3A_1136 : vector<16xi32>
        %get3A_1138 = arith.index_cast %add3A_47 : i32 to index
        %get3A_1139 = arith.constant 240 : index
        %get3A_1140 = tpu.vector_load %arg14[%get3A_1138, %get3A_1139] {strides = array<i32>} : memref<128x256xf32, #tpu.memory_space<vmem>>, vector<16xf32>,
        %gather3A_1141 = tpu.vector_load_idx %arg10[%gather3A_49, %add3A_1137] : memref<6x256xf32, #tpu.memory_space<vmem>>[vector<16xi32>, vector<16xi32>], vector<16xf32>,
        %add3A_1142 = arith.addf %get3A_1140, %gather3A_1141 : vector<16xf32>
        %gather3A_1143 = tpu.vector_load_idx %arg11[%gather3A_50, %add3A_1137] : memref<20x256xf32, #tpu.memory_space<vmem>>[vector<16xi32>, vector<16xi32>], vector<16xf32>,
        %add3A_1144 = arith.addf %add3A_1142, %gather3A_1143 : vector<16xf32>
        %swap3A_1145 = arith.constant 3 : i32
        %swap3A_1146 = arith.index_cast %swap3A_1145 : i32 to index
        %swap3A_1147 = arith.constant 240 : index
        %swap3A_1148 = tpu.vector_load %arg18[%swap3A_1146, %swap3A_1147] {strides = array<i32>} : memref<4x256xf32, #tpu.memory_space<vmem>>, vector<16xf32>,
        tpu.vector_store %arg18[%swap3A_1146, %swap3A_1147], %add3A_1144 {strides = array<i32>} : memref<4x256xf32, #tpu.memory_space<vmem>>, vector<16xf32>,
        %add3A_1149 = arith.addf %add3A_1132, %add3A_1144 : vector<16xf32>
        %mul3A_1150 = arith.mulf %add3A_1144, %add3A_1144 : vector<16xf32>
        %add3A_1151 = arith.addf %add3A_1134, %mul3A_1150 : vector<16xf32>
        %reduce_sum3A_1152 = arith.constant true
        %reduce_sum3A_1153 = vector.broadcast %reduce_sum3A_1152 : i1 to vector<16xi1>
        %reduce_sum3A_1154 = tpu.scan <sum>, %add3A_1149 masked %reduce_sum3A_1153 : vector<16xf32>, vector<16xi1> -> vector<16xf32>
        %reduce_sum3A_1155 = vector.extract %reduce_sum3A_1154[15] : f32 from vector<16xf32>
        %reduce_sum3A_1156 = arith.constant true
        %reduce_sum3A_1157 = vector.broadcast %reduce_sum3A_1156 : i1 to vector<16xi1>
        %reduce_sum3A_1158 = tpu.scan <sum>, %add3A_1151 masked %reduce_sum3A_1157 : vector<16xf32>, vector<16xi1> -> vector<16xf32>
        %reduce_sum3A_1159 = vector.extract %reduce_sum3A_1158[15] : f32 from vector<16xf32>
        %broadcast_in_dim3A_1160 = vector.broadcast %reduce_sum3A_321 : f32 to vector<16xf32>
        %mul3A_1161 = arith.constant 3.906250e-03 : f32
        %mul3A_1162 = vector.broadcast %mul3A_1161 : f32 to vector<16xf32>
        %mul3A_1163 = arith.mulf %broadcast_in_dim3A_1160, %mul3A_1162 : vector<16xf32>
        %broadcast_in_dim3A_1164 = vector.broadcast %reduce_sum3A_325 : f32 to vector<16xf32>
        %mul3A_1165 = arith.constant 3.906250e-03 : f32
        %mul3A_1166 = vector.broadcast %mul3A_1165 : f32 to vector<16xf32>
        %mul3A_1167 = arith.mulf %broadcast_in_dim3A_1164, %mul3A_1166 : vector<16xf32>
        %mul3A_1168 = arith.mulf %mul3A_1163, %mul3A_1163 : vector<16xf32>
        %sub3A = arith.subf %mul3A_1167, %mul3A_1168 : vector<16xf32>
        %add3A_1169 = arith.constant 9.99999974E-6 : f32
        %add3A_1170 = vector.broadcast %add3A_1169 : f32 to vector<16xf32>
        %add3A_1171 = arith.addf %sub3A, %add3A_1170 : vector<16xf32>
        %bitcast3A = vector.bitcast %add3A_1171 : vector<16xf32> to vector<16xi32>
        %broadcast_in_dim3A_1172 = arith.constant 1597463007 : i32
        %broadcast_in_dim3A_1173 = vector.broadcast %broadcast_in_dim3A_1172 : i32 to vector<16xi32>
        %shift_right_logical3A = arith.constant 1 : i32
        %shift_right_logical3A_1174 = vector.broadcast %shift_right_logical3A : i32 to vector<16xi32>
        %shift_right_logical3A_1175 = arith.shrui %bitcast3A, %shift_right_logical3A_1174 : vector<16xi32>
        %sub3A_1176 = arith.subi %broadcast_in_dim3A_1173, %shift_right_logical3A_1175 : vector<16xi32>
        %bitcast3A_1177 = vector.bitcast %sub3A_1176 : vector<16xi32> to vector<16xf32>
        %mul3A_1178 = arith.constant 5.000000e-01 : f32
        %mul3A_1179 = vector.broadcast %mul3A_1178 : f32 to vector<16xf32>
        %mul3A_1180 = arith.mulf %mul3A_1179, %add3A_1171 : vector<16xf32>
        %mul3A_1181 = arith.mulf %mul3A_1180, %bitcast3A_1177 : vector<16xf32>
        %mul3A_1182 = arith.mulf %mul3A_1181, %bitcast3A_1177 : vector<16xf32>
        %sub3A_1183 = arith.constant 1.500000e+00 : f32
        %sub3A_1184 = vector.broadcast %sub3A_1183 : f32 to vector<16xf32>
        %sub3A_1185 = arith.subf %sub3A_1184, %mul3A_1182 : vector<16xf32>
        %mul3A_1186 = arith.mulf %bitcast3A_1177, %sub3A_1185 : vector<16xf32>
        %mul3A_1187 = arith.constant 5.000000e-01 : f32
        %mul3A_1188 = vector.broadcast %mul3A_1187 : f32 to vector<16xf32>
        %mul3A_1189 = arith.mulf %mul3A_1188, %add3A_1171 : vector<16xf32>
        %mul3A_1190 = arith.mulf %mul3A_1189, %mul3A_1186 : vector<16xf32>
        %mul3A_1191 = arith.mulf %mul3A_1190, %mul3A_1186 : vector<16xf32>
        %sub3A_1192 = arith.constant 1.500000e+00 : f32
        %sub3A_1193 = vector.broadcast %sub3A_1192 : f32 to vector<16xf32>
        %sub3A_1194 = arith.subf %sub3A_1193, %mul3A_1191 : vector<16xf32>
        %mul3A_1195 = arith.mulf %mul3A_1186, %sub3A_1194 : vector<16xf32>
        %mul3A_1196 = arith.constant 5.000000e-01 : f32
        %mul3A_1197 = vector.broadcast %mul3A_1196 : f32 to vector<16xf32>
        %mul3A_1198 = arith.mulf %mul3A_1197, %add3A_1171 : vector<16xf32>
        %mul3A_1199 = arith.mulf %mul3A_1198, %mul3A_1195 : vector<16xf32>
        %mul3A_1200 = arith.mulf %mul3A_1199, %mul3A_1195 : vector<16xf32>
        %sub3A_1201 = arith.constant 1.500000e+00 : f32
        %sub3A_1202 = vector.broadcast %sub3A_1201 : f32 to vector<16xf32>
        %sub3A_1203 = arith.subf %sub3A_1202, %mul3A_1200 : vector<16xf32>
        %mul3A_1204 = arith.mulf %mul3A_1195, %sub3A_1203 : vector<16xf32>
        %broadcast_in_dim3A_1205 = vector.broadcast %reduce_sum3A_599 : f32 to vector<16xf32>
        %mul3A_1206 = arith.constant 3.906250e-03 : f32
        %mul3A_1207 = vector.broadcast %mul3A_1206 : f32 to vector<16xf32>
        %mul3A_1208 = arith.mulf %broadcast_in_dim3A_1205, %mul3A_1207 : vector<16xf32>
        %broadcast_in_dim3A_1209 = vector.broadcast %reduce_sum3A_603 : f32 to vector<16xf32>
        %mul3A_1210 = arith.constant 3.906250e-03 : f32
        %mul3A_1211 = vector.broadcast %mul3A_1210 : f32 to vector<16xf32>
        %mul3A_1212 = arith.mulf %broadcast_in_dim3A_1209, %mul3A_1211 : vector<16xf32>
        %mul3A_1213 = arith.mulf %mul3A_1208, %mul3A_1208 : vector<16xf32>
        %sub3A_1214 = arith.subf %mul3A_1212, %mul3A_1213 : vector<16xf32>
        %add3A_1215 = arith.constant 9.99999974E-6 : f32
        %add3A_1216 = vector.broadcast %add3A_1215 : f32 to vector<16xf32>
        %add3A_1217 = arith.addf %sub3A_1214, %add3A_1216 : vector<16xf32>
        %bitcast3A_1218 = vector.bitcast %add3A_1217 : vector<16xf32> to vector<16xi32>
        %broadcast_in_dim3A_1219 = arith.constant 1597463007 : i32
        %broadcast_in_dim3A_1220 = vector.broadcast %broadcast_in_dim3A_1219 : i32 to vector<16xi32>
        %shift_right_logical3A_1221 = arith.constant 1 : i32
        %shift_right_logical3A_1222 = vector.broadcast %shift_right_logical3A_1221 : i32 to vector<16xi32>
        %shift_right_logical3A_1223 = arith.shrui %bitcast3A_1218, %shift_right_logical3A_1222 : vector<16xi32>
        %sub3A_1224 = arith.subi %broadcast_in_dim3A_1220, %shift_right_logical3A_1223 : vector<16xi32>
        %bitcast3A_1225 = vector.bitcast %sub3A_1224 : vector<16xi32> to vector<16xf32>
        %mul3A_1226 = arith.constant 5.000000e-01 : f32
        %mul3A_1227 = vector.broadcast %mul3A_1226 : f32 to vector<16xf32>
        %mul3A_1228 = arith.mulf %mul3A_1227, %add3A_1217 : vector<16xf32>
        %mul3A_1229 = arith.mulf %mul3A_1228, %bitcast3A_1225 : vector<16xf32>
        %mul3A_1230 = arith.mulf %mul3A_1229, %bitcast3A_1225 : vector<16xf32>
        %sub3A_1231 = arith.constant 1.500000e+00 : f32
        %sub3A_1232 = vector.broadcast %sub3A_1231 : f32 to vector<16xf32>
        %sub3A_1233 = arith.subf %sub3A_1232, %mul3A_1230 : vector<16xf32>
        %mul3A_1234 = arith.mulf %bitcast3A_1225, %sub3A_1233 : vector<16xf32>
        %mul3A_1235 = arith.constant 5.000000e-01 : f32
        %mul3A_1236 = vector.broadcast %mul3A_1235 : f32 to vector<16xf32>
        %mul3A_1237 = arith.mulf %mul3A_1236, %add3A_1217 : vector<16xf32>
        %mul3A_1238 = arith.mulf %mul3A_1237, %mul3A_1234 : vector<16xf32>
        %mul3A_1239 = arith.mulf %mul3A_1238, %mul3A_1234 : vector<16xf32>
        %sub3A_1240 = arith.constant 1.500000e+00 : f32
        %sub3A_1241 = vector.broadcast %sub3A_1240 : f32 to vector<16xf32>
        %sub3A_1242 = arith.subf %sub3A_1241, %mul3A_1239 : vector<16xf32>
        %mul3A_1243 = arith.mulf %mul3A_1234, %sub3A_1242 : vector<16xf32>
        %mul3A_1244 = arith.constant 5.000000e-01 : f32
        %mul3A_1245 = vector.broadcast %mul3A_1244 : f32 to vector<16xf32>
        %mul3A_1246 = arith.mulf %mul3A_1245, %add3A_1217 : vector<16xf32>
        %mul3A_1247 = arith.mulf %mul3A_1246, %mul3A_1243 : vector<16xf32>
        %mul3A_1248 = arith.mulf %mul3A_1247, %mul3A_1243 : vector<16xf32>
        %sub3A_1249 = arith.constant 1.500000e+00 : f32
        %sub3A_1250 = vector.broadcast %sub3A_1249 : f32 to vector<16xf32>
        %sub3A_1251 = arith.subf %sub3A_1250, %mul3A_1248 : vector<16xf32>
        %mul3A_1252 = arith.mulf %mul3A_1243, %sub3A_1251 : vector<16xf32>
        %broadcast_in_dim3A_1253 = vector.broadcast %reduce_sum3A_877 : f32 to vector<16xf32>
        %mul3A_1254 = arith.constant 3.906250e-03 : f32
        %mul3A_1255 = vector.broadcast %mul3A_1254 : f32 to vector<16xf32>
        %mul3A_1256 = arith.mulf %broadcast_in_dim3A_1253, %mul3A_1255 : vector<16xf32>
        %broadcast_in_dim3A_1257 = vector.broadcast %reduce_sum3A_881 : f32 to vector<16xf32>
        %mul3A_1258 = arith.constant 3.906250e-03 : f32
        %mul3A_1259 = vector.broadcast %mul3A_1258 : f32 to vector<16xf32>
        %mul3A_1260 = arith.mulf %broadcast_in_dim3A_1257, %mul3A_1259 : vector<16xf32>
        %mul3A_1261 = arith.mulf %mul3A_1256, %mul3A_1256 : vector<16xf32>
        %sub3A_1262 = arith.subf %mul3A_1260, %mul3A_1261 : vector<16xf32>
        %add3A_1263 = arith.constant 9.99999974E-6 : f32
        %add3A_1264 = vector.broadcast %add3A_1263 : f32 to vector<16xf32>
        %add3A_1265 = arith.addf %sub3A_1262, %add3A_1264 : vector<16xf32>
        %bitcast3A_1266 = vector.bitcast %add3A_1265 : vector<16xf32> to vector<16xi32>
        %broadcast_in_dim3A_1267 = arith.constant 1597463007 : i32
        %broadcast_in_dim3A_1268 = vector.broadcast %broadcast_in_dim3A_1267 : i32 to vector<16xi32>
        %shift_right_logical3A_1269 = arith.constant 1 : i32
        %shift_right_logical3A_1270 = vector.broadcast %shift_right_logical3A_1269 : i32 to vector<16xi32>
        %shift_right_logical3A_1271 = arith.shrui %bitcast3A_1266, %shift_right_logical3A_1270 : vector<16xi32>
        %sub3A_1272 = arith.subi %broadcast_in_dim3A_1268, %shift_right_logical3A_1271 : vector<16xi32>
        %bitcast3A_1273 = vector.bitcast %sub3A_1272 : vector<16xi32> to vector<16xf32>
        %mul3A_1274 = arith.constant 5.000000e-01 : f32
        %mul3A_1275 = vector.broadcast %mul3A_1274 : f32 to vector<16xf32>
        %mul3A_1276 = arith.mulf %mul3A_1275, %add3A_1265 : vector<16xf32>
        %mul3A_1277 = arith.mulf %mul3A_1276, %bitcast3A_1273 : vector<16xf32>
        %mul3A_1278 = arith.mulf %mul3A_1277, %bitcast3A_1273 : vector<16xf32>
        %sub3A_1279 = arith.constant 1.500000e+00 : f32
        %sub3A_1280 = vector.broadcast %sub3A_1279 : f32 to vector<16xf32>
        %sub3A_1281 = arith.subf %sub3A_1280, %mul3A_1278 : vector<16xf32>
        %mul3A_1282 = arith.mulf %bitcast3A_1273, %sub3A_1281 : vector<16xf32>
        %mul3A_1283 = arith.constant 5.000000e-01 : f32
        %mul3A_1284 = vector.broadcast %mul3A_1283 : f32 to vector<16xf32>
        %mul3A_1285 = arith.mulf %mul3A_1284, %add3A_1265 : vector<16xf32>
        %mul3A_1286 = arith.mulf %mul3A_1285, %mul3A_1282 : vector<16xf32>
        %mul3A_1287 = arith.mulf %mul3A_1286, %mul3A_1282 : vector<16xf32>
        %sub3A_1288 = arith.constant 1.500000e+00 : f32
        %sub3A_1289 = vector.broadcast %sub3A_1288 : f32 to vector<16xf32>
        %sub3A_1290 = arith.subf %sub3A_1289, %mul3A_1287 : vector<16xf32>
        %mul3A_1291 = arith.mulf %mul3A_1282, %sub3A_1290 : vector<16xf32>
        %mul3A_1292 = arith.constant 5.000000e-01 : f32
        %mul3A_1293 = vector.broadcast %mul3A_1292 : f32 to vector<16xf32>
        %mul3A_1294 = arith.mulf %mul3A_1293, %add3A_1265 : vector<16xf32>
        %mul3A_1295 = arith.mulf %mul3A_1294, %mul3A_1291 : vector<16xf32>
        %mul3A_1296 = arith.mulf %mul3A_1295, %mul3A_1291 : vector<16xf32>
        %sub3A_1297 = arith.constant 1.500000e+00 : f32
        %sub3A_1298 = vector.broadcast %sub3A_1297 : f32 to vector<16xf32>
        %sub3A_1299 = arith.subf %sub3A_1298, %mul3A_1296 : vector<16xf32>
        %mul3A_1300 = arith.mulf %mul3A_1291, %sub3A_1299 : vector<16xf32>
        %broadcast_in_dim3A_1301 = vector.broadcast %reduce_sum3A_1155 : f32 to vector<16xf32>
        %mul3A_1302 = arith.constant 3.906250e-03 : f32
        %mul3A_1303 = vector.broadcast %mul3A_1302 : f32 to vector<16xf32>
        %mul3A_1304 = arith.mulf %broadcast_in_dim3A_1301, %mul3A_1303 : vector<16xf32>
        %broadcast_in_dim3A_1305 = vector.broadcast %reduce_sum3A_1159 : f32 to vector<16xf32>
        %mul3A_1306 = arith.constant 3.906250e-03 : f32
        %mul3A_1307 = vector.broadcast %mul3A_1306 : f32 to vector<16xf32>
        %mul3A_1308 = arith.mulf %broadcast_in_dim3A_1305, %mul3A_1307 : vector<16xf32>
        %mul3A_1309 = arith.mulf %mul3A_1304, %mul3A_1304 : vector<16xf32>
        %sub3A_1310 = arith.subf %mul3A_1308, %mul3A_1309 : vector<16xf32>
        %add3A_1311 = arith.constant 9.99999974E-6 : f32
        %add3A_1312 = vector.broadcast %add3A_1311 : f32 to vector<16xf32>
        %add3A_1313 = arith.addf %sub3A_1310, %add3A_1312 : vector<16xf32>
        %bitcast3A_1314 = vector.bitcast %add3A_1313 : vector<16xf32> to vector<16xi32>
        %broadcast_in_dim3A_1315 = arith.constant 1597463007 : i32
        %broadcast_in_dim3A_1316 = vector.broadcast %broadcast_in_dim3A_1315 : i32 to vector<16xi32>
        %shift_right_logical3A_1317 = arith.constant 1 : i32
        %shift_right_logical3A_1318 = vector.broadcast %shift_right_logical3A_1317 : i32 to vector<16xi32>
        %shift_right_logical3A_1319 = arith.shrui %bitcast3A_1314, %shift_right_logical3A_1318 : vector<16xi32>
        %sub3A_1320 = arith.subi %broadcast_in_dim3A_1316, %shift_right_logical3A_1319 : vector<16xi32>
        %bitcast3A_1321 = vector.bitcast %sub3A_1320 : vector<16xi32> to vector<16xf32>
        %mul3A_1322 = arith.constant 5.000000e-01 : f32
        %mul3A_1323 = vector.broadcast %mul3A_1322 : f32 to vector<16xf32>
        %mul3A_1324 = arith.mulf %mul3A_1323, %add3A_1313 : vector<16xf32>
        %mul3A_1325 = arith.mulf %mul3A_1324, %bitcast3A_1321 : vector<16xf32>
        %mul3A_1326 = arith.mulf %mul3A_1325, %bitcast3A_1321 : vector<16xf32>
        %sub3A_1327 = arith.constant 1.500000e+00 : f32
        %sub3A_1328 = vector.broadcast %sub3A_1327 : f32 to vector<16xf32>
        %sub3A_1329 = arith.subf %sub3A_1328, %mul3A_1326 : vector<16xf32>
        %mul3A_1330 = arith.mulf %bitcast3A_1321, %sub3A_1329 : vector<16xf32>
        %mul3A_1331 = arith.constant 5.000000e-01 : f32
        %mul3A_1332 = vector.broadcast %mul3A_1331 : f32 to vector<16xf32>
        %mul3A_1333 = arith.mulf %mul3A_1332, %add3A_1313 : vector<16xf32>
        %mul3A_1334 = arith.mulf %mul3A_1333, %mul3A_1330 : vector<16xf32>
        %mul3A_1335 = arith.mulf %mul3A_1334, %mul3A_1330 : vector<16xf32>
        %sub3A_1336 = arith.constant 1.500000e+00 : f32
        %sub3A_1337 = vector.broadcast %sub3A_1336 : f32 to vector<16xf32>
        %sub3A_1338 = arith.subf %sub3A_1337, %mul3A_1335 : vector<16xf32>
        %mul3A_1339 = arith.mulf %mul3A_1330, %sub3A_1338 : vector<16xf32>
        %mul3A_1340 = arith.constant 5.000000e-01 : f32
        %mul3A_1341 = vector.broadcast %mul3A_1340 : f32 to vector<16xf32>
        %mul3A_1342 = arith.mulf %mul3A_1341, %add3A_1313 : vector<16xf32>
        %mul3A_1343 = arith.mulf %mul3A_1342, %mul3A_1339 : vector<16xf32>
        %mul3A_1344 = arith.mulf %mul3A_1343, %mul3A_1339 : vector<16xf32>
        %sub3A_1345 = arith.constant 1.500000e+00 : f32
        %sub3A_1346 = vector.broadcast %sub3A_1345 : f32 to vector<16xf32>
        %sub3A_1347 = arith.subf %sub3A_1346, %mul3A_1344 : vector<16xf32>
        %mul3A_1348 = arith.mulf %mul3A_1339, %sub3A_1347 : vector<16xf32>
        %get3A_1349 = arith.constant 0 : i32
        %get3A_1350 = arith.index_cast %get3A_1349 : i32 to index
        %get3A_1351 = arith.constant 0 : index
        %get3A_1352 = tpu.vector_load %arg18[%get3A_1350, %get3A_1351] {strides = array<i32>} : memref<4x256xf32, #tpu.memory_space<vmem>>, vector<16xf32>,
        %sub3A_1353 = arith.subf %get3A_1352, %mul3A_1163 : vector<16xf32>
        %mul3A_1354 = arith.mulf %sub3A_1353, %mul3A_1204 : vector<16xf32>
        %get3A_1355 = arith.constant 0 : index
        %get3A_1356 = tpu.vector_load %arg12[%get3A_1355] {strides = array<i32>} : memref<256xf32, #tpu.memory_space<vmem>>, vector<16xf32>,
        %mul3A_1357 = arith.mulf %mul3A_1354, %get3A_1356 : vector<16xf32>
        %get3A_1358 = arith.constant 0 : index
        %get3A_1359 = tpu.vector_load %arg13[%get3A_1358] {strides = array<i32>} : memref<256xf32, #tpu.memory_space<vmem>>, vector<16xf32>,
        %add3A_1360 = arith.addf %mul3A_1357, %get3A_1359 : vector<16xf32>
        %swap3A_1361 = arith.index_cast %add3A_28 : i32 to index
        %swap3A_1362 = arith.constant 0 : index
        %swap3A_1363 = tpu.vector_load %arg17[%swap3A_1361, %swap3A_1362] {strides = array<i32>} : memref<128x256xf32, #tpu.memory_space<vmem>>, vector<16xf32>,
        tpu.vector_store %arg17[%swap3A_1361, %swap3A_1362], %add3A_1360 {strides = array<i32>} : memref<128x256xf32, #tpu.memory_space<vmem>>, vector<16xf32>,
        %get3A_1364 = arith.constant 0 : i32
        %get3A_1365 = arith.index_cast %get3A_1364 : i32 to index
        %get3A_1366 = arith.constant 16 : index
        %get3A_1367 = tpu.vector_load %arg18[%get3A_1365, %get3A_1366] {strides = array<i32>} : memref<4x256xf32, #tpu.memory_space<vmem>>, vector<16xf32>,
        %sub3A_1368 = arith.subf %get3A_1367, %mul3A_1163 : vector<16xf32>
        %mul3A_1369 = arith.mulf %sub3A_1368, %mul3A_1204 : vector<16xf32>
        %get3A_1370 = arith.constant 16 : index
        %get3A_1371 = tpu.vector_load %arg12[%get3A_1370] {strides = array<i32>} : memref<256xf32, #tpu.memory_space<vmem>>, vector<16xf32>,
        %mul3A_1372 = arith.mulf %mul3A_1369, %get3A_1371 : vector<16xf32>
        %get3A_1373 = arith.constant 16 : index
        %get3A_1374 = tpu.vector_load %arg13[%get3A_1373] {strides = array<i32>} : memref<256xf32, #tpu.memory_space<vmem>>, vector<16xf32>,
        %add3A_1375 = arith.addf %mul3A_1372, %get3A_1374 : vector<16xf32>
        %swap3A_1376 = arith.index_cast %add3A_28 : i32 to index
        %swap3A_1377 = arith.constant 16 : index
        %swap3A_1378 = tpu.vector_load %arg17[%swap3A_1376, %swap3A_1377] {strides = array<i32>} : memref<128x256xf32, #tpu.memory_space<vmem>>, vector<16xf32>,
        tpu.vector_store %arg17[%swap3A_1376, %swap3A_1377], %add3A_1375 {strides = array<i32>} : memref<128x256xf32, #tpu.memory_space<vmem>>, vector<16xf32>,
        %get3A_1379 = arith.constant 0 : i32
        %get3A_1380 = arith.index_cast %get3A_1379 : i32 to index
        %get3A_1381 = arith.constant 32 : index
        %get3A_1382 = tpu.vector_load %arg18[%get3A_1380, %get3A_1381] {strides = array<i32>} : memref<4x256xf32, #tpu.memory_space<vmem>>, vector<16xf32>,
        %sub3A_1383 = arith.subf %get3A_1382, %mul3A_1163 : vector<16xf32>
        %mul3A_1384 = arith.mulf %sub3A_1383, %mul3A_1204 : vector<16xf32>
        %get3A_1385 = arith.constant 32 : index
        %get3A_1386 = tpu.vector_load %arg12[%get3A_1385] {strides = array<i32>} : memref<256xf32, #tpu.memory_space<vmem>>, vector<16xf32>,
        %mul3A_1387 = arith.mulf %mul3A_1384, %get3A_1386 : vector<16xf32>
        %get3A_1388 = arith.constant 32 : index
        %get3A_1389 = tpu.vector_load %arg13[%get3A_1388] {strides = array<i32>} : memref<256xf32, #tpu.memory_space<vmem>>, vector<16xf32>,
        %add3A_1390 = arith.addf %mul3A_1387, %get3A_1389 : vector<16xf32>
        %swap3A_1391 = arith.index_cast %add3A_28 : i32 to index
        %swap3A_1392 = arith.constant 32 : index
        %swap3A_1393 = tpu.vector_load %arg17[%swap3A_1391, %swap3A_1392] {strides = array<i32>} : memref<128x256xf32, #tpu.memory_space<vmem>>, vector<16xf32>,
        tpu.vector_store %arg17[%swap3A_1391, %swap3A_1392], %add3A_1390 {strides = array<i32>} : memref<128x256xf32, #tpu.memory_space<vmem>>, vector<16xf32>,
        %get3A_1394 = arith.constant 0 : i32
        %get3A_1395 = arith.index_cast %get3A_1394 : i32 to index
        %get3A_1396 = arith.constant 48 : index
        %get3A_1397 = tpu.vector_load %arg18[%get3A_1395, %get3A_1396] {strides = array<i32>} : memref<4x256xf32, #tpu.memory_space<vmem>>, vector<16xf32>,
        %sub3A_1398 = arith.subf %get3A_1397, %mul3A_1163 : vector<16xf32>
        %mul3A_1399 = arith.mulf %sub3A_1398, %mul3A_1204 : vector<16xf32>
        %get3A_1400 = arith.constant 48 : index
        %get3A_1401 = tpu.vector_load %arg12[%get3A_1400] {strides = array<i32>} : memref<256xf32, #tpu.memory_space<vmem>>, vector<16xf32>,
        %mul3A_1402 = arith.mulf %mul3A_1399, %get3A_1401 : vector<16xf32>
        %get3A_1403 = arith.constant 48 : index
        %get3A_1404 = tpu.vector_load %arg13[%get3A_1403] {strides = array<i32>} : memref<256xf32, #tpu.memory_space<vmem>>, vector<16xf32>,
        %add3A_1405 = arith.addf %mul3A_1402, %get3A_1404 : vector<16xf32>
        %swap3A_1406 = arith.index_cast %add3A_28 : i32 to index
        %swap3A_1407 = arith.constant 48 : index
        %swap3A_1408 = tpu.vector_load %arg17[%swap3A_1406, %swap3A_1407] {strides = array<i32>} : memref<128x256xf32, #tpu.memory_space<vmem>>, vector<16xf32>,
        tpu.vector_store %arg17[%swap3A_1406, %swap3A_1407], %add3A_1405 {strides = array<i32>} : memref<128x256xf32, #tpu.memory_space<vmem>>, vector<16xf32>,
        %get3A_1409 = arith.constant 0 : i32
        %get3A_1410 = arith.index_cast %get3A_1409 : i32 to index
        %get3A_1411 = arith.constant 64 : index
        %get3A_1412 = tpu.vector_load %arg18[%get3A_1410, %get3A_1411] {strides = array<i32>} : memref<4x256xf32, #tpu.memory_space<vmem>>, vector<16xf32>,
        %sub3A_1413 = arith.subf %get3A_1412, %mul3A_1163 : vector<16xf32>
        %mul3A_1414 = arith.mulf %sub3A_1413, %mul3A_1204 : vector<16xf32>
        %get3A_1415 = arith.constant 64 : index
        %get3A_1416 = tpu.vector_load %arg12[%get3A_1415] {strides = array<i32>} : memref<256xf32, #tpu.memory_space<vmem>>, vector<16xf32>,
        %mul3A_1417 = arith.mulf %mul3A_1414, %get3A_1416 : vector<16xf32>
        %get3A_1418 = arith.constant 64 : index
        %get3A_1419 = tpu.vector_load %arg13[%get3A_1418] {strides = array<i32>} : memref<256xf32, #tpu.memory_space<vmem>>, vector<16xf32>,
        %add3A_1420 = arith.addf %mul3A_1417, %get3A_1419 : vector<16xf32>
        %swap3A_1421 = arith.index_cast %add3A_28 : i32 to index
        %swap3A_1422 = arith.constant 64 : index
        %swap3A_1423 = tpu.vector_load %arg17[%swap3A_1421, %swap3A_1422] {strides = array<i32>} : memref<128x256xf32, #tpu.memory_space<vmem>>, vector<16xf32>,
        tpu.vector_store %arg17[%swap3A_1421, %swap3A_1422], %add3A_1420 {strides = array<i32>} : memref<128x256xf32, #tpu.memory_space<vmem>>, vector<16xf32>,
        %get3A_1424 = arith.constant 0 : i32
        %get3A_1425 = arith.index_cast %get3A_1424 : i32 to index
        %get3A_1426 = arith.constant 80 : index
        %get3A_1427 = tpu.vector_load %arg18[%get3A_1425, %get3A_1426] {strides = array<i32>} : memref<4x256xf32, #tpu.memory_space<vmem>>, vector<16xf32>,
        %sub3A_1428 = arith.subf %get3A_1427, %mul3A_1163 : vector<16xf32>
        %mul3A_1429 = arith.mulf %sub3A_1428, %mul3A_1204 : vector<16xf32>
        %get3A_1430 = arith.constant 80 : index
        %get3A_1431 = tpu.vector_load %arg12[%get3A_1430] {strides = array<i32>} : memref<256xf32, #tpu.memory_space<vmem>>, vector<16xf32>,
        %mul3A_1432 = arith.mulf %mul3A_1429, %get3A_1431 : vector<16xf32>
        %get3A_1433 = arith.constant 80 : index
        %get3A_1434 = tpu.vector_load %arg13[%get3A_1433] {strides = array<i32>} : memref<256xf32, #tpu.memory_space<vmem>>, vector<16xf32>,
        %add3A_1435 = arith.addf %mul3A_1432, %get3A_1434 : vector<16xf32>
        %swap3A_1436 = arith.index_cast %add3A_28 : i32 to index
        %swap3A_1437 = arith.constant 80 : index
        %swap3A_1438 = tpu.vector_load %arg17[%swap3A_1436, %swap3A_1437] {strides = array<i32>} : memref<128x256xf32, #tpu.memory_space<vmem>>, vector<16xf32>,
        tpu.vector_store %arg17[%swap3A_1436, %swap3A_1437], %add3A_1435 {strides = array<i32>} : memref<128x256xf32, #tpu.memory_space<vmem>>, vector<16xf32>,
        %get3A_1439 = arith.constant 0 : i32
        %get3A_1440 = arith.index_cast %get3A_1439 : i32 to index
        %get3A_1441 = arith.constant 96 : index
        %get3A_1442 = tpu.vector_load %arg18[%get3A_1440, %get3A_1441] {strides = array<i32>} : memref<4x256xf32, #tpu.memory_space<vmem>>, vector<16xf32>,
        %sub3A_1443 = arith.subf %get3A_1442, %mul3A_1163 : vector<16xf32>
        %mul3A_1444 = arith.mulf %sub3A_1443, %mul3A_1204 : vector<16xf32>
        %get3A_1445 = arith.constant 96 : index
        %get3A_1446 = tpu.vector_load %arg12[%get3A_1445] {strides = array<i32>} : memref<256xf32, #tpu.memory_space<vmem>>, vector<16xf32>,
        %mul3A_1447 = arith.mulf %mul3A_1444, %get3A_1446 : vector<16xf32>
        %get3A_1448 = arith.constant 96 : index
        %get3A_1449 = tpu.vector_load %arg13[%get3A_1448] {strides = array<i32>} : memref<256xf32, #tpu.memory_space<vmem>>, vector<16xf32>,
        %add3A_1450 = arith.addf %mul3A_1447, %get3A_1449 : vector<16xf32>
        %swap3A_1451 = arith.index_cast %add3A_28 : i32 to index
        %swap3A_1452 = arith.constant 96 : index
        %swap3A_1453 = tpu.vector_load %arg17[%swap3A_1451, %swap3A_1452] {strides = array<i32>} : memref<128x256xf32, #tpu.memory_space<vmem>>, vector<16xf32>,
        tpu.vector_store %arg17[%swap3A_1451, %swap3A_1452], %add3A_1450 {strides = array<i32>} : memref<128x256xf32, #tpu.memory_space<vmem>>, vector<16xf32>,
        %get3A_1454 = arith.constant 0 : i32
        %get3A_1455 = arith.index_cast %get3A_1454 : i32 to index
        %get3A_1456 = arith.constant 112 : index
        %get3A_1457 = tpu.vector_load %arg18[%get3A_1455, %get3A_1456] {strides = array<i32>} : memref<4x256xf32, #tpu.memory_space<vmem>>, vector<16xf32>,
        %sub3A_1458 = arith.subf %get3A_1457, %mul3A_1163 : vector<16xf32>
        %mul3A_1459 = arith.mulf %sub3A_1458, %mul3A_1204 : vector<16xf32>
        %get3A_1460 = arith.constant 112 : index
        %get3A_1461 = tpu.vector_load %arg12[%get3A_1460] {strides = array<i32>} : memref<256xf32, #tpu.memory_space<vmem>>, vector<16xf32>,
        %mul3A_1462 = arith.mulf %mul3A_1459, %get3A_1461 : vector<16xf32>
        %get3A_1463 = arith.constant 112 : index
        %get3A_1464 = tpu.vector_load %arg13[%get3A_1463] {strides = array<i32>} : memref<256xf32, #tpu.memory_space<vmem>>, vector<16xf32>,
        %add3A_1465 = arith.addf %mul3A_1462, %get3A_1464 : vector<16xf32>
        %swap3A_1466 = arith.index_cast %add3A_28 : i32 to index
        %swap3A_1467 = arith.constant 112 : index
        %swap3A_1468 = tpu.vector_load %arg17[%swap3A_1466, %swap3A_1467] {strides = array<i32>} : memref<128x256xf32, #tpu.memory_space<vmem>>, vector<16xf32>,
        tpu.vector_store %arg17[%swap3A_1466, %swap3A_1467], %add3A_1465 {strides = array<i32>} : memref<128x256xf32, #tpu.memory_space<vmem>>, vector<16xf32>,
        %get3A_1469 = arith.constant 0 : i32
        %get3A_1470 = arith.index_cast %get3A_1469 : i32 to index
        %get3A_1471 = arith.constant 128 : index
        %get3A_1472 = tpu.vector_load %arg18[%get3A_1470, %get3A_1471] {strides = array<i32>} : memref<4x256xf32, #tpu.memory_space<vmem>>, vector<16xf32>,
        %sub3A_1473 = arith.subf %get3A_1472, %mul3A_1163 : vector<16xf32>
        %mul3A_1474 = arith.mulf %sub3A_1473, %mul3A_1204 : vector<16xf32>
        %get3A_1475 = arith.constant 128 : index
        %get3A_1476 = tpu.vector_load %arg12[%get3A_1475] {strides = array<i32>} : memref<256xf32, #tpu.memory_space<vmem>>, vector<16xf32>,
        %mul3A_1477 = arith.mulf %mul3A_1474, %get3A_1476 : vector<16xf32>
        %get3A_1478 = arith.constant 128 : index
        %get3A_1479 = tpu.vector_load %arg13[%get3A_1478] {strides = array<i32>} : memref<256xf32, #tpu.memory_space<vmem>>, vector<16xf32>,
        %add3A_1480 = arith.addf %mul3A_1477, %get3A_1479 : vector<16xf32>
        %swap3A_1481 = arith.index_cast %add3A_28 : i32 to index
        %swap3A_1482 = arith.constant 128 : index
        %swap3A_1483 = tpu.vector_load %arg17[%swap3A_1481, %swap3A_1482] {strides = array<i32>} : memref<128x256xf32, #tpu.memory_space<vmem>>, vector<16xf32>,
        tpu.vector_store %arg17[%swap3A_1481, %swap3A_1482], %add3A_1480 {strides = array<i32>} : memref<128x256xf32, #tpu.memory_space<vmem>>, vector<16xf32>,
        %get3A_1484 = arith.constant 0 : i32
        %get3A_1485 = arith.index_cast %get3A_1484 : i32 to index
        %get3A_1486 = arith.constant 144 : index
        %get3A_1487 = tpu.vector_load %arg18[%get3A_1485, %get3A_1486] {strides = array<i32>} : memref<4x256xf32, #tpu.memory_space<vmem>>, vector<16xf32>,
        %sub3A_1488 = arith.subf %get3A_1487, %mul3A_1163 : vector<16xf32>
        %mul3A_1489 = arith.mulf %sub3A_1488, %mul3A_1204 : vector<16xf32>
        %get3A_1490 = arith.constant 144 : index
        %get3A_1491 = tpu.vector_load %arg12[%get3A_1490] {strides = array<i32>} : memref<256xf32, #tpu.memory_space<vmem>>, vector<16xf32>,
        %mul3A_1492 = arith.mulf %mul3A_1489, %get3A_1491 : vector<16xf32>
        %get3A_1493 = arith.constant 144 : index
        %get3A_1494 = tpu.vector_load %arg13[%get3A_1493] {strides = array<i32>} : memref<256xf32, #tpu.memory_space<vmem>>, vector<16xf32>,
        %add3A_1495 = arith.addf %mul3A_1492, %get3A_1494 : vector<16xf32>
        %swap3A_1496 = arith.index_cast %add3A_28 : i32 to index
        %swap3A_1497 = arith.constant 144 : index
        %swap3A_1498 = tpu.vector_load %arg17[%swap3A_1496, %swap3A_1497] {strides = array<i32>} : memref<128x256xf32, #tpu.memory_space<vmem>>, vector<16xf32>,
        tpu.vector_store %arg17[%swap3A_1496, %swap3A_1497], %add3A_1495 {strides = array<i32>} : memref<128x256xf32, #tpu.memory_space<vmem>>, vector<16xf32>,
        %get3A_1499 = arith.constant 0 : i32
        %get3A_1500 = arith.index_cast %get3A_1499 : i32 to index
        %get3A_1501 = arith.constant 160 : index
        %get3A_1502 = tpu.vector_load %arg18[%get3A_1500, %get3A_1501] {strides = array<i32>} : memref<4x256xf32, #tpu.memory_space<vmem>>, vector<16xf32>,
        %sub3A_1503 = arith.subf %get3A_1502, %mul3A_1163 : vector<16xf32>
        %mul3A_1504 = arith.mulf %sub3A_1503, %mul3A_1204 : vector<16xf32>
        %get3A_1505 = arith.constant 160 : index
        %get3A_1506 = tpu.vector_load %arg12[%get3A_1505] {strides = array<i32>} : memref<256xf32, #tpu.memory_space<vmem>>, vector<16xf32>,
        %mul3A_1507 = arith.mulf %mul3A_1504, %get3A_1506 : vector<16xf32>
        %get3A_1508 = arith.constant 160 : index
        %get3A_1509 = tpu.vector_load %arg13[%get3A_1508] {strides = array<i32>} : memref<256xf32, #tpu.memory_space<vmem>>, vector<16xf32>,
        %add3A_1510 = arith.addf %mul3A_1507, %get3A_1509 : vector<16xf32>
        %swap3A_1511 = arith.index_cast %add3A_28 : i32 to index
        %swap3A_1512 = arith.constant 160 : index
        %swap3A_1513 = tpu.vector_load %arg17[%swap3A_1511, %swap3A_1512] {strides = array<i32>} : memref<128x256xf32, #tpu.memory_space<vmem>>, vector<16xf32>,
        tpu.vector_store %arg17[%swap3A_1511, %swap3A_1512], %add3A_1510 {strides = array<i32>} : memref<128x256xf32, #tpu.memory_space<vmem>>, vector<16xf32>,
        %get3A_1514 = arith.constant 0 : i32
        %get3A_1515 = arith.index_cast %get3A_1514 : i32 to index
        %get3A_1516 = arith.constant 176 : index
        %get3A_1517 = tpu.vector_load %arg18[%get3A_1515, %get3A_1516] {strides = array<i32>} : memref<4x256xf32, #tpu.memory_space<vmem>>, vector<16xf32>,
        %sub3A_1518 = arith.subf %get3A_1517, %mul3A_1163 : vector<16xf32>
        %mul3A_1519 = arith.mulf %sub3A_1518, %mul3A_1204 : vector<16xf32>
        %get3A_1520 = arith.constant 176 : index
        %get3A_1521 = tpu.vector_load %arg12[%get3A_1520] {strides = array<i32>} : memref<256xf32, #tpu.memory_space<vmem>>, vector<16xf32>,
        %mul3A_1522 = arith.mulf %mul3A_1519, %get3A_1521 : vector<16xf32>
        %get3A_1523 = arith.constant 176 : index
        %get3A_1524 = tpu.vector_load %arg13[%get3A_1523] {strides = array<i32>} : memref<256xf32, #tpu.memory_space<vmem>>, vector<16xf32>,
        %add3A_1525 = arith.addf %mul3A_1522, %get3A_1524 : vector<16xf32>
        %swap3A_1526 = arith.index_cast %add3A_28 : i32 to index
        %swap3A_1527 = arith.constant 176 : index
        %swap3A_1528 = tpu.vector_load %arg17[%swap3A_1526, %swap3A_1527] {strides = array<i32>} : memref<128x256xf32, #tpu.memory_space<vmem>>, vector<16xf32>,
        tpu.vector_store %arg17[%swap3A_1526, %swap3A_1527], %add3A_1525 {strides = array<i32>} : memref<128x256xf32, #tpu.memory_space<vmem>>, vector<16xf32>,
        %get3A_1529 = arith.constant 0 : i32
        %get3A_1530 = arith.index_cast %get3A_1529 : i32 to index
        %get3A_1531 = arith.constant 192 : index
        %get3A_1532 = tpu.vector_load %arg18[%get3A_1530, %get3A_1531] {strides = array<i32>} : memref<4x256xf32, #tpu.memory_space<vmem>>, vector<16xf32>,
        %sub3A_1533 = arith.subf %get3A_1532, %mul3A_1163 : vector<16xf32>
        %mul3A_1534 = arith.mulf %sub3A_1533, %mul3A_1204 : vector<16xf32>
        %get3A_1535 = arith.constant 192 : index
        %get3A_1536 = tpu.vector_load %arg12[%get3A_1535] {strides = array<i32>} : memref<256xf32, #tpu.memory_space<vmem>>, vector<16xf32>,
        %mul3A_1537 = arith.mulf %mul3A_1534, %get3A_1536 : vector<16xf32>
        %get3A_1538 = arith.constant 192 : index
        %get3A_1539 = tpu.vector_load %arg13[%get3A_1538] {strides = array<i32>} : memref<256xf32, #tpu.memory_space<vmem>>, vector<16xf32>,
        %add3A_1540 = arith.addf %mul3A_1537, %get3A_1539 : vector<16xf32>
        %swap3A_1541 = arith.index_cast %add3A_28 : i32 to index
        %swap3A_1542 = arith.constant 192 : index
        %swap3A_1543 = tpu.vector_load %arg17[%swap3A_1541, %swap3A_1542] {strides = array<i32>} : memref<128x256xf32, #tpu.memory_space<vmem>>, vector<16xf32>,
        tpu.vector_store %arg17[%swap3A_1541, %swap3A_1542], %add3A_1540 {strides = array<i32>} : memref<128x256xf32, #tpu.memory_space<vmem>>, vector<16xf32>,
        %get3A_1544 = arith.constant 0 : i32
        %get3A_1545 = arith.index_cast %get3A_1544 : i32 to index
        %get3A_1546 = arith.constant 208 : index
        %get3A_1547 = tpu.vector_load %arg18[%get3A_1545, %get3A_1546] {strides = array<i32>} : memref<4x256xf32, #tpu.memory_space<vmem>>, vector<16xf32>,
        %sub3A_1548 = arith.subf %get3A_1547, %mul3A_1163 : vector<16xf32>
        %mul3A_1549 = arith.mulf %sub3A_1548, %mul3A_1204 : vector<16xf32>
        %get3A_1550 = arith.constant 208 : index
        %get3A_1551 = tpu.vector_load %arg12[%get3A_1550] {strides = array<i32>} : memref<256xf32, #tpu.memory_space<vmem>>, vector<16xf32>,
        %mul3A_1552 = arith.mulf %mul3A_1549, %get3A_1551 : vector<16xf32>
        %get3A_1553 = arith.constant 208 : index
        %get3A_1554 = tpu.vector_load %arg13[%get3A_1553] {strides = array<i32>} : memref<256xf32, #tpu.memory_space<vmem>>, vector<16xf32>,
        %add3A_1555 = arith.addf %mul3A_1552, %get3A_1554 : vector<16xf32>
        %swap3A_1556 = arith.index_cast %add3A_28 : i32 to index
        %swap3A_1557 = arith.constant 208 : index
        %swap3A_1558 = tpu.vector_load %arg17[%swap3A_1556, %swap3A_1557] {strides = array<i32>} : memref<128x256xf32, #tpu.memory_space<vmem>>, vector<16xf32>,
        tpu.vector_store %arg17[%swap3A_1556, %swap3A_1557], %add3A_1555 {strides = array<i32>} : memref<128x256xf32, #tpu.memory_space<vmem>>, vector<16xf32>,
        %get3A_1559 = arith.constant 0 : i32
        %get3A_1560 = arith.index_cast %get3A_1559 : i32 to index
        %get3A_1561 = arith.constant 224 : index
        %get3A_1562 = tpu.vector_load %arg18[%get3A_1560, %get3A_1561] {strides = array<i32>} : memref<4x256xf32, #tpu.memory_space<vmem>>, vector<16xf32>,
        %sub3A_1563 = arith.subf %get3A_1562, %mul3A_1163 : vector<16xf32>
        %mul3A_1564 = arith.mulf %sub3A_1563, %mul3A_1204 : vector<16xf32>
        %get3A_1565 = arith.constant 224 : index
        %get3A_1566 = tpu.vector_load %arg12[%get3A_1565] {strides = array<i32>} : memref<256xf32, #tpu.memory_space<vmem>>, vector<16xf32>,
        %mul3A_1567 = arith.mulf %mul3A_1564, %get3A_1566 : vector<16xf32>
        %get3A_1568 = arith.constant 224 : index
        %get3A_1569 = tpu.vector_load %arg13[%get3A_1568] {strides = array<i32>} : memref<256xf32, #tpu.memory_space<vmem>>, vector<16xf32>,
        %add3A_1570 = arith.addf %mul3A_1567, %get3A_1569 : vector<16xf32>
        %swap3A_1571 = arith.index_cast %add3A_28 : i32 to index
        %swap3A_1572 = arith.constant 224 : index
        %swap3A_1573 = tpu.vector_load %arg17[%swap3A_1571, %swap3A_1572] {strides = array<i32>} : memref<128x256xf32, #tpu.memory_space<vmem>>, vector<16xf32>,
        tpu.vector_store %arg17[%swap3A_1571, %swap3A_1572], %add3A_1570 {strides = array<i32>} : memref<128x256xf32, #tpu.memory_space<vmem>>, vector<16xf32>,
        %get3A_1574 = arith.constant 0 : i32
        %get3A_1575 = arith.index_cast %get3A_1574 : i32 to index
        %get3A_1576 = arith.constant 240 : index
        %get3A_1577 = tpu.vector_load %arg18[%get3A_1575, %get3A_1576] {strides = array<i32>} : memref<4x256xf32, #tpu.memory_space<vmem>>, vector<16xf32>,
        %sub3A_1578 = arith.subf %get3A_1577, %mul3A_1163 : vector<16xf32>
        %mul3A_1579 = arith.mulf %sub3A_1578, %mul3A_1204 : vector<16xf32>
        %get3A_1580 = arith.constant 240 : index
        %get3A_1581 = tpu.vector_load %arg12[%get3A_1580] {strides = array<i32>} : memref<256xf32, #tpu.memory_space<vmem>>, vector<16xf32>,
        %mul3A_1582 = arith.mulf %mul3A_1579, %get3A_1581 : vector<16xf32>
        %get3A_1583 = arith.constant 240 : index
        %get3A_1584 = tpu.vector_load %arg13[%get3A_1583] {strides = array<i32>} : memref<256xf32, #tpu.memory_space<vmem>>, vector<16xf32>,
        %add3A_1585 = arith.addf %mul3A_1582, %get3A_1584 : vector<16xf32>
        %swap3A_1586 = arith.index_cast %add3A_28 : i32 to index
        %swap3A_1587 = arith.constant 240 : index
        %swap3A_1588 = tpu.vector_load %arg17[%swap3A_1586, %swap3A_1587] {strides = array<i32>} : memref<128x256xf32, #tpu.memory_space<vmem>>, vector<16xf32>,
        tpu.vector_store %arg17[%swap3A_1586, %swap3A_1587], %add3A_1585 {strides = array<i32>} : memref<128x256xf32, #tpu.memory_space<vmem>>, vector<16xf32>,
        %get3A_1589 = arith.constant 1 : i32
        %get3A_1590 = arith.index_cast %get3A_1589 : i32 to index
        %get3A_1591 = arith.constant 0 : index
        %get3A_1592 = tpu.vector_load %arg18[%get3A_1590, %get3A_1591] {strides = array<i32>} : memref<4x256xf32, #tpu.memory_space<vmem>>, vector<16xf32>,
        %sub3A_1593 = arith.subf %get3A_1592, %mul3A_1208 : vector<16xf32>
        %mul3A_1594 = arith.mulf %sub3A_1593, %mul3A_1252 : vector<16xf32>
        %get3A_1595 = arith.constant 0 : index
        %get3A_1596 = tpu.vector_load %arg12[%get3A_1595] {strides = array<i32>} : memref<256xf32, #tpu.memory_space<vmem>>, vector<16xf32>,
        %mul3A_1597 = arith.mulf %mul3A_1594, %get3A_1596 : vector<16xf32>
        %get3A_1598 = arith.constant 0 : index
        %get3A_1599 = tpu.vector_load %arg13[%get3A_1598] {strides = array<i32>} : memref<256xf32, #tpu.memory_space<vmem>>, vector<16xf32>,
        %add3A_1600 = arith.addf %mul3A_1597, %get3A_1599 : vector<16xf32>
        %swap3A_1601 = arith.index_cast %add3A_33 : i32 to index
        %swap3A_1602 = arith.constant 0 : index
        %swap3A_1603 = tpu.vector_load %arg17[%swap3A_1601, %swap3A_1602] {strides = array<i32>} : memref<128x256xf32, #tpu.memory_space<vmem>>, vector<16xf32>,
        tpu.vector_store %arg17[%swap3A_1601, %swap3A_1602], %add3A_1600 {strides = array<i32>} : memref<128x256xf32, #tpu.memory_space<vmem>>, vector<16xf32>,
        %get3A_1604 = arith.constant 1 : i32
        %get3A_1605 = arith.index_cast %get3A_1604 : i32 to index
        %get3A_1606 = arith.constant 16 : index
        %get3A_1607 = tpu.vector_load %arg18[%get3A_1605, %get3A_1606] {strides = array<i32>} : memref<4x256xf32, #tpu.memory_space<vmem>>, vector<16xf32>,
        %sub3A_1608 = arith.subf %get3A_1607, %mul3A_1208 : vector<16xf32>
        %mul3A_1609 = arith.mulf %sub3A_1608, %mul3A_1252 : vector<16xf32>
        %get3A_1610 = arith.constant 16 : index
        %get3A_1611 = tpu.vector_load %arg12[%get3A_1610] {strides = array<i32>} : memref<256xf32, #tpu.memory_space<vmem>>, vector<16xf32>,
        %mul3A_1612 = arith.mulf %mul3A_1609, %get3A_1611 : vector<16xf32>
        %get3A_1613 = arith.constant 16 : index
        %get3A_1614 = tpu.vector_load %arg13[%get3A_1613] {strides = array<i32>} : memref<256xf32, #tpu.memory_space<vmem>>, vector<16xf32>,
        %add3A_1615 = arith.addf %mul3A_1612, %get3A_1614 : vector<16xf32>
        %swap3A_1616 = arith.index_cast %add3A_33 : i32 to index
        %swap3A_1617 = arith.constant 16 : index
        %swap3A_1618 = tpu.vector_load %arg17[%swap3A_1616, %swap3A_1617] {strides = array<i32>} : memref<128x256xf32, #tpu.memory_space<vmem>>, vector<16xf32>,
        tpu.vector_store %arg17[%swap3A_1616, %swap3A_1617], %add3A_1615 {strides = array<i32>} : memref<128x256xf32, #tpu.memory_space<vmem>>, vector<16xf32>,
        %get3A_1619 = arith.constant 1 : i32
        %get3A_1620 = arith.index_cast %get3A_1619 : i32 to index
        %get3A_1621 = arith.constant 32 : index
        %get3A_1622 = tpu.vector_load %arg18[%get3A_1620, %get3A_1621] {strides = array<i32>} : memref<4x256xf32, #tpu.memory_space<vmem>>, vector<16xf32>,
        %sub3A_1623 = arith.subf %get3A_1622, %mul3A_1208 : vector<16xf32>
        %mul3A_1624 = arith.mulf %sub3A_1623, %mul3A_1252 : vector<16xf32>
        %get3A_1625 = arith.constant 32 : index
        %get3A_1626 = tpu.vector_load %arg12[%get3A_1625] {strides = array<i32>} : memref<256xf32, #tpu.memory_space<vmem>>, vector<16xf32>,
        %mul3A_1627 = arith.mulf %mul3A_1624, %get3A_1626 : vector<16xf32>
        %get3A_1628 = arith.constant 32 : index
        %get3A_1629 = tpu.vector_load %arg13[%get3A_1628] {strides = array<i32>} : memref<256xf32, #tpu.memory_space<vmem>>, vector<16xf32>,
        %add3A_1630 = arith.addf %mul3A_1627, %get3A_1629 : vector<16xf32>
        %swap3A_1631 = arith.index_cast %add3A_33 : i32 to index
        %swap3A_1632 = arith.constant 32 : index
        %swap3A_1633 = tpu.vector_load %arg17[%swap3A_1631, %swap3A_1632] {strides = array<i32>} : memref<128x256xf32, #tpu.memory_space<vmem>>, vector<16xf32>,
        tpu.vector_store %arg17[%swap3A_1631, %swap3A_1632], %add3A_1630 {strides = array<i32>} : memref<128x256xf32, #tpu.memory_space<vmem>>, vector<16xf32>,
        %get3A_1634 = arith.constant 1 : i32
        %get3A_1635 = arith.index_cast %get3A_1634 : i32 to index
        %get3A_1636 = arith.constant 48 : index
        %get3A_1637 = tpu.vector_load %arg18[%get3A_1635, %get3A_1636] {strides = array<i32>} : memref<4x256xf32, #tpu.memory_space<vmem>>, vector<16xf32>,
        %sub3A_1638 = arith.subf %get3A_1637, %mul3A_1208 : vector<16xf32>
        %mul3A_1639 = arith.mulf %sub3A_1638, %mul3A_1252 : vector<16xf32>
        %get3A_1640 = arith.constant 48 : index
        %get3A_1641 = tpu.vector_load %arg12[%get3A_1640] {strides = array<i32>} : memref<256xf32, #tpu.memory_space<vmem>>, vector<16xf32>,
        %mul3A_1642 = arith.mulf %mul3A_1639, %get3A_1641 : vector<16xf32>
        %get3A_1643 = arith.constant 48 : index
        %get3A_1644 = tpu.vector_load %arg13[%get3A_1643] {strides = array<i32>} : memref<256xf32, #tpu.memory_space<vmem>>, vector<16xf32>,
        %add3A_1645 = arith.addf %mul3A_1642, %get3A_1644 : vector<16xf32>
        %swap3A_1646 = arith.index_cast %add3A_33 : i32 to index
        %swap3A_1647 = arith.constant 48 : index
        %swap3A_1648 = tpu.vector_load %arg17[%swap3A_1646, %swap3A_1647] {strides = array<i32>} : memref<128x256xf32, #tpu.memory_space<vmem>>, vector<16xf32>,
        tpu.vector_store %arg17[%swap3A_1646, %swap3A_1647], %add3A_1645 {strides = array<i32>} : memref<128x256xf32, #tpu.memory_space<vmem>>, vector<16xf32>,
        %get3A_1649 = arith.constant 1 : i32
        %get3A_1650 = arith.index_cast %get3A_1649 : i32 to index
        %get3A_1651 = arith.constant 64 : index
        %get3A_1652 = tpu.vector_load %arg18[%get3A_1650, %get3A_1651] {strides = array<i32>} : memref<4x256xf32, #tpu.memory_space<vmem>>, vector<16xf32>,
        %sub3A_1653 = arith.subf %get3A_1652, %mul3A_1208 : vector<16xf32>
        %mul3A_1654 = arith.mulf %sub3A_1653, %mul3A_1252 : vector<16xf32>
        %get3A_1655 = arith.constant 64 : index
        %get3A_1656 = tpu.vector_load %arg12[%get3A_1655] {strides = array<i32>} : memref<256xf32, #tpu.memory_space<vmem>>, vector<16xf32>,
        %mul3A_1657 = arith.mulf %mul3A_1654, %get3A_1656 : vector<16xf32>
        %get3A_1658 = arith.constant 64 : index
        %get3A_1659 = tpu.vector_load %arg13[%get3A_1658] {strides = array<i32>} : memref<256xf32, #tpu.memory_space<vmem>>, vector<16xf32>,
        %add3A_1660 = arith.addf %mul3A_1657, %get3A_1659 : vector<16xf32>
        %swap3A_1661 = arith.index_cast %add3A_33 : i32 to index
        %swap3A_1662 = arith.constant 64 : index
        %swap3A_1663 = tpu.vector_load %arg17[%swap3A_1661, %swap3A_1662] {strides = array<i32>} : memref<128x256xf32, #tpu.memory_space<vmem>>, vector<16xf32>,
        tpu.vector_store %arg17[%swap3A_1661, %swap3A_1662], %add3A_1660 {strides = array<i32>} : memref<128x256xf32, #tpu.memory_space<vmem>>, vector<16xf32>,
        %get3A_1664 = arith.constant 1 : i32
        %get3A_1665 = arith.index_cast %get3A_1664 : i32 to index
        %get3A_1666 = arith.constant 80 : index
        %get3A_1667 = tpu.vector_load %arg18[%get3A_1665, %get3A_1666] {strides = array<i32>} : memref<4x256xf32, #tpu.memory_space<vmem>>, vector<16xf32>,
        %sub3A_1668 = arith.subf %get3A_1667, %mul3A_1208 : vector<16xf32>
        %mul3A_1669 = arith.mulf %sub3A_1668, %mul3A_1252 : vector<16xf32>
        %get3A_1670 = arith.constant 80 : index
        %get3A_1671 = tpu.vector_load %arg12[%get3A_1670] {strides = array<i32>} : memref<256xf32, #tpu.memory_space<vmem>>, vector<16xf32>,
        %mul3A_1672 = arith.mulf %mul3A_1669, %get3A_1671 : vector<16xf32>
        %get3A_1673 = arith.constant 80 : index
        %get3A_1674 = tpu.vector_load %arg13[%get3A_1673] {strides = array<i32>} : memref<256xf32, #tpu.memory_space<vmem>>, vector<16xf32>,
        %add3A_1675 = arith.addf %mul3A_1672, %get3A_1674 : vector<16xf32>
        %swap3A_1676 = arith.index_cast %add3A_33 : i32 to index
        %swap3A_1677 = arith.constant 80 : index
        %swap3A_1678 = tpu.vector_load %arg17[%swap3A_1676, %swap3A_1677] {strides = array<i32>} : memref<128x256xf32, #tpu.memory_space<vmem>>, vector<16xf32>,
        tpu.vector_store %arg17[%swap3A_1676, %swap3A_1677], %add3A_1675 {strides = array<i32>} : memref<128x256xf32, #tpu.memory_space<vmem>>, vector<16xf32>,
        %get3A_1679 = arith.constant 1 : i32
        %get3A_1680 = arith.index_cast %get3A_1679 : i32 to index
        %get3A_1681 = arith.constant 96 : index
        %get3A_1682 = tpu.vector_load %arg18[%get3A_1680, %get3A_1681] {strides = array<i32>} : memref<4x256xf32, #tpu.memory_space<vmem>>, vector<16xf32>,
        %sub3A_1683 = arith.subf %get3A_1682, %mul3A_1208 : vector<16xf32>
        %mul3A_1684 = arith.mulf %sub3A_1683, %mul3A_1252 : vector<16xf32>
        %get3A_1685 = arith.constant 96 : index
        %get3A_1686 = tpu.vector_load %arg12[%get3A_1685] {strides = array<i32>} : memref<256xf32, #tpu.memory_space<vmem>>, vector<16xf32>,
        %mul3A_1687 = arith.mulf %mul3A_1684, %get3A_1686 : vector<16xf32>
        %get3A_1688 = arith.constant 96 : index
        %get3A_1689 = tpu.vector_load %arg13[%get3A_1688] {strides = array<i32>} : memref<256xf32, #tpu.memory_space<vmem>>, vector<16xf32>,
        %add3A_1690 = arith.addf %mul3A_1687, %get3A_1689 : vector<16xf32>
        %swap3A_1691 = arith.index_cast %add3A_33 : i32 to index
        %swap3A_1692 = arith.constant 96 : index
        %swap3A_1693 = tpu.vector_load %arg17[%swap3A_1691, %swap3A_1692] {strides = array<i32>} : memref<128x256xf32, #tpu.memory_space<vmem>>, vector<16xf32>,
        tpu.vector_store %arg17[%swap3A_1691, %swap3A_1692], %add3A_1690 {strides = array<i32>} : memref<128x256xf32, #tpu.memory_space<vmem>>, vector<16xf32>,
        %get3A_1694 = arith.constant 1 : i32
        %get3A_1695 = arith.index_cast %get3A_1694 : i32 to index
        %get3A_1696 = arith.constant 112 : index
        %get3A_1697 = tpu.vector_load %arg18[%get3A_1695, %get3A_1696] {strides = array<i32>} : memref<4x256xf32, #tpu.memory_space<vmem>>, vector<16xf32>,
        %sub3A_1698 = arith.subf %get3A_1697, %mul3A_1208 : vector<16xf32>
        %mul3A_1699 = arith.mulf %sub3A_1698, %mul3A_1252 : vector<16xf32>
        %get3A_1700 = arith.constant 112 : index
        %get3A_1701 = tpu.vector_load %arg12[%get3A_1700] {strides = array<i32>} : memref<256xf32, #tpu.memory_space<vmem>>, vector<16xf32>,
        %mul3A_1702 = arith.mulf %mul3A_1699, %get3A_1701 : vector<16xf32>
        %get3A_1703 = arith.constant 112 : index
        %get3A_1704 = tpu.vector_load %arg13[%get3A_1703] {strides = array<i32>} : memref<256xf32, #tpu.memory_space<vmem>>, vector<16xf32>,
        %add3A_1705 = arith.addf %mul3A_1702, %get3A_1704 : vector<16xf32>
        %swap3A_1706 = arith.index_cast %add3A_33 : i32 to index
        %swap3A_1707 = arith.constant 112 : index
        %swap3A_1708 = tpu.vector_load %arg17[%swap3A_1706, %swap3A_1707] {strides = array<i32>} : memref<128x256xf32, #tpu.memory_space<vmem>>, vector<16xf32>,
        tpu.vector_store %arg17[%swap3A_1706, %swap3A_1707], %add3A_1705 {strides = array<i32>} : memref<128x256xf32, #tpu.memory_space<vmem>>, vector<16xf32>,
        %get3A_1709 = arith.constant 1 : i32
        %get3A_1710 = arith.index_cast %get3A_1709 : i32 to index
        %get3A_1711 = arith.constant 128 : index
        %get3A_1712 = tpu.vector_load %arg18[%get3A_1710, %get3A_1711] {strides = array<i32>} : memref<4x256xf32, #tpu.memory_space<vmem>>, vector<16xf32>,
        %sub3A_1713 = arith.subf %get3A_1712, %mul3A_1208 : vector<16xf32>
        %mul3A_1714 = arith.mulf %sub3A_1713, %mul3A_1252 : vector<16xf32>
        %get3A_1715 = arith.constant 128 : index
        %get3A_1716 = tpu.vector_load %arg12[%get3A_1715] {strides = array<i32>} : memref<256xf32, #tpu.memory_space<vmem>>, vector<16xf32>,
        %mul3A_1717 = arith.mulf %mul3A_1714, %get3A_1716 : vector<16xf32>
        %get3A_1718 = arith.constant 128 : index
        %get3A_1719 = tpu.vector_load %arg13[%get3A_1718] {strides = array<i32>} : memref<256xf32, #tpu.memory_space<vmem>>, vector<16xf32>,
        %add3A_1720 = arith.addf %mul3A_1717, %get3A_1719 : vector<16xf32>
        %swap3A_1721 = arith.index_cast %add3A_33 : i32 to index
        %swap3A_1722 = arith.constant 128 : index
        %swap3A_1723 = tpu.vector_load %arg17[%swap3A_1721, %swap3A_1722] {strides = array<i32>} : memref<128x256xf32, #tpu.memory_space<vmem>>, vector<16xf32>,
        tpu.vector_store %arg17[%swap3A_1721, %swap3A_1722], %add3A_1720 {strides = array<i32>} : memref<128x256xf32, #tpu.memory_space<vmem>>, vector<16xf32>,
        %get3A_1724 = arith.constant 1 : i32
        %get3A_1725 = arith.index_cast %get3A_1724 : i32 to index
        %get3A_1726 = arith.constant 144 : index
        %get3A_1727 = tpu.vector_load %arg18[%get3A_1725, %get3A_1726] {strides = array<i32>} : memref<4x256xf32, #tpu.memory_space<vmem>>, vector<16xf32>,
        %sub3A_1728 = arith.subf %get3A_1727, %mul3A_1208 : vector<16xf32>
        %mul3A_1729 = arith.mulf %sub3A_1728, %mul3A_1252 : vector<16xf32>
        %get3A_1730 = arith.constant 144 : index
        %get3A_1731 = tpu.vector_load %arg12[%get3A_1730] {strides = array<i32>} : memref<256xf32, #tpu.memory_space<vmem>>, vector<16xf32>,
        %mul3A_1732 = arith.mulf %mul3A_1729, %get3A_1731 : vector<16xf32>
        %get3A_1733 = arith.constant 144 : index
        %get3A_1734 = tpu.vector_load %arg13[%get3A_1733] {strides = array<i32>} : memref<256xf32, #tpu.memory_space<vmem>>, vector<16xf32>,
        %add3A_1735 = arith.addf %mul3A_1732, %get3A_1734 : vector<16xf32>
        %swap3A_1736 = arith.index_cast %add3A_33 : i32 to index
        %swap3A_1737 = arith.constant 144 : index
        %swap3A_1738 = tpu.vector_load %arg17[%swap3A_1736, %swap3A_1737] {strides = array<i32>} : memref<128x256xf32, #tpu.memory_space<vmem>>, vector<16xf32>,
        tpu.vector_store %arg17[%swap3A_1736, %swap3A_1737], %add3A_1735 {strides = array<i32>} : memref<128x256xf32, #tpu.memory_space<vmem>>, vector<16xf32>,
        %get3A_1739 = arith.constant 1 : i32
        %get3A_1740 = arith.index_cast %get3A_1739 : i32 to index
        %get3A_1741 = arith.constant 160 : index
        %get3A_1742 = tpu.vector_load %arg18[%get3A_1740, %get3A_1741] {strides = array<i32>} : memref<4x256xf32, #tpu.memory_space<vmem>>, vector<16xf32>,
        %sub3A_1743 = arith.subf %get3A_1742, %mul3A_1208 : vector<16xf32>
        %mul3A_1744 = arith.mulf %sub3A_1743, %mul3A_1252 : vector<16xf32>
        %get3A_1745 = arith.constant 160 : index
        %get3A_1746 = tpu.vector_load %arg12[%get3A_1745] {strides = array<i32>} : memref<256xf32, #tpu.memory_space<vmem>>, vector<16xf32>,
        %mul3A_1747 = arith.mulf %mul3A_1744, %get3A_1746 : vector<16xf32>
        %get3A_1748 = arith.constant 160 : index
        %get3A_1749 = tpu.vector_load %arg13[%get3A_1748] {strides = array<i32>} : memref<256xf32, #tpu.memory_space<vmem>>, vector<16xf32>,
        %add3A_1750 = arith.addf %mul3A_1747, %get3A_1749 : vector<16xf32>
        %swap3A_1751 = arith.index_cast %add3A_33 : i32 to index
        %swap3A_1752 = arith.constant 160 : index
        %swap3A_1753 = tpu.vector_load %arg17[%swap3A_1751, %swap3A_1752] {strides = array<i32>} : memref<128x256xf32, #tpu.memory_space<vmem>>, vector<16xf32>,
        tpu.vector_store %arg17[%swap3A_1751, %swap3A_1752], %add3A_1750 {strides = array<i32>} : memref<128x256xf32, #tpu.memory_space<vmem>>, vector<16xf32>,
        %get3A_1754 = arith.constant 1 : i32
        %get3A_1755 = arith.index_cast %get3A_1754 : i32 to index
        %get3A_1756 = arith.constant 176 : index
        %get3A_1757 = tpu.vector_load %arg18[%get3A_1755, %get3A_1756] {strides = array<i32>} : memref<4x256xf32, #tpu.memory_space<vmem>>, vector<16xf32>,
        %sub3A_1758 = arith.subf %get3A_1757, %mul3A_1208 : vector<16xf32>
        %mul3A_1759 = arith.mulf %sub3A_1758, %mul3A_1252 : vector<16xf32>
        %get3A_1760 = arith.constant 176 : index
        %get3A_1761 = tpu.vector_load %arg12[%get3A_1760] {strides = array<i32>} : memref<256xf32, #tpu.memory_space<vmem>>, vector<16xf32>,
        %mul3A_1762 = arith.mulf %mul3A_1759, %get3A_1761 : vector<16xf32>
        %get3A_1763 = arith.constant 176 : index
        %get3A_1764 = tpu.vector_load %arg13[%get3A_1763] {strides = array<i32>} : memref<256xf32, #tpu.memory_space<vmem>>, vector<16xf32>,
        %add3A_1765 = arith.addf %mul3A_1762, %get3A_1764 : vector<16xf32>
        %swap3A_1766 = arith.index_cast %add3A_33 : i32 to index
        %swap3A_1767 = arith.constant 176 : index
        %swap3A_1768 = tpu.vector_load %arg17[%swap3A_1766, %swap3A_1767] {strides = array<i32>} : memref<128x256xf32, #tpu.memory_space<vmem>>, vector<16xf32>,
        tpu.vector_store %arg17[%swap3A_1766, %swap3A_1767], %add3A_1765 {strides = array<i32>} : memref<128x256xf32, #tpu.memory_space<vmem>>, vector<16xf32>,
        %get3A_1769 = arith.constant 1 : i32
        %get3A_1770 = arith.index_cast %get3A_1769 : i32 to index
        %get3A_1771 = arith.constant 192 : index
        %get3A_1772 = tpu.vector_load %arg18[%get3A_1770, %get3A_1771] {strides = array<i32>} : memref<4x256xf32, #tpu.memory_space<vmem>>, vector<16xf32>,
        %sub3A_1773 = arith.subf %get3A_1772, %mul3A_1208 : vector<16xf32>
        %mul3A_1774 = arith.mulf %sub3A_1773, %mul3A_1252 : vector<16xf32>
        %get3A_1775 = arith.constant 192 : index
        %get3A_1776 = tpu.vector_load %arg12[%get3A_1775] {strides = array<i32>} : memref<256xf32, #tpu.memory_space<vmem>>, vector<16xf32>,
        %mul3A_1777 = arith.mulf %mul3A_1774, %get3A_1776 : vector<16xf32>
        %get3A_1778 = arith.constant 192 : index
        %get3A_1779 = tpu.vector_load %arg13[%get3A_1778] {strides = array<i32>} : memref<256xf32, #tpu.memory_space<vmem>>, vector<16xf32>,
        %add3A_1780 = arith.addf %mul3A_1777, %get3A_1779 : vector<16xf32>
        %swap3A_1781 = arith.index_cast %add3A_33 : i32 to index
        %swap3A_1782 = arith.constant 192 : index
        %swap3A_1783 = tpu.vector_load %arg17[%swap3A_1781, %swap3A_1782] {strides = array<i32>} : memref<128x256xf32, #tpu.memory_space<vmem>>, vector<16xf32>,
        tpu.vector_store %arg17[%swap3A_1781, %swap3A_1782], %add3A_1780 {strides = array<i32>} : memref<128x256xf32, #tpu.memory_space<vmem>>, vector<16xf32>,
        %get3A_1784 = arith.constant 1 : i32
        %get3A_1785 = arith.index_cast %get3A_1784 : i32 to index
        %get3A_1786 = arith.constant 208 : index
        %get3A_1787 = tpu.vector_load %arg18[%get3A_1785, %get3A_1786] {strides = array<i32>} : memref<4x256xf32, #tpu.memory_space<vmem>>, vector<16xf32>,
        %sub3A_1788 = arith.subf %get3A_1787, %mul3A_1208 : vector<16xf32>
        %mul3A_1789 = arith.mulf %sub3A_1788, %mul3A_1252 : vector<16xf32>
        %get3A_1790 = arith.constant 208 : index
        %get3A_1791 = tpu.vector_load %arg12[%get3A_1790] {strides = array<i32>} : memref<256xf32, #tpu.memory_space<vmem>>, vector<16xf32>,
        %mul3A_1792 = arith.mulf %mul3A_1789, %get3A_1791 : vector<16xf32>
        %get3A_1793 = arith.constant 208 : index
        %get3A_1794 = tpu.vector_load %arg13[%get3A_1793] {strides = array<i32>} : memref<256xf32, #tpu.memory_space<vmem>>, vector<16xf32>,
        %add3A_1795 = arith.addf %mul3A_1792, %get3A_1794 : vector<16xf32>
        %swap3A_1796 = arith.index_cast %add3A_33 : i32 to index
        %swap3A_1797 = arith.constant 208 : index
        %swap3A_1798 = tpu.vector_load %arg17[%swap3A_1796, %swap3A_1797] {strides = array<i32>} : memref<128x256xf32, #tpu.memory_space<vmem>>, vector<16xf32>,
        tpu.vector_store %arg17[%swap3A_1796, %swap3A_1797], %add3A_1795 {strides = array<i32>} : memref<128x256xf32, #tpu.memory_space<vmem>>, vector<16xf32>,
        %get3A_1799 = arith.constant 1 : i32
        %get3A_1800 = arith.index_cast %get3A_1799 : i32 to index
        %get3A_1801 = arith.constant 224 : index
        %get3A_1802 = tpu.vector_load %arg18[%get3A_1800, %get3A_1801] {strides = array<i32>} : memref<4x256xf32, #tpu.memory_space<vmem>>, vector<16xf32>,
        %sub3A_1803 = arith.subf %get3A_1802, %mul3A_1208 : vector<16xf32>
        %mul3A_1804 = arith.mulf %sub3A_1803, %mul3A_1252 : vector<16xf32>
        %get3A_1805 = arith.constant 224 : index
        %get3A_1806 = tpu.vector_load %arg12[%get3A_1805] {strides = array<i32>} : memref<256xf32, #tpu.memory_space<vmem>>, vector<16xf32>,
        %mul3A_1807 = arith.mulf %mul3A_1804, %get3A_1806 : vector<16xf32>
        %get3A_1808 = arith.constant 224 : index
        %get3A_1809 = tpu.vector_load %arg13[%get3A_1808] {strides = array<i32>} : memref<256xf32, #tpu.memory_space<vmem>>, vector<16xf32>,
        %add3A_1810 = arith.addf %mul3A_1807, %get3A_1809 : vector<16xf32>
        %swap3A_1811 = arith.index_cast %add3A_33 : i32 to index
        %swap3A_1812 = arith.constant 224 : index
        %swap3A_1813 = tpu.vector_load %arg17[%swap3A_1811, %swap3A_1812] {strides = array<i32>} : memref<128x256xf32, #tpu.memory_space<vmem>>, vector<16xf32>,
        tpu.vector_store %arg17[%swap3A_1811, %swap3A_1812], %add3A_1810 {strides = array<i32>} : memref<128x256xf32, #tpu.memory_space<vmem>>, vector<16xf32>,
        %get3A_1814 = arith.constant 1 : i32
        %get3A_1815 = arith.index_cast %get3A_1814 : i32 to index
        %get3A_1816 = arith.constant 240 : index
        %get3A_1817 = tpu.vector_load %arg18[%get3A_1815, %get3A_1816] {strides = array<i32>} : memref<4x256xf32, #tpu.memory_space<vmem>>, vector<16xf32>,
        %sub3A_1818 = arith.subf %get3A_1817, %mul3A_1208 : vector<16xf32>
        %mul3A_1819 = arith.mulf %sub3A_1818, %mul3A_1252 : vector<16xf32>
        %get3A_1820 = arith.constant 240 : index
        %get3A_1821 = tpu.vector_load %arg12[%get3A_1820] {strides = array<i32>} : memref<256xf32, #tpu.memory_space<vmem>>, vector<16xf32>,
        %mul3A_1822 = arith.mulf %mul3A_1819, %get3A_1821 : vector<16xf32>
        %get3A_1823 = arith.constant 240 : index
        %get3A_1824 = tpu.vector_load %arg13[%get3A_1823] {strides = array<i32>} : memref<256xf32, #tpu.memory_space<vmem>>, vector<16xf32>,
        %add3A_1825 = arith.addf %mul3A_1822, %get3A_1824 : vector<16xf32>
        %swap3A_1826 = arith.index_cast %add3A_33 : i32 to index
        %swap3A_1827 = arith.constant 240 : index
        %swap3A_1828 = tpu.vector_load %arg17[%swap3A_1826, %swap3A_1827] {strides = array<i32>} : memref<128x256xf32, #tpu.memory_space<vmem>>, vector<16xf32>,
        tpu.vector_store %arg17[%swap3A_1826, %swap3A_1827], %add3A_1825 {strides = array<i32>} : memref<128x256xf32, #tpu.memory_space<vmem>>, vector<16xf32>,
        %get3A_1829 = arith.constant 2 : i32
        %get3A_1830 = arith.index_cast %get3A_1829 : i32 to index
        %get3A_1831 = arith.constant 0 : index
        %get3A_1832 = tpu.vector_load %arg18[%get3A_1830, %get3A_1831] {strides = array<i32>} : memref<4x256xf32, #tpu.memory_space<vmem>>, vector<16xf32>,
        %sub3A_1833 = arith.subf %get3A_1832, %mul3A_1256 : vector<16xf32>
        %mul3A_1834 = arith.mulf %sub3A_1833, %mul3A_1300 : vector<16xf32>
        %get3A_1835 = arith.constant 0 : index
        %get3A_1836 = tpu.vector_load %arg12[%get3A_1835] {strides = array<i32>} : memref<256xf32, #tpu.memory_space<vmem>>, vector<16xf32>,
        %mul3A_1837 = arith.mulf %mul3A_1834, %get3A_1836 : vector<16xf32>
        %get3A_1838 = arith.constant 0 : index
        %get3A_1839 = tpu.vector_load %arg13[%get3A_1838] {strides = array<i32>} : memref<256xf32, #tpu.memory_space<vmem>>, vector<16xf32>,
        %add3A_1840 = arith.addf %mul3A_1837, %get3A_1839 : vector<16xf32>
        %swap3A_1841 = arith.index_cast %add3A_40 : i32 to index
        %swap3A_1842 = arith.constant 0 : index
        %swap3A_1843 = tpu.vector_load %arg17[%swap3A_1841, %swap3A_1842] {strides = array<i32>} : memref<128x256xf32, #tpu.memory_space<vmem>>, vector<16xf32>,
        tpu.vector_store %arg17[%swap3A_1841, %swap3A_1842], %add3A_1840 {strides = array<i32>} : memref<128x256xf32, #tpu.memory_space<vmem>>, vector<16xf32>,
        %get3A_1844 = arith.constant 2 : i32
        %get3A_1845 = arith.index_cast %get3A_1844 : i32 to index
        %get3A_1846 = arith.constant 16 : index
        %get3A_1847 = tpu.vector_load %arg18[%get3A_1845, %get3A_1846] {strides = array<i32>} : memref<4x256xf32, #tpu.memory_space<vmem>>, vector<16xf32>,
        %sub3A_1848 = arith.subf %get3A_1847, %mul3A_1256 : vector<16xf32>
        %mul3A_1849 = arith.mulf %sub3A_1848, %mul3A_1300 : vector<16xf32>
        %get3A_1850 = arith.constant 16 : index
        %get3A_1851 = tpu.vector_load %arg12[%get3A_1850] {strides = array<i32>} : memref<256xf32, #tpu.memory_space<vmem>>, vector<16xf32>,
        %mul3A_1852 = arith.mulf %mul3A_1849, %get3A_1851 : vector<16xf32>
        %get3A_1853 = arith.constant 16 : index
        %get3A_1854 = tpu.vector_load %arg13[%get3A_1853] {strides = array<i32>} : memref<256xf32, #tpu.memory_space<vmem>>, vector<16xf32>,
        %add3A_1855 = arith.addf %mul3A_1852, %get3A_1854 : vector<16xf32>
        %swap3A_1856 = arith.index_cast %add3A_40 : i32 to index
        %swap3A_1857 = arith.constant 16 : index
        %swap3A_1858 = tpu.vector_load %arg17[%swap3A_1856, %swap3A_1857] {strides = array<i32>} : memref<128x256xf32, #tpu.memory_space<vmem>>, vector<16xf32>,
        tpu.vector_store %arg17[%swap3A_1856, %swap3A_1857], %add3A_1855 {strides = array<i32>} : memref<128x256xf32, #tpu.memory_space<vmem>>, vector<16xf32>,
        %get3A_1859 = arith.constant 2 : i32
        %get3A_1860 = arith.index_cast %get3A_1859 : i32 to index
        %get3A_1861 = arith.constant 32 : index
        %get3A_1862 = tpu.vector_load %arg18[%get3A_1860, %get3A_1861] {strides = array<i32>} : memref<4x256xf32, #tpu.memory_space<vmem>>, vector<16xf32>,
        %sub3A_1863 = arith.subf %get3A_1862, %mul3A_1256 : vector<16xf32>
        %mul3A_1864 = arith.mulf %sub3A_1863, %mul3A_1300 : vector<16xf32>
        %get3A_1865 = arith.constant 32 : index
        %get3A_1866 = tpu.vector_load %arg12[%get3A_1865] {strides = array<i32>} : memref<256xf32, #tpu.memory_space<vmem>>, vector<16xf32>,
        %mul3A_1867 = arith.mulf %mul3A_1864, %get3A_1866 : vector<16xf32>
        %get3A_1868 = arith.constant 32 : index
        %get3A_1869 = tpu.vector_load %arg13[%get3A_1868] {strides = array<i32>} : memref<256xf32, #tpu.memory_space<vmem>>, vector<16xf32>,
        %add3A_1870 = arith.addf %mul3A_1867, %get3A_1869 : vector<16xf32>
        %swap3A_1871 = arith.index_cast %add3A_40 : i32 to index
        %swap3A_1872 = arith.constant 32 : index
        %swap3A_1873 = tpu.vector_load %arg17[%swap3A_1871, %swap3A_1872] {strides = array<i32>} : memref<128x256xf32, #tpu.memory_space<vmem>>, vector<16xf32>,
        tpu.vector_store %arg17[%swap3A_1871, %swap3A_1872], %add3A_1870 {strides = array<i32>} : memref<128x256xf32, #tpu.memory_space<vmem>>, vector<16xf32>,
        %get3A_1874 = arith.constant 2 : i32
        %get3A_1875 = arith.index_cast %get3A_1874 : i32 to index
        %get3A_1876 = arith.constant 48 : index
        %get3A_1877 = tpu.vector_load %arg18[%get3A_1875, %get3A_1876] {strides = array<i32>} : memref<4x256xf32, #tpu.memory_space<vmem>>, vector<16xf32>,
        %sub3A_1878 = arith.subf %get3A_1877, %mul3A_1256 : vector<16xf32>
        %mul3A_1879 = arith.mulf %sub3A_1878, %mul3A_1300 : vector<16xf32>
        %get3A_1880 = arith.constant 48 : index
        %get3A_1881 = tpu.vector_load %arg12[%get3A_1880] {strides = array<i32>} : memref<256xf32, #tpu.memory_space<vmem>>, vector<16xf32>,
        %mul3A_1882 = arith.mulf %mul3A_1879, %get3A_1881 : vector<16xf32>
        %get3A_1883 = arith.constant 48 : index
        %get3A_1884 = tpu.vector_load %arg13[%get3A_1883] {strides = array<i32>} : memref<256xf32, #tpu.memory_space<vmem>>, vector<16xf32>,
        %add3A_1885 = arith.addf %mul3A_1882, %get3A_1884 : vector<16xf32>
        %swap3A_1886 = arith.index_cast %add3A_40 : i32 to index
        %swap3A_1887 = arith.constant 48 : index
        %swap3A_1888 = tpu.vector_load %arg17[%swap3A_1886, %swap3A_1887] {strides = array<i32>} : memref<128x256xf32, #tpu.memory_space<vmem>>, vector<16xf32>,
        tpu.vector_store %arg17[%swap3A_1886, %swap3A_1887], %add3A_1885 {strides = array<i32>} : memref<128x256xf32, #tpu.memory_space<vmem>>, vector<16xf32>,
        %get3A_1889 = arith.constant 2 : i32
        %get3A_1890 = arith.index_cast %get3A_1889 : i32 to index
        %get3A_1891 = arith.constant 64 : index
        %get3A_1892 = tpu.vector_load %arg18[%get3A_1890, %get3A_1891] {strides = array<i32>} : memref<4x256xf32, #tpu.memory_space<vmem>>, vector<16xf32>,
        %sub3A_1893 = arith.subf %get3A_1892, %mul3A_1256 : vector<16xf32>
        %mul3A_1894 = arith.mulf %sub3A_1893, %mul3A_1300 : vector<16xf32>
        %get3A_1895 = arith.constant 64 : index
        %get3A_1896 = tpu.vector_load %arg12[%get3A_1895] {strides = array<i32>} : memref<256xf32, #tpu.memory_space<vmem>>, vector<16xf32>,
        %mul3A_1897 = arith.mulf %mul3A_1894, %get3A_1896 : vector<16xf32>
        %get3A_1898 = arith.constant 64 : index
        %get3A_1899 = tpu.vector_load %arg13[%get3A_1898] {strides = array<i32>} : memref<256xf32, #tpu.memory_space<vmem>>, vector<16xf32>,
        %add3A_1900 = arith.addf %mul3A_1897, %get3A_1899 : vector<16xf32>
        %swap3A_1901 = arith.index_cast %add3A_40 : i32 to index
        %swap3A_1902 = arith.constant 64 : index
        %swap3A_1903 = tpu.vector_load %arg17[%swap3A_1901, %swap3A_1902] {strides = array<i32>} : memref<128x256xf32, #tpu.memory_space<vmem>>, vector<16xf32>,
        tpu.vector_store %arg17[%swap3A_1901, %swap3A_1902], %add3A_1900 {strides = array<i32>} : memref<128x256xf32, #tpu.memory_space<vmem>>, vector<16xf32>,
        %get3A_1904 = arith.constant 2 : i32
        %get3A_1905 = arith.index_cast %get3A_1904 : i32 to index
        %get3A_1906 = arith.constant 80 : index
        %get3A_1907 = tpu.vector_load %arg18[%get3A_1905, %get3A_1906] {strides = array<i32>} : memref<4x256xf32, #tpu.memory_space<vmem>>, vector<16xf32>,
        %sub3A_1908 = arith.subf %get3A_1907, %mul3A_1256 : vector<16xf32>
        %mul3A_1909 = arith.mulf %sub3A_1908, %mul3A_1300 : vector<16xf32>
        %get3A_1910 = arith.constant 80 : index
        %get3A_1911 = tpu.vector_load %arg12[%get3A_1910] {strides = array<i32>} : memref<256xf32, #tpu.memory_space<vmem>>, vector<16xf32>,
        %mul3A_1912 = arith.mulf %mul3A_1909, %get3A_1911 : vector<16xf32>
        %get3A_1913 = arith.constant 80 : index
        %get3A_1914 = tpu.vector_load %arg13[%get3A_1913] {strides = array<i32>} : memref<256xf32, #tpu.memory_space<vmem>>, vector<16xf32>,
        %add3A_1915 = arith.addf %mul3A_1912, %get3A_1914 : vector<16xf32>
        %swap3A_1916 = arith.index_cast %add3A_40 : i32 to index
        %swap3A_1917 = arith.constant 80 : index
        %swap3A_1918 = tpu.vector_load %arg17[%swap3A_1916, %swap3A_1917] {strides = array<i32>} : memref<128x256xf32, #tpu.memory_space<vmem>>, vector<16xf32>,
        tpu.vector_store %arg17[%swap3A_1916, %swap3A_1917], %add3A_1915 {strides = array<i32>} : memref<128x256xf32, #tpu.memory_space<vmem>>, vector<16xf32>,
        %get3A_1919 = arith.constant 2 : i32
        %get3A_1920 = arith.index_cast %get3A_1919 : i32 to index
        %get3A_1921 = arith.constant 96 : index
        %get3A_1922 = tpu.vector_load %arg18[%get3A_1920, %get3A_1921] {strides = array<i32>} : memref<4x256xf32, #tpu.memory_space<vmem>>, vector<16xf32>,
        %sub3A_1923 = arith.subf %get3A_1922, %mul3A_1256 : vector<16xf32>
        %mul3A_1924 = arith.mulf %sub3A_1923, %mul3A_1300 : vector<16xf32>
        %get3A_1925 = arith.constant 96 : index
        %get3A_1926 = tpu.vector_load %arg12[%get3A_1925] {strides = array<i32>} : memref<256xf32, #tpu.memory_space<vmem>>, vector<16xf32>,
        %mul3A_1927 = arith.mulf %mul3A_1924, %get3A_1926 : vector<16xf32>
        %get3A_1928 = arith.constant 96 : index
        %get3A_1929 = tpu.vector_load %arg13[%get3A_1928] {strides = array<i32>} : memref<256xf32, #tpu.memory_space<vmem>>, vector<16xf32>,
        %add3A_1930 = arith.addf %mul3A_1927, %get3A_1929 : vector<16xf32>
        %swap3A_1931 = arith.index_cast %add3A_40 : i32 to index
        %swap3A_1932 = arith.constant 96 : index
        %swap3A_1933 = tpu.vector_load %arg17[%swap3A_1931, %swap3A_1932] {strides = array<i32>} : memref<128x256xf32, #tpu.memory_space<vmem>>, vector<16xf32>,
        tpu.vector_store %arg17[%swap3A_1931, %swap3A_1932], %add3A_1930 {strides = array<i32>} : memref<128x256xf32, #tpu.memory_space<vmem>>, vector<16xf32>,
        %get3A_1934 = arith.constant 2 : i32
        %get3A_1935 = arith.index_cast %get3A_1934 : i32 to index
        %get3A_1936 = arith.constant 112 : index
        %get3A_1937 = tpu.vector_load %arg18[%get3A_1935, %get3A_1936] {strides = array<i32>} : memref<4x256xf32, #tpu.memory_space<vmem>>, vector<16xf32>,
        %sub3A_1938 = arith.subf %get3A_1937, %mul3A_1256 : vector<16xf32>
        %mul3A_1939 = arith.mulf %sub3A_1938, %mul3A_1300 : vector<16xf32>
        %get3A_1940 = arith.constant 112 : index
        %get3A_1941 = tpu.vector_load %arg12[%get3A_1940] {strides = array<i32>} : memref<256xf32, #tpu.memory_space<vmem>>, vector<16xf32>,
        %mul3A_1942 = arith.mulf %mul3A_1939, %get3A_1941 : vector<16xf32>
        %get3A_1943 = arith.constant 112 : index
        %get3A_1944 = tpu.vector_load %arg13[%get3A_1943] {strides = array<i32>} : memref<256xf32, #tpu.memory_space<vmem>>, vector<16xf32>,
        %add3A_1945 = arith.addf %mul3A_1942, %get3A_1944 : vector<16xf32>
        %swap3A_1946 = arith.index_cast %add3A_40 : i32 to index
        %swap3A_1947 = arith.constant 112 : index
        %swap3A_1948 = tpu.vector_load %arg17[%swap3A_1946, %swap3A_1947] {strides = array<i32>} : memref<128x256xf32, #tpu.memory_space<vmem>>, vector<16xf32>,
        tpu.vector_store %arg17[%swap3A_1946, %swap3A_1947], %add3A_1945 {strides = array<i32>} : memref<128x256xf32, #tpu.memory_space<vmem>>, vector<16xf32>,
        %get3A_1949 = arith.constant 2 : i32
        %get3A_1950 = arith.index_cast %get3A_1949 : i32 to index
        %get3A_1951 = arith.constant 128 : index
        %get3A_1952 = tpu.vector_load %arg18[%get3A_1950, %get3A_1951] {strides = array<i32>} : memref<4x256xf32, #tpu.memory_space<vmem>>, vector<16xf32>,
        %sub3A_1953 = arith.subf %get3A_1952, %mul3A_1256 : vector<16xf32>
        %mul3A_1954 = arith.mulf %sub3A_1953, %mul3A_1300 : vector<16xf32>
        %get3A_1955 = arith.constant 128 : index
        %get3A_1956 = tpu.vector_load %arg12[%get3A_1955] {strides = array<i32>} : memref<256xf32, #tpu.memory_space<vmem>>, vector<16xf32>,
        %mul3A_1957 = arith.mulf %mul3A_1954, %get3A_1956 : vector<16xf32>
        %get3A_1958 = arith.constant 128 : index
        %get3A_1959 = tpu.vector_load %arg13[%get3A_1958] {strides = array<i32>} : memref<256xf32, #tpu.memory_space<vmem>>, vector<16xf32>,
        %add3A_1960 = arith.addf %mul3A_1957, %get3A_1959 : vector<16xf32>
        %swap3A_1961 = arith.index_cast %add3A_40 : i32 to index
        %swap3A_1962 = arith.constant 128 : index
        %swap3A_1963 = tpu.vector_load %arg17[%swap3A_1961, %swap3A_1962] {strides = array<i32>} : memref<128x256xf32, #tpu.memory_space<vmem>>, vector<16xf32>,
        tpu.vector_store %arg17[%swap3A_1961, %swap3A_1962], %add3A_1960 {strides = array<i32>} : memref<128x256xf32, #tpu.memory_space<vmem>>, vector<16xf32>,
        %get3A_1964 = arith.constant 2 : i32
        %get3A_1965 = arith.index_cast %get3A_1964 : i32 to index
        %get3A_1966 = arith.constant 144 : index
        %get3A_1967 = tpu.vector_load %arg18[%get3A_1965, %get3A_1966] {strides = array<i32>} : memref<4x256xf32, #tpu.memory_space<vmem>>, vector<16xf32>,
        %sub3A_1968 = arith.subf %get3A_1967, %mul3A_1256 : vector<16xf32>
        %mul3A_1969 = arith.mulf %sub3A_1968, %mul3A_1300 : vector<16xf32>
        %get3A_1970 = arith.constant 144 : index
        %get3A_1971 = tpu.vector_load %arg12[%get3A_1970] {strides = array<i32>} : memref<256xf32, #tpu.memory_space<vmem>>, vector<16xf32>,
        %mul3A_1972 = arith.mulf %mul3A_1969, %get3A_1971 : vector<16xf32>
        %get3A_1973 = arith.constant 144 : index
        %get3A_1974 = tpu.vector_load %arg13[%get3A_1973] {strides = array<i32>} : memref<256xf32, #tpu.memory_space<vmem>>, vector<16xf32>,
        %add3A_1975 = arith.addf %mul3A_1972, %get3A_1974 : vector<16xf32>
        %swap3A_1976 = arith.index_cast %add3A_40 : i32 to index
        %swap3A_1977 = arith.constant 144 : index
        %swap3A_1978 = tpu.vector_load %arg17[%swap3A_1976, %swap3A_1977] {strides = array<i32>} : memref<128x256xf32, #tpu.memory_space<vmem>>, vector<16xf32>,
        tpu.vector_store %arg17[%swap3A_1976, %swap3A_1977], %add3A_1975 {strides = array<i32>} : memref<128x256xf32, #tpu.memory_space<vmem>>, vector<16xf32>,
        %get3A_1979 = arith.constant 2 : i32
        %get3A_1980 = arith.index_cast %get3A_1979 : i32 to index
        %get3A_1981 = arith.constant 160 : index
        %get3A_1982 = tpu.vector_load %arg18[%get3A_1980, %get3A_1981] {strides = array<i32>} : memref<4x256xf32, #tpu.memory_space<vmem>>, vector<16xf32>,
        %sub3A_1983 = arith.subf %get3A_1982, %mul3A_1256 : vector<16xf32>
        %mul3A_1984 = arith.mulf %sub3A_1983, %mul3A_1300 : vector<16xf32>
        %get3A_1985 = arith.constant 160 : index
        %get3A_1986 = tpu.vector_load %arg12[%get3A_1985] {strides = array<i32>} : memref<256xf32, #tpu.memory_space<vmem>>, vector<16xf32>,
        %mul3A_1987 = arith.mulf %mul3A_1984, %get3A_1986 : vector<16xf32>
        %get3A_1988 = arith.constant 160 : index
        %get3A_1989 = tpu.vector_load %arg13[%get3A_1988] {strides = array<i32>} : memref<256xf32, #tpu.memory_space<vmem>>, vector<16xf32>,
        %add3A_1990 = arith.addf %mul3A_1987, %get3A_1989 : vector<16xf32>
        %swap3A_1991 = arith.index_cast %add3A_40 : i32 to index
        %swap3A_1992 = arith.constant 160 : index
        %swap3A_1993 = tpu.vector_load %arg17[%swap3A_1991, %swap3A_1992] {strides = array<i32>} : memref<128x256xf32, #tpu.memory_space<vmem>>, vector<16xf32>,
        tpu.vector_store %arg17[%swap3A_1991, %swap3A_1992], %add3A_1990 {strides = array<i32>} : memref<128x256xf32, #tpu.memory_space<vmem>>, vector<16xf32>,
        %get3A_1994 = arith.constant 2 : i32
        %get3A_1995 = arith.index_cast %get3A_1994 : i32 to index
        %get3A_1996 = arith.constant 176 : index
        %get3A_1997 = tpu.vector_load %arg18[%get3A_1995, %get3A_1996] {strides = array<i32>} : memref<4x256xf32, #tpu.memory_space<vmem>>, vector<16xf32>,
        %sub3A_1998 = arith.subf %get3A_1997, %mul3A_1256 : vector<16xf32>
        %mul3A_1999 = arith.mulf %sub3A_1998, %mul3A_1300 : vector<16xf32>
        %get3A_2000 = arith.constant 176 : index
        %get3A_2001 = tpu.vector_load %arg12[%get3A_2000] {strides = array<i32>} : memref<256xf32, #tpu.memory_space<vmem>>, vector<16xf32>,
        %mul3A_2002 = arith.mulf %mul3A_1999, %get3A_2001 : vector<16xf32>
        %get3A_2003 = arith.constant 176 : index
        %get3A_2004 = tpu.vector_load %arg13[%get3A_2003] {strides = array<i32>} : memref<256xf32, #tpu.memory_space<vmem>>, vector<16xf32>,
        %add3A_2005 = arith.addf %mul3A_2002, %get3A_2004 : vector<16xf32>
        %swap3A_2006 = arith.index_cast %add3A_40 : i32 to index
        %swap3A_2007 = arith.constant 176 : index
        %swap3A_2008 = tpu.vector_load %arg17[%swap3A_2006, %swap3A_2007] {strides = array<i32>} : memref<128x256xf32, #tpu.memory_space<vmem>>, vector<16xf32>,
        tpu.vector_store %arg17[%swap3A_2006, %swap3A_2007], %add3A_2005 {strides = array<i32>} : memref<128x256xf32, #tpu.memory_space<vmem>>, vector<16xf32>,
        %get3A_2009 = arith.constant 2 : i32
        %get3A_2010 = arith.index_cast %get3A_2009 : i32 to index
        %get3A_2011 = arith.constant 192 : index
        %get3A_2012 = tpu.vector_load %arg18[%get3A_2010, %get3A_2011] {strides = array<i32>} : memref<4x256xf32, #tpu.memory_space<vmem>>, vector<16xf32>,
        %sub3A_2013 = arith.subf %get3A_2012, %mul3A_1256 : vector<16xf32>
        %mul3A_2014 = arith.mulf %sub3A_2013, %mul3A_1300 : vector<16xf32>
        %get3A_2015 = arith.constant 192 : index
        %get3A_2016 = tpu.vector_load %arg12[%get3A_2015] {strides = array<i32>} : memref<256xf32, #tpu.memory_space<vmem>>, vector<16xf32>,
        %mul3A_2017 = arith.mulf %mul3A_2014, %get3A_2016 : vector<16xf32>
        %get3A_2018 = arith.constant 192 : index
        %get3A_2019 = tpu.vector_load %arg13[%get3A_2018] {strides = array<i32>} : memref<256xf32, #tpu.memory_space<vmem>>, vector<16xf32>,
        %add3A_2020 = arith.addf %mul3A_2017, %get3A_2019 : vector<16xf32>
        %swap3A_2021 = arith.index_cast %add3A_40 : i32 to index
        %swap3A_2022 = arith.constant 192 : index
        %swap3A_2023 = tpu.vector_load %arg17[%swap3A_2021, %swap3A_2022] {strides = array<i32>} : memref<128x256xf32, #tpu.memory_space<vmem>>, vector<16xf32>,
        tpu.vector_store %arg17[%swap3A_2021, %swap3A_2022], %add3A_2020 {strides = array<i32>} : memref<128x256xf32, #tpu.memory_space<vmem>>, vector<16xf32>,
        %get3A_2024 = arith.constant 2 : i32
        %get3A_2025 = arith.index_cast %get3A_2024 : i32 to index
        %get3A_2026 = arith.constant 208 : index
        %get3A_2027 = tpu.vector_load %arg18[%get3A_2025, %get3A_2026] {strides = array<i32>} : memref<4x256xf32, #tpu.memory_space<vmem>>, vector<16xf32>,
        %sub3A_2028 = arith.subf %get3A_2027, %mul3A_1256 : vector<16xf32>
        %mul3A_2029 = arith.mulf %sub3A_2028, %mul3A_1300 : vector<16xf32>
        %get3A_2030 = arith.constant 208 : index
        %get3A_2031 = tpu.vector_load %arg12[%get3A_2030] {strides = array<i32>} : memref<256xf32, #tpu.memory_space<vmem>>, vector<16xf32>,
        %mul3A_2032 = arith.mulf %mul3A_2029, %get3A_2031 : vector<16xf32>
        %get3A_2033 = arith.constant 208 : index
        %get3A_2034 = tpu.vector_load %arg13[%get3A_2033] {strides = array<i32>} : memref<256xf32, #tpu.memory_space<vmem>>, vector<16xf32>,
        %add3A_2035 = arith.addf %mul3A_2032, %get3A_2034 : vector<16xf32>
        %swap3A_2036 = arith.index_cast %add3A_40 : i32 to index
        %swap3A_2037 = arith.constant 208 : index
        %swap3A_2038 = tpu.vector_load %arg17[%swap3A_2036, %swap3A_2037] {strides = array<i32>} : memref<128x256xf32, #tpu.memory_space<vmem>>, vector<16xf32>,
        tpu.vector_store %arg17[%swap3A_2036, %swap3A_2037], %add3A_2035 {strides = array<i32>} : memref<128x256xf32, #tpu.memory_space<vmem>>, vector<16xf32>,
        %get3A_2039 = arith.constant 2 : i32
        %get3A_2040 = arith.index_cast %get3A_2039 : i32 to index
        %get3A_2041 = arith.constant 224 : index
        %get3A_2042 = tpu.vector_load %arg18[%get3A_2040, %get3A_2041] {strides = array<i32>} : memref<4x256xf32, #tpu.memory_space<vmem>>, vector<16xf32>,
        %sub3A_2043 = arith.subf %get3A_2042, %mul3A_1256 : vector<16xf32>
        %mul3A_2044 = arith.mulf %sub3A_2043, %mul3A_1300 : vector<16xf32>
        %get3A_2045 = arith.constant 224 : index
        %get3A_2046 = tpu.vector_load %arg12[%get3A_2045] {strides = array<i32>} : memref<256xf32, #tpu.memory_space<vmem>>, vector<16xf32>,
        %mul3A_2047 = arith.mulf %mul3A_2044, %get3A_2046 : vector<16xf32>
        %get3A_2048 = arith.constant 224 : index
        %get3A_2049 = tpu.vector_load %arg13[%get3A_2048] {strides = array<i32>} : memref<256xf32, #tpu.memory_space<vmem>>, vector<16xf32>,
        %add3A_2050 = arith.addf %mul3A_2047, %get3A_2049 : vector<16xf32>
        %swap3A_2051 = arith.index_cast %add3A_40 : i32 to index
        %swap3A_2052 = arith.constant 224 : index
        %swap3A_2053 = tpu.vector_load %arg17[%swap3A_2051, %swap3A_2052] {strides = array<i32>} : memref<128x256xf32, #tpu.memory_space<vmem>>, vector<16xf32>,
        tpu.vector_store %arg17[%swap3A_2051, %swap3A_2052], %add3A_2050 {strides = array<i32>} : memref<128x256xf32, #tpu.memory_space<vmem>>, vector<16xf32>,
        %get3A_2054 = arith.constant 2 : i32
        %get3A_2055 = arith.index_cast %get3A_2054 : i32 to index
        %get3A_2056 = arith.constant 240 : index
        %get3A_2057 = tpu.vector_load %arg18[%get3A_2055, %get3A_2056] {strides = array<i32>} : memref<4x256xf32, #tpu.memory_space<vmem>>, vector<16xf32>,
        %sub3A_2058 = arith.subf %get3A_2057, %mul3A_1256 : vector<16xf32>
        %mul3A_2059 = arith.mulf %sub3A_2058, %mul3A_1300 : vector<16xf32>
        %get3A_2060 = arith.constant 240 : index
        %get3A_2061 = tpu.vector_load %arg12[%get3A_2060] {strides = array<i32>} : memref<256xf32, #tpu.memory_space<vmem>>, vector<16xf32>,
        %mul3A_2062 = arith.mulf %mul3A_2059, %get3A_2061 : vector<16xf32>
        %get3A_2063 = arith.constant 240 : index
        %get3A_2064 = tpu.vector_load %arg13[%get3A_2063] {strides = array<i32>} : memref<256xf32, #tpu.memory_space<vmem>>, vector<16xf32>,
        %add3A_2065 = arith.addf %mul3A_2062, %get3A_2064 : vector<16xf32>
        %swap3A_2066 = arith.index_cast %add3A_40 : i32 to index
        %swap3A_2067 = arith.constant 240 : index
        %swap3A_2068 = tpu.vector_load %arg17[%swap3A_2066, %swap3A_2067] {strides = array<i32>} : memref<128x256xf32, #tpu.memory_space<vmem>>, vector<16xf32>,
        tpu.vector_store %arg17[%swap3A_2066, %swap3A_2067], %add3A_2065 {strides = array<i32>} : memref<128x256xf32, #tpu.memory_space<vmem>>, vector<16xf32>,
        %get3A_2069 = arith.constant 3 : i32
        %get3A_2070 = arith.index_cast %get3A_2069 : i32 to index
        %get3A_2071 = arith.constant 0 : index
        %get3A_2072 = tpu.vector_load %arg18[%get3A_2070, %get3A_2071] {strides = array<i32>} : memref<4x256xf32, #tpu.memory_space<vmem>>, vector<16xf32>,
        %sub3A_2073 = arith.subf %get3A_2072, %mul3A_1304 : vector<16xf32>
        %mul3A_2074 = arith.mulf %sub3A_2073, %mul3A_1348 : vector<16xf32>
        %get3A_2075 = arith.constant 0 : index
        %get3A_2076 = tpu.vector_load %arg12[%get3A_2075] {strides = array<i32>} : memref<256xf32, #tpu.memory_space<vmem>>, vector<16xf32>,
        %mul3A_2077 = arith.mulf %mul3A_2074, %get3A_2076 : vector<16xf32>
        %get3A_2078 = arith.constant 0 : index
        %get3A_2079 = tpu.vector_load %arg13[%get3A_2078] {strides = array<i32>} : memref<256xf32, #tpu.memory_space<vmem>>, vector<16xf32>,
        %add3A_2080 = arith.addf %mul3A_2077, %get3A_2079 : vector<16xf32>
        %swap3A_2081 = arith.index_cast %add3A_47 : i32 to index
        %swap3A_2082 = arith.constant 0 : index
        %swap3A_2083 = tpu.vector_load %arg17[%swap3A_2081, %swap3A_2082] {strides = array<i32>} : memref<128x256xf32, #tpu.memory_space<vmem>>, vector<16xf32>,
        tpu.vector_store %arg17[%swap3A_2081, %swap3A_2082], %add3A_2080 {strides = array<i32>} : memref<128x256xf32, #tpu.memory_space<vmem>>, vector<16xf32>,
        %get3A_2084 = arith.constant 3 : i32
        %get3A_2085 = arith.index_cast %get3A_2084 : i32 to index
        %get3A_2086 = arith.constant 16 : index
        %get3A_2087 = tpu.vector_load %arg18[%get3A_2085, %get3A_2086] {strides = array<i32>} : memref<4x256xf32, #tpu.memory_space<vmem>>, vector<16xf32>,
        %sub3A_2088 = arith.subf %get3A_2087, %mul3A_1304 : vector<16xf32>
        %mul3A_2089 = arith.mulf %sub3A_2088, %mul3A_1348 : vector<16xf32>
        %get3A_2090 = arith.constant 16 : index
        %get3A_2091 = tpu.vector_load %arg12[%get3A_2090] {strides = array<i32>} : memref<256xf32, #tpu.memory_space<vmem>>, vector<16xf32>,
        %mul3A_2092 = arith.mulf %mul3A_2089, %get3A_2091 : vector<16xf32>
        %get3A_2093 = arith.constant 16 : index
        %get3A_2094 = tpu.vector_load %arg13[%get3A_2093] {strides = array<i32>} : memref<256xf32, #tpu.memory_space<vmem>>, vector<16xf32>,
        %add3A_2095 = arith.addf %mul3A_2092, %get3A_2094 : vector<16xf32>
        %swap3A_2096 = arith.index_cast %add3A_47 : i32 to index
        %swap3A_2097 = arith.constant 16 : index
        %swap3A_2098 = tpu.vector_load %arg17[%swap3A_2096, %swap3A_2097] {strides = array<i32>} : memref<128x256xf32, #tpu.memory_space<vmem>>, vector<16xf32>,
        tpu.vector_store %arg17[%swap3A_2096, %swap3A_2097], %add3A_2095 {strides = array<i32>} : memref<128x256xf32, #tpu.memory_space<vmem>>, vector<16xf32>,
        %get3A_2099 = arith.constant 3 : i32
        %get3A_2100 = arith.index_cast %get3A_2099 : i32 to index
        %get3A_2101 = arith.constant 32 : index
        %get3A_2102 = tpu.vector_load %arg18[%get3A_2100, %get3A_2101] {strides = array<i32>} : memref<4x256xf32, #tpu.memory_space<vmem>>, vector<16xf32>,
        %sub3A_2103 = arith.subf %get3A_2102, %mul3A_1304 : vector<16xf32>
        %mul3A_2104 = arith.mulf %sub3A_2103, %mul3A_1348 : vector<16xf32>
        %get3A_2105 = arith.constant 32 : index
        %get3A_2106 = tpu.vector_load %arg12[%get3A_2105] {strides = array<i32>} : memref<256xf32, #tpu.memory_space<vmem>>, vector<16xf32>,
        %mul3A_2107 = arith.mulf %mul3A_2104, %get3A_2106 : vector<16xf32>
        %get3A_2108 = arith.constant 32 : index
        %get3A_2109 = tpu.vector_load %arg13[%get3A_2108] {strides = array<i32>} : memref<256xf32, #tpu.memory_space<vmem>>, vector<16xf32>,
        %add3A_2110 = arith.addf %mul3A_2107, %get3A_2109 : vector<16xf32>
        %swap3A_2111 = arith.index_cast %add3A_47 : i32 to index
        %swap3A_2112 = arith.constant 32 : index
        %swap3A_2113 = tpu.vector_load %arg17[%swap3A_2111, %swap3A_2112] {strides = array<i32>} : memref<128x256xf32, #tpu.memory_space<vmem>>, vector<16xf32>,
        tpu.vector_store %arg17[%swap3A_2111, %swap3A_2112], %add3A_2110 {strides = array<i32>} : memref<128x256xf32, #tpu.memory_space<vmem>>, vector<16xf32>,
        %get3A_2114 = arith.constant 3 : i32
        %get3A_2115 = arith.index_cast %get3A_2114 : i32 to index
        %get3A_2116 = arith.constant 48 : index
        %get3A_2117 = tpu.vector_load %arg18[%get3A_2115, %get3A_2116] {strides = array<i32>} : memref<4x256xf32, #tpu.memory_space<vmem>>, vector<16xf32>,
        %sub3A_2118 = arith.subf %get3A_2117, %mul3A_1304 : vector<16xf32>
        %mul3A_2119 = arith.mulf %sub3A_2118, %mul3A_1348 : vector<16xf32>
        %get3A_2120 = arith.constant 48 : index
        %get3A_2121 = tpu.vector_load %arg12[%get3A_2120] {strides = array<i32>} : memref<256xf32, #tpu.memory_space<vmem>>, vector<16xf32>,
        %mul3A_2122 = arith.mulf %mul3A_2119, %get3A_2121 : vector<16xf32>
        %get3A_2123 = arith.constant 48 : index
        %get3A_2124 = tpu.vector_load %arg13[%get3A_2123] {strides = array<i32>} : memref<256xf32, #tpu.memory_space<vmem>>, vector<16xf32>,
        %add3A_2125 = arith.addf %mul3A_2122, %get3A_2124 : vector<16xf32>
        %swap3A_2126 = arith.index_cast %add3A_47 : i32 to index
        %swap3A_2127 = arith.constant 48 : index
        %swap3A_2128 = tpu.vector_load %arg17[%swap3A_2126, %swap3A_2127] {strides = array<i32>} : memref<128x256xf32, #tpu.memory_space<vmem>>, vector<16xf32>,
        tpu.vector_store %arg17[%swap3A_2126, %swap3A_2127], %add3A_2125 {strides = array<i32>} : memref<128x256xf32, #tpu.memory_space<vmem>>, vector<16xf32>,
        %get3A_2129 = arith.constant 3 : i32
        %get3A_2130 = arith.index_cast %get3A_2129 : i32 to index
        %get3A_2131 = arith.constant 64 : index
        %get3A_2132 = tpu.vector_load %arg18[%get3A_2130, %get3A_2131] {strides = array<i32>} : memref<4x256xf32, #tpu.memory_space<vmem>>, vector<16xf32>,
        %sub3A_2133 = arith.subf %get3A_2132, %mul3A_1304 : vector<16xf32>
        %mul3A_2134 = arith.mulf %sub3A_2133, %mul3A_1348 : vector<16xf32>
        %get3A_2135 = arith.constant 64 : index
        %get3A_2136 = tpu.vector_load %arg12[%get3A_2135] {strides = array<i32>} : memref<256xf32, #tpu.memory_space<vmem>>, vector<16xf32>,
        %mul3A_2137 = arith.mulf %mul3A_2134, %get3A_2136 : vector<16xf32>
        %get3A_2138 = arith.constant 64 : index
        %get3A_2139 = tpu.vector_load %arg13[%get3A_2138] {strides = array<i32>} : memref<256xf32, #tpu.memory_space<vmem>>, vector<16xf32>,
        %add3A_2140 = arith.addf %mul3A_2137, %get3A_2139 : vector<16xf32>
        %swap3A_2141 = arith.index_cast %add3A_47 : i32 to index
        %swap3A_2142 = arith.constant 64 : index
        %swap3A_2143 = tpu.vector_load %arg17[%swap3A_2141, %swap3A_2142] {strides = array<i32>} : memref<128x256xf32, #tpu.memory_space<vmem>>, vector<16xf32>,
        tpu.vector_store %arg17[%swap3A_2141, %swap3A_2142], %add3A_2140 {strides = array<i32>} : memref<128x256xf32, #tpu.memory_space<vmem>>, vector<16xf32>,
        %get3A_2144 = arith.constant 3 : i32
        %get3A_2145 = arith.index_cast %get3A_2144 : i32 to index
        %get3A_2146 = arith.constant 80 : index
        %get3A_2147 = tpu.vector_load %arg18[%get3A_2145, %get3A_2146] {strides = array<i32>} : memref<4x256xf32, #tpu.memory_space<vmem>>, vector<16xf32>,
        %sub3A_2148 = arith.subf %get3A_2147, %mul3A_1304 : vector<16xf32>
        %mul3A_2149 = arith.mulf %sub3A_2148, %mul3A_1348 : vector<16xf32>
        %get3A_2150 = arith.constant 80 : index
        %get3A_2151 = tpu.vector_load %arg12[%get3A_2150] {strides = array<i32>} : memref<256xf32, #tpu.memory_space<vmem>>, vector<16xf32>,
        %mul3A_2152 = arith.mulf %mul3A_2149, %get3A_2151 : vector<16xf32>
        %get3A_2153 = arith.constant 80 : index
        %get3A_2154 = tpu.vector_load %arg13[%get3A_2153] {strides = array<i32>} : memref<256xf32, #tpu.memory_space<vmem>>, vector<16xf32>,
        %add3A_2155 = arith.addf %mul3A_2152, %get3A_2154 : vector<16xf32>
        %swap3A_2156 = arith.index_cast %add3A_47 : i32 to index
        %swap3A_2157 = arith.constant 80 : index
        %swap3A_2158 = tpu.vector_load %arg17[%swap3A_2156, %swap3A_2157] {strides = array<i32>} : memref<128x256xf32, #tpu.memory_space<vmem>>, vector<16xf32>,
        tpu.vector_store %arg17[%swap3A_2156, %swap3A_2157], %add3A_2155 {strides = array<i32>} : memref<128x256xf32, #tpu.memory_space<vmem>>, vector<16xf32>,
        %get3A_2159 = arith.constant 3 : i32
        %get3A_2160 = arith.index_cast %get3A_2159 : i32 to index
        %get3A_2161 = arith.constant 96 : index
        %get3A_2162 = tpu.vector_load %arg18[%get3A_2160, %get3A_2161] {strides = array<i32>} : memref<4x256xf32, #tpu.memory_space<vmem>>, vector<16xf32>,
        %sub3A_2163 = arith.subf %get3A_2162, %mul3A_1304 : vector<16xf32>
        %mul3A_2164 = arith.mulf %sub3A_2163, %mul3A_1348 : vector<16xf32>
        %get3A_2165 = arith.constant 96 : index
        %get3A_2166 = tpu.vector_load %arg12[%get3A_2165] {strides = array<i32>} : memref<256xf32, #tpu.memory_space<vmem>>, vector<16xf32>,
        %mul3A_2167 = arith.mulf %mul3A_2164, %get3A_2166 : vector<16xf32>
        %get3A_2168 = arith.constant 96 : index
        %get3A_2169 = tpu.vector_load %arg13[%get3A_2168] {strides = array<i32>} : memref<256xf32, #tpu.memory_space<vmem>>, vector<16xf32>,
        %add3A_2170 = arith.addf %mul3A_2167, %get3A_2169 : vector<16xf32>
        %swap3A_2171 = arith.index_cast %add3A_47 : i32 to index
        %swap3A_2172 = arith.constant 96 : index
        %swap3A_2173 = tpu.vector_load %arg17[%swap3A_2171, %swap3A_2172] {strides = array<i32>} : memref<128x256xf32, #tpu.memory_space<vmem>>, vector<16xf32>,
        tpu.vector_store %arg17[%swap3A_2171, %swap3A_2172], %add3A_2170 {strides = array<i32>} : memref<128x256xf32, #tpu.memory_space<vmem>>, vector<16xf32>,
        %get3A_2174 = arith.constant 3 : i32
        %get3A_2175 = arith.index_cast %get3A_2174 : i32 to index
        %get3A_2176 = arith.constant 112 : index
        %get3A_2177 = tpu.vector_load %arg18[%get3A_2175, %get3A_2176] {strides = array<i32>} : memref<4x256xf32, #tpu.memory_space<vmem>>, vector<16xf32>,
        %sub3A_2178 = arith.subf %get3A_2177, %mul3A_1304 : vector<16xf32>
        %mul3A_2179 = arith.mulf %sub3A_2178, %mul3A_1348 : vector<16xf32>
        %get3A_2180 = arith.constant 112 : index
        %get3A_2181 = tpu.vector_load %arg12[%get3A_2180] {strides = array<i32>} : memref<256xf32, #tpu.memory_space<vmem>>, vector<16xf32>,
        %mul3A_2182 = arith.mulf %mul3A_2179, %get3A_2181 : vector<16xf32>
        %get3A_2183 = arith.constant 112 : index
        %get3A_2184 = tpu.vector_load %arg13[%get3A_2183] {strides = array<i32>} : memref<256xf32, #tpu.memory_space<vmem>>, vector<16xf32>,
        %add3A_2185 = arith.addf %mul3A_2182, %get3A_2184 : vector<16xf32>
        %swap3A_2186 = arith.index_cast %add3A_47 : i32 to index
        %swap3A_2187 = arith.constant 112 : index
        %swap3A_2188 = tpu.vector_load %arg17[%swap3A_2186, %swap3A_2187] {strides = array<i32>} : memref<128x256xf32, #tpu.memory_space<vmem>>, vector<16xf32>,
        tpu.vector_store %arg17[%swap3A_2186, %swap3A_2187], %add3A_2185 {strides = array<i32>} : memref<128x256xf32, #tpu.memory_space<vmem>>, vector<16xf32>,
        %get3A_2189 = arith.constant 3 : i32
        %get3A_2190 = arith.index_cast %get3A_2189 : i32 to index
        %get3A_2191 = arith.constant 128 : index
        %get3A_2192 = tpu.vector_load %arg18[%get3A_2190, %get3A_2191] {strides = array<i32>} : memref<4x256xf32, #tpu.memory_space<vmem>>, vector<16xf32>,
        %sub3A_2193 = arith.subf %get3A_2192, %mul3A_1304 : vector<16xf32>
        %mul3A_2194 = arith.mulf %sub3A_2193, %mul3A_1348 : vector<16xf32>
        %get3A_2195 = arith.constant 128 : index
        %get3A_2196 = tpu.vector_load %arg12[%get3A_2195] {strides = array<i32>} : memref<256xf32, #tpu.memory_space<vmem>>, vector<16xf32>,
        %mul3A_2197 = arith.mulf %mul3A_2194, %get3A_2196 : vector<16xf32>
        %get3A_2198 = arith.constant 128 : index
        %get3A_2199 = tpu.vector_load %arg13[%get3A_2198] {strides = array<i32>} : memref<256xf32, #tpu.memory_space<vmem>>, vector<16xf32>,
        %add3A_2200 = arith.addf %mul3A_2197, %get3A_2199 : vector<16xf32>
        %swap3A_2201 = arith.index_cast %add3A_47 : i32 to index
        %swap3A_2202 = arith.constant 128 : index
        %swap3A_2203 = tpu.vector_load %arg17[%swap3A_2201, %swap3A_2202] {strides = array<i32>} : memref<128x256xf32, #tpu.memory_space<vmem>>, vector<16xf32>,
        tpu.vector_store %arg17[%swap3A_2201, %swap3A_2202], %add3A_2200 {strides = array<i32>} : memref<128x256xf32, #tpu.memory_space<vmem>>, vector<16xf32>,
        %get3A_2204 = arith.constant 3 : i32
        %get3A_2205 = arith.index_cast %get3A_2204 : i32 to index
        %get3A_2206 = arith.constant 144 : index
        %get3A_2207 = tpu.vector_load %arg18[%get3A_2205, %get3A_2206] {strides = array<i32>} : memref<4x256xf32, #tpu.memory_space<vmem>>, vector<16xf32>,
        %sub3A_2208 = arith.subf %get3A_2207, %mul3A_1304 : vector<16xf32>
        %mul3A_2209 = arith.mulf %sub3A_2208, %mul3A_1348 : vector<16xf32>
        %get3A_2210 = arith.constant 144 : index
        %get3A_2211 = tpu.vector_load %arg12[%get3A_2210] {strides = array<i32>} : memref<256xf32, #tpu.memory_space<vmem>>, vector<16xf32>,
        %mul3A_2212 = arith.mulf %mul3A_2209, %get3A_2211 : vector<16xf32>
        %get3A_2213 = arith.constant 144 : index
        %get3A_2214 = tpu.vector_load %arg13[%get3A_2213] {strides = array<i32>} : memref<256xf32, #tpu.memory_space<vmem>>, vector<16xf32>,
        %add3A_2215 = arith.addf %mul3A_2212, %get3A_2214 : vector<16xf32>
        %swap3A_2216 = arith.index_cast %add3A_47 : i32 to index
        %swap3A_2217 = arith.constant 144 : index
        %swap3A_2218 = tpu.vector_load %arg17[%swap3A_2216, %swap3A_2217] {strides = array<i32>} : memref<128x256xf32, #tpu.memory_space<vmem>>, vector<16xf32>,
        tpu.vector_store %arg17[%swap3A_2216, %swap3A_2217], %add3A_2215 {strides = array<i32>} : memref<128x256xf32, #tpu.memory_space<vmem>>, vector<16xf32>,
        %get3A_2219 = arith.constant 3 : i32
        %get3A_2220 = arith.index_cast %get3A_2219 : i32 to index
        %get3A_2221 = arith.constant 160 : index
        %get3A_2222 = tpu.vector_load %arg18[%get3A_2220, %get3A_2221] {strides = array<i32>} : memref<4x256xf32, #tpu.memory_space<vmem>>, vector<16xf32>,
        %sub3A_2223 = arith.subf %get3A_2222, %mul3A_1304 : vector<16xf32>
        %mul3A_2224 = arith.mulf %sub3A_2223, %mul3A_1348 : vector<16xf32>
        %get3A_2225 = arith.constant 160 : index
        %get3A_2226 = tpu.vector_load %arg12[%get3A_2225] {strides = array<i32>} : memref<256xf32, #tpu.memory_space<vmem>>, vector<16xf32>,
        %mul3A_2227 = arith.mulf %mul3A_2224, %get3A_2226 : vector<16xf32>
        %get3A_2228 = arith.constant 160 : index
        %get3A_2229 = tpu.vector_load %arg13[%get3A_2228] {strides = array<i32>} : memref<256xf32, #tpu.memory_space<vmem>>, vector<16xf32>,
        %add3A_2230 = arith.addf %mul3A_2227, %get3A_2229 : vector<16xf32>
        %swap3A_2231 = arith.index_cast %add3A_47 : i32 to index
        %swap3A_2232 = arith.constant 160 : index
        %swap3A_2233 = tpu.vector_load %arg17[%swap3A_2231, %swap3A_2232] {strides = array<i32>} : memref<128x256xf32, #tpu.memory_space<vmem>>, vector<16xf32>,
        tpu.vector_store %arg17[%swap3A_2231, %swap3A_2232], %add3A_2230 {strides = array<i32>} : memref<128x256xf32, #tpu.memory_space<vmem>>, vector<16xf32>,
        %get3A_2234 = arith.constant 3 : i32
        %get3A_2235 = arith.index_cast %get3A_2234 : i32 to index
        %get3A_2236 = arith.constant 176 : index
        %get3A_2237 = tpu.vector_load %arg18[%get3A_2235, %get3A_2236] {strides = array<i32>} : memref<4x256xf32, #tpu.memory_space<vmem>>, vector<16xf32>,
        %sub3A_2238 = arith.subf %get3A_2237, %mul3A_1304 : vector<16xf32>
        %mul3A_2239 = arith.mulf %sub3A_2238, %mul3A_1348 : vector<16xf32>
        %get3A_2240 = arith.constant 176 : index
        %get3A_2241 = tpu.vector_load %arg12[%get3A_2240] {strides = array<i32>} : memref<256xf32, #tpu.memory_space<vmem>>, vector<16xf32>,
        %mul3A_2242 = arith.mulf %mul3A_2239, %get3A_2241 : vector<16xf32>
        %get3A_2243 = arith.constant 176 : index
        %get3A_2244 = tpu.vector_load %arg13[%get3A_2243] {strides = array<i32>} : memref<256xf32, #tpu.memory_space<vmem>>, vector<16xf32>,
        %add3A_2245 = arith.addf %mul3A_2242, %get3A_2244 : vector<16xf32>
        %swap3A_2246 = arith.index_cast %add3A_47 : i32 to index
        %swap3A_2247 = arith.constant 176 : index
        %swap3A_2248 = tpu.vector_load %arg17[%swap3A_2246, %swap3A_2247] {strides = array<i32>} : memref<128x256xf32, #tpu.memory_space<vmem>>, vector<16xf32>,
        tpu.vector_store %arg17[%swap3A_2246, %swap3A_2247], %add3A_2245 {strides = array<i32>} : memref<128x256xf32, #tpu.memory_space<vmem>>, vector<16xf32>,
        %get3A_2249 = arith.constant 3 : i32
        %get3A_2250 = arith.index_cast %get3A_2249 : i32 to index
        %get3A_2251 = arith.constant 192 : index
        %get3A_2252 = tpu.vector_load %arg18[%get3A_2250, %get3A_2251] {strides = array<i32>} : memref<4x256xf32, #tpu.memory_space<vmem>>, vector<16xf32>,
        %sub3A_2253 = arith.subf %get3A_2252, %mul3A_1304 : vector<16xf32>
        %mul3A_2254 = arith.mulf %sub3A_2253, %mul3A_1348 : vector<16xf32>
        %get3A_2255 = arith.constant 192 : index
        %get3A_2256 = tpu.vector_load %arg12[%get3A_2255] {strides = array<i32>} : memref<256xf32, #tpu.memory_space<vmem>>, vector<16xf32>,
        %mul3A_2257 = arith.mulf %mul3A_2254, %get3A_2256 : vector<16xf32>
        %get3A_2258 = arith.constant 192 : index
        %get3A_2259 = tpu.vector_load %arg13[%get3A_2258] {strides = array<i32>} : memref<256xf32, #tpu.memory_space<vmem>>, vector<16xf32>,
        %add3A_2260 = arith.addf %mul3A_2257, %get3A_2259 : vector<16xf32>
        %swap3A_2261 = arith.index_cast %add3A_47 : i32 to index
        %swap3A_2262 = arith.constant 192 : index
        %swap3A_2263 = tpu.vector_load %arg17[%swap3A_2261, %swap3A_2262] {strides = array<i32>} : memref<128x256xf32, #tpu.memory_space<vmem>>, vector<16xf32>,
        tpu.vector_store %arg17[%swap3A_2261, %swap3A_2262], %add3A_2260 {strides = array<i32>} : memref<128x256xf32, #tpu.memory_space<vmem>>, vector<16xf32>,
        %get3A_2264 = arith.constant 3 : i32
        %get3A_2265 = arith.index_cast %get3A_2264 : i32 to index
        %get3A_2266 = arith.constant 208 : index
        %get3A_2267 = tpu.vector_load %arg18[%get3A_2265, %get3A_2266] {strides = array<i32>} : memref<4x256xf32, #tpu.memory_space<vmem>>, vector<16xf32>,
        %sub3A_2268 = arith.subf %get3A_2267, %mul3A_1304 : vector<16xf32>
        %mul3A_2269 = arith.mulf %sub3A_2268, %mul3A_1348 : vector<16xf32>
        %get3A_2270 = arith.constant 208 : index
        %get3A_2271 = tpu.vector_load %arg12[%get3A_2270] {strides = array<i32>} : memref<256xf32, #tpu.memory_space<vmem>>, vector<16xf32>,
        %mul3A_2272 = arith.mulf %mul3A_2269, %get3A_2271 : vector<16xf32>
        %get3A_2273 = arith.constant 208 : index
        %get3A_2274 = tpu.vector_load %arg13[%get3A_2273] {strides = array<i32>} : memref<256xf32, #tpu.memory_space<vmem>>, vector<16xf32>,
        %add3A_2275 = arith.addf %mul3A_2272, %get3A_2274 : vector<16xf32>
        %swap3A_2276 = arith.index_cast %add3A_47 : i32 to index
        %swap3A_2277 = arith.constant 208 : index
        %swap3A_2278 = tpu.vector_load %arg17[%swap3A_2276, %swap3A_2277] {strides = array<i32>} : memref<128x256xf32, #tpu.memory_space<vmem>>, vector<16xf32>,
        tpu.vector_store %arg17[%swap3A_2276, %swap3A_2277], %add3A_2275 {strides = array<i32>} : memref<128x256xf32, #tpu.memory_space<vmem>>, vector<16xf32>,
        %get3A_2279 = arith.constant 3 : i32
        %get3A_2280 = arith.index_cast %get3A_2279 : i32 to index
        %get3A_2281 = arith.constant 224 : index
        %get3A_2282 = tpu.vector_load %arg18[%get3A_2280, %get3A_2281] {strides = array<i32>} : memref<4x256xf32, #tpu.memory_space<vmem>>, vector<16xf32>,
        %sub3A_2283 = arith.subf %get3A_2282, %mul3A_1304 : vector<16xf32>
        %mul3A_2284 = arith.mulf %sub3A_2283, %mul3A_1348 : vector<16xf32>
        %get3A_2285 = arith.constant 224 : index
        %get3A_2286 = tpu.vector_load %arg12[%get3A_2285] {strides = array<i32>} : memref<256xf32, #tpu.memory_space<vmem>>, vector<16xf32>,
        %mul3A_2287 = arith.mulf %mul3A_2284, %get3A_2286 : vector<16xf32>
        %get3A_2288 = arith.constant 224 : index
        %get3A_2289 = tpu.vector_load %arg13[%get3A_2288] {strides = array<i32>} : memref<256xf32, #tpu.memory_space<vmem>>, vector<16xf32>,
        %add3A_2290 = arith.addf %mul3A_2287, %get3A_2289 : vector<16xf32>
        %swap3A_2291 = arith.index_cast %add3A_47 : i32 to index
        %swap3A_2292 = arith.constant 224 : index
        %swap3A_2293 = tpu.vector_load %arg17[%swap3A_2291, %swap3A_2292] {strides = array<i32>} : memref<128x256xf32, #tpu.memory_space<vmem>>, vector<16xf32>,
        tpu.vector_store %arg17[%swap3A_2291, %swap3A_2292], %add3A_2290 {strides = array<i32>} : memref<128x256xf32, #tpu.memory_space<vmem>>, vector<16xf32>,
        %get3A_2294 = arith.constant 3 : i32
        %get3A_2295 = arith.index_cast %get3A_2294 : i32 to index
        %get3A_2296 = arith.constant 240 : index
        %get3A_2297 = tpu.vector_load %arg18[%get3A_2295, %get3A_2296] {strides = array<i32>} : memref<4x256xf32, #tpu.memory_space<vmem>>, vector<16xf32>,
        %sub3A_2298 = arith.subf %get3A_2297, %mul3A_1304 : vector<16xf32>
        %mul3A_2299 = arith.mulf %sub3A_2298, %mul3A_1348 : vector<16xf32>
        %get3A_2300 = arith.constant 240 : index
        %get3A_2301 = tpu.vector_load %arg12[%get3A_2300] {strides = array<i32>} : memref<256xf32, #tpu.memory_space<vmem>>, vector<16xf32>,
        %mul3A_2302 = arith.mulf %mul3A_2299, %get3A_2301 : vector<16xf32>
        %get3A_2303 = arith.constant 240 : index
        %get3A_2304 = tpu.vector_load %arg13[%get3A_2303] {strides = array<i32>} : memref<256xf32, #tpu.memory_space<vmem>>, vector<16xf32>,
        %add3A_2305 = arith.addf %mul3A_2302, %get3A_2304 : vector<16xf32>
        %swap3A_2306 = arith.index_cast %add3A_47 : i32 to index
        %swap3A_2307 = arith.constant 240 : index
        %swap3A_2308 = tpu.vector_load %arg17[%swap3A_2306, %swap3A_2307] {strides = array<i32>} : memref<128x256xf32, #tpu.memory_space<vmem>>, vector<16xf32>,
        tpu.vector_store %arg17[%swap3A_2306, %swap3A_2307], %add3A_2305 {strides = array<i32>} : memref<128x256xf32, #tpu.memory_space<vmem>>, vector<16xf32>,
      }
      %scan3A_23 = arith.constant 32 : i32
      "tpu.region"() ({
        %run_scoped3A = tpu.sem_alloc : memref<!tpu.dma_semaphore, #tpu.memory_space<semaphore_mem>>
        %dma_start3A = arith.constant 0 : i32
        %dma_start3A_24 = tpu.memref_slice %arg9[%add3A_11, %dma_start3A] : memref<57344x256xf32, #tpu.memory_space<hbm>> -> memref<128x256xf32, #tpu.memory_space<hbm>>
        %dma_start3A_25 = arith.constant 0 : i32
        %dma_start3A_26 = tpu.memref_slice %arg9[%add3A_11, %dma_start3A_25] : memref<57344x256xf32, #tpu.memory_space<hbm>> -> memref<128x256xf32, #tpu.memory_space<hbm>>
        tpu.enqueue_dma source(%arg17 : memref<128x256xf32, #tpu.memory_space<vmem>>) target(%dma_start3A_26 : memref<128x256xf32, #tpu.memory_space<hbm>>) target_semaphore(%run_scoped3A : memref<!tpu.dma_semaphore, #tpu.memory_space<semaphore_mem>>)
        %dma_wait3A = arith.constant 0 : i32
        %dma_wait3A_27 = tpu.memref_slice %arg9[%add3A_11, %dma_wait3A] : memref<57344x256xf32, #tpu.memory_space<hbm>> -> memref<128x256xf32, #tpu.memory_space<hbm>>
        %dma_wait3A_28 = arith.constant 0 : i32
        %dma_wait3A_29 = tpu.memref_slice %arg9[%add3A_11, %dma_wait3A_28] : memref<57344x256xf32, #tpu.memory_space<hbm>> -> memref<128x256xf32, #tpu.memory_space<hbm>>
        tpu.wait_dma2 semaphore(%run_scoped3A : memref<!tpu.dma_semaphore, #tpu.memory_space<semaphore_mem>>) src(%arg17 : memref<128x256xf32, #tpu.memory_space<vmem>>) dst(%dma_wait3A_29 : memref<128x256xf32, #tpu.memory_space<hbm>>)
        tpu.yield
      }) : () -> ()
    }
    %scan3A_7 = arith.constant 14 : i32
    return
  }
}

module attributes {stable_mosaic.version = 14 : i64} {
  func.func @_fused_kernel(%arg0: i32, %arg1: memref<2048x256xf32, #tpu.memory_space<vmem>>, %arg2: memref<1x2048x1xi32, #tpu.memory_space<vmem>>, %arg3: memref<1x2048x1xi32, #tpu.memory_space<vmem>>, %arg4: memref<8x256xf32, #tpu.memory_space<vmem>>, %arg5: memref<32x256xf32, #tpu.memory_space<vmem>>, %arg6: memref<1x256xf32, #tpu.memory_space<vmem>>, %arg7: memref<1x256xf32, #tpu.memory_space<vmem>>, %arg8: memref<2048x256xf32, #tpu.memory_space<vmem>>) attributes {dimension_semantics = [#tpu.dimension_semantics<arbitrary>], iteration_bounds = array<i64: 72>, scalar_prefetch = 0 : i64, scratch_operands = 0 : i64, tpu.core_type = #tpu.core_type<tc>, window_params = [{transform_indices = @transform_0, window_bounds = array<i64: 2048, 256>}, {transform_indices = @transform_1, window_bounds = array<i64: 1, 2048, 1>}, {transform_indices = @transform_2, window_bounds = array<i64: 1, 2048, 1>}, {pipeline_mode = #tpu.pipeline_mode<synchronous>, transform_indices = @transform_3, window_bounds = array<i64: 8, 256>}, {pipeline_mode = #tpu.pipeline_mode<synchronous>, transform_indices = @transform_4, window_bounds = array<i64: 32, 256>}, {pipeline_mode = #tpu.pipeline_mode<synchronous>, transform_indices = @transform_5, window_bounds = array<i64: 1, 256>}, {pipeline_mode = #tpu.pipeline_mode<synchronous>, transform_indices = @transform_6, window_bounds = array<i64: 1, 256>}, {transform_indices = @transform_7, window_bounds = array<i64: 2048, 256>}]} {
    %get3A = arith.constant 0 : index
    %get3A_0 = arith.constant 0 : index
    %get3A_1 = vector.load %arg1[%get3A, %get3A_0] : memref<2048x256xf32, #tpu.memory_space<vmem>>, vector<2048x256xf32>
    %get3A_2 = arith.constant 0 : index
    %get3A_3 = arith.constant 0 : index
    %get3A_4 = arith.constant 0 : index
    %get3A_5 = vector.load %arg2[%get3A_2, %get3A_3, %get3A_4] : memref<1x2048x1xi32, #tpu.memory_space<vmem>>, vector<1x2048x1xi32>
    %get3A_6 = vector.shape_cast %get3A_5 : vector<1x2048x1xi32> to vector<2048x1xi32>
    %get3A_7 = arith.constant 0 : index
    %get3A_8 = arith.constant 0 : index
    %get3A_9 = arith.constant 0 : index
    %get3A_10 = vector.load %arg3[%get3A_7, %get3A_8, %get3A_9] : memref<1x2048x1xi32, #tpu.memory_space<vmem>>, vector<1x2048x1xi32>
    %get3A_11 = vector.shape_cast %get3A_10 : vector<1x2048x1xi32> to vector<2048x1xi32>
    %iota3A = tpu.iota {dimensions = array<i32: 1>} : vector<2048x8xi32>
    %eq3A = vector.broadcast %get3A_6 : vector<2048x1xi32> to vector<2048x8xi32>
    %eq3A_12 = arith.cmpi eq, %eq3A, %iota3A : vector<2048x8xi32>
    %iota3A_13 = tpu.iota {dimensions = array<i32: 1>} : vector<2048x32xi32>
    %eq3A_14 = vector.broadcast %get3A_11 : vector<2048x1xi32> to vector<2048x32xi32>
    %eq3A_15 = arith.cmpi eq, %eq3A_14, %iota3A_13 : vector<2048x32xi32>
    %convert_element_type3A = arith.extui %eq3A_12 : vector<2048x8xi1> to vector<2048x8xi32>
    %convert_element_type3A_16 = arith.sitofp %convert_element_type3A : vector<2048x8xi32> to vector<2048x8xf32>
    %convert_element_type3A_17 = arith.truncf %convert_element_type3A_16 : vector<2048x8xf32> to vector<2048x8xbf16>
    %convert_element_type3A_18 = arith.extui %eq3A_15 : vector<2048x32xi1> to vector<2048x32xi32>
    %convert_element_type3A_19 = arith.sitofp %convert_element_type3A_18 : vector<2048x32xi32> to vector<2048x32xf32>
    %convert_element_type3A_20 = arith.truncf %convert_element_type3A_19 : vector<2048x32xf32> to vector<2048x32xbf16>
    %get3A_21 = arith.constant 0 : index
    %get3A_22 = arith.constant 0 : index
    %get3A_23 = vector.load %arg4[%get3A_21, %get3A_22] : memref<8x256xf32, #tpu.memory_space<vmem>>, vector<8x256xf32>
    %get3A_24 = arith.constant 0 : index
    %get3A_25 = arith.constant 0 : index
    %get3A_26 = vector.load %arg5[%get3A_24, %get3A_25] : memref<32x256xf32, #tpu.memory_space<vmem>>, vector<32x256xf32>
    %convert_element_type3A_27 = arith.truncf %get3A_23 : vector<8x256xf32> to vector<8x256xbf16>
    %convert_element_type3A_28 = arith.extf %convert_element_type3A_27 : vector<8x256xbf16> to vector<8x256xf32>
    %sub3A = arith.subf %get3A_23, %convert_element_type3A_28 : vector<8x256xf32>
    %convert_element_type3A_29 = arith.truncf %sub3A : vector<8x256xf32> to vector<8x256xbf16>
    %convert_element_type3A_30 = arith.truncf %get3A_26 : vector<32x256xf32> to vector<32x256xbf16>
    %convert_element_type3A_31 = arith.extf %convert_element_type3A_30 : vector<32x256xbf16> to vector<32x256xf32>
    %sub3A_32 = arith.subf %get3A_26, %convert_element_type3A_31 : vector<32x256xf32>
    %convert_element_type3A_33 = arith.truncf %sub3A_32 : vector<32x256xf32> to vector<32x256xbf16>
    %dot_general3A = arith.constant dense<0.000000e+00> : vector<2048x256xf32>
    %dot_general3A_34 = tpu.matmul %convert_element_type3A_17, %convert_element_type3A_27, %dot_general3A {dimension_numbers = #tpu.dot_dimension_numbers<[1], [0], [0], [1], [0, 0, 1, 1], [], []>, transpose_lhs_hint = false} : vector<2048x8xbf16>, vector<8x256xbf16>, vector<2048x256xf32> -> vector<2048x256xf32>
    %add3A = arith.addf %get3A_1, %dot_general3A_34 : vector<2048x256xf32>
    %dot_general3A_35 = arith.constant dense<0.000000e+00> : vector<2048x256xf32>
    %dot_general3A_36 = tpu.matmul %convert_element_type3A_17, %convert_element_type3A_29, %dot_general3A_35 {dimension_numbers = #tpu.dot_dimension_numbers<[1], [0], [0], [1], [0, 0, 1, 1], [], []>, transpose_lhs_hint = false} : vector<2048x8xbf16>, vector<8x256xbf16>, vector<2048x256xf32> -> vector<2048x256xf32>
    %add3A_37 = arith.addf %add3A, %dot_general3A_36 : vector<2048x256xf32>
    %dot_general3A_38 = arith.constant dense<0.000000e+00> : vector<2048x256xf32>
    %dot_general3A_39 = tpu.matmul %convert_element_type3A_20, %convert_element_type3A_30, %dot_general3A_38 {dimension_numbers = #tpu.dot_dimension_numbers<[1], [0], [0], [1], [0, 0, 1, 1], [], []>, transpose_lhs_hint = false} : vector<2048x32xbf16>, vector<32x256xbf16>, vector<2048x256xf32> -> vector<2048x256xf32>
    %add3A_40 = arith.addf %add3A_37, %dot_general3A_39 : vector<2048x256xf32>
    %dot_general3A_41 = arith.constant dense<0.000000e+00> : vector<2048x256xf32>
    %dot_general3A_42 = tpu.matmul %convert_element_type3A_20, %convert_element_type3A_33, %dot_general3A_41 {dimension_numbers = #tpu.dot_dimension_numbers<[1], [0], [0], [1], [0, 0, 1, 1], [], []>, transpose_lhs_hint = false} : vector<2048x32xbf16>, vector<32x256xbf16>, vector<2048x256xf32> -> vector<2048x256xf32>
    %add3A_43 = arith.addf %add3A_40, %dot_general3A_42 : vector<2048x256xf32>
    %reduce_sum3A = arith.constant dense<0.000000e+00> : vector<2048xf32>
    %reduce_sum3A_44 = vector.multi_reduction <add>, %add3A_43, %reduce_sum3A [1] : vector<2048x256xf32> to vector<2048xf32>
    %broadcast_in_dim3A = vector.shape_cast %reduce_sum3A_44 : vector<2048xf32> to vector<2048x1xf32>
    %mul3A = arith.constant 3.906250e-03 : f32
    %mul3A_45 = vector.broadcast %mul3A : f32 to vector<2048x1xf32>
    %mul3A_46 = arith.mulf %broadcast_in_dim3A, %mul3A_45 : vector<2048x1xf32>
    %mul3A_47 = arith.mulf %add3A_43, %add3A_43 : vector<2048x256xf32>
    %reduce_sum3A_48 = arith.constant dense<0.000000e+00> : vector<2048xf32>
    %reduce_sum3A_49 = vector.multi_reduction <add>, %mul3A_47, %reduce_sum3A_48 [1] : vector<2048x256xf32> to vector<2048xf32>
    %broadcast_in_dim3A_50 = vector.shape_cast %reduce_sum3A_49 : vector<2048xf32> to vector<2048x1xf32>
    %mul3A_51 = arith.constant 3.906250e-03 : f32
    %mul3A_52 = vector.broadcast %mul3A_51 : f32 to vector<2048x1xf32>
    %mul3A_53 = arith.mulf %broadcast_in_dim3A_50, %mul3A_52 : vector<2048x1xf32>
    %mul3A_54 = arith.mulf %mul3A_46, %mul3A_46 : vector<2048x1xf32>
    %sub3A_55 = arith.subf %mul3A_53, %mul3A_54 : vector<2048x1xf32>
    %add3A_56 = arith.constant 9.99999974E-6 : f32
    %add3A_57 = vector.broadcast %add3A_56 : f32 to vector<2048x1xf32>
    %add3A_58 = arith.addf %sub3A_55, %add3A_57 : vector<2048x1xf32>
    %rsqrt3A = math.rsqrt %add3A_58 : vector<2048x1xf32>
    %get3A_59 = arith.constant 0 : index
    %get3A_60 = arith.constant 0 : index
    %get3A_61 = vector.load %arg6[%get3A_59, %get3A_60] : memref<1x256xf32, #tpu.memory_space<vmem>>, vector<1x256xf32>
    %get3A_62 = arith.constant 0 : index
    %get3A_63 = arith.constant 0 : index
    %get3A_64 = vector.load %arg7[%get3A_62, %get3A_63] : memref<1x256xf32, #tpu.memory_space<vmem>>, vector<1x256xf32>
    %mul3A_65 = vector.broadcast %rsqrt3A : vector<2048x1xf32> to vector<2048x256xf32>
    %mul3A_66 = vector.broadcast %get3A_61 : vector<1x256xf32> to vector<2048x256xf32>
    %mul3A_67 = arith.mulf %mul3A_65, %mul3A_66 : vector<2048x256xf32>
    %mul3A_68 = arith.mulf %mul3A_46, %rsqrt3A : vector<2048x1xf32>
    %mul3A_69 = vector.broadcast %mul3A_68 : vector<2048x1xf32> to vector<2048x256xf32>
    %mul3A_70 = vector.broadcast %get3A_61 : vector<1x256xf32> to vector<2048x256xf32>
    %mul3A_71 = arith.mulf %mul3A_69, %mul3A_70 : vector<2048x256xf32>
    %sub3A_72 = vector.broadcast %get3A_64 : vector<1x256xf32> to vector<2048x256xf32>
    %sub3A_73 = arith.subf %sub3A_72, %mul3A_71 : vector<2048x256xf32>
    %mul3A_74 = arith.mulf %add3A_43, %mul3A_67 : vector<2048x256xf32>
    %add3A_75 = arith.addf %mul3A_74, %sub3A_73 : vector<2048x256xf32>
    %swap3A = arith.constant 0 : index
    %swap3A_76 = arith.constant 0 : index
    %swap3A_77 = vector.load %arg8[%swap3A, %swap3A_76] : memref<2048x256xf32, #tpu.memory_space<vmem>>, vector<2048x256xf32>
    tpu.vector_store %arg8[%swap3A, %swap3A_76], %add3A_75 {strides = array<i32>} : memref<2048x256xf32, #tpu.memory_space<vmem>>, vector<2048x256xf32>,
    return
  }
  func.func @transform_0(%arg0: i32) -> (i32, i32) {
    %c0_i32 = arith.constant 0 : i32
    %c0_i32_0 = arith.constant 0 : i32
    return %arg0, %c0_i32 : i32, i32
  }
  func.func @transform_1(%arg0: i32) -> (i32, i32, i32) {
    %c0_i32 = arith.constant 0 : i32
    %c0_i32_0 = arith.constant 0 : i32
    %c0_i32_1 = arith.constant 0 : i32
    return %arg0, %c0_i32, %c0_i32_0 : i32, i32, i32
  }
  func.func @transform_2(%arg0: i32) -> (i32, i32, i32) {
    %c0_i32 = arith.constant 0 : i32
    %c0_i32_0 = arith.constant 0 : i32
    %c0_i32_1 = arith.constant 0 : i32
    return %arg0, %c0_i32, %c0_i32_0 : i32, i32, i32
  }
  func.func @transform_3(%arg0: i32) -> (i32, i32) {
    %c0_i32 = arith.constant 0 : i32
    %c0_i32_0 = arith.constant 0 : i32
    %c0_i32_1 = arith.constant 0 : i32
    return %c0_i32, %c0_i32_0 : i32, i32
  }
  func.func @transform_4(%arg0: i32) -> (i32, i32) {
    %c0_i32 = arith.constant 0 : i32
    %c0_i32_0 = arith.constant 0 : i32
    %c0_i32_1 = arith.constant 0 : i32
    return %c0_i32, %c0_i32_0 : i32, i32
  }
  func.func @transform_5(%arg0: i32) -> (i32, i32) {
    %c0_i32 = arith.constant 0 : i32
    %c0_i32_0 = arith.constant 0 : i32
    %c0_i32_1 = arith.constant 0 : i32
    return %c0_i32, %c0_i32_0 : i32, i32
  }
  func.func @transform_6(%arg0: i32) -> (i32, i32) {
    %c0_i32 = arith.constant 0 : i32
    %c0_i32_0 = arith.constant 0 : i32
    %c0_i32_1 = arith.constant 0 : i32
    return %c0_i32, %c0_i32_0 : i32, i32
  }
  func.func @transform_7(%arg0: i32) -> (i32, i32) {
    %c0_i32 = arith.constant 0 : i32
    %c0_i32_0 = arith.constant 0 : i32
    return %arg0, %c0_i32 : i32, i32
  }
}

</mosaic_0001>

<sc_bundles>
// kernel: _run_hybrid.4.cloned.1.call-start
scs
__scs_entry_jumppad:
0x0: {  	(pc) =	sbr.rel $0x88, $3  }
0x1: {  	(tag) =	ssettag $0x0;
	lr =	simm.s32 $0x1  }
0x2: {  	[smem:$0x3F98] =	sst lr;
	_ =	strace $0xD0000000  }
0x3: {  	_ = 	snop  }
0x4: {  	_ = 	snop  }
0x5: {  	_ = 	snop  }
0x6: {  	_ = 	snop  }
0x7: {  	_ = 	snop  }
__scs_overlays_trampoline_lowered:
0x8: {  	[smem:$0x3FA7] =	sst s0  }
0x9: {  	[smem:$0x3FA8] =	sst s1  }
0xa: {  	[smem:$0x3FA9] =	sst s2  }
0xb: {  	[smem:$0x3FAA] =	sst s3  }
0xc: {  	[smem:$0x3FAB] =	sst s4  }
0xd: {  	[smem:$0x3FAC] =	sst s5  }
0xe: {  	[smem:$0x3FAD] =	sst s6  }
0xf: {  	[smem:$0x3FAE] =	sst s7  }
0x10: {  	[smem:$0x3FAF] =	sst s8  }
0x11: {  	[smem:$0x3FB0] =	sst s9;
	s0 =	simm.s32 @!p0 $0x0  }
0x12: {  	s1 =	sld [smem:$0x3F96];
	s0 =	simm.s32 @p0 $0x1  }
0x13: {  	[smem:$0x3FB1] =	sst s0;
	s0 =	simm.s32 @!p1 $0x0  }
0x14: {  	s2 =	sld [smem:$0x3F95];
	s0 =	simm.s32 @p1 $0x1  }
0x15: {  	[smem:$0x3FB2] =	sst s0;
	s0 =	simm.s32 @!p2 $0x0  }
0x16: {  	s3 =	sld [smem:$0x3FDB];
	s0 =	simm.s32 @p2 $0x1  }
0x17: {  	s4 =	simm.s32 $0x1BF5;
	[smem:$0x3FB4] =	sst s0  }
0x18: {  	s0 =	sld [smem:$0x3F97];
	_ =	swait.ge [sflag:s4], $0x0  }
0x19: {  	s7 =	sld [smem:$0x3F98]  }
0x1a: {  	s8 =	sadd.s32 $0xFFFFE003, lr  }
0x1b: {  	s9 =	sadd.s32 $0xFFFFFEF7, lr;
	s5 =	simm.s32 $0xFFFFFFFF;
	p2 =	slt.u32 s8, $0xFFFFF086  }
0x1c: {  	p1 =	slt.u32 s9, $0xF7A;
	s5 =	simm.s32 @!p2 $0x0  }
0x1d: {  	s5 =	simm.s32 @p1 $0x1;
	p0 =	seq.s32 s7, s2  }
0x1e: {  	s7 =	smul.u32 @!p0 $0xF7A, s2;
	p2 =	seq.s32 @!p0 s5, $0x0  }
0x1f: {  	s9 =	smul.u32 $0xF7A, s1;
	s8 =	simm.s32 @!p0 $0x1BF5;
	p2 =	por !p2, p0  }
0x20: {  	[sflag:s8] =	ssyncset.s32 @!p0 $0xFFFFF086;
	s6 =	sadd.s32 @!p0 s3, s7;
	s7 =	simm.s32 @!p0 $0x108  }
0x21: {  	s3 =	sadd.s32 s3, s9;
	s6 =	sadd.s32 @!p0 $0x88, s6;
	s7 =	simm.s32 @p2 $0x1082  }
0x22: {  	[simem:s7], [sflag:s8] =	dma.local @!p0 [hbm:s6], $0xF7A  }
0x23: {  	s9 =	sor.u32 $0xD0000000, s2;
	s6 =	simm.s32 $0x108;
	_ =	swait.ge @!p0 [sflag:s8], $0x0  }
0x24: {  	s3 =	sadd.s32 $0x88, s3;
	s6 =	simm.s32 @!p1 $0x1082;
	[sflag:s4] =	ssyncset.s32 $0xFFFFF086  }
0x25: {  	[simem:s6], [sflag:s4] =	dma.local [hbm:s3], $0xF7A  }
0x26: {  	[smem:$0x3F98] =	sst s1;
	(tag) =	ssettag s2;
	_ =	strace s9  }
0x27: {  	s1 =	sld [smem:$0x3FA8]  }
0x28: {  	s2 =	sld [smem:$0x3FA9]  }
0x29: {  	s4 =	sld [smem:$0x3FAB]  }
0x2a: {  	p0 =	seq.s32 s5, $0x0;
	s5 =	sld [smem:$0x3FAC]  }
0x2b: {  	s6 =	sld [smem:$0x3FAD]  }
0x2c: {  	s7 =	sld [smem:$0x3FAE]  }
0x2d: {  	s3 =	simm.s32 $0x108;
	s8 =	sld [smem:$0x3FAF]  }
0x2e: {  	s3 =	simm.s32 @!p0 $0x1082;
	s9 =	sld [smem:$0x3FB0]  }
0x2f: {  	lr =	sadd.s32 s0, s3;
	s0 =	sld [smem:$0x3FA7]  }
0x30: {  	s3 =	sld [smem:$0x3FAA]  }
0x31: {  	[smem:$0x3FB3] =	sst s10  }
0x32: {  	s10 =	sld [smem:$0x3FB1];
	_ =	sdelay $0x3  }
0x33: {  	p0 =	seq.s32 s10, $0x1;
	s10 =	sld [smem:$0x3FB3];
	_ =	sdelay $0x3  }
0x34: {  	[smem:$0x3FB3] =	sst s10  }
0x35: {  	s10 =	sld [smem:$0x3FB2];
	_ =	sdelay $0x3  }
0x36: {  	p1 =	seq.s32 s10, $0x1;
	s10 =	sld [smem:$0x3FB3];
	_ =	sdelay $0x3  }
0x37: {  	[smem:$0x3FB3] =	sst s10  }
0x38: {  	s10 =	sld [smem:$0x3FB4]  }
0x39: {  	_ = 	snop;
	(pc) =	sbr.ind lr, $3  }
0x3a: {  	_ = 	snop  }
0x3b: {  	_ = 	snop  }
0x3c: {  	p2 =	seq.s32 s10, $0x1;
	s10 =	sld [smem:$0x3FB3]  }
0x3d: {  	_ =	shalt  }
0x3e: {  	_ =	shalt  }
0x3f: {  	_ =	shalt  }
0x40: {  	_ =	shalt  }
0x41: {  	_ =	shalt  }
0x42: {  	_ =	shalt  }
0x43: {  	_ =	shalt  }
0x44: {  	_ =	shalt  }
0x45: {  	_ =	shalt  }
0x46: {  	_ =	shalt  }
0x47: {  	_ =	shalt  }
0x48: {  	_ =	shalt  }
0x49: {  	_ =	shalt  }
0x4a: {  	_ =	shalt  }
0x4b: {  	_ =	shalt  }
0x4c: {  	_ =	shalt  }
0x4d: {  	_ =	shalt  }
0x4e: {  	_ =	shalt  }
0x4f: {  	_ =	shalt  }
0x50: {  	_ =	shalt  }
0x51: {  	_ =	shalt  }
0x52: {  	_ =	shalt  }
0x53: {  	_ =	shalt  }
0x54: {  	_ =	shalt  }
0x55: {  	_ =	shalt  }
0x56: {  	_ =	shalt  }
0x57: {  	_ =	shalt  }
0x58: {  	_ =	shalt  }
0x59: {  	_ =	shalt  }
0x5a: {  	_ =	shalt  }
0x5b: {  	_ =	shalt  }
0x5c: {  	_ =	shalt  }
0x5d: {  	_ =	shalt  }
0x5e: {  	_ =	shalt  }
0x5f: {  	_ =	shalt  }
0x60: {  	_ =	shalt  }
0x61: {  	_ =	shalt  }
0x62: {  	_ =	shalt  }
0x63: {  	_ =	shalt  }
0x64: {  	_ =	shalt  }
0x65: {  	_ =	shalt  }
0x66: {  	_ =	shalt  }
0x67: {  	_ =	shalt  }
0x68: {  	_ =	shalt  }
0x69: {  	_ =	shalt  }
0x6a: {  	_ =	shalt  }
0x6b: {  	_ =	shalt  }
0x6c: {  	_ =	shalt  }
0x6d: {  	_ =	shalt  }
0x6e: {  	_ =	shalt  }
0x6f: {  	_ =	shalt  }
0x70: {  	_ =	shalt  }
0x71: {  	_ =	shalt  }
0x72: {  	_ =	shalt  }
0x73: {  	_ =	shalt  }
0x74: {  	_ =	shalt  }
0x75: {  	_ =	shalt  }
0x76: {  	_ =	shalt  }
0x77: {  	_ =	shalt  }
0x78: {  	_ =	shalt  }
0x79: {  	_ =	shalt  }
0x7a: {  	_ =	shalt  }
0x7b: {  	_ =	shalt  }
0x7c: {  	_ =	shalt  }
0x7d: {  	_ =	shalt  }
0x7e: {  	_ =	shalt  }
0x7f: {  	_ =	shalt  }
0x80: {  	_ =	shalt  }
0x81: {  	_ =	shalt  }
0x82: {  	_ =	shalt  }
0x83: {  	_ =	shalt  }
0x84: {  	_ =	shalt  }
0x85: {  	_ =	shalt  }
0x86: {  	_ =	shalt  }
0x87: {  	_ =	shalt  }
.Lfunc_end0:
.L_simem_size_0:
called_computation_lowered:
.L_overlay_start_0:
0x88: {  	s2 =	sld [smem:$0x3FD9]  }
0x89: {  	s3 =	sld [smem:$0x3FFE];
	_ =	sdelay $0x1  }
0x8a: {  	s1 =	srdreg.scid  }
0x8b: {  	s0 =	sand.u32 $0x1, s1  }
0x8c: {  	s17 =	sshll.u32 s0, $0xA;
	s2 =	sadd.s32 s3, s2  }
0x8d: {  	s2 =	sadd.s32 s2, s17  }
0x8e: {  	[smem:$0x3FBF] =	sst s2  }
0x8f: {  	_ = 	snop  }
0x90: {  	s2 =	sld [smem:$0x3FC9]  }
0x91: {  	s18 =	sld [smem:$0x3FC8]  }
0x92: {  	s4 =	sld [smem:$0x3FC7]  }
0x93: {  	s5 =	sld [smem:$0x3FC4]  }
0x94: {  	s6 =	sld [smem:$0x3FC3]  }
0x95: {  	s7 =	sld [smem:$0x3FC2]  }
0x96: {  	s8 =	sld [smem:$0x3FC1];
	(tm) =	ssettm $0x1  }
0x97: {  	s9 =	sld [smem:$0x3FFB];
	_ =	sdelay $0x3  }
0x98: {  	_ =	strace s9  }
0x99: {  	s9 =	sld [smem:$0x3FFC];
	_ =	sdelay $0x3  }
0x9a: {  	_ =	strace s9  }
0x9b: {  	s9 =	sld [smem:$0x3FFD];
	_ =	sdelay $0x3  }
0x9c: {  	_ =	strace s9  }
0x9d: {  	_ =	strace $0x8FFFFFFF  }
0x9e: {  	s19 =	sld [smem:$0x3FDB];
	_ =	sdelay $0x1  }
0x9f: {  	s10 =	simm.s32 $_scs_section_size  }
0xa0: {  	s11 =	simm.s32 $_size__tile_overlayer_lowered;
	s12 =	simm.s32 $_tile_overlayer_lowered  }
0xa1: {  	s22 =	simm.s32 $0x1BFF;
	s21 =	sshll.u32 s12, $0x1;
	s9 =	sadd.s32 s10, s19  }
0xa2: {  	s13 =	simm.s32 $0x0;
	s20 =	sshll.u32 s11, $0x1;
	s11 =	sadd.s32 s21, s9  }
0xa3: {  	[timem:s13], [sflag:s22] =	dma.local [hbm:s11], s20  }
0xa4: {  	_ =	swait.ge [sflag:s22], s20  }
0xa5: {  	s10 =	ssub.s32 $0x0, s20;
	[sflag:s22] =	ssyncset.done $0x0  }
0xa6: {  	[sflag:s22] =	ssyncadd.s32 s10;
	_ =	sdelay $0x1  }
0xa7: {  	s23 =	simm.s32 $0x1B8B  }
0xa8: {  	_ =	swait.ge [sflag:s23], $0x1  }
0xa9: {  	[sflag:s23] =	ssyncset.done $0x0  }
0xaa: {  	s25 =	simm.s32 $0x1B8E;
	s24 =	sld [smem:$0x3FFE];
	[sflag:s23] =	ssyncadd.s32 $0xFFFFFFFF  }
0xab: {  	s26 =	simm.s32 $execute0_lowered;
	[smem:$0x3FD2] =	sst s25  }
0xac: {  	s11 =	sshll.u32 s26, $0x1;
	_ =	strace $0x80000046;
	[dreg:$0x1] =	wrdreg $0xFFFFFFFF  }
0xad: {  	s28 =	simm.s32 $_size_execute0_lowered;
	s9 =	sadd.s32 s9, s11;
	[dreg:$0x0] =	wrdreg $0x0  }
0xae: {  	s11 =	sshll.u32 s28, $0x1;
	[dreg:$0x2] =	wrdreg s9  }
0xaf: {  	[dreg:$0x3] =	wrdreg s11  }
0xb0: {  	[dreg:$0x4] =	wrdreg $0xC0  }
0xb1: {  	_ =	task [dreg:s13], $0x5FFFF  }
0xb2: {  	[dreg:$0x1] =	wrdreg $0xFFFFFFFF  }
0xb3: {  	[dreg:$0x0] =	wrdreg $0x60  }
0xb4: {  	[dreg:$0x2] =	wrdreg s2  }
0xb5: {  	[dreg:$0x3] =	wrdreg s18  }
0xb6: {  	[dreg:$0x4] =	wrdreg s4  }
0xb7: {  	[dreg:$0x5] =	wrdreg s5  }
0xb8: {  	[dreg:$0x6] =	wrdreg s6  }
0xb9: {  	[dreg:$0x7] =	wrdreg s7  }
0xba: {  	[dreg:$0x8] =	wrdreg s8  }
0xbb: {  	[dreg:$0x9] =	wrdreg s24  }
0xbc: {  	[dreg:$0xa] =	wrdreg $0x9  }
0xbd: {  	_ =	task.clear_ibuf [dreg:s13], $0xBFFFF;
	_ =	strace $0x90000046  }
0xbe: {  	s29 =	simm.s32 $0x9;
	_ =	strace $0x80000048  }
0xbf: {  	_ =	swait.ge [sflag:s29], $0x1  }
0xc0: {  	[sflag:s29] =	ssyncadd.s32 $0xFFFFFFFF  }
0xc1: {  	_ =	strace $0x90000048  }
0xc2: {  	_ =	sfence  }
0xc3: {  	s30 =	sld [smem:$0x0];
	_ =	sdelay $0x2  }
0xc4: {  	s31 =	sshll.u32 s1, $0xD;
	s1 =	sshrl.u32 s1, $0x2  }
0xc5: {  	s3 =	sand.u32 $0x4000, s31;
	s1 =	sadd.s32 s1, s30  }
0xc6: {  	s0 =	sor.u32 s3, s0;
	s1 =	sshll.u32 s1, $0x11  }
0xc7: {  	s0 =	sor.u32 s1, s0  }
0xc8: {  	s0 =	sadd.s32 $0x8F2B, s0  }
0xc9: {  	[sflag:s0] =	ssyncadd.remote.s32 $0x1  }
0xca: {  	_ =	sfence.sel $0xFFFF  }
0xcb: {  	[dreg:$0x0] =	wrdreg $0xFFFFFFFF;
	(pc) =	sbr.abs _section_cstart, $3  }
0xcc: {  	[dreg:$0x1] =	wrdreg $0xFFFFFFFF  }
0xcd: {  	_ =	task.clear_ibuf [dreg:s13], $0x2FFFF;
	_ =	strace $0x9FFFFFFF  }
0xce: {  	(tm) =	ssettm $0x7FFFFFFF  }
0xcf: {  	_ =	shalt  }
tec
execute0_lowered:
.L_overlay_start_1:
0x0: {  	(tag) =	ssettag $0x1  }
0x1: {  	s0 =	rddreg [dreg:$0x7];
	s1 =	srdreg.scid  }
0x2: {  	s9 =	simm.s32 $0x0;
	s4 =	stileid.u32;
	s14 =	simm.s32 $0x800  }
0x3: {  	v10 =	vlaneseq.u32;
	s5 =	simm.s32 $0xA280;
	s1 =	sand.u32 $0x1, s1;
	s4 =	sshll.u32 s4, $0x1  }
0x4: {  	[smem:$0x7FF] =	sst s9;
	v11 =	vor.u32 $0x10, v10;
	v12 =	vor.u32 $0x20, v10;
	v13 =	vor.u32 $0x30, v10;
	s2 =	ssub.s32 $0x2, s1;
	s1 =	sor.u32 s1, s4  }
0x5: {  	s0 =	sadd.s32 $0x1000, s0;
	v14 =	vor.u32 $0x40, v10;
	v15 =	vor.u32 $0x50, v10;
	v41 =	vor.u32 $0x60, v10;
	s3 =	sshrl.u32 s2, $0x1;
	s30 =	smul.u32 $0x700, s1  }
0x6: {  	v39 =	vor.u32 $0x70, v10;
	v38 =	vor.u32 $0x400, v10;
	v31 =	vor.u32 $0x410, v10;
	_ =	strace $0x80000047;
	[dreg:$0x9] =	wrdreg s0;
	s2 =	ssub.s32 s2, s3  }
0x7: {  	v37 =	vor.u32 $0x420, v10;
	v26 =	vor.u32 $0x430, v10;
	v27 =	vor.u32 $0x440, v10;
	s4 =	simm.s32 $0xA200;
	[dreg:$0xa] =	wrdreg s30;
	s31 =	smax.u32 s2, $0x1  }
0x8: {  	v28 =	vor.u32 $0x450, v10;
	v32 =	vor.u32 $0x460, v10;
	v8 =	vor.u32 $0x470, v10;
	s1 =	simm.s32 $0x0;
	s3 =	simm.s32 $0x1;
	[dreg:$0xb] =	wrdreg s31  }
.LBB2_1:
0x9: {  	[dreg:$0xc] =	wrdreg s1  }
0xa: {  	s0 =	rddreg [dreg:$0x3]  }
0xb: {  	[tilespmem:s9], [sflag:$0x1] =	stream.linear.gather [hbm4b:s0+s9], $0x800, $0x38;
	[tilespmem:$0x12700] =	vst v63  }
0xc: {  	_ =	swait.ge [sflag:s3], $0x800  }
0xd: {  	[sflag:s3] =	ssyncset.done $0x0  }
0xe: {  	[sflag:s3] =	ssyncadd.s32 $0xFFFFF800  }
0xf: {  	s26 =	rddreg [dreg:$0x4]  }
0x10: {  	[tilespmem:s14], [sflag:$0x1] =	stream.linear.gather [hbm4b:s26+s9], $0x1800, $0x38;
	[tilespmem:$0x12700] =	vst v63  }
0x11: {  	_ =	swait.ge [sflag:s3], $0x1800  }
0x12: {  	[sflag:s3] =	ssyncset.done $0x0  }
0x13: {  	[sflag:s3] =	ssyncadd.s32 $0xFFFFE800  }
0x14: {  	s29 =	simm.s32 $0x2000;
	s28 =	rddreg [dreg:$0x5]  }
0x15: {  	[tilespmem:s29], [sflag:$0x1] =	stream.linear.gather [hbm4b:s28+s9], $0x100, $0x38;
	[tilespmem:$0x12700] =	vst v63  }
0x16: {  	_ =	swait.ge [sflag:s3], $0x100  }
0x17: {  	[sflag:s3] =	ssyncset.done $0x0  }
0x18: {  	[sflag:s3] =	ssyncadd.s32 $0xFFFFFF00  }
0x19: {  	s31 =	simm.s32 $0x2100;
	s30 =	rddreg [dreg:$0x6]  }
0x1a: {  	[tilespmem:s31], [sflag:$0x1] =	stream.linear.gather [hbm4b:s30+s9], $0x100, $0x38;
	[tilespmem:$0x12700] =	vst v63  }
0x1b: {  	_ =	swait.ge [sflag:s3], $0x100  }
0x1c: {  	[sflag:s3] =	ssyncset.done $0x0  }
0x1d: {  	s0 =	simm.s32 $0x0;
	[sflag:s3] =	ssyncadd.s32 $0xFFFFFF00  }
.LBB2_2:
0x1e: {  	s24 =	sshll.u32 s0, $0x7;
	s1 =	rddreg [dreg:$0xa]  }
0x1f: {  	[dreg:$0xd] =	wrdreg s0;
	s0 =	sadd.s32 s1, s24  }
0x20: {  	[dreg:$0xe] =	wrdreg s0;
	s0 =	sadd.s32 $0x24000, s0  }
0x21: {  	s2 =	rddreg [dreg:$0x0];
	s25 =	sshll.u32 s0, $0x5  }
0x22: {  	s26 =	simm.s32 $0x2200;
	s24 =	simm.s32 $0x0;
	s1 =	sadd.s32 s2, s25  }
0x23: {  	[tilespmem:s26], [sflag:$0x1] =	stream.linear.gather [hbm4b:s1+s24], $0x8000, $0x38;
	[tilespmem:$0x12700] =	vst v63  }
0x24: {  	_ =	swait.ge [sflag:s3], $0x8000  }
0x25: {  	[sflag:s3] =	ssyncset.done $0x0  }
0x26: {  	[sflag:s3] =	ssyncadd.s32 $0xFFFF8000  }
0x27: {  	s0 =	sshrl.u32 s0, $0x3;
	s30 =	rddreg [dreg:$0x1]  }
0x28: {  	s1 =	sadd.s32 s30, s0  }
0x29: {  	[tilespmem:s4], [sflag:$0x1] =	stream.linear.gather [hbm4b:s1+s24], $0x80, $0x38;
	[tilespmem:$0x12700] =	vst v63  }
0x2a: {  	_ =	swait.ge [sflag:s3], $0x80  }
0x2b: {  	[sflag:s3] =	ssyncset.done $0x0  }
0x2c: {  	[sflag:s3] =	ssyncadd.s32 $0xFFFFFF80  }
0x2d: {  	s31 =	rddreg [dreg:$0x2]  }
0x2e: {  	s0 =	sadd.s32 s31, s0  }
0x2f: {  	[tilespmem:s5], [sflag:$0x1] =	stream.linear.gather [hbm4b:s0+s24], $0x80, $0x38;
	[tilespmem:$0x12700] =	vst v63  }
0x30: {  	p0 =	por $0x0, $0x0;
	_ =	swait.ge [sflag:s3], $0x80  }
0x31: {  	s28 =	simm.s32 $0x0;
	s29 =	simm.s32 $0x0;
	[sflag:s3] =	ssyncset.done $0x0  }
0x32: {  	s25 =	simm.s32 $0x3;
	s26 =	simm.s32 $0x0;
	[sflag:s3] =	ssyncadd.s32 $0xFFFFFF80  }
.LBB2_3:
0x33: {  	s0 =	sadd.s32 $0xFFFFFFFD, s25  }
0x34: {  	v0 =	vmov s0  }
0x35: {  	v0 =	vand.u32 $0xFFFFFFFC, v0  }
0x36: {  	v0 =	vbroadcast v0, $0x0;
	_ =	sdelay $0x5  }
0x37: {  	v1 =	vld.idx.msk [tilespmem:v0+s4+$0x0], $0xffff;
	_ =	sdelay $0x1  }
0x38: {  	v0 =	vld.idx.msk [tilespmem:v0+s5+$0x0], $0xffff;
	_ =	sdelay $0x2  }
0x39: {  	v2 =	vshll.u32 v1, $0x8;
	v1 =	vshll.u32 v1, $0x7  }
0x3a: {  	v2 =	vand.u32 $0xFFFFF800, v2;
	v1 =	vand.u32 $0x380, v1  }
0x3b: {  	v52 =	vshll.u32 v0, $0x8;
	v0 =	vshll.u32 v0, $0x7;
	v6 =	vor.u32 v1, v2  }
0x3c: {  	v0 =	vand.u32 $0x380, v0;
	v1 =	vand.u32 $0xFFFFF800, v52;
	v2 =	vor.u32 v10, v6  }
0x3d: {  	s15 =	sadd.s32 $0xFFFFFFFF, s25;
	v7 =	vor.u32 v0, v1  }
0x3e: {  	s13 =	sadd.s32 $0xFFFFFFFE, s25;
	s16 =	sand.u32 $0x200, s28;
	v54 =	vmov s15;
	s15 =	sand.u32 $0x7800, s29;
	v55 =	vor.u32 v10, v7  }
0x3f: {  	v3 =	vmov s13;
	s19 =	sor.u32 s16, s15  }
0x40: {  	v5 =	vmov s25;
	v3 =	vand.u32 $0xFFFFFFFD, v3;
	v4 =	vld [tilespmem:s19+$0x2200]  }
0x41: {  	v53 =	vbroadcast v3, $0x0;
	v2 =	vld.idx.msk [tilespmem:v2+s9+$0x0], $0xffff  }
0x42: {  	v1 =	vand.u32 $0xFFFFFFFE, v54  }
0x43: {  	v1 =	vbroadcast v1, $0x0;
	v3 =	vld.idx.msk [tilespmem:v55+s14+$0x0], $0xffff;
	_ =	sdelay $0x1  }
0x44: {  	v17 =	vld.idx.msk [tilespmem:v5+s4+$0x0], $0xffff  }
0x45: {  	v16 =	vld.idx.msk [tilespmem:v5+s5+$0x0], $0xffff;
	v56 =	vadd.f32 v2, v4  }
0x46: {  	v9 =	vld.idx.msk [tilespmem:v53+s4+$0x0], $0xffff;
	v57 =	vor.u32 v11, v6  }
0x47: {  	v23 =	vmov v8;
	v8 =	vld.idx.msk [tilespmem:v53+s5+$0x0], $0xffff;
	v42 =	vadd.f32 v3, v56  }
0x48: {  	v58 =	vor.u32 v11, v7;
	v19 =	vld.idx.msk [tilespmem:v1+s4+$0x0], $0xffff  }
0x49: {  	v18 =	vld.idx.msk [tilespmem:v1+s5+$0x0], $0xffff;
	[tilespmem:$0x12300] =	vst v42  }
0x4a: {  	v59 =	vld [tilespmem:s19+$0x2210]  }
0x4b: {  	v1 =	vld.idx.msk [tilespmem:v57+s9+$0x0], $0xffff;
	_ =	sdelay $0x1  }
0x4c: {  	v0 =	vld.idx.msk [tilespmem:v58+s14+$0x0], $0xffff;
	_ =	sdelay $0x2  }
0x4d: {  	v1 =	vadd.f32 v1, v59  }
0x4e: {  	v60 =	vor.u32 v12, v6  }
0x4f: {  	v25 =	vadd.f32 v0, v1  }
0x50: {  	v61 =	vor.u32 v12, v7  }
0x51: {  	[tilespmem:$0x12310] =	vst v25  }
0x52: {  	v62 =	vld [tilespmem:s19+$0x2220]  }
0x53: {  	v2 =	vld.idx.msk [tilespmem:v60+s9+$0x0], $0xffff;
	_ =	sdelay $0x1  }
0x54: {  	v0 =	vld.idx.msk [tilespmem:v61+s14+$0x0], $0xffff;
	_ =	sdelay $0x2  }
0x55: {  	v1 =	vadd.f32 v2, v62  }
0x56: {  	v63 =	vor.u32 v13, v6  }
0x57: {  	v30 =	vadd.f32 v0, v1  }
0x58: {  	v4 =	vor.u32 v13, v7  }
0x59: {  	[tilespmem:$0x12320] =	vst v30  }
0x5a: {  	v5 =	vld [tilespmem:s19+$0x2230]  }
0x5b: {  	v2 =	vld.idx.msk [tilespmem:v63+s9+$0x0], $0xffff;
	_ =	sdelay $0x1  }
0x5c: {  	v0 =	vld.idx.msk [tilespmem:v4+s14+$0x0], $0xffff;
	_ =	sdelay $0x2  }
0x5d: {  	v1 =	vadd.f32 v2, v5  }
0x5e: {  	v20 =	vor.u32 v14, v6  }
0x5f: {  	v36 =	vadd.f32 v0, v1  }
0x60: {  	v21 =	vor.u32 v14, v7  }
0x61: {  	[tilespmem:$0x12330] =	vst v36  }
0x62: {  	v22 =	vld [tilespmem:s19+$0x2240]  }
0x63: {  	v2 =	vld.idx.msk [tilespmem:v20+s9+$0x0], $0xffff;
	_ =	sdelay $0x1  }
0x64: {  	v0 =	vld.idx.msk [tilespmem:v21+s14+$0x0], $0xffff;
	_ =	sdelay $0x2  }
0x65: {  	v1 =	vadd.f32 v2, v22  }
0x66: {  	v33 =	vor.u32 v15, v6  }
0x67: {  	v40 =	vadd.f32 v0, v1  }
0x68: {  	v34 =	vor.u32 v15, v7  }
0x69: {  	[tilespmem:$0x12340] =	vst v40  }
0x6a: {  	v35 =	vld [tilespmem:s19+$0x2250]  }
0x6b: {  	v2 =	vld.idx.msk [tilespmem:v33+s9+$0x0], $0xffff;
	_ =	sdelay $0x1  }
0x6c: {  	v0 =	vld.idx.msk [tilespmem:v34+s14+$0x0], $0xffff;
	_ =	sdelay $0x2  }
0x6d: {  	v1 =	vadd.f32 v2, v35  }
0x6e: {  	v43 =	vor.u32 v41, v6  }
0x6f: {  	v45 =	vadd.f32 v0, v1  }
0x70: {  	v48 =	vor.u32 v41, v7  }
0x71: {  	[tilespmem:$0x12350] =	vst v45  }
0x72: {  	v49 =	vld [tilespmem:s19+$0x2260]  }
0x73: {  	v2 =	vld.idx.msk [tilespmem:v43+s9+$0x0], $0xffff;
	_ =	sdelay $0x1  }
0x74: {  	v0 =	vld.idx.msk [tilespmem:v48+s14+$0x0], $0xffff;
	_ =	sdelay $0x2  }
0x75: {  	v1 =	vadd.f32 v2, v49  }
0x76: {  	v50 =	vor.u32 v39, v6  }
0x77: {  	v52 =	vadd.f32 v0, v1  }
0x78: {  	v55 =	vor.u32 v39, v7  }
0x79: {  	[tilespmem:$0x12360] =	vst v52  }
0x7a: {  	v56 =	vld [tilespmem:s19+$0x2270]  }
0x7b: {  	v2 =	vld.idx.msk [tilespmem:v50+s9+$0x0], $0xffff;
	_ =	sdelay $0x1  }
0x7c: {  	v0 =	vld.idx.msk [tilespmem:v55+s14+$0x0], $0xffff;
	_ =	sdelay $0x2  }
0x7d: {  	s0 =	simm.s32 $0x1;
	v1 =	vadd.f32 v2, v56  }
0x7e: {  	s0 =	simm.s32 @!p0 $0x0;
	v57 =	vor.u32 v38, v6  }
0x7f: {  	s0 =	sshll.u32 s0, $0x9;
	v55 =	vadd.f32 v0, v1  }
0x80: {  	s6 =	sadd.s32 s0, s29;
	v58 =	vor.u32 v38, v7  }
0x81: {  	s2 =	sor.u32 $0x400, s6;
	[tilespmem:$0x12370] =	vst v55  }
0x82: {  	v59 =	vld [tilespmem:s2+$0x2200]  }
0x83: {  	v2 =	vld.idx.msk [tilespmem:v57+s9+$0x0], $0xffff;
	_ =	sdelay $0x1  }
0x84: {  	v0 =	vld.idx.msk [tilespmem:v58+s14+$0x0], $0xffff;
	_ =	sdelay $0x2  }
0x85: {  	v1 =	vadd.f32 v2, v59  }
0x86: {  	v60 =	vor.u32 v31, v6  }
0x87: {  	v0 =	vadd.f32 v0, v1  }
0x88: {  	v61 =	vor.u32 v31, v7  }
0x89: {  	s1 =	sor.u32 $0x410, s6;
	[tilespmem:$0x12500] =	vst v0  }
0x8a: {  	v62 =	vld [tilespmem:s1+$0x2200]  }
0x8b: {  	v2 =	vld.idx.msk [tilespmem:v60+s9+$0x0], $0xffff;
	_ =	sdelay $0x1  }
0x8c: {  	v1 =	vld.idx.msk [tilespmem:v61+s14+$0x0], $0xffff;
	_ =	sdelay $0x2  }
0x8d: {  	v2 =	vadd.f32 v2, v62  }
0x8e: {  	v63 =	vor.u32 v37, v6  }
0x8f: {  	v35 =	vadd.f32 v1, v2  }
0x90: {  	v20 =	vor.u32 v37, v7  }
0x91: {  	s0 =	sor.u32 $0x420, s6;
	[tilespmem:$0x12510] =	vst v35  }
0x92: {  	v21 =	vld [tilespmem:s0+$0x2200]  }
0x93: {  	v3 =	vld.idx.msk [tilespmem:v63+s9+$0x0], $0xffff;
	_ =	sdelay $0x1  }
0x94: {  	v2 =	vld.idx.msk [tilespmem:v20+s14+$0x0], $0xffff;
	_ =	sdelay $0x2  }
0x95: {  	v3 =	vadd.f32 v3, v21  }
0x96: {  	v22 =	vor.u32 v26, v6  }
0x97: {  	v34 =	vadd.f32 v2, v3  }
0x98: {  	v33 =	vor.u32 v26, v7  }
0x99: {  	s3 =	sor.u32 $0x430, s6;
	[tilespmem:$0x12520] =	vst v34  }
0x9a: {  	v43 =	vld [tilespmem:s3+$0x2200]  }
0x9b: {  	v4 =	vld.idx.msk [tilespmem:v22+s9+$0x0], $0xffff;
	_ =	sdelay $0x1  }
0x9c: {  	v3 =	vld.idx.msk [tilespmem:v33+s14+$0x0], $0xffff;
	_ =	sdelay $0x2  }
0x9d: {  	v4 =	vadd.f32 v4, v43  }
0x9e: {  	v44 =	vor.u32 v27, v6  }
0x9f: {  	v3 =	vadd.f32 v3, v4  }
0xa0: {  	v46 =	vor.u32 v27, v7  }
0xa1: {  	s4 =	sor.u32 $0x440, s6;
	[tilespmem:$0x12530] =	vst v3  }
0xa2: {  	v20 =	vld [tilespmem:s4+$0x2200]  }
0xa3: {  	v5 =	vld.idx.msk [tilespmem:v44+s9+$0x0], $0xffff;
	_ =	sdelay $0x1  }
0xa4: {  	v4 =	vld.idx.msk [tilespmem:v46+s14+$0x0], $0xffff;
	_ =	sdelay $0x2  }
0xa5: {  	v5 =	vadd.f32 v5, v20  }
0xa6: {  	v47 =	vor.u32 v28, v6  }
0xa7: {  	v33 =	vadd.f32 v4, v5  }
0xa8: {  	v48 =	vor.u32 v28, v7  }
0xa9: {  	s5 =	sor.u32 $0x450, s6;
	[tilespmem:$0x12540] =	vst v33  }
0xaa: {  	v21 =	vld [tilespmem:s5+$0x2200]  }
0xab: {  	v20 =	vld.idx.msk [tilespmem:v47+s9+$0x0], $0xffff;
	_ =	sdelay $0x1  }
0xac: {  	v5 =	vld.idx.msk [tilespmem:v48+s14+$0x0], $0xffff;
	_ =	sdelay $0x2  }
0xad: {  	v20 =	vadd.f32 v20, v21  }
0xae: {  	v49 =	vor.u32 v32, v6  }
0xaf: {  	v29 =	vadd.f32 v5, v20  }
0xb0: {  	v50 =	vor.u32 v32, v7  }
0xb1: {  	s10 =	sor.u32 $0x460, s6;
	[tilespmem:$0x12550] =	vst v29  }
0xb2: {  	v22 =	vld [tilespmem:s10+$0x2200]  }
0xb3: {  	v21 =	vld.idx.msk [tilespmem:v49+s9+$0x0], $0xffff;
	_ =	sdelay $0x1  }
0xb4: {  	v20 =	vld.idx.msk [tilespmem:v50+s14+$0x0], $0xffff;
	_ =	sdelay $0x2  }
0xb5: {  	v21 =	vadd.f32 v21, v22  }
0xb6: {  	v51 =	vor.u32 v23, v6  }
0xb7: {  	v6 =	vadd.f32 v20, v21  }
0xb8: {  	v7 =	vor.u32 v23, v7  }
0xb9: {  	s11 =	sor.u32 $0x470, s6;
	[tilespmem:$0x12560] =	vst v6  }
0xba: {  	v53 =	vld [tilespmem:s11+$0x2200]  }
0xbb: {  	v54 =	vld.idx.msk [tilespmem:v51+s9+$0x0], $0xffff;
	_ =	sdelay $0x1  }
0xbc: {  	v7 =	vld.idx.msk [tilespmem:v7+s14+$0x0], $0xffff  }
0xbd: {  	v56 =	vshll.u32 v9, $0x8;
	v9 =	vshll.u32 v9, $0x7  }
0xbe: {  	v9 =	vand.u32 $0x380, v9;
	v57 =	vand.u32 $0xFFFFF800, v56;
	v58 =	vshll.u32 v8, $0x8  }
0xbf: {  	v8 =	vshll.u32 v8, $0x7;
	v9 =	vor.u32 v9, v57;
	v20 =	vadd.f32 v54, v53  }
0xc0: {  	v8 =	vand.u32 $0x380, v8;
	v59 =	vor.u32 v10, v9;
	v21 =	vand.u32 $0xFFFFF800, v58  }
0xc1: {  	s17 =	sadd.s32 $0x80, s28;
	v8 =	vor.u32 v8, v21;
	v7 =	vadd.f32 v7, v20  }
0xc2: {  	s6 =	sand.u32 $0x280, s17;
	v60 =	vor.u32 v10, v8  }
0xc3: {  	s12 =	sor.u32 s15, s6;
	[tilespmem:$0x12570] =	vst v7  }
0xc4: {  	v61 =	vld [tilespmem:s12+$0x2200]  }
0xc5: {  	v22 =	vld.idx.msk [tilespmem:v59+s9+$0x0], $0xffff;
	_ =	sdelay $0x1  }
0xc6: {  	v20 =	vld.idx.msk [tilespmem:v60+s14+$0x0], $0xffff;
	_ =	sdelay $0x2  }
0xc7: {  	v21 =	vadd.f32 v22, v61  }
0xc8: {  	v62 =	vor.u32 v11, v9  }
0xc9: {  	v63 =	vadd.f32 v20, v21  }
0xca: {  	v4 =	vor.u32 v11, v8  }
0xcb: {  	[tilespmem:$0x12380] =	vst v63  }
0xcc: {  	v5 =	vld [tilespmem:s12+$0x2210]  }
0xcd: {  	v22 =	vld.idx.msk [tilespmem:v62+s9+$0x0], $0xffff;
	_ =	sdelay $0x1  }
0xce: {  	v20 =	vld.idx.msk [tilespmem:v4+s14+$0x0], $0xffff;
	_ =	sdelay $0x2  }
0xcf: {  	v21 =	vadd.f32 v22, v5  }
0xd0: {  	v43 =	vor.u32 v12, v9  }
0xd1: {  	v44 =	vadd.f32 v20, v21  }
0xd2: {  	v46 =	vor.u32 v12, v8  }
0xd3: {  	[tilespmem:$0x12390] =	vst v44  }
0xd4: {  	v47 =	vld [tilespmem:s12+$0x2220]  }
0xd5: {  	v22 =	vld.idx.msk [tilespmem:v43+s9+$0x0], $0xffff;
	_ =	sdelay $0x1  }
0xd6: {  	v20 =	vld.idx.msk [tilespmem:v46+s14+$0x0], $0xffff;
	_ =	sdelay $0x2  }
0xd7: {  	v21 =	vadd.f32 v22, v47  }
0xd8: {  	v48 =	vor.u32 v13, v9  }
0xd9: {  	v43 =	vadd.f32 v20, v21  }
0xda: {  	v49 =	vor.u32 v13, v8;
	[tilespmem:$0x1FF20] =	vst v63  }
0xdb: {  	[tilespmem:$0x123A0] =	vst v43  }
0xdc: {  	[tilespmem:$0x1FF30] =	vst v44;
	v50 =	vld [tilespmem:s12+$0x2230]  }
0xdd: {  	v22 =	vld.idx.msk [tilespmem:v48+s9+$0x0], $0xffff;
	_ =	sdelay $0x1  }
0xde: {  	v20 =	vld.idx.msk [tilespmem:v49+s14+$0x0], $0xffff;
	_ =	sdelay $0x2  }
0xdf: {  	v21 =	vadd.f32 v22, v50  }
0xe0: {  	v51 =	vor.u32 v14, v9  }
0xe1: {  	v46 =	vadd.f32 v20, v21  }
0xe2: {  	v53 =	vor.u32 v14, v8  }
0xe3: {  	[tilespmem:$0x123B0] =	vst v46  }
0xe4: {  	v54 =	vld [tilespmem:s12+$0x2240]  }
0xe5: {  	v22 =	vld.idx.msk [tilespmem:v51+s9+$0x0], $0xffff;
	_ =	sdelay $0x1  }
0xe6: {  	v20 =	vld.idx.msk [tilespmem:v53+s14+$0x0], $0xffff;
	_ =	sdelay $0x2  }
0xe7: {  	v21 =	vadd.f32 v22, v54  }
0xe8: {  	v56 =	vor.u32 v15, v9  }
0xe9: {  	v48 =	vadd.f32 v20, v21  }
0xea: {  	v57 =	vor.u32 v15, v8  }
0xeb: {  	[tilespmem:$0x123C0] =	vst v48  }
0xec: {  	v58 =	vld [tilespmem:s12+$0x2250]  }
0xed: {  	v22 =	vld.idx.msk [tilespmem:v56+s9+$0x0], $0xffff;
	_ =	sdelay $0x1  }
0xee: {  	v20 =	vld.idx.msk [tilespmem:v57+s14+$0x0], $0xffff;
	_ =	sdelay $0x2  }
0xef: {  	v21 =	vadd.f32 v22, v58  }
0xf0: {  	v59 =	vor.u32 v41, v9  }
0xf1: {  	v50 =	vadd.f32 v20, v21  }
0xf2: {  	v60 =	vor.u32 v41, v8  }
0xf3: {  	[tilespmem:$0x123D0] =	vst v50  }
0xf4: {  	v61 =	vld [tilespmem:s12+$0x2260]  }
0xf5: {  	v22 =	vld.idx.msk [tilespmem:v59+s9+$0x0], $0xffff;
	_ =	sdelay $0x1  }
0xf6: {  	v20 =	vld.idx.msk [tilespmem:v60+s14+$0x0], $0xffff;
	_ =	sdelay $0x2  }
0xf7: {  	v21 =	vadd.f32 v22, v61  }
0xf8: {  	v62 =	vor.u32 v39, v9  }
0xf9: {  	v51 =	vadd.f32 v20, v21  }
0xfa: {  	v63 =	vor.u32 v39, v8  }
0xfb: {  	[tilespmem:$0x123E0] =	vst v51  }
0xfc: {  	v1 =	vld [tilespmem:s12+$0x2270]  }
0xfd: {  	v22 =	vld.idx.msk [tilespmem:v62+s9+$0x0], $0xffff;
	_ =	sdelay $0x1  }
0xfe: {  	v20 =	vld.idx.msk [tilespmem:v63+s14+$0x0], $0xffff;
	_ =	sdelay $0x2  }
0xff: {  	s18 =	sand.u32 $0x7, s26;
	v21 =	vadd.f32 v22, v1  }
0x100: {  	s6 =	sshll.u32 s18, $0x7;
	v2 =	vor.u32 v38, v9  }
0x101: {  	s17 =	sadd.s32 s29, s6;
	v53 =	vadd.f32 v20, v21  }
0x102: {  	s18 =	sadd.s32 $0x80, s17;
	v4 =	vor.u32 v38, v8  }
0x103: {  	s8 =	sor.u32 $0x400, s18;
	[tilespmem:$0x123F0] =	vst v53  }
0x104: {  	v5 =	vld [tilespmem:s8+$0x2200]  }
0x105: {  	v22 =	vld.idx.msk [tilespmem:v2+s9+$0x0], $0xffff;
	_ =	sdelay $0x1  }
0x106: {  	v20 =	vld.idx.msk [tilespmem:v4+s14+$0x0], $0xffff;
	_ =	sdelay $0x2  }
0x107: {  	v21 =	vadd.f32 v22, v5  }
0x108: {  	v44 =	vor.u32 v31, v9  }
0x109: {  	v56 =	vadd.f32 v20, v21  }
0x10a: {  	v47 =	vor.u32 v31, v8  }
0x10b: {  	s7 =	sor.u32 $0x410, s18;
	[tilespmem:$0x12580] =	vst v56  }
0x10c: {  	v49 =	vld [tilespmem:s7+$0x2200]  }
0x10d: {  	v22 =	vld.idx.msk [tilespmem:v44+s9+$0x0], $0xffff;
	_ =	sdelay $0x1  }
0x10e: {  	v20 =	vld.idx.msk [tilespmem:v47+s14+$0x0], $0xffff;
	_ =	sdelay $0x2  }
0x10f: {  	v21 =	vadd.f32 v22, v49  }
0x110: {  	v54 =	vor.u32 v37, v9  }
0x111: {  	v57 =	vadd.f32 v20, v21  }
0x112: {  	v60 =	vor.u32 v37, v8  }
0x113: {  	s6 =	sor.u32 $0x420, s18;
	[tilespmem:$0x12590] =	vst v57  }
0x114: {  	v61 =	vld [tilespmem:s6+$0x2200]  }
0x115: {  	v22 =	vld.idx.msk [tilespmem:v54+s9+$0x0], $0xffff;
	_ =	sdelay $0x1  }
0x116: {  	v20 =	vld.idx.msk [tilespmem:v60+s14+$0x0], $0xffff;
	_ =	sdelay $0x2  }
0x117: {  	v21 =	vadd.f32 v22, v61  }
0x118: {  	v62 =	vor.u32 v26, v9  }
0x119: {  	v58 =	vadd.f32 v20, v21  }
0x11a: {  	v63 =	vor.u32 v26, v8  }
0x11b: {  	s13 =	sor.u32 $0x430, s18;
	[tilespmem:$0x125A0] =	vst v58  }
0x11c: {  	v1 =	vld [tilespmem:s13+$0x2200]  }
0x11d: {  	v22 =	vld.idx.msk [tilespmem:v62+s9+$0x0], $0xffff;
	_ =	sdelay $0x1  }
0x11e: {  	v20 =	vld.idx.msk [tilespmem:v63+s14+$0x0], $0xffff;
	_ =	sdelay $0x2  }
0x11f: {  	v21 =	vadd.f32 v22, v1  }
0x120: {  	v2 =	vor.u32 v27, v9  }
0x121: {  	v59 =	vadd.f32 v20, v21  }
0x122: {  	v4 =	vor.u32 v27, v8  }
0x123: {  	s23 =	sor.u32 $0x440, s18;
	[tilespmem:$0x125B0] =	vst v59  }
0x124: {  	v5 =	vld [tilespmem:s23+$0x2200]  }
0x125: {  	v22 =	vld.idx.msk [tilespmem:v2+s9+$0x0], $0xffff;
	_ =	sdelay $0x1  }
0x126: {  	v20 =	vld.idx.msk [tilespmem:v4+s14+$0x0], $0xffff;
	_ =	sdelay $0x2  }
0x127: {  	v21 =	vadd.f32 v22, v5  }
0x128: {  	v44 =	vor.u32 v28, v9  }
0x129: {  	v60 =	vadd.f32 v20, v21  }
0x12a: {  	v47 =	vor.u32 v28, v8  }
0x12b: {  	s16 =	sor.u32 $0x450, s18;
	[tilespmem:$0x125C0] =	vst v60  }
0x12c: {  	v49 =	vld [tilespmem:s16+$0x2200]  }
0x12d: {  	v22 =	vld.idx.msk [tilespmem:v44+s9+$0x0], $0xffff;
	_ =	sdelay $0x1  }
0x12e: {  	v20 =	vld.idx.msk [tilespmem:v47+s14+$0x0], $0xffff;
	_ =	sdelay $0x2  }
0x12f: {  	v21 =	vadd.f32 v22, v49  }
0x130: {  	v54 =	vor.u32 v32, v9  }
0x131: {  	v61 =	vadd.f32 v20, v21  }
0x132: {  	v63 =	vor.u32 v32, v8  }
0x133: {  	s20 =	sor.u32 $0x460, s18;
	[tilespmem:$0x125D0] =	vst v61  }
0x134: {  	v1 =	vld [tilespmem:s20+$0x2200]  }
0x135: {  	v22 =	vld.idx.msk [tilespmem:v54+s9+$0x0], $0xffff;
	_ =	sdelay $0x1  }
0x136: {  	v20 =	vld.idx.msk [tilespmem:v63+s14+$0x0], $0xffff;
	_ =	sdelay $0x2  }
0x137: {  	v21 =	vadd.f32 v22, v1  }
0x138: {  	v9 =	vor.u32 v23, v9  }
0x139: {  	v62 =	vadd.f32 v20, v21  }
0x13a: {  	v8 =	vor.u32 v23, v8  }
0x13b: {  	s18 =	sor.u32 $0x470, s18;
	[tilespmem:$0x125E0] =	vst v62  }
0x13c: {  	v2 =	vld [tilespmem:s18+$0x2200]  }
0x13d: {  	v9 =	vld.idx.msk [tilespmem:v9+s9+$0x0], $0xffff;
	_ =	sdelay $0x1  }
0x13e: {  	v4 =	vld.idx.msk [tilespmem:v8+s14+$0x0], $0xffff  }
0x13f: {  	v8 =	vshll.u32 v19, $0x8;
	v19 =	vshll.u32 v19, $0x7  }
0x140: {  	v5 =	vshll.u32 v18, $0x8;
	v8 =	vand.u32 $0xFFFFF800, v8;
	v19 =	vand.u32 $0x380, v19  }
0x141: {  	v18 =	vshll.u32 v18, $0x7;
	v8 =	vor.u32 v19, v8;
	v9 =	vadd.f32 v9, v2  }
0x142: {  	v18 =	vand.u32 $0x380, v18;
	v19 =	vand.u32 $0xFFFFF800, v5;
	v44 =	vor.u32 v10, v8  }
0x143: {  	[dreg:$0x18] =	wrdreg s20;
	s20 =	sadd.s32 $0x100, s28;
	v63 =	vadd.f32 v4, v9;
	v9 =	vor.u32 v18, v19  }
0x144: {  	[dreg:$0x17] =	wrdreg s18;
	s18 =	sand.u32 $0x300, s20;
	v18 =	vor.u32 v10, v9  }
0x145: {  	s31 =	sor.u32 s15, s18;
	[tilespmem:$0x125F0] =	vst v63  }
0x146: {  	v47 =	vld [tilespmem:s31+$0x2200]  }
0x147: {  	v20 =	vld.idx.msk [tilespmem:v44+s9+$0x0], $0xffff;
	_ =	sdelay $0x1  }
0x148: {  	v18 =	vld.idx.msk [tilespmem:v18+s14+$0x0], $0xffff;
	_ =	sdelay $0x2  }
0x149: {  	v19 =	vadd.f32 v20, v47  }
0x14a: {  	v49 =	vor.u32 v11, v8  }
0x14b: {  	v54 =	vadd.f32 v18, v19  }
0x14c: {  	v2 =	vor.u32 v11, v9  }
0x14d: {  	[tilespmem:$0x12400] =	vst v54  }
0x14e: {  	v4 =	vld [tilespmem:s31+$0x2210]  }
0x14f: {  	v20 =	vld.idx.msk [tilespmem:v49+s9+$0x0], $0xffff;
	_ =	sdelay $0x1  }
0x150: {  	v18 =	vld.idx.msk [tilespmem:v2+s14+$0x0], $0xffff;
	_ =	sdelay $0x2  }
0x151: {  	v19 =	vadd.f32 v20, v4  }
0x152: {  	v5 =	vor.u32 v12, v8  }
0x153: {  	v22 =	vadd.f32 v18, v19  }
0x154: {  	v44 =	vor.u32 v12, v9  }
0x155: {  	[tilespmem:$0x12410] =	vst v22  }
0x156: {  	v47 =	vld [tilespmem:s31+$0x2220]  }
0x157: {  	v20 =	vld.idx.msk [tilespmem:v5+s9+$0x0], $0xffff;
	_ =	sdelay $0x1  }
0x158: {  	v18 =	vld.idx.msk [tilespmem:v44+s14+$0x0], $0xffff;
	_ =	sdelay $0x2  }
0x159: {  	v19 =	vadd.f32 v20, v47  }
0x15a: {  	v49 =	vor.u32 v13, v8  }
0x15b: {  	[tilespmem:$0x1FF40] =	vst v54;
	v54 =	vadd.f32 v18, v19  }
0x15c: {  	v2 =	vor.u32 v13, v9  }
0x15d: {  	[tilespmem:$0x12420] =	vst v54  }
0x15e: {  	v4 =	vld [tilespmem:s31+$0x2230]  }
0x15f: {  	v20 =	vld.idx.msk [tilespmem:v49+s9+$0x0], $0xffff;
	_ =	sdelay $0x1  }
0x160: {  	v18 =	vld.idx.msk [tilespmem:v2+s14+$0x0], $0xffff;
	_ =	sdelay $0x2  }
0x161: {  	v19 =	vadd.f32 v20, v4  }
0x162: {  	v5 =	vor.u32 v14, v8  }
0x163: {  	[tilespmem:$0x1FF50] =	vst v22;
	v22 =	vadd.f32 v18, v19  }
0x164: {  	v44 =	vor.u32 v14, v9  }
0x165: {  	[tilespmem:$0x12430] =	vst v22  }
0x166: {  	v47 =	vld [tilespmem:s31+$0x2240]  }
0x167: {  	v20 =	vld.idx.msk [tilespmem:v5+s9+$0x0], $0xffff;
	_ =	sdelay $0x1  }
0x168: {  	v18 =	vld.idx.msk [tilespmem:v44+s14+$0x0], $0xffff;
	_ =	sdelay $0x2  }
0x169: {  	v19 =	vadd.f32 v20, v47  }
0x16a: {  	v49 =	vor.u32 v15, v8  }
0x16b: {  	[tilespmem:$0x1FF60] =	vst v54;
	v54 =	vadd.f32 v18, v19  }
0x16c: {  	v2 =	vor.u32 v15, v9  }
0x16d: {  	[tilespmem:$0x12440] =	vst v54  }
0x16e: {  	v4 =	vld [tilespmem:s31+$0x2250]  }
0x16f: {  	v20 =	vld.idx.msk [tilespmem:v49+s9+$0x0], $0xffff;
	_ =	sdelay $0x1  }
0x170: {  	v18 =	vld.idx.msk [tilespmem:v2+s14+$0x0], $0xffff;
	_ =	sdelay $0x2  }
0x171: {  	v19 =	vadd.f32 v20, v4  }
0x172: {  	v5 =	vor.u32 v41, v8  }
0x173: {  	[tilespmem:$0x1FF70] =	vst v22;
	v22 =	vadd.f32 v18, v19  }
0x174: {  	v44 =	vor.u32 v41, v9  }
0x175: {  	[tilespmem:$0x12450] =	vst v22  }
0x176: {  	v47 =	vld [tilespmem:s31+$0x2260]  }
0x177: {  	v20 =	vld.idx.msk [tilespmem:v5+s9+$0x0], $0xffff;
	_ =	sdelay $0x1  }
0x178: {  	v18 =	vld.idx.msk [tilespmem:v44+s14+$0x0], $0xffff;
	_ =	sdelay $0x2  }
0x179: {  	v19 =	vadd.f32 v20, v47  }
0x17a: {  	v49 =	vor.u32 v39, v8  }
0x17b: {  	[tilespmem:$0x1FF80] =	vst v54;
	v54 =	vadd.f32 v18, v19  }
0x17c: {  	v2 =	vor.u32 v39, v9  }
0x17d: {  	[tilespmem:$0x12460] =	vst v54  }
0x17e: {  	v4 =	vld [tilespmem:s31+$0x2270]  }
0x17f: {  	v20 =	vld.idx.msk [tilespmem:v49+s9+$0x0], $0xffff;
	_ =	sdelay $0x1  }
0x180: {  	v18 =	vld.idx.msk [tilespmem:v2+s14+$0x0], $0xffff;
	_ =	sdelay $0x2  }
0x181: {  	s21 =	sand.u32 $0x3, s24;
	v19 =	vadd.f32 v20, v4  }
0x182: {  	s18 =	sshll.u32 s21, $0x8;
	v5 =	vor.u32 v38, v8  }
0x183: {  	s18 =	sadd.s32 s29, s18;
	[tilespmem:$0x1FF90] =	vst v22;
	v22 =	vadd.f32 v18, v19  }
0x184: {  	s18 =	sadd.s32 $0x100, s18;
	v44 =	vor.u32 v38, v9  }
0x185: {  	s22 =	sor.u32 $0x400, s18;
	[tilespmem:$0x12470] =	vst v22  }
0x186: {  	v47 =	vld [tilespmem:s22+$0x2200]  }
0x187: {  	v20 =	vld.idx.msk [tilespmem:v5+s9+$0x0], $0xffff;
	_ =	sdelay $0x1  }
0x188: {  	v18 =	vld.idx.msk [tilespmem:v44+s14+$0x0], $0xffff;
	_ =	sdelay $0x2  }
0x189: {  	v19 =	vadd.f32 v20, v47  }
0x18a: {  	v49 =	vor.u32 v31, v8  }
0x18b: {  	[tilespmem:$0x1FFA0] =	vst v54;
	v54 =	vadd.f32 v18, v19  }
0x18c: {  	v2 =	vor.u32 v31, v9  }
0x18d: {  	s21 =	sor.u32 $0x410, s18;
	[tilespmem:$0x12600] =	vst v54  }
0x18e: {  	v4 =	vld [tilespmem:s21+$0x2200]  }
0x18f: {  	v20 =	vld.idx.msk [tilespmem:v49+s9+$0x0], $0xffff;
	_ =	sdelay $0x1  }
0x190: {  	v18 =	vld.idx.msk [tilespmem:v2+s14+$0x0], $0xffff;
	_ =	sdelay $0x2  }
0x191: {  	v19 =	vadd.f32 v20, v4  }
0x192: {  	v5 =	vor.u32 v37, v8  }
0x193: {  	[tilespmem:$0x1FFB0] =	vst v22;
	v22 =	vadd.f32 v18, v19  }
0x194: {  	v44 =	vor.u32 v37, v9  }
0x195: {  	s20 =	sor.u32 $0x420, s18;
	[tilespmem:$0x12610] =	vst v22  }
0x196: {  	v47 =	vld [tilespmem:s20+$0x2200]  }
0x197: {  	v20 =	vld.idx.msk [tilespmem:v5+s9+$0x0], $0xffff;
	_ =	sdelay $0x1  }
0x198: {  	v18 =	vld.idx.msk [tilespmem:v44+s14+$0x0], $0xffff;
	_ =	sdelay $0x2  }
0x199: {  	v19 =	vadd.f32 v20, v47  }
0x19a: {  	v49 =	vor.u32 v26, v8  }
0x19b: {  	[tilespmem:$0x1FFC0] =	vst v54;
	v54 =	vadd.f32 v18, v19  }
0x19c: {  	v4 =	vor.u32 v26, v9  }
0x19d: {  	[dreg:$0x1a] =	wrdreg s22;
	s22 =	sor.u32 $0x430, s18;
	[tilespmem:$0x12620] =	vst v54  }
0x19e: {  	v5 =	vld [tilespmem:s22+$0x2200]  }
0x19f: {  	v20 =	vld.idx.msk [tilespmem:v49+s9+$0x0], $0xffff;
	_ =	sdelay $0x1  }
0x1a0: {  	v18 =	vld.idx.msk [tilespmem:v4+s14+$0x0], $0xffff;
	_ =	sdelay $0x2  }
0x1a1: {  	v19 =	vadd.f32 v20, v5  }
0x1a2: {  	v44 =	vor.u32 v27, v8  }
0x1a3: {  	v47 =	vadd.f32 v18, v19  }
0x1a4: {  	v49 =	vor.u32 v27, v9  }
0x1a5: {  	s30 =	sor.u32 $0x440, s18;
	[tilespmem:$0x12630] =	vst v47  }
0x1a6: {  	[tilespmem:$0x1FFE0] =	vst v54;
	v54 =	vld [tilespmem:s30+$0x2200]  }
0x1a7: {  	v20 =	vld.idx.msk [tilespmem:v44+s9+$0x0], $0xffff;
	_ =	sdelay $0x1  }
0x1a8: {  	v18 =	vld.idx.msk [tilespmem:v49+s14+$0x0], $0xffff;
	_ =	sdelay $0x2  }
0x1a9: {  	v19 =	vadd.f32 v20, v54  }
0x1aa: {  	v1 =	vor.u32 v28, v8  }
0x1ab: {  	v44 =	vadd.f32 v18, v19  }
0x1ac: {  	v2 =	vor.u32 v28, v9  }
0x1ad: {  	[dreg:$0x13] =	wrdreg s30;
	s30 =	sor.u32 $0x450, s18;
	[tilespmem:$0x12640] =	vst v44  }
0x1ae: {  	v4 =	vld [tilespmem:s30+$0x2200]  }
0x1af: {  	v20 =	vld.idx.msk [tilespmem:v1+s9+$0x0], $0xffff;
	_ =	sdelay $0x1  }
0x1b0: {  	v18 =	vld.idx.msk [tilespmem:v2+s14+$0x0], $0xffff;
	_ =	sdelay $0x2  }
0x1b1: {  	v19 =	vadd.f32 v20, v4  }
0x1b2: {  	v5 =	vor.u32 v32, v8  }
0x1b3: {  	[tilespmem:$0x1FFF0] =	vst v47;
	v47 =	vadd.f32 v18, v19  }
0x1b4: {  	v49 =	vor.u32 v32, v9  }
0x1b5: {  	[dreg:$0x12] =	wrdreg s30;
	s30 =	sor.u32 $0x460, s18;
	[tilespmem:$0x12650] =	vst v47  }
0x1b6: {  	v54 =	vld [tilespmem:s30+$0x2200]  }
0x1b7: {  	v20 =	vld.idx.msk [tilespmem:v5+s9+$0x0], $0xffff;
	_ =	sdelay $0x1  }
0x1b8: {  	v18 =	vld.idx.msk [tilespmem:v49+s14+$0x0], $0xffff;
	_ =	sdelay $0x2  }
0x1b9: {  	v19 =	vadd.f32 v20, v54  }
0x1ba: {  	v8 =	vor.u32 v23, v8  }
0x1bb: {  	v49 =	vadd.f32 v18, v19;
	_ =	sdelay $0x1  }
0x1bc: {  	v9 =	vor.u32 v23, v9;
	s18 =	sor.u32 $0x470, s18;
	[tilespmem:$0x12660] =	vst v49  }
0x1bd: {  	v1 =	vld [tilespmem:s18+$0x2200]  }
0x1be: {  	v8 =	vld.idx.msk [tilespmem:v8+s9+$0x0], $0xffff;
	_ =	sdelay $0x2  }
0x1bf: {  	v9 =	vld.idx.msk [tilespmem:v9+s14+$0x0], $0xffff  }
0x1c0: {  	v2 =	vshll.u32 v17, $0x8;
	v17 =	vshll.u32 v17, $0x7  }
0x1c1: {  	v17 =	vand.u32 $0x380, v17;
	v18 =	vadd.f32 v8, v1;
	v8 =	vand.u32 $0xFFFFF800, v2  }
0x1c2: {  	v8 =	vor.u32 v17, v8;
	v17 =	vshll.u32 v16, $0x8;
	v16 =	vshll.u32 v16, $0x7  }
0x1c3: {  	v4 =	vor.u32 v10, v8;
	v17 =	vand.u32 $0xFFFFF800, v17;
	v16 =	vand.u32 $0x380, v16  }
0x1c4: {  	[dreg:$0x10] =	wrdreg s30;
	s30 =	sadd.s32 $0x180, s28;
	v54 =	vadd.f32 v9, v18;
	v9 =	vor.u32 v16, v17  }
0x1c5: {  	[dreg:$0xf] =	wrdreg s18;
	s18 =	sand.u32 $0x380, s30;
	v16 =	vor.u32 v10, v9  }
0x1c6: {  	s30 =	sor.u32 s15, s18;
	[tilespmem:$0x12670] =	vst v54  }
0x1c7: {  	v17 =	vld [tilespmem:s30+$0x2200]  }
0x1c8: {  	v5 =	vld.idx.msk [tilespmem:v4+s9+$0x0], $0xffff;
	_ =	sdelay $0x1  }
0x1c9: {  	v16 =	vld.idx.msk [tilespmem:v16+s14+$0x0], $0xffff;
	_ =	sdelay $0x2  }
0x1ca: {  	v17 =	vadd.f32 v5, v17  }
0x1cb: {  	v21 =	vor.u32 v11, v8  }
0x1cc: {  	v16 =	vadd.f32 v16, v17  }
0x1cd: {  	v17 =	vor.u32 v11, v9  }
0x1ce: {  	[tilespmem:$0x12480] =	vst v16  }
0x1cf: {  	[tilespmem:$0x1FFD0] =	vst v22;
	v22 =	vld [tilespmem:s30+$0x2210]  }
0x1d0: {  	v18 =	vld.idx.msk [tilespmem:v21+s9+$0x0], $0xffff;
	_ =	sdelay $0x1  }
0x1d1: {  	v17 =	vld.idx.msk [tilespmem:v17+s14+$0x0], $0xffff;
	_ =	sdelay $0x2  }
0x1d2: {  	v18 =	vadd.f32 v18, v22  }
0x1d3: {  	v1 =	vor.u32 v12, v8  }
0x1d4: {  	v17 =	vadd.f32 v17, v18  }
0x1d5: {  	v2 =	vor.u32 v12, v9  }
0x1d6: {  	[tilespmem:$0x12490] =	vst v17  }
0x1d7: {  	v4 =	vld [tilespmem:s30+$0x2220]  }
0x1d8: {  	v19 =	vld.idx.msk [tilespmem:v1+s9+$0x0], $0xffff;
	_ =	sdelay $0x1  }
0x1d9: {  	v18 =	vld.idx.msk [tilespmem:v2+s14+$0x0], $0xffff;
	_ =	sdelay $0x2  }
0x1da: {  	v19 =	vadd.f32 v19, v4  }
0x1db: {  	v5 =	vor.u32 v13, v8  }
0x1dc: {  	v18 =	vadd.f32 v18, v19  }
0x1dd: {  	v1 =	vor.u32 v13, v9  }
0x1de: {  	[tilespmem:$0x124A0] =	vst v18  }
0x1df: {  	v2 =	vld [tilespmem:s30+$0x2230]  }
0x1e0: {  	v20 =	vld.idx.msk [tilespmem:v5+s9+$0x0], $0xffff;
	_ =	sdelay $0x1  }
0x1e1: {  	v19 =	vld.idx.msk [tilespmem:v1+s14+$0x0], $0xffff;
	_ =	sdelay $0x2  }
0x1e2: {  	v20 =	vadd.f32 v20, v2  }
0x1e3: {  	v4 =	vor.u32 v14, v8  }
0x1e4: {  	v19 =	vadd.f32 v19, v20  }
0x1e5: {  	v5 =	vor.u32 v14, v9  }
0x1e6: {  	[tilespmem:$0x124B0] =	vst v19  }
0x1e7: {  	v1 =	vld [tilespmem:s30+$0x2240]  }
0x1e8: {  	v21 =	vld.idx.msk [tilespmem:v4+s9+$0x0], $0xffff;
	_ =	sdelay $0x1  }
0x1e9: {  	v20 =	vld.idx.msk [tilespmem:v5+s14+$0x0], $0xffff;
	_ =	sdelay $0x2  }
0x1ea: {  	v21 =	vadd.f32 v21, v1  }
0x1eb: {  	v2 =	vor.u32 v15, v8  }
0x1ec: {  	v20 =	vadd.f32 v20, v21  }
0x1ed: {  	v4 =	vor.u32 v15, v9  }
0x1ee: {  	[tilespmem:$0x124C0] =	vst v20  }
0x1ef: {  	v24 =	vld [tilespmem:s30+$0x2250]  }
0x1f0: {  	v22 =	vld.idx.msk [tilespmem:v2+s9+$0x0], $0xffff;
	_ =	sdelay $0x1  }
0x1f1: {  	v21 =	vld.idx.msk [tilespmem:v4+s14+$0x0], $0xffff;
	_ =	sdelay $0x2  }
0x1f2: {  	v22 =	vadd.f32 v22, v24  }
0x1f3: {  	v24 =	vor.u32 v41, v8  }
0x1f4: {  	v21 =	vadd.f32 v21, v22  }
0x1f5: {  	v5 =	vor.u32 v41, v9  }
0x1f6: {  	[tilespmem:$0x124D0] =	vst v21  }
0x1f7: {  	v10 =	vld [tilespmem:s30+$0x2260]  }
0x1f8: {  	v24 =	vld.idx.msk [tilespmem:v24+s9+$0x0], $0xffff;
	_ =	sdelay $0x1  }
0x1f9: {  	v22 =	vld.idx.msk [tilespmem:v5+s14+$0x0], $0xffff;
	_ =	sdelay $0x2  }
0x1fa: {  	v10 =	vadd.f32 v24, v10  }
0x1fb: {  	v24 =	vor.u32 v39, v8  }
0x1fc: {  	v22 =	vadd.f32 v22, v10  }
0x1fd: {  	v10 =	vor.u32 v39, v9  }
0x1fe: {  	[tilespmem:$0x124E0] =	vst v22  }
0x1ff: {  	v5 =	vmov v15;
	v15 =	vmov v11;
	v11 =	vld [tilespmem:s30+$0x2270]  }
0x200: {  	v24 =	vld.idx.msk [tilespmem:v24+s9+$0x0], $0xffff;
	_ =	sdelay $0x1  }
0x201: {  	v10 =	vld.idx.msk [tilespmem:v10+s14+$0x0], $0xffff;
	_ =	sdelay $0x2  }
0x202: {  	v11 =	vadd.f32 v24, v11  }
0x203: {  	v4 =	vmov v12;
	v12 =	vor.u32 v38, v8  }
0x204: {  	v24 =	vadd.f32 v10, v11  }
0x205: {  	s18 =	sadd.s32 $0x180, s17;
	v10 =	vor.u32 v38, v9  }
0x206: {  	s17 =	sor.u32 $0x400, s18;
	[tilespmem:$0x124F0] =	vst v24  }
0x207: {  	v11 =	vld [tilespmem:s17+$0x2200]  }
0x208: {  	v12 =	vld.idx.msk [tilespmem:v12+s9+$0x0], $0xffff;
	_ =	sdelay $0x1  }
0x209: {  	v10 =	vld.idx.msk [tilespmem:v10+s14+$0x0], $0xffff  }
0x20a: {  	v1 =	vmovc v14;
	v14 =	vmul.f32 v25, v25;
	v2 =	vmov v13;
	v13 =	vmul.f32 v42, v42  }
0x20b: {  	v25 =	vadd.f32 v25, v42  }
0x20c: {  	v13 =	vadd.f32 v14, v13;
	v11 =	vadd.f32 v12, v11;
	v12 =	vmul.f32 v30, v30  }
0x20d: {  	v14 =	vadd.f32 v30, v25;
	v30 =	vor.u32 v31, v8  }
0x20e: {  	v12 =	vadd.f32 v12, v13;
	v25 =	vadd.f32 v10, v11;
	v10 =	vmul.f32 v36, v36  }
0x20f: {  	v11 =	vadd.f32 v36, v14;
	v13 =	vor.u32 v31, v9  }
0x210: {  	[dreg:$0x16] =	wrdreg s22;
	s22 =	sor.u32 $0x410, s18;
	v10 =	vadd.f32 v10, v12;
	v12 =	vmul.f32 v40, v40;
	[tilespmem:$0x12680] =	vst v25  }
0x211: {  	v11 =	vadd.f32 v40, v11;
	v14 =	vld [tilespmem:s22+$0x2200]  }
0x212: {  	v30 =	vld.idx.msk [tilespmem:v30+s9+$0x0], $0xffff;
	v10 =	vadd.f32 v12, v10;
	v12 =	vmul.f32 v45, v45  }
0x213: {  	v11 =	vadd.f32 v45, v11  }
0x214: {  	v13 =	vld.idx.msk [tilespmem:v13+s14+$0x0], $0xffff;
	v10 =	vadd.f32 v12, v10;
	v12 =	vmul.f32 v52, v52  }
0x215: {  	v11 =	vadd.f32 v52, v11  }
0x216: {  	v10 =	vadd.f32 v12, v10;
	v12 =	vmul.f32 v55, v55  }
0x217: {  	v40 =	vor.u32 v37, v8;
	v11 =	vadd.f32 v55, v11;
	v14 =	vadd.f32 v30, v14  }
0x218: {  	v10 =	vadd.f32 v12, v10;
	v12 =	vmul.f32 v0, v0  }
0x219: {  	v0 =	vadd.f32 v0, v11;
	v30 =	vadd.f32 v13, v14  }
0x21a: {  	v10 =	vadd.f32 v12, v10;
	v12 =	vor.u32 v37, v9  }
0x21b: {  	v11 =	vmul.f32 v35, v35;
	v0 =	vadd.f32 v35, v0;
	[tilespmem:$0x12690] =	vst v30  }
0x21c: {  	[dreg:$0x11] =	wrdreg s17;
	s17 =	sor.u32 $0x420, s18;
	v52 =	vld.idx.msk [tilespmem:v40+s9+$0x0], $0xffff  }
0x21d: {  	v45 =	vadd.f32 v11, v10;
	v10 =	vmul.f32 v34, v34;
	v11 =	vld [tilespmem:s17+$0x2200];
	v0 =	vadd.f32 v34, v0  }
0x21e: {  	v14 =	vmov v1  }
0x21f: {  	v1 =	vadd.f32 v10, v45;
	v10 =	vmul.f32 v3, v3;
	v0 =	vadd.f32 v3, v0;
	v55 =	vld.idx.msk [tilespmem:v12+s14+$0x0], $0xffff;
	_ =	sdelay $0x1  }
0x220: {  	v1 =	vadd.f32 v10, v1;
	v10 =	vmul.f32 v33, v33;
	v0 =	vadd.f32 v33, v0  }
0x221: {  	v13 =	vmov v2;
	v34 =	vor.u32 v26, v8;
	v2 =	vadd.f32 v52, v11  }
0x222: {  	v33 =	vmul.f32 v29, v29;
	v1 =	vadd.f32 v10, v1;
	v0 =	vadd.f32 v29, v0  }
0x223: {  	v35 =	vmul.f32 v6, v6;
	v36 =	vadd.f32 v55, v2  }
0x224: {  	v40 =	vor.u32 v26, v9;
	v1 =	vadd.f32 v33, v1;
	v0 =	vadd.f32 v6, v0  }
0x225: {  	[dreg:$0x14] =	wrdreg s22;
	s22 =	sor.u32 $0x430, s18;
	[tilespmem:$0x126A0] =	vst v36  }
0x226: {  	v45 =	vmul.f32 v7, v7;
	v1 =	vadd.f32 v35, v1;
	v0 =	vadd.f32 v7, v0;
	v52 =	vld [tilespmem:s22+$0x2200]  }
0x227: {  	v11 =	vmov v15;
	v15 =	vmov v5;
	v5 =	vld.idx.msk [tilespmem:v34+s9+$0x0], $0xffff  }
0x228: {  	v1 =	vadd.f32 v45, v1;
	(xrf2) =	vadd.scan.msk.f32 $0xffff, v0  }
0x229: {  	v55 =	vld.idx.msk [tilespmem:v40+s14+$0x0], $0xffff  }
0x22a: {  	(xrf2) =	vadd.scan.msk.f32 $0xffff, v1;
	_ =	sdelay $0x1  }
0x22b: {  	v33 =	vadd.f32 v5, v52  }
0x22c: {  	v34 =	vor.u32 v27, v8  }
0x22d: {  	v40 =	vadd.f32 v55, v33  }
0x22e: {  	v35 =	vor.u32 v27, v9  }
0x22f: {  	[dreg:$0x15] =	wrdreg s17;
	s17 =	sor.u32 $0x440, s18;
	[tilespmem:$0x126B0] =	vst v40  }
0x230: {  	v45 =	vld [tilespmem:s17+$0x2200]  }
0x231: {  	v2 =	vld.idx.msk [tilespmem:v34+s9+$0x0], $0xffff;
	v52, _, _ =	vpop (xrf2)  }
0x232: {  	v3 =	vmul.f32 $3.906250000e-03, v52  }
0x233: {  	v0 =	vld.idx.msk [tilespmem:v35+s14+$0x0], $0xffff;
	v55, _, _ =	vpop (xrf2)  }
0x234: {  	v12 =	vmov v4;
	v4 =	vmul.f32 $3.906250000e-03, v55;
	v33 =	vmul.f32 v3, v3;
	_ =	sdelay $0x1  }
0x235: {  	v1 =	vadd.f32 v2, v45;
	v34 =	vsub.f32 v4, v33  }
0x236: {  	v35 =	vor.u32 v28, v8  }
0x237: {  	v45 =	vadd.f32 v0, v1;
	v52 =	vadd.f32 $9.999999740e-06, v34  }
0x238: {  	v55 =	vor.u32 v28, v9  }
0x239: {  	s15 =	sor.u32 $0x450, s18;
	[tilespmem:$0x126C0] =	vst v45;
	v0 =	vbroadcast v52, $0xF  }
0x23a: {  	v33 =	vld [tilespmem:s15+$0x2200]  }
0x23b: {  	v4 =	vld.idx.msk [tilespmem:v35+s9+$0x0], $0xffff;
	v34 =	vshrl.u32 v0, $0x1;
	v0 =	vmul.f32 $5.000000000e-01, v0  }
0x23c: {  	v5 =	vsub.s32 $0x5F3759DF, v34  }
0x23d: {  	v1 =	vld.idx.msk [tilespmem:v55+s14+$0x0], $0xffff;
	v6 =	vmul.f32 v5, v0;
	_ =	sdelay $0x1  }
0x23e: {  	v6 =	vmul.f32 v5, v6  }
0x23f: {  	v2 =	vadd.f32 v4, v33  }
0x240: {  	v35 =	vor.u32 v32, v8;
	v6 =	vsub.f32 $1.500000000e+00, v6  }
0x241: {  	v52 =	vadd.f32 v1, v2  }
0x242: {  	v55 =	vor.u32 v32, v9;
	v33 =	vmul.f32 v5, v6  }
0x243: {  	[dreg:$0x19] =	wrdreg s22;
	s22 =	sor.u32 $0x460, s18;
	[tilespmem:$0x126D0] =	vst v52  }
0x244: {  	v34 =	vld [tilespmem:s22+$0x2200];
	v6 =	vmul.f32 v33, v0  }
0x245: {  	v4 =	vld.idx.msk [tilespmem:v35+s9+$0x0], $0xffff  }
0x246: {  	v6 =	vmul.f32 v6, v33  }
0x247: {  	v1 =	vld.idx.msk [tilespmem:v55+s14+$0x0], $0xffff  }
0x248: {  	v6 =	vsub.f32 $1.500000000e+00, v6;
	_ =	sdelay $0x1  }
0x249: {  	v4 =	vadd.f32 v4, v34;
	v2 =	vmul.f32 v6, v33  }
0x24a: {  	v35 =	vor.u32 v23, v8  }
0x24b: {  	v55 =	vadd.f32 v1, v4;
	v0 =	vmul.f32 v2, v0  }
0x24c: {  	v33 =	vor.u32 v23, v9  }
0x24d: {  	s18 =	sor.u32 $0x470, s18;
	[tilespmem:$0x126E0] =	vst v55;
	v34 =	vmul.f32 v0, v2  }
0x24e: {  	v6 =	vld [tilespmem:s18+$0x2200]  }
0x24f: {  	v5 =	vld.idx.msk [tilespmem:v35+s9+$0x0], $0xffff;
	v0 =	vbroadcast v3, $0xF;
	v35 =	vsub.f32 $1.500000000e+00, v34  }
0x250: {  	v8 =	vmov v23;
	v23 =	vld [tilespmem:$0x2000]  }
0x251: {  	v7 =	vld.idx.msk [tilespmem:v33+s14+$0x0], $0xffff;
	v33 =	vsub.f32 v42, v0;
	v1 =	vmul.f32 v35, v2  }
0x252: {  	v34 =	vld [tilespmem:$0x2100]  }
0x253: {  	v2 =	vmul.f32 v1, v33  }
0x254: {  	v5 =	vadd.f32 v5, v6  }
0x255: {  	v2 =	vmul.f32 v23, v2  }
0x256: {  	v23 =	vadd.f32 v7, v5  }
0x257: {  	v2 =	vadd.f32 v34, v2  }
0x258: {  	[tilespmem:$0x126F0] =	vst v23  }
0x259: {  	[tilespmem:s19+$0xA300] =	vst v2  }
0x25a: {  	v2 =	vld [tilespmem:$0x12310];
	_ =	sdelay $0x3  }
0x25b: {  	v35 =	vld [tilespmem:$0x2010]  }
0x25c: {  	v2 =	vsub.f32 v2, v0  }
0x25d: {  	v42 =	vld [tilespmem:$0x2110]  }
0x25e: {  	v2 =	vmul.f32 v2, v1;
	_ =	sdelay $0x1  }
0x25f: {  	v2 =	vmul.f32 v2, v35;
	_ =	sdelay $0x1  }
0x260: {  	v2 =	vadd.f32 v2, v42;
	_ =	sdelay $0x1  }
0x261: {  	[tilespmem:s19+$0xA310] =	vst v2  }
0x262: {  	v2 =	vld [tilespmem:$0x12320];
	_ =	sdelay $0x3  }
0x263: {  	v33 =	vld [tilespmem:$0x2020]  }
0x264: {  	v2 =	vsub.f32 v2, v0  }
0x265: {  	v34 =	vld [tilespmem:$0x2120]  }
0x266: {  	v2 =	vmul.f32 v2, v1;
	_ =	sdelay $0x1  }
0x267: {  	v2 =	vmul.f32 v2, v33;
	_ =	sdelay $0x1  }
0x268: {  	v2 =	vadd.f32 v2, v34;
	_ =	sdelay $0x1  }
0x269: {  	[tilespmem:s19+$0xA320] =	vst v2  }
0x26a: {  	v2 =	vld [tilespmem:$0x12330];
	_ =	sdelay $0x3  }
0x26b: {  	v35 =	vld [tilespmem:$0x2030]  }
0x26c: {  	v2 =	vsub.f32 v2, v0  }
0x26d: {  	v42 =	vld [tilespmem:$0x2130]  }
0x26e: {  	v2 =	vmul.f32 v2, v1;
	_ =	sdelay $0x1  }
0x26f: {  	v2 =	vmul.f32 v2, v35;
	_ =	sdelay $0x1  }
0x270: {  	v2 =	vadd.f32 v2, v42;
	_ =	sdelay $0x1  }
0x271: {  	[tilespmem:s19+$0xA330] =	vst v2  }
0x272: {  	v2 =	vld [tilespmem:$0x12340];
	_ =	sdelay $0x3  }
0x273: {  	v33 =	vld [tilespmem:$0x2040]  }
0x274: {  	v2 =	vsub.f32 v2, v0  }
0x275: {  	v34 =	vld [tilespmem:$0x2140]  }
0x276: {  	v2 =	vmul.f32 v2, v1;
	_ =	sdelay $0x1  }
0x277: {  	v2 =	vmul.f32 v2, v33;
	_ =	sdelay $0x1  }
0x278: {  	v2 =	vadd.f32 v2, v34;
	_ =	sdelay $0x1  }
0x279: {  	[tilespmem:s19+$0xA340] =	vst v2  }
0x27a: {  	v2 =	vld [tilespmem:$0x12350];
	_ =	sdelay $0x3  }
0x27b: {  	v35 =	vld [tilespmem:$0x2050]  }
0x27c: {  	v2 =	vsub.f32 v2, v0  }
0x27d: {  	v42 =	vld [tilespmem:$0x2150]  }
0x27e: {  	v2 =	vmul.f32 v2, v1;
	_ =	sdelay $0x1  }
0x27f: {  	v2 =	vmul.f32 v2, v35;
	_ =	sdelay $0x1  }
0x280: {  	v2 =	vadd.f32 v2, v42;
	_ =	sdelay $0x1  }
0x281: {  	[tilespmem:s19+$0xA350] =	vst v2  }
0x282: {  	v2 =	vld [tilespmem:$0x12360];
	_ =	sdelay $0x3  }
0x283: {  	v33 =	vld [tilespmem:$0x2060]  }
0x284: {  	v2 =	vsub.f32 v2, v0  }
0x285: {  	v34 =	vld [tilespmem:$0x2160]  }
0x286: {  	v2 =	vmul.f32 v2, v1;
	_ =	sdelay $0x1  }
0x287: {  	v2 =	vmul.f32 v2, v33;
	_ =	sdelay $0x1  }
0x288: {  	v2 =	vadd.f32 v2, v34;
	_ =	sdelay $0x1  }
0x289: {  	[tilespmem:s19+$0xA360] =	vst v2  }
0x28a: {  	v2 =	vld [tilespmem:$0x12370];
	_ =	sdelay $0x3  }
0x28b: {  	v35 =	vld [tilespmem:$0x2070]  }
0x28c: {  	v2 =	vsub.f32 v2, v0  }
0x28d: {  	v42 =	vld [tilespmem:$0x2170]  }
0x28e: {  	v2 =	vmul.f32 v2, v1;
	_ =	sdelay $0x1  }
0x28f: {  	v2 =	vmul.f32 v2, v35;
	_ =	sdelay $0x1  }
0x290: {  	v2 =	vadd.f32 v2, v42;
	_ =	sdelay $0x1  }
0x291: {  	[tilespmem:s19+$0xA370] =	vst v2  }
0x292: {  	v2 =	vld [tilespmem:$0x12500];
	_ =	sdelay $0x3  }
0x293: {  	v33 =	vld [tilespmem:$0x2080]  }
0x294: {  	v2 =	vsub.f32 v2, v0  }
0x295: {  	v34 =	vld [tilespmem:$0x2180]  }
0x296: {  	v2 =	vmul.f32 v2, v1;
	_ =	sdelay $0x1  }
0x297: {  	v2 =	vmul.f32 v2, v33;
	_ =	sdelay $0x1  }
0x298: {  	v2 =	vadd.f32 v2, v34;
	_ =	sdelay $0x1  }
0x299: {  	[tilespmem:s2+$0xA300] =	vst v2  }
0x29a: {  	v2 =	vld [tilespmem:$0x12510];
	_ =	sdelay $0x3  }
0x29b: {  	v35 =	vld [tilespmem:$0x2090]  }
0x29c: {  	v2 =	vsub.f32 v2, v0  }
0x29d: {  	v42 =	vld [tilespmem:$0x2190]  }
0x29e: {  	v2 =	vmul.f32 v2, v1;
	_ =	sdelay $0x1  }
0x29f: {  	v2 =	vmul.f32 v2, v35;
	_ =	sdelay $0x1  }
0x2a0: {  	v2 =	vadd.f32 v2, v42;
	_ =	sdelay $0x1  }
0x2a1: {  	[tilespmem:s1+$0xA300] =	vst v2  }
0x2a2: {  	v2 =	vld [tilespmem:$0x12520];
	_ =	sdelay $0x3  }
0x2a3: {  	v33 =	vld [tilespmem:$0x20A0]  }
0x2a4: {  	v2 =	vsub.f32 v2, v0  }
0x2a5: {  	v34 =	vld [tilespmem:$0x21A0]  }
0x2a6: {  	v2 =	vmul.f32 v2, v1  }
0x2a7: {  	v35 =	vld [tilespmem:$0x1FF20]  }
0x2a8: {  	v2 =	vmul.f32 v2, v33;
	v33 =	vld [tilespmem:$0x1FF30];
	_ =	sdelay $0x1  }
0x2a9: {  	v2 =	vadd.f32 v2, v34;
	_ =	sdelay $0x1  }
0x2aa: {  	[tilespmem:s0+$0xA300] =	vst v2  }
0x2ab: {  	v42 =	vmul.f32 v35, v35;
	v3 =	vadd.f32 v33, v35;
	v4 =	vmul.f32 v33, v33;
	v34 =	vld [tilespmem:$0x12530];
	_ =	sdelay $0x1  }
0x2ac: {  	v35 =	vmul.f32 v43, v43;
	v2 =	vadd.f32 v4, v42;
	v3 =	vadd.f32 v43, v3;
	_ =	sdelay $0x1  }
0x2ad: {  	v6 =	vld [tilespmem:$0x20B0];
	v42 =	vmul.f32 v46, v46;
	v2 =	vadd.f32 v35, v2;
	v3 =	vadd.f32 v46, v3  }
0x2ae: {  	v5 =	vsub.f32 v34, v0  }
0x2af: {  	v7 =	vld [tilespmem:$0x21B0];
	v43 =	vmul.f32 v48, v48;
	v2 =	vadd.f32 v42, v2;
	v3 =	vadd.f32 v48, v3  }
0x2b0: {  	v5 =	vmul.f32 v5, v1  }
0x2b1: {  	v46 =	vmul.f32 v50, v50;
	v2 =	vadd.f32 v43, v2;
	v3 =	vadd.f32 v50, v3  }
0x2b2: {  	v5 =	vmul.f32 v5, v6  }
0x2b3: {  	v48 =	vmul.f32 v51, v51;
	v2 =	vadd.f32 v46, v2;
	v3 =	vadd.f32 v51, v3  }
0x2b4: {  	v5 =	vadd.f32 v5, v7  }
0x2b5: {  	v50 =	vmul.f32 v53, v53;
	v2 =	vadd.f32 v48, v2;
	v3 =	vadd.f32 v53, v3  }
0x2b6: {  	[tilespmem:s3+$0xA300] =	vst v5  }
0x2b7: {  	v51 =	vmul.f32 v56, v56;
	v2 =	vadd.f32 v50, v2;
	v3 =	vadd.f32 v56, v3;
	v5 =	vld [tilespmem:$0x12540];
	_ =	sdelay $0x1  }
0x2b8: {  	v53 =	vmul.f32 v57, v57;
	v2 =	vadd.f32 v51, v2;
	v3 =	vadd.f32 v57, v3;
	_ =	sdelay $0x1  }
0x2b9: {  	v56 =	vmul.f32 v58, v58;
	v6 =	vld [tilespmem:$0x20C0];
	v2 =	vadd.f32 v53, v2;
	v3 =	vadd.f32 v58, v3  }
0x2ba: {  	v5 =	vsub.f32 v5, v0  }
0x2bb: {  	v7 =	vld [tilespmem:$0x21C0];
	v57 =	vmul.f32 v59, v59;
	v2 =	vadd.f32 v56, v2;
	v3 =	vadd.f32 v59, v3  }
0x2bc: {  	v5 =	vmul.f32 v5, v1  }
0x2bd: {  	v58 =	vmul.f32 v60, v60;
	v2 =	vadd.f32 v57, v2;
	v3 =	vadd.f32 v60, v3  }
0x2be: {  	v5 =	vmul.f32 v5, v6  }
0x2bf: {  	v59 =	vmul.f32 v61, v61;
	v2 =	vadd.f32 v58, v2;
	v3 =	vadd.f32 v61, v3  }
0x2c0: {  	v5 =	vadd.f32 v5, v7  }
0x2c1: {  	v60 =	vmul.f32 v62, v62;
	v2 =	vadd.f32 v59, v2;
	v3 =	vadd.f32 v62, v3  }
0x2c2: {  	[tilespmem:s4+$0xA300] =	vst v5  }
0x2c3: {  	v61 =	vmul.f32 v63, v63;
	v2 =	vadd.f32 v60, v2;
	v3 =	vadd.f32 v63, v3;
	v5 =	vld [tilespmem:$0x12550];
	_ =	sdelay $0x1  }
0x2c4: {  	v2 =	vadd.f32 v61, v2;
	(xrf2) =	vadd.scan.msk.f32 $0xffff, v3;
	_ =	sdelay $0x1  }
0x2c5: {  	v62 =	vld [tilespmem:$0x20D0];
	(xrf2) =	vadd.scan.msk.f32 $0xffff, v2  }
0x2c6: {  	v63 =	vsub.f32 v5, v0  }
0x2c7: {  	v33 =	vld [tilespmem:$0x21D0]  }
0x2c8: {  	v3 =	vmul.f32 v63, v1;
	_ =	sdelay $0x1  }
0x2c9: {  	v2 =	vmul.f32 v3, v62;
	_ =	sdelay $0x1  }
0x2ca: {  	v2 =	vadd.f32 v2, v33  }
0x2cb: {  	v34, _, _ =	vpop (xrf2)  }
0x2cc: {  	[tilespmem:s5+$0xA300] =	vst v2;
	v35 =	vmul.f32 $3.906250000e-03, v34  }
0x2cd: {  	v42, _, _ =	vpop (xrf2);
	v43 =	vld [tilespmem:$0x12560]  }
0x2ce: {  	v3 =	vmul.f32 $3.906250000e-03, v42;
	v46 =	vmul.f32 v35, v35;
	_ =	sdelay $0x1  }
0x2cf: {  	v3 =	vsub.f32 v3, v46  }
0x2d0: {  	v48 =	vld [tilespmem:$0x20E0]  }
0x2d1: {  	v3 =	vadd.f32 $9.999999740e-06, v3;
	v4 =	vsub.f32 v43, v0  }
0x2d2: {  	v6 =	vld [tilespmem:$0x21E0]  }
0x2d3: {  	v3 =	vbroadcast v3, $0xF;
	v4 =	vmul.f32 v4, v1;
	_ =	sdelay $0x1  }
0x2d4: {  	v7 =	vshrl.u32 v3, $0x1;
	v3 =	vmul.f32 $5.000000000e-01, v3;
	v4 =	vmul.f32 v4, v48  }
0x2d5: {  	v50 =	vsub.s32 $0x5F3759DF, v7  }
0x2d6: {  	v7 =	vmul.f32 v50, v3;
	v4 =	vadd.f32 v4, v6;
	_ =	sdelay $0x1  }
0x2d7: {  	[tilespmem:s10+$0xA300] =	vst v4;
	v51 =	vmul.f32 v50, v7  }
0x2d8: {  	v6 =	vld [tilespmem:$0x12570]  }
0x2d9: {  	v4 =	vsub.f32 $1.500000000e+00, v51;
	_ =	sdelay $0x1  }
0x2da: {  	v4 =	vmul.f32 v50, v4  }
0x2db: {  	v53 =	vld [tilespmem:$0x20F0]  }
0x2dc: {  	v7 =	vmul.f32 v4, v3;
	v0 =	vsub.f32 v6, v0  }
0x2dd: {  	v6 =	vld [tilespmem:$0x21F0]  }
0x2de: {  	v0 =	vmul.f32 v0, v1;
	v56 =	vmul.f32 v7, v4;
	_ =	sdelay $0x1  }
0x2df: {  	v0 =	vmul.f32 v0, v53;
	v1 =	vsub.f32 $1.500000000e+00, v56;
	_ =	sdelay $0x1  }
0x2e0: {  	v1 =	vmul.f32 v1, v4;
	v0 =	vadd.f32 v0, v6;
	_ =	sdelay $0x1  }
0x2e1: {  	[tilespmem:s11+$0xA300] =	vst v0;
	v57 =	vmul.f32 v1, v3  }
0x2e2: {  	v58 =	vld [tilespmem:$0x12380]  }
0x2e3: {  	v4 =	vmul.f32 v57, v1;
	_ =	sdelay $0x1  }
0x2e4: {  	v0 =	vbroadcast v35, $0xF;
	v59 =	vsub.f32 $1.500000000e+00, v4  }
0x2e5: {  	v60 =	vld [tilespmem:$0x2000]  }
0x2e6: {  	v1 =	vmul.f32 v59, v1;
	v61 =	vsub.f32 v58, v0  }
0x2e7: {  	v62 =	vld [tilespmem:$0x2100]  }
0x2e8: {  	v2 =	vmul.f32 v61, v1;
	_ =	sdelay $0x1  }
0x2e9: {  	v2 =	vmul.f32 v2, v60;
	_ =	sdelay $0x1  }
0x2ea: {  	v2 =	vadd.f32 v2, v62;
	_ =	sdelay $0x1  }
0x2eb: {  	[tilespmem:s12+$0xA300] =	vst v2  }
0x2ec: {  	v2 =	vld [tilespmem:$0x12390];
	_ =	sdelay $0x3  }
0x2ed: {  	v63 =	vld [tilespmem:$0x2010]  }
0x2ee: {  	v2 =	vsub.f32 v2, v0  }
0x2ef: {  	v33 =	vld [tilespmem:$0x2110]  }
0x2f0: {  	v2 =	vmul.f32 v2, v1;
	_ =	sdelay $0x1  }
0x2f1: {  	v2 =	vmul.f32 v2, v63;
	_ =	sdelay $0x1  }
0x2f2: {  	v2 =	vadd.f32 v2, v33;
	_ =	sdelay $0x1  }
0x2f3: {  	[tilespmem:s12+$0xA310] =	vst v2  }
0x2f4: {  	v2 =	vld [tilespmem:$0x123A0];
	_ =	sdelay $0x3  }
0x2f5: {  	v34 =	vld [tilespmem:$0x2020]  }
0x2f6: {  	v2 =	vsub.f32 v2, v0  }
0x2f7: {  	v35 =	vld [tilespmem:$0x2120]  }
0x2f8: {  	v2 =	vmul.f32 v2, v1;
	_ =	sdelay $0x1  }
0x2f9: {  	v2 =	vmul.f32 v2, v34;
	_ =	sdelay $0x1  }
0x2fa: {  	v2 =	vadd.f32 v2, v35;
	_ =	sdelay $0x1  }
0x2fb: {  	[tilespmem:s12+$0xA320] =	vst v2  }
0x2fc: {  	v2 =	vld [tilespmem:$0x123B0];
	_ =	sdelay $0x3  }
0x2fd: {  	v42 =	vld [tilespmem:$0x2030]  }
0x2fe: {  	v2 =	vsub.f32 v2, v0  }
0x2ff: {  	v43 =	vld [tilespmem:$0x2130]  }
0x300: {  	v2 =	vmul.f32 v2, v1;
	_ =	sdelay $0x1  }
0x301: {  	v2 =	vmul.f32 v2, v42;
	_ =	sdelay $0x1  }
0x302: {  	v2 =	vadd.f32 v2, v43;
	_ =	sdelay $0x1  }
0x303: {  	[tilespmem:s12+$0xA330] =	vst v2  }
0x304: {  	v2 =	vld [tilespmem:$0x123C0];
	_ =	sdelay $0x3  }
0x305: {  	v46 =	vld [tilespmem:$0x2040]  }
0x306: {  	v2 =	vsub.f32 v2, v0  }
0x307: {  	v48 =	vld [tilespmem:$0x2140]  }
0x308: {  	v2 =	vmul.f32 v2, v1;
	_ =	sdelay $0x1  }
0x309: {  	v2 =	vmul.f32 v2, v46;
	_ =	sdelay $0x1  }
0x30a: {  	v2 =	vadd.f32 v2, v48;
	_ =	sdelay $0x1  }
0x30b: {  	[tilespmem:s12+$0xA340] =	vst v2  }
0x30c: {  	v2 =	vld [tilespmem:$0x123D0];
	_ =	sdelay $0x3  }
0x30d: {  	v50 =	vld [tilespmem:$0x2050]  }
0x30e: {  	v2 =	vsub.f32 v2, v0  }
0x30f: {  	v51 =	vld [tilespmem:$0x2150]  }
0x310: {  	v2 =	vmul.f32 v2, v1;
	_ =	sdelay $0x1  }
0x311: {  	v2 =	vmul.f32 v2, v50;
	_ =	sdelay $0x1  }
0x312: {  	v2 =	vadd.f32 v2, v51;
	_ =	sdelay $0x1  }
0x313: {  	[tilespmem:s12+$0xA350] =	vst v2  }
0x314: {  	v2 =	vld [tilespmem:$0x123E0];
	_ =	sdelay $0x3  }
0x315: {  	v53 =	vld [tilespmem:$0x2060]  }
0x316: {  	v2 =	vsub.f32 v2, v0  }
0x317: {  	v56 =	vld [tilespmem:$0x2160]  }
0x318: {  	v2 =	vmul.f32 v2, v1;
	_ =	sdelay $0x1  }
0x319: {  	v2 =	vmul.f32 v2, v53;
	_ =	sdelay $0x1  }
0x31a: {  	v2 =	vadd.f32 v2, v56;
	_ =	sdelay $0x1  }
0x31b: {  	[tilespmem:s12+$0xA360] =	vst v2  }
0x31c: {  	v2 =	vld [tilespmem:$0x123F0];
	_ =	sdelay $0x3  }
0x31d: {  	v57 =	vld [tilespmem:$0x2070]  }
0x31e: {  	v2 =	vsub.f32 v2, v0  }
0x31f: {  	v58 =	vld [tilespmem:$0x2170]  }
0x320: {  	v2 =	vmul.f32 v2, v1;
	_ =	sdelay $0x1  }
0x321: {  	v2 =	vmul.f32 v2, v57;
	_ =	sdelay $0x1  }
0x322: {  	v2 =	vadd.f32 v2, v58;
	_ =	sdelay $0x1  }
0x323: {  	[tilespmem:s12+$0xA370] =	vst v2  }
0x324: {  	v2 =	vld [tilespmem:$0x12580];
	_ =	sdelay $0x3  }
0x325: {  	v59 =	vld [tilespmem:$0x2080]  }
0x326: {  	v2 =	vsub.f32 v2, v0  }
0x327: {  	v60 =	vld [tilespmem:$0x2180]  }
0x328: {  	v2 =	vmul.f32 v2, v1;
	_ =	sdelay $0x1  }
0x329: {  	v2 =	vmul.f32 v2, v59;
	_ =	sdelay $0x1  }
0x32a: {  	v2 =	vadd.f32 v2, v60;
	_ =	sdelay $0x1  }
0x32b: {  	[tilespmem:s8+$0xA300] =	vst v2  }
0x32c: {  	v2 =	vld [tilespmem:$0x12590];
	_ =	sdelay $0x3  }
0x32d: {  	v61 =	vld [tilespmem:$0x2090]  }
0x32e: {  	v2 =	vsub.f32 v2, v0  }
0x32f: {  	v62 =	vld [tilespmem:$0x2190]  }
0x330: {  	v2 =	vmul.f32 v2, v1;
	_ =	sdelay $0x1  }
0x331: {  	v2 =	vmul.f32 v2, v61;
	_ =	sdelay $0x1  }
0x332: {  	v2 =	vadd.f32 v2, v62;
	_ =	sdelay $0x1  }
0x333: {  	[tilespmem:s7+$0xA300] =	vst v2  }
0x334: {  	v2 =	vld [tilespmem:$0x125A0];
	_ =	sdelay $0x3  }
0x335: {  	v63 =	vld [tilespmem:$0x20A0]  }
0x336: {  	v2 =	vsub.f32 v2, v0  }
0x337: {  	v33 =	vld [tilespmem:$0x21A0]  }
0x338: {  	v2 =	vmul.f32 v2, v1  }
0x339: {  	v34 =	vld [tilespmem:$0x1FF40]  }
0x33a: {  	v42 =	vld [tilespmem:$0x1FF50];
	v2 =	vmul.f32 v2, v63;
	_ =	sdelay $0x1  }
0x33b: {  	v46 =	vld [tilespmem:$0x1FF60];
	v2 =	vadd.f32 v2, v33;
	_ =	sdelay $0x1  }
0x33c: {  	v48 =	vld [tilespmem:$0x1FF70];
	[tilespmem:s6+$0xA300] =	vst v2  }
0x33d: {  	v35 =	vmul.f32 v34, v34;
	v3 =	vadd.f32 v42, v34;
	v4 =	vmul.f32 v42, v42;
	v43 =	vld [tilespmem:$0x125B0]  }
0x33e: {  	v50 =	vld [tilespmem:$0x1FF80]  }
0x33f: {  	v3 =	vadd.f32 v46, v3;
	v2 =	vadd.f32 v4, v35;
	v4 =	vmul.f32 v46, v46  }
0x340: {  	v51 =	vld [tilespmem:$0x1FF90]  }
0x341: {  	v3 =	vadd.f32 v48, v3;
	v6 =	vld [tilespmem:$0x20B0];
	v2 =	vadd.f32 v4, v2;
	v4 =	vmul.f32 v48, v48  }
0x342: {  	v53 =	vld [tilespmem:$0x1FFA0];
	v5 =	vsub.f32 v43, v0  }
0x343: {  	v3 =	vadd.f32 v50, v3;
	v7 =	vld [tilespmem:$0x21B0];
	v2 =	vadd.f32 v4, v2;
	v4 =	vmul.f32 v50, v50  }
0x344: {  	v56 =	vld [tilespmem:$0x1FFB0];
	v5 =	vmul.f32 v5, v1  }
0x345: {  	v3 =	vadd.f32 v51, v3;
	v2 =	vadd.f32 v4, v2;
	v4 =	vmul.f32 v51, v51  }
0x346: {  	v57 =	vld [tilespmem:$0x1FFC0];
	v5 =	vmul.f32 v5, v6  }
0x347: {  	v3 =	vadd.f32 v53, v3;
	v2 =	vadd.f32 v4, v2;
	v4 =	vmul.f32 v53, v53  }
0x348: {  	v58 =	vld [tilespmem:$0x1FFD0];
	v5 =	vadd.f32 v5, v7  }
0x349: {  	v3 =	vadd.f32 v56, v3;
	v2 =	vadd.f32 v4, v2;
	v4 =	vmul.f32 v56, v56  }
0x34a: {  	v59 =	vld [tilespmem:$0x1FFE0];
	[tilespmem:s13+$0xA300] =	vst v5  }
0x34b: {  	v3 =	vadd.f32 v57, v3;
	v2 =	vadd.f32 v4, v2;
	v4 =	vmul.f32 v57, v57;
	v5 =	vld [tilespmem:$0x125C0]  }
0x34c: {  	v60 =	vld [tilespmem:$0x1FFF0]  }
0x34d: {  	v3 =	vadd.f32 v58, v3;
	v2 =	vadd.f32 v4, v2;
	v4 =	vmul.f32 v58, v58;
	_ =	sdelay $0x1  }
0x34e: {  	v3 =	vadd.f32 v59, v3;
	v6 =	vld [tilespmem:$0x20C0];
	v2 =	vadd.f32 v4, v2;
	v4 =	vmul.f32 v59, v59  }
0x34f: {  	v5 =	vsub.f32 v5, v0  }
0x350: {  	v3 =	vadd.f32 v60, v3;
	v7 =	vld [tilespmem:$0x21C0];
	v2 =	vadd.f32 v4, v2;
	v4 =	vmul.f32 v60, v60  }
0x351: {  	v5 =	vmul.f32 v5, v1  }
0x352: {  	v3 =	vadd.f32 v44, v3;
	v61 =	vmul.f32 v44, v44;
	v2 =	vadd.f32 v4, v2  }
0x353: {  	v5 =	vmul.f32 v5, v6  }
0x354: {  	v3 =	vadd.f32 v47, v3;
	v62 =	vmul.f32 v47, v47;
	v2 =	vadd.f32 v61, v2  }
0x355: {  	v5 =	vadd.f32 v5, v7  }
0x356: {  	v3 =	vadd.f32 v49, v3;
	v63 =	vmul.f32 v49, v49;
	v2 =	vadd.f32 v62, v2  }
0x357: {  	[tilespmem:s23+$0xA300] =	vst v5  }
0x358: {  	v3 =	vadd.f32 v54, v3;
	v33 =	vmul.f32 v54, v54;
	v2 =	vadd.f32 v63, v2;
	v5 =	vld [tilespmem:$0x125D0];
	_ =	sdelay $0x1  }
0x359: {  	(xrf2) =	vadd.scan.msk.f32 $0xffff, v3;
	v2 =	vadd.f32 v33, v2;
	_ =	sdelay $0x1  }
0x35a: {  	v34 =	vld [tilespmem:$0x20D0];
	(xrf2) =	vadd.scan.msk.f32 $0xffff, v2  }
0x35b: {  	v35 =	vsub.f32 v5, v0  }
0x35c: {  	v42 =	vld [tilespmem:$0x21D0]  }
0x35d: {  	v3 =	vmul.f32 v35, v1;
	_ =	sdelay $0x1  }
0x35e: {  	v2 =	vmul.f32 v3, v34;
	_ =	sdelay $0x1  }
0x35f: {  	v2 =	vadd.f32 v2, v42  }
0x360: {  	v43, _, _ =	vpop (xrf2)  }
0x361: {  	v44 =	vmul.f32 $3.906250000e-03, v43;
	[tilespmem:s16+$0xA300] =	vst v2  }
0x362: {  	v46, _, _ =	vpop (xrf2);
	v47 =	vld [tilespmem:$0x125E0]  }
0x363: {  	v48 =	vmul.f32 v44, v44;
	v3 =	vmul.f32 $3.906250000e-03, v46;
	_ =	sdelay $0x1  }
0x364: {  	v3 =	vsub.f32 v3, v48  }
0x365: {  	v49 =	vld [tilespmem:$0x20E0]  }
0x366: {  	v3 =	vadd.f32 $9.999999740e-06, v3;
	v4 =	vsub.f32 v47, v0  }
0x367: {  	v6 =	vld [tilespmem:$0x21E0]  }
0x368: {  	v3 =	vbroadcast v3, $0xF;
	v4 =	vmul.f32 v4, v1;
	_ =	sdelay $0x1  }
0x369: {  	v7 =	vshrl.u32 v3, $0x1;
	v3 =	vmul.f32 $5.000000000e-01, v3;
	v4 =	vmul.f32 v4, v49  }
0x36a: {  	v50 =	vsub.s32 $0x5F3759DF, v7  }
0x36b: {  	v7 =	vmul.f32 v50, v3;
	v4 =	vadd.f32 v4, v6  }
0x36c: {  	s8 =	rddreg [dreg:$0x18]  }
0x36d: {  	v51 =	vmul.f32 v50, v7;
	[tilespmem:s8+$0xA300] =	vst v4  }
0x36e: {  	v6 =	vld [tilespmem:$0x125F0]  }
0x36f: {  	v4 =	vsub.f32 $1.500000000e+00, v51;
	_ =	sdelay $0x1  }
0x370: {  	v4 =	vmul.f32 v50, v4  }
0x371: {  	v53 =	vld [tilespmem:$0x20F0]  }
0x372: {  	v7 =	vmul.f32 v4, v3;
	v0 =	vsub.f32 v6, v0  }
0x373: {  	v6 =	vld [tilespmem:$0x21F0]  }
0x374: {  	v54 =	vmul.f32 v7, v4;
	v0 =	vmul.f32 v0, v1;
	_ =	sdelay $0x1  }
0x375: {  	v1 =	vsub.f32 $1.500000000e+00, v54;
	v0 =	vmul.f32 v0, v53;
	_ =	sdelay $0x1  }
0x376: {  	v1 =	vmul.f32 v1, v4;
	v0 =	vadd.f32 v0, v6  }
0x377: {  	s10 =	rddreg [dreg:$0x17]  }
0x378: {  	v56 =	vmul.f32 v1, v3;
	[tilespmem:s10+$0xA300] =	vst v0  }
0x379: {  	v57 =	vld [tilespmem:$0x12400]  }
0x37a: {  	v4 =	vmul.f32 v56, v1;
	_ =	sdelay $0x1  }
0x37b: {  	v0 =	vbroadcast v44, $0xF;
	v58 =	vsub.f32 $1.500000000e+00, v4  }
0x37c: {  	v59 =	vld [tilespmem:$0x2000]  }
0x37d: {  	v1 =	vmul.f32 v58, v1;
	v60 =	vsub.f32 v57, v0  }
0x37e: {  	v61 =	vld [tilespmem:$0x2100]  }
0x37f: {  	v2 =	vmul.f32 v60, v1;
	_ =	sdelay $0x1  }
0x380: {  	v2 =	vmul.f32 v2, v59;
	_ =	sdelay $0x1  }
0x381: {  	v2 =	vadd.f32 v2, v61;
	_ =	sdelay $0x1  }
0x382: {  	[tilespmem:s31+$0xA300] =	vst v2  }
0x383: {  	v2 =	vld [tilespmem:$0x12410];
	_ =	sdelay $0x3  }
0x384: {  	v62 =	vld [tilespmem:$0x2010]  }
0x385: {  	v2 =	vsub.f32 v2, v0  }
0x386: {  	v63 =	vld [tilespmem:$0x2110]  }
0x387: {  	v2 =	vmul.f32 v2, v1;
	_ =	sdelay $0x1  }
0x388: {  	v2 =	vmul.f32 v2, v62;
	_ =	sdelay $0x1  }
0x389: {  	v2 =	vadd.f32 v2, v63;
	_ =	sdelay $0x1  }
0x38a: {  	[tilespmem:s31+$0xA310] =	vst v2  }
0x38b: {  	v2 =	vld [tilespmem:$0x12420];
	_ =	sdelay $0x3  }
0x38c: {  	v33 =	vld [tilespmem:$0x2020]  }
0x38d: {  	v2 =	vsub.f32 v2, v0  }
0x38e: {  	v34 =	vld [tilespmem:$0x2120]  }
0x38f: {  	v2 =	vmul.f32 v2, v1;
	_ =	sdelay $0x1  }
0x390: {  	v2 =	vmul.f32 v2, v33;
	_ =	sdelay $0x1  }
0x391: {  	v2 =	vadd.f32 v2, v34;
	_ =	sdelay $0x1  }
0x392: {  	[tilespmem:s31+$0xA320] =	vst v2  }
0x393: {  	v2 =	vld [tilespmem:$0x12430];
	_ =	sdelay $0x3  }
0x394: {  	v35 =	vld [tilespmem:$0x2030]  }
0x395: {  	v2 =	vsub.f32 v2, v0  }
0x396: {  	v42 =	vld [tilespmem:$0x2130]  }
0x397: {  	v2 =	vmul.f32 v2, v1;
	_ =	sdelay $0x1  }
0x398: {  	v2 =	vmul.f32 v2, v35;
	_ =	sdelay $0x1  }
0x399: {  	v2 =	vadd.f32 v2, v42;
	_ =	sdelay $0x1  }
0x39a: {  	[tilespmem:s31+$0xA330] =	vst v2  }
0x39b: {  	v2 =	vld [tilespmem:$0x12440];
	_ =	sdelay $0x3  }
0x39c: {  	v43 =	vld [tilespmem:$0x2040]  }
0x39d: {  	v2 =	vsub.f32 v2, v0  }
0x39e: {  	v44 =	vld [tilespmem:$0x2140]  }
0x39f: {  	v2 =	vmul.f32 v2, v1;
	_ =	sdelay $0x1  }
0x3a0: {  	v2 =	vmul.f32 v2, v43;
	_ =	sdelay $0x1  }
0x3a1: {  	v2 =	vadd.f32 v2, v44;
	_ =	sdelay $0x1  }
0x3a2: {  	[tilespmem:s31+$0xA340] =	vst v2  }
0x3a3: {  	v2 =	vld [tilespmem:$0x12450];
	_ =	sdelay $0x3  }
0x3a4: {  	v46 =	vld [tilespmem:$0x2050]  }
0x3a5: {  	v2 =	vsub.f32 v2, v0  }
0x3a6: {  	v47 =	vld [tilespmem:$0x2150]  }
0x3a7: {  	v2 =	vmul.f32 v2, v1;
	_ =	sdelay $0x1  }
0x3a8: {  	v2 =	vmul.f32 v2, v46;
	_ =	sdelay $0x1  }
0x3a9: {  	v2 =	vadd.f32 v2, v47;
	_ =	sdelay $0x1  }
0x3aa: {  	[tilespmem:s31+$0xA350] =	vst v2  }
0x3ab: {  	v2 =	vld [tilespmem:$0x12460];
	_ =	sdelay $0x3  }
0x3ac: {  	v48 =	vld [tilespmem:$0x2060]  }
0x3ad: {  	v2 =	vsub.f32 v2, v0  }
0x3ae: {  	v49 =	vld [tilespmem:$0x2160]  }
0x3af: {  	v2 =	vmul.f32 v2, v1;
	_ =	sdelay $0x1  }
0x3b0: {  	v2 =	vmul.f32 v2, v48;
	_ =	sdelay $0x1  }
0x3b1: {  	v2 =	vadd.f32 v2, v49;
	_ =	sdelay $0x1  }
0x3b2: {  	[tilespmem:s31+$0xA360] =	vst v2  }
0x3b3: {  	v2 =	vld [tilespmem:$0x12470];
	_ =	sdelay $0x3  }
0x3b4: {  	v50 =	vld [tilespmem:$0x2070]  }
0x3b5: {  	v2 =	vsub.f32 v2, v0  }
0x3b6: {  	v51 =	vld [tilespmem:$0x2170]  }
0x3b7: {  	v2 =	vmul.f32 v2, v1;
	_ =	sdelay $0x1  }
0x3b8: {  	v2 =	vmul.f32 v2, v50;
	_ =	sdelay $0x1  }
0x3b9: {  	v2 =	vadd.f32 v2, v51;
	_ =	sdelay $0x1  }
0x3ba: {  	[tilespmem:s31+$0xA370] =	vst v2  }
0x3bb: {  	v2 =	vld [tilespmem:$0x12600];
	_ =	sdelay $0x3  }
0x3bc: {  	v53 =	vld [tilespmem:$0x2080]  }
0x3bd: {  	v2 =	vsub.f32 v2, v0  }
0x3be: {  	v54 =	vld [tilespmem:$0x2180]  }
0x3bf: {  	v2 =	vmul.f32 v2, v1;
	_ =	sdelay $0x1  }
0x3c0: {  	v2 =	vmul.f32 v2, v53;
	_ =	sdelay $0x1  }
0x3c1: {  	v2 =	vadd.f32 v2, v54  }
0x3c2: {  	s11 =	rddreg [dreg:$0x1a]  }
0x3c3: {  	[tilespmem:s11+$0xA300] =	vst v2  }
0x3c4: {  	v2 =	vld [tilespmem:$0x12610];
	_ =	sdelay $0x3  }
0x3c5: {  	v56 =	vld [tilespmem:$0x2090]  }
0x3c6: {  	v2 =	vsub.f32 v2, v0  }
0x3c7: {  	v57 =	vld [tilespmem:$0x2190]  }
0x3c8: {  	v2 =	vmul.f32 v2, v1;
	_ =	sdelay $0x1  }
0x3c9: {  	v2 =	vmul.f32 v2, v56;
	_ =	sdelay $0x1  }
0x3ca: {  	v2 =	vadd.f32 v2, v57;
	_ =	sdelay $0x1  }
0x3cb: {  	[tilespmem:s21+$0xA300] =	vst v2  }
0x3cc: {  	v2 =	vld [tilespmem:$0x12620];
	_ =	sdelay $0x3  }
0x3cd: {  	v58 =	vld [tilespmem:$0x20A0]  }
0x3ce: {  	v2 =	vsub.f32 v2, v0  }
0x3cf: {  	v59 =	vld [tilespmem:$0x21A0]  }
0x3d0: {  	v2 =	vmul.f32 v2, v1;
	_ =	sdelay $0x1  }
0x3d1: {  	v2 =	vmul.f32 v2, v58;
	_ =	sdelay $0x1  }
0x3d2: {  	v2 =	vadd.f32 v2, v59;
	_ =	sdelay $0x1  }
0x3d3: {  	[tilespmem:s20+$0xA300] =	vst v2  }
0x3d4: {  	v60 =	vmul.f32 v16, v16;
	v61 =	vadd.f32 v17, v16;
	v62 =	vmul.f32 v17, v17;
	v63 =	vld [tilespmem:$0x12630];
	_ =	sdelay $0x1  }
0x3d5: {  	v3 =	vadd.f32 v18, v61;
	v18 =	vmul.f32 v18, v18;
	v2 =	vadd.f32 v62, v60;
	_ =	sdelay $0x1  }
0x3d6: {  	v3 =	vadd.f32 v19, v3;
	v19 =	vmul.f32 v19, v19;
	v6 =	vld [tilespmem:$0x20B0];
	v2 =	vadd.f32 v18, v2  }
0x3d7: {  	v5 =	vsub.f32 v63, v0  }
0x3d8: {  	v3 =	vadd.f32 v20, v3;
	v20 =	vmul.f32 v20, v20;
	v7 =	vld [tilespmem:$0x21B0];
	v2 =	vadd.f32 v19, v2  }
0x3d9: {  	v5 =	vmul.f32 v5, v1  }
0x3da: {  	v3 =	vadd.f32 v21, v3;
	v21 =	vmul.f32 v21, v21;
	v2 =	vadd.f32 v20, v2  }
0x3db: {  	v5 =	vmul.f32 v5, v6  }
0x3dc: {  	v3 =	vadd.f32 v22, v3;
	v33 =	vmul.f32 v22, v22;
	v2 =	vadd.f32 v21, v2  }
0x3dd: {  	v5 =	vadd.f32 v5, v7  }
0x3de: {  	s12 =	rddreg [dreg:$0x16];
	v3 =	vadd.f32 v24, v3;
	v34 =	vmul.f32 v24, v24;
	v2 =	vadd.f32 v33, v2  }
0x3df: {  	[tilespmem:s12+$0xA300] =	vst v5  }
0x3e0: {  	v3 =	vadd.f32 v25, v3;
	v35 =	vmul.f32 v25, v25;
	v2 =	vadd.f32 v34, v2;
	v5 =	vld [tilespmem:$0x12640];
	_ =	sdelay $0x1  }
0x3e1: {  	v3 =	vadd.f32 v30, v3;
	v42 =	vmul.f32 v30, v30;
	v2 =	vadd.f32 v35, v2;
	_ =	sdelay $0x1  }
0x3e2: {  	v3 =	vadd.f32 v36, v3;
	v43 =	vmul.f32 v36, v36;
	v6 =	vld [tilespmem:$0x20C0];
	v2 =	vadd.f32 v42, v2  }
0x3e3: {  	v5 =	vsub.f32 v5, v0  }
0x3e4: {  	v3 =	vadd.f32 v40, v3;
	v44 =	vmul.f32 v40, v40;
	v7 =	vld [tilespmem:$0x21C0];
	v2 =	vadd.f32 v43, v2  }
0x3e5: {  	v5 =	vmul.f32 v5, v1  }
0x3e6: {  	v3 =	vadd.f32 v45, v3;
	v45 =	vmul.f32 v45, v45;
	v2 =	vadd.f32 v44, v2  }
0x3e7: {  	v5 =	vmul.f32 v5, v6  }
0x3e8: {  	v3 =	vadd.f32 v52, v3;
	v46 =	vmul.f32 v52, v52;
	v2 =	vadd.f32 v45, v2  }
0x3e9: {  	v5 =	vadd.f32 v5, v7  }
0x3ea: {  	s13 =	rddreg [dreg:$0x13];
	v3 =	vadd.f32 v55, v3;
	v47 =	vmul.f32 v55, v55;
	v2 =	vadd.f32 v46, v2  }
0x3eb: {  	[tilespmem:s13+$0xA300] =	vst v5  }
0x3ec: {  	v3 =	vadd.f32 v23, v3;
	v48 =	vmul.f32 v23, v23;
	v2 =	vadd.f32 v47, v2;
	v5 =	vld [tilespmem:$0x12650];
	_ =	sdelay $0x1  }
0x3ed: {  	(xrf2) =	vadd.scan.msk.f32 $0xffff, v3;
	v2 =	vadd.f32 v48, v2;
	_ =	sdelay $0x1  }
0x3ee: {  	v49 =	vld [tilespmem:$0x20D0];
	(xrf2) =	vadd.scan.msk.f32 $0xffff, v2  }
0x3ef: {  	v50 =	vsub.f32 v5, v0  }
0x3f0: {  	v51 =	vld [tilespmem:$0x21D0]  }
0x3f1: {  	v3 =	vmul.f32 v50, v1;
	_ =	sdelay $0x1  }
0x3f2: {  	v2 =	vmul.f32 v3, v49;
	_ =	sdelay $0x1  }
0x3f3: {  	v2 =	vadd.f32 v2, v51  }
0x3f4: {  	s16 =	rddreg [dreg:$0x12];
	v52, _, _ =	vpop (xrf2)  }
0x3f5: {  	v53 =	vmul.f32 $3.906250000e-03, v52;
	[tilespmem:s16+$0xA300] =	vst v2  }
0x3f6: {  	v54, _, _ =	vpop (xrf2);
	v55 =	vld [tilespmem:$0x12660]  }
0x3f7: {  	v56 =	vmul.f32 v53, v53;
	v3 =	vmul.f32 $3.906250000e-03, v54;
	_ =	sdelay $0x1  }
0x3f8: {  	v3 =	vsub.f32 v3, v56  }
0x3f9: {  	v57 =	vld [tilespmem:$0x20E0]  }
0x3fa: {  	v3 =	vadd.f32 $9.999999740e-06, v3;
	v4 =	vsub.f32 v55, v0  }
0x3fb: {  	v6 =	vld [tilespmem:$0x21E0]  }
0x3fc: {  	v3 =	vbroadcast v3, $0xF;
	v4 =	vmul.f32 v4, v1;
	_ =	sdelay $0x1  }
0x3fd: {  	v7 =	vshrl.u32 v3, $0x1;
	v3 =	vmul.f32 $5.000000000e-01, v3;
	v4 =	vmul.f32 v4, v57  }
0x3fe: {  	v58 =	vsub.s32 $0x5F3759DF, v7  }
0x3ff: {  	v7 =	vmul.f32 v58, v3;
	v4 =	vadd.f32 v4, v6  }
0x400: {  	s19 =	rddreg [dreg:$0x10]  }
0x401: {  	v59 =	vmul.f32 v58, v7;
	[tilespmem:s19+$0xA300] =	vst v4  }
0x402: {  	v6 =	vld [tilespmem:$0x12670]  }
0x403: {  	v4 =	vsub.f32 $1.500000000e+00, v59;
	_ =	sdelay $0x1  }
0x404: {  	v4 =	vmul.f32 v58, v4  }
0x405: {  	v60 =	vld [tilespmem:$0x20F0]  }
0x406: {  	v7 =	vmul.f32 v4, v3;
	v0 =	vsub.f32 v6, v0  }
0x407: {  	v6 =	vld [tilespmem:$0x21F0]  }
0x408: {  	v7 =	vmul.f32 v7, v4;
	v0 =	vmul.f32 v0, v1;
	_ =	sdelay $0x1  }
0x409: {  	v61 =	vsub.f32 $1.500000000e+00, v7;
	v0 =	vmul.f32 v0, v60;
	_ =	sdelay $0x1  }
0x40a: {  	v1 =	vmul.f32 v61, v4;
	v0 =	vadd.f32 v0, v6  }
0x40b: {  	s20 =	rddreg [dreg:$0xf]  }
0x40c: {  	v62 =	vmul.f32 v1, v3;
	[tilespmem:s20+$0xA300] =	vst v0  }
0x40d: {  	v63 =	vld [tilespmem:$0x12480]  }
0x40e: {  	v0 =	vmul.f32 v62, v1;
	_ =	sdelay $0x1  }
0x40f: {  	v2 =	vbroadcast v53, $0xF;
	v0 =	vsub.f32 $1.500000000e+00, v0  }
0x410: {  	v18 =	vld [tilespmem:$0x2000]  }
0x411: {  	v0 =	vmul.f32 v0, v1;
	v19 =	vsub.f32 v63, v2  }
0x412: {  	v20 =	vld [tilespmem:$0x2100]  }
0x413: {  	v1 =	vmul.f32 v19, v0;
	_ =	sdelay $0x1  }
0x414: {  	v1 =	vmul.f32 v1, v18;
	_ =	sdelay $0x1  }
0x415: {  	v1 =	vadd.f32 v1, v20;
	_ =	sdelay $0x1  }
0x416: {  	[tilespmem:s30+$0xA300] =	vst v1  }
0x417: {  	v1 =	vld [tilespmem:$0x12490];
	_ =	sdelay $0x3  }
0x418: {  	v21 =	vld [tilespmem:$0x2010]  }
0x419: {  	v1 =	vsub.f32 v1, v2  }
0x41a: {  	v22 =	vld [tilespmem:$0x2110]  }
0x41b: {  	v1 =	vmul.f32 v1, v0;
	_ =	sdelay $0x1  }
0x41c: {  	v1 =	vmul.f32 v1, v21;
	_ =	sdelay $0x1  }
0x41d: {  	v1 =	vadd.f32 v1, v22;
	_ =	sdelay $0x1  }
0x41e: {  	[tilespmem:s30+$0xA310] =	vst v1  }
0x41f: {  	v1 =	vld [tilespmem:$0x124A0];
	_ =	sdelay $0x3  }
0x420: {  	v23 =	vld [tilespmem:$0x2020]  }
0x421: {  	v1 =	vsub.f32 v1, v2  }
0x422: {  	v33 =	vld [tilespmem:$0x2120]  }
0x423: {  	v1 =	vmul.f32 v1, v0;
	_ =	sdelay $0x1  }
0x424: {  	v1 =	vmul.f32 v1, v23;
	_ =	sdelay $0x1  }
0x425: {  	v1 =	vadd.f32 v1, v33;
	_ =	sdelay $0x1  }
0x426: {  	[tilespmem:s30+$0xA320] =	vst v1  }
0x427: {  	v1 =	vld [tilespmem:$0x124B0];
	_ =	sdelay $0x3  }
0x428: {  	v34 =	vld [tilespmem:$0x2030]  }
0x429: {  	v1 =	vsub.f32 v1, v2  }
0x42a: {  	v35 =	vld [tilespmem:$0x2130]  }
0x42b: {  	v1 =	vmul.f32 v1, v0;
	_ =	sdelay $0x1  }
0x42c: {  	v1 =	vmul.f32 v1, v34;
	_ =	sdelay $0x1  }
0x42d: {  	v1 =	vadd.f32 v1, v35;
	_ =	sdelay $0x1  }
0x42e: {  	[tilespmem:s30+$0xA330] =	vst v1  }
0x42f: {  	v1 =	vld [tilespmem:$0x124C0];
	_ =	sdelay $0x3  }
0x430: {  	v36 =	vld [tilespmem:$0x2040]  }
0x431: {  	v1 =	vsub.f32 v1, v2  }
0x432: {  	v40 =	vld [tilespmem:$0x2140]  }
0x433: {  	v1 =	vmul.f32 v1, v0;
	_ =	sdelay $0x1  }
0x434: {  	v1 =	vmul.f32 v1, v36;
	_ =	sdelay $0x1  }
0x435: {  	v1 =	vadd.f32 v1, v40;
	_ =	sdelay $0x1  }
0x436: {  	[tilespmem:s30+$0xA340] =	vst v1  }
0x437: {  	v1 =	vld [tilespmem:$0x124D0];
	_ =	sdelay $0x3  }
0x438: {  	v42 =	vld [tilespmem:$0x2050]  }
0x439: {  	v1 =	vsub.f32 v1, v2  }
0x43a: {  	v43 =	vld [tilespmem:$0x2150]  }
0x43b: {  	v1 =	vmul.f32 v1, v0;
	_ =	sdelay $0x1  }
0x43c: {  	v1 =	vmul.f32 v1, v42;
	_ =	sdelay $0x1  }
0x43d: {  	v1 =	vadd.f32 v1, v43;
	_ =	sdelay $0x1  }
0x43e: {  	[tilespmem:s30+$0xA350] =	vst v1  }
0x43f: {  	v1 =	vld [tilespmem:$0x124E0];
	_ =	sdelay $0x3  }
0x440: {  	v44 =	vld [tilespmem:$0x2060]  }
0x441: {  	v1 =	vsub.f32 v1, v2  }
0x442: {  	v45 =	vld [tilespmem:$0x2160]  }
0x443: {  	v1 =	vmul.f32 v1, v0;
	_ =	sdelay $0x1  }
0x444: {  	v1 =	vmul.f32 v1, v44;
	_ =	sdelay $0x1  }
0x445: {  	v1 =	vadd.f32 v1, v45;
	_ =	sdelay $0x1  }
0x446: {  	[tilespmem:s30+$0xA360] =	vst v1  }
0x447: {  	v1 =	vld [tilespmem:$0x124F0];
	_ =	sdelay $0x3  }
0x448: {  	v46 =	vld [tilespmem:$0x2070]  }
0x449: {  	v1 =	vsub.f32 v1, v2  }
0x44a: {  	v47 =	vld [tilespmem:$0x2170]  }
0x44b: {  	v1 =	vmul.f32 v1, v0;
	_ =	sdelay $0x1  }
0x44c: {  	v1 =	vmul.f32 v1, v46;
	_ =	sdelay $0x1  }
0x44d: {  	v1 =	vadd.f32 v1, v47;
	_ =	sdelay $0x1  }
0x44e: {  	[tilespmem:s30+$0xA370] =	vst v1  }
0x44f: {  	v1 =	vld [tilespmem:$0x12680];
	_ =	sdelay $0x3  }
0x450: {  	v48 =	vld [tilespmem:$0x2080]  }
0x451: {  	v1 =	vsub.f32 v1, v2  }
0x452: {  	v49 =	vld [tilespmem:$0x2180]  }
0x453: {  	v1 =	vmul.f32 v1, v0;
	_ =	sdelay $0x1  }
0x454: {  	v1 =	vmul.f32 v1, v48;
	_ =	sdelay $0x1  }
0x455: {  	v1 =	vadd.f32 v1, v49  }
0x456: {  	s21 =	rddreg [dreg:$0x11]  }
0x457: {  	[tilespmem:s21+$0xA300] =	vst v1  }
0x458: {  	v1 =	vld [tilespmem:$0x12690];
	_ =	sdelay $0x3  }
0x459: {  	v50 =	vld [tilespmem:$0x2090]  }
0x45a: {  	v1 =	vsub.f32 v1, v2  }
0x45b: {  	v51 =	vld [tilespmem:$0x2190]  }
0x45c: {  	v1 =	vmul.f32 v1, v0;
	_ =	sdelay $0x1  }
0x45d: {  	v1 =	vmul.f32 v1, v50;
	_ =	sdelay $0x1  }
0x45e: {  	v1 =	vadd.f32 v1, v51  }
0x45f: {  	s23 =	rddreg [dreg:$0x14]  }
0x460: {  	[tilespmem:s23+$0xA300] =	vst v1  }
0x461: {  	v1 =	vld [tilespmem:$0x126A0];
	_ =	sdelay $0x3  }
0x462: {  	v52 =	vld [tilespmem:$0x20A0]  }
0x463: {  	v1 =	vsub.f32 v1, v2  }
0x464: {  	v53 =	vld [tilespmem:$0x21A0]  }
0x465: {  	v1 =	vmul.f32 v1, v0;
	_ =	sdelay $0x1  }
0x466: {  	v1 =	vmul.f32 v1, v52;
	_ =	sdelay $0x1  }
0x467: {  	v1 =	vadd.f32 v1, v53  }
0x468: {  	s30 =	rddreg [dreg:$0x15]  }
0x469: {  	[tilespmem:s30+$0xA300] =	vst v1  }
0x46a: {  	v1 =	vld [tilespmem:$0x126B0];
	_ =	sdelay $0x3  }
0x46b: {  	v54 =	vld [tilespmem:$0x20B0]  }
0x46c: {  	v1 =	vsub.f32 v1, v2  }
0x46d: {  	v55 =	vld [tilespmem:$0x21B0]  }
0x46e: {  	v1 =	vmul.f32 v1, v0;
	_ =	sdelay $0x1  }
0x46f: {  	v1 =	vmul.f32 v1, v54;
	_ =	sdelay $0x1  }
0x470: {  	v1 =	vadd.f32 v1, v55  }
0x471: {  	s31 =	rddreg [dreg:$0x19]  }
0x472: {  	[tilespmem:s31+$0xA300] =	vst v1  }
0x473: {  	v1 =	vld [tilespmem:$0x126C0];
	_ =	sdelay $0x3  }
0x474: {  	v56 =	vld [tilespmem:$0x20C0]  }
0x475: {  	v1 =	vsub.f32 v1, v2  }
0x476: {  	v57 =	vld [tilespmem:$0x21C0]  }
0x477: {  	v1 =	vmul.f32 v1, v0;
	_ =	sdelay $0x1  }
0x478: {  	v1 =	vmul.f32 v1, v56;
	_ =	sdelay $0x1  }
0x479: {  	v1 =	vadd.f32 v1, v57;
	_ =	sdelay $0x1  }
0x47a: {  	[tilespmem:s17+$0xA300] =	vst v1  }
0x47b: {  	v1 =	vld [tilespmem:$0x126D0];
	_ =	sdelay $0x3  }
0x47c: {  	v58 =	vld [tilespmem:$0x20D0]  }
0x47d: {  	v1 =	vsub.f32 v1, v2  }
0x47e: {  	v59 =	vld [tilespmem:$0x21D0]  }
0x47f: {  	v1 =	vmul.f32 v1, v0;
	_ =	sdelay $0x1  }
0x480: {  	v1 =	vmul.f32 v1, v58;
	_ =	sdelay $0x1  }
0x481: {  	v1 =	vadd.f32 v1, v59;
	_ =	sdelay $0x1  }
0x482: {  	[tilespmem:s15+$0xA300] =	vst v1  }
0x483: {  	v1 =	vld [tilespmem:$0x126E0];
	_ =	sdelay $0x3  }
0x484: {  	v60 =	vld [tilespmem:$0x20E0]  }
0x485: {  	v1 =	vsub.f32 v1, v2  }
0x486: {  	v61 =	vld [tilespmem:$0x21E0]  }
0x487: {  	v1 =	vmul.f32 v1, v0;
	_ =	sdelay $0x1  }
0x488: {  	v1 =	vmul.f32 v1, v60;
	_ =	sdelay $0x1  }
0x489: {  	v1 =	vadd.f32 v1, v61;
	_ =	sdelay $0x1  }
0x48a: {  	[tilespmem:s22+$0xA300] =	vst v1  }
0x48b: {  	v1 =	vld [tilespmem:$0x126F0];
	_ =	sdelay $0x3  }
0x48c: {  	v62 =	vld [tilespmem:$0x20F0]  }
0x48d: {  	v1 =	vsub.f32 v1, v2  }
0x48e: {  	v63 =	vld [tilespmem:$0x21F0]  }
0x48f: {  	v0 =	vmul.f32 v1, v0  }
0x490: {  	p1 =	sne.s32 s29, $0x7C00  }
.Ltmp0:
0x491: {  	v0 =	vmul.f32 v0, v62;
	(pc) =	sbr.rel @p1 .LBB2_3-.Ltmp0, $4  }
0x492: {  	_ = 	snop  }
0x493: {  	s26 =	sadd.s32 $0x4, s26;
	s24 =	sadd.s32 $0x2, s24;
	v0 =	vadd.f32 v0, v63  }
0x494: {  	s25 =	sadd.s32 $0x4, s25;
	p0 =	por !p0, !p0;
	s29 =	sadd.s32 $0x400, s29  }
0x495: {  	s28 =	sadd.s32 $0x200, s28;
	v10 =	vlaneseq.u32;
	s4 =	simm.s32 $0xA200;
	s5 =	simm.s32 $0xA280;
	[tilespmem:s18+$0xA300] =	vst v0  }
0x496: {  	s0 =	rddreg [dreg:$0xe]  }
0x497: {  	s1 =	rddreg [dreg:$0x9];
	s0 =	sshll.u32 s0, $0x5  }
0x498: {  	s30 =	simm.s32 $0xA300;
	s3 =	simm.s32 $0x1;
	s0 =	sadd.s32 s1, s0  }
0x499: {  	[hbm4b:s0+s9] =	stream.linear.scatter [tilespmem:s30], [sflag:$0x1], $0x8000, $0x38;
	[tilespmem:$0x12700] =	vst v63  }
0x49a: {  	_ =	swait.ge [sflag:s3], $0x8000  }
0x49b: {  	s31 =	rddreg [dreg:$0xd]  }
0x49c: {  	s0 =	sadd.s32 $0x1, s31  }
0x49d: {  	p0 =	sne.s32 s0, $0xE  }
.Ltmp1:
0x49e: {  	_ = 	snop;
	(pc) =	sbr.rel @p0 .LBB2_2-.Ltmp1, $3  }
0x49f: {  	_ =	sdelay $0x1  }
0x4a0: {  	[sflag:s3] =	ssyncset.done $0x0  }
0x4a1: {  	[sflag:s3] =	ssyncadd.s32 $0xFFFF8000  }
0x4a2: {  	s1 =	rddreg [dreg:$0xc]  }
0x4a3: {  	s0 =	rddreg [dreg:$0xb];
	s1 =	sadd.s32 $0x1, s1  }
0x4a4: {  	p0 =	sne.s32 s1, s0  }
.Ltmp2:
0x4a5: {  	_ = 	snop;
	(pc) =	sbr.rel @p0 .LBB2_1-.Ltmp2, $1  }
0x4a6: {  	_ =	sdelay $0x3  }
0x4a7: {  	_ =	sfence.sel $0x180000  }
0x4a8: {  	[bflag:$0x0] =	sbarrier.arrive $0xFFFF  }
0x4a9: {  	_ =	strace $0x90000047  }
0x4aa: {  	s0 =	stileid.u32;
	[bflag:$0x2] =	sbarrier.arrive $0xFFFF  }
0x4ab: {  	p0 =	sne.s32 s0, $0x0;
	s0 =	rddreg [dreg:$0x8]  }
0x4ac: {  	s0 =	sadd.s32 @!p0 $0x100000, s0  }
0x4ad: {  	[sflag:s0] =	ssyncadd.tile.s32 @!p0 $0x1;
	_ =	shalt  }
.Lfunc_end2:
_tile_overlayer_lowered:
.L_overlay_start_2:
0x4ae: {  	(tag) =	ssettag $0x2  }
0x4af: {  	s0 =	rddreg [dreg:$0x0];
	s2 =	stileid.u32  }
0x4b0: {  	s1 =	rddreg [dreg:$0x1];
	p0 =	sne.s32 s2, $0x0  }
0x4b1: {  	s3 =	rddreg [dreg:$0x2];
	[bflag:$0x3] =	sbarrier.arrive $0xFFFF;
	s2 =	simm.s32 @!p0 $0x1C01  }
0x4b2: {  	[timem:s3], [sflag:s2] =	dma.local @!p0 [hbm:s0], s1  }
0x4b3: {  	s0 =	simm.s32 @!p0 $0x1  }
0x4b4: {  	_ =	swait.ge @!p0 [sflag:s0], s1  }
0x4b5: {  	s1 =	ssub.s32 @!p0 $0x0, s1;
	[sflag:s0] =	ssyncset.done @!p0 $0x0  }
0x4b6: {  	[sflag:s0] =	ssyncadd.s32 @!p0 s1  }
0x4b7: {  	[bflag:$0x3] =	sbarrier.arrive $0xFFFF  }
0x4b8: {  	_ =	shalt  }

</sc_bundles>
